<compile_context>
chip_gen: v7x
topology: tpu7x:2x2x1
jax: 0.10.2.dev20260603
libtpu: 0.0.44.dev20260713+nightly
codegen_flags: <defaults>
</compile_context>

<pallas_src>
import functools

import jax
import jax.numpy as jnp
from jax import lax
from jax.experimental import pallas as pl
from jax.experimental.pallas import tpu as pltpu
from jax.experimental.pallas import tpu_sc as plsc

N = 10000
D = 128
E = 160000
NC = 2
NS = 16
EPT = E // NS
K = 80
NCHUNK = EPT // K
RPT = 624

_mesh = plsc.VectorSubcoreMesh(core_axis_name="c", subcore_axis_name="s")



def _deg_body(e0_hbm, e1_hbm, deg_hbm, ones_v, idx_all, lsem, ssem, acc_sh):
    c = lax.axis_index("c")
    s = lax.axis_index("s")

    ebase = E + s * EPT

    @pl.when(c == 0)
    def _():
        pltpu.async_copy(e0_hbm.at[pl.ds(ebase, EPT)], idx_all, lsem)

    @pl.when(c == 1)
    def _():
        pltpu.async_copy(e1_hbm.at[pl.ds(ebase, EPT)], idx_all, lsem)

    def fill(i, _):
        ones_v[pl.ds(i * 16, 16)] = jnp.full((16,), 1.0, jnp.float32)
        return 0
    lax.fori_loop(0, 40, fill, 0)

    pltpu.sync_copy(ones_v.at[pl.ds(0, 624)], acc_sh.at[pl.ds(s * 624, 624)])

    @pl.when(s == NS - 1)
    def _():
        pltpu.sync_copy(ones_v.at[pl.ds(0, 16)], acc_sh.at[pl.ds(9984, 16)])

    pltpu.make_async_copy(e0_hbm.at[pl.ds(0, EPT)], idx_all, lsem).wait()

    plsc.subcore_barrier()

    def drain25():
        pltpu.make_async_copy(e0_hbm.at[pl.ds(0, 400)],
                              idx_all.at[pl.ds(0, 400)], ssem).wait()

    def outer(i, _):
        for u in range(25):
            vec = idx_all[pl.ds((i * 25 + u) * 16, 16)]
            pltpu.async_copy(ones_v.at[pl.ds(0, 16)], acc_sh.at[vec],
                             ssem, add=True)

        @pl.when(i > 0)
        def _():
            drain25()
        return 0
    lax.fori_loop(0, EPT // (25 * 16), outer, 0)
    drain25()

    plsc.subcore_barrier()

    obase = c * N
    pltpu.sync_copy(acc_sh.at[pl.ds(s * 624, 624)], ones_v.at[pl.ds(0, 624)])
    pltpu.sync_copy(ones_v.at[pl.ds(0, 624)],
                    deg_hbm.at[pl.ds(obase + s * 624, 624)])

    @pl.when(s == NS - 1)
    def _():
        pltpu.sync_copy(acc_sh.at[pl.ds(9984, 16)], ones_v.at[pl.ds(624, 16)])
        pltpu.sync_copy(ones_v.at[pl.ds(624, 16)],
                        deg_hbm.at[pl.ds(obase + 9984, 16)])


_sc_degree = functools.partial(
    pl.kernel,
    out_type=jax.ShapeDtypeStruct((NC * N,), jnp.float32),
    mesh=_mesh,
    scratch_types=(
        [pltpu.VMEM((640,), jnp.float32),
         pltpu.VMEM((EPT,), jnp.int32)]
        + [pltpu.SemaphoreType.DMA] * 2
        + [pltpu.VMEM_SHARED((N,), jnp.float32)]
    ),
)(_deg_body)



def _agg_body(y0_hbm, y1_hbm, e0_hbm, e1_hbm, agg_hbm,
              is0, is1, is2, is3, id0, id1, id2, id3,
              r0, r1, r2, r3, acc_sh,
              isem0, isem1, isem2, isem3, dsem0, dsem1, dsem2, dsem3,
              gsem0, gsem1, gsem2, gsem3, ssem0, ssem1, ssem2, ssem3):
    c = lax.axis_index("c")
    s = lax.axis_index("s")
    rows = (r0, r1, r2, r3)
    isbuf = (is0, is1, is2, is3)
    idbuf = (id0, id1, id2, id3)
    isem = (isem0, isem1, isem2, isem3)
    dsem = (dsem0, dsem1, dsem2, dsem3)
    gsem = (gsem0, gsem1, gsem2, gsem3)
    ssem = (ssem0, ssem1, ssem2, ssem3)

    sbase = s * EPT
    dbase = E + s * EPT

    def start_isrc(j, slot):
        @pl.when(c == 0)
        def _():
            pltpu.async_copy(e0_hbm.at[pl.ds(sbase + j * K, K)], isbuf[slot],
                             isem[slot])

        @pl.when(c == 1)
        def _():
            pltpu.async_copy(e1_hbm.at[pl.ds(sbase + j * K, K)], isbuf[slot],
                             isem[slot])

    def wait_isrc(slot):
        pltpu.make_async_copy(e0_hbm.at[pl.ds(0, K)], isbuf[slot],
                              isem[slot]).wait()

    def start_idst(j, slot):
        @pl.when(c == 0)
        def _():
            pltpu.async_copy(e0_hbm.at[pl.ds(dbase + j * K, K)], idbuf[slot],
                             dsem[slot])

        @pl.when(c == 1)
        def _():
            pltpu.async_copy(e1_hbm.at[pl.ds(dbase + j * K, K)], idbuf[slot],
                             dsem[slot])

    def wait_idst(slot):
        pltpu.make_async_copy(e0_hbm.at[pl.ds(0, K)], idbuf[slot],
                              dsem[slot]).wait()

    def start_gather(slot):
        @pl.when(c == 0)
        def _():
            pltpu.async_copy(y0_hbm.at[isbuf[slot]], rows[slot], gsem[slot])

        @pl.when(c == 1)
        def _():
            pltpu.async_copy(y1_hbm.at[isbuf[slot]], rows[slot], gsem[slot])

    def wait_gather(slot):
        pltpu.make_async_copy(y0_hbm.at[pl.ds(0, K)], rows[slot],
                              gsem[slot]).wait()

    def start_scatter(slot):
        pltpu.async_copy(rows[slot], acc_sh.at[idbuf[slot]], ssem[slot],
                         add=True)

    def wait_scatter(slot):
        pltpu.make_async_copy(y0_hbm.at[pl.ds(0, K)], rows[slot],
                              ssem[slot]).wait()

    start_isrc(0, 0)
    start_isrc(1, 1)
    start_isrc(2, 2)
    start_idst(0, 0)
    start_idst(1, 1)

    def zfill(i, _):
        r = i // 8
        col = (i % 8) * 16
        r0[r, pl.ds(col, 16)] = jnp.zeros((16,), jnp.float32)
        return 0
    lax.fori_loop(0, K * 8, zfill, 0)

    rbase = s * RPT

    def zcopy(k, _):
        pltpu.sync_copy(r0, acc_sh.at[pl.ds(rbase + k * K, K)])
        return 0
    lax.fori_loop(0, 7, zcopy, 0)
    pltpu.sync_copy(r0.at[pl.ds(0, 64)], acc_sh.at[pl.ds(rbase + 560, 64)])

    @pl.when(s == NS - 1)
    def _():
        pltpu.sync_copy(r0.at[pl.ds(0, 16)], acc_sh.at[pl.ds(9984, 16)])

    wait_isrc(0)
    start_gather(0)
    wait_isrc(1)
    start_gather(1)

    plsc.subcore_barrier()

    def step(j, b, drain, pf_id, pf_g, pf_is):
        wait_gather(b)
        wait_idst(b)
        start_scatter(b)
        if drain:
            wait_scatter((b + 2) % 4)
        if pf_id:
            start_idst(j + 2, (b + 2) % 4)
        if pf_g:
            wait_isrc((b + 2) % 4)
            start_gather((b + 2) % 4)
        if pf_is:
            start_isrc(j + 3, (b + 3) % 4)

    step(0, 0, False, True, True, True)
    step(1, 1, False, True, True, True)

    def steady(i, _):
        for b4 in range(4):
            j = 2 + i * 4 + b4
            step(j, (2 + b4) % 4, True, True, True, True)
        return 0
    lax.fori_loop(0, 30, steady, 0)

    step(NCHUNK - 3, (NCHUNK - 3) % 4, True, True, True, False)
    step(NCHUNK - 2, (NCHUNK - 2) % 4, True, False, False, False)
    step(NCHUNK - 1, (NCHUNK - 1) % 4, True, False, False, False)
    wait_scatter((NCHUNK - 2) % 4)
    wait_scatter((NCHUNK - 1) % 4)

    plsc.subcore_barrier()

    obase = c * N + rbase

    def ocopy(k, _):
        pltpu.sync_copy(acc_sh.at[pl.ds(rbase + k * K, K)], r0)
        pltpu.sync_copy(r0, agg_hbm.at[pl.ds(obase + k * K, K)])
        return 0
    lax.fori_loop(0, 7, ocopy, 0)
    pltpu.sync_copy(acc_sh.at[pl.ds(rbase + 560, 64)], r1.at[pl.ds(0, 64)])
    pltpu.sync_copy(r1.at[pl.ds(0, 64)], agg_hbm.at[pl.ds(obase + 560, 64)])

    @pl.when(s == NS - 1)
    def _():
        pltpu.sync_copy(acc_sh.at[pl.ds(9984, 16)], r2.at[pl.ds(0, 16)])
        pltpu.sync_copy(r2.at[pl.ds(0, 16)],
                        agg_hbm.at[pl.ds(c * N + 9984, 16)])


_sc_agg = functools.partial(
    pl.kernel,
    out_type=jax.ShapeDtypeStruct((NC * N, D), jnp.float32),
    mesh=_mesh,
    scratch_types=(
        [pltpu.VMEM((K,), jnp.int32)] * 8
        + [pltpu.VMEM((K, D), jnp.float32)] * 4
        + [pltpu.VMEM_SHARED((N, D), jnp.float32)]
        + [pltpu.SemaphoreType.DMA] * 16
    ),
)(_agg_body)



RB = 2000
GRID = N // RB

_full = pl.BlockSpec((D, D), lambda i: (0, 0))
_bias = pl.BlockSpec((1, D), lambda i: (0, 0))
_rows = pl.BlockSpec((RB, D), lambda i: (i, 0))
_rows2 = pl.BlockSpec((NC, RB, D), lambda i: (0, i, 0))
_deg0 = pl.BlockSpec((RB, 1), lambda i: (i, 0))
_deg1 = pl.BlockSpec((RB, 1), lambda i: (i + GRID, 0))


def _prep_a_body(x_ref, wemb_ref, bemb_ref, w00_ref, w01_ref, xw_ref):
    h = jnp.dot(x_ref[...], wemb_ref[...], preferred_element_type=jnp.float32)
    h = jnp.maximum(h + bemb_ref[...], 0.0)
    xw_ref[0] = jnp.dot(h, w00_ref[...], preferred_element_type=jnp.float32)
    xw_ref[1] = jnp.dot(h, w01_ref[...], preferred_element_type=jnp.float32)


_tc_prep_a = pl.pallas_call(
    _prep_a_body,
    grid=(GRID,),
    in_specs=[_rows, _full, _bias, _full, _full],
    out_specs=_rows2,
    out_shape=jax.ShapeDtypeStruct((NC, N, D), jnp.float32),
)


def _prep_b_body(xw_ref, b00_ref, b01_ref, deg0_ref, deg1_ref,
                 y0_ref, y1_ref, selfsum_ref):
    xw0 = xw_ref[0]
    xw1 = xw_ref[1]
    d0 = lax.rsqrt(deg0_ref[...].astype(jnp.float32))
    d1 = lax.rsqrt(deg1_ref[...].astype(jnp.float32))
    y0_ref[...] = xw0 * d0
    y1_ref[...] = xw1 * d1
    selfsum_ref[...] = (xw0 * (d0 * d0) + xw1 * (d1 * d1)
                        + b00_ref[...] + b01_ref[...])


_tc_prep_b = pl.pallas_call(
    _prep_b_body,
    grid=(GRID,),
    in_specs=[_rows2, _bias, _bias, _deg0, _deg1],
    out_specs=[_rows, _rows, _rows],
    out_shape=[jax.ShapeDtypeStruct((N, D), jnp.float32)] * 3,
)


def _mid_body(agg_ref, selfsum_ref, deg0_ref, deg1_ref,
              w10_ref, b10_ref, w11_ref, b11_ref,
              y0_ref, y1_ref, selfsum2_ref):
    d0 = lax.rsqrt(deg0_ref[...].astype(jnp.float32))
    d1 = lax.rsqrt(deg1_ref[...].astype(jnp.float32))
    h1 = jnp.maximum(agg_ref[0] * d0 + agg_ref[1] * d1 + selfsum_ref[...], 0.0)
    xw0 = jnp.dot(h1, w10_ref[...], preferred_element_type=jnp.float32)
    xw1 = jnp.dot(h1, w11_ref[...], preferred_element_type=jnp.float32)
    y0_ref[...] = xw0 * d0
    y1_ref[...] = xw1 * d1
    selfsum2_ref[...] = (xw0 * (d0 * d0) + xw1 * (d1 * d1)
                         + b10_ref[...] + b11_ref[...])


_tc_mid = pl.pallas_call(
    _mid_body,
    grid=(GRID,),
    in_specs=[_rows2, _rows, _deg0, _deg1, _full, _bias, _full, _bias],
    out_specs=[_rows, _rows, _rows],
    out_shape=[jax.ShapeDtypeStruct((N, D), jnp.float32)] * 3,
)


def _final_body(agg_ref, selfsum_ref, deg0_ref, deg1_ref,
                wlin_ref, blin_ref, out_ref):
    d0 = lax.rsqrt(deg0_ref[...].astype(jnp.float32))
    d1 = lax.rsqrt(deg1_ref[...].astype(jnp.float32))
    h2 = jnp.maximum(agg_ref[0] * d0 + agg_ref[1] * d1 + selfsum_ref[...], 0.0)
    out_ref[...] = (jnp.dot(h2, wlin_ref[...], preferred_element_type=jnp.float32)
                    + blin_ref[...])


_tc_final = pl.pallas_call(
    _final_body,
    grid=(GRID,),
    in_specs=[_rows2, _rows, _deg0, _deg1, _full, _bias],
    out_specs=_rows,
    out_shape=jax.ShapeDtypeStruct((N, D), jnp.float32),
)



def kernel(x, edge_index_r0, edge_index_r1, W_emb, b_emb, W00, b00, W01, b01,
           W10, b10, W11, b11, W_lin, b_lin):
    e0f = edge_index_r0.reshape(2 * E)
    e1f = edge_index_r1.reshape(2 * E)

    deg = _sc_degree(e0f, e1f).astype(jnp.bfloat16).reshape(NC * N, 1)

    b_emb2 = b_emb[None, :]
    b00_2, b01_2 = b00[None, :], b01[None, :]
    b10_2, b11_2 = b10[None, :], b11[None, :]
    b_lin2 = b_lin[None, :]

    xw = _tc_prep_a(x, W_emb, b_emb2, W00, W01)
    y0, y1, selfsum = _tc_prep_b(xw, b00_2, b01_2, deg, deg)
    agg = _sc_agg(y0, y1, e0f, e1f)

    y0b, y1b, selfsum2 = _tc_mid(agg.reshape(NC, N, D), selfsum, deg, deg,
                                 W10, b10_2, W11, b11_2)
    agg2 = _sc_agg(y0b, y1b, e0f, e1f)

    return _tc_final(agg2.reshape(NC, N, D), selfsum2, deg, deg,
                     W_lin, b_lin2)

# --- scband reference (transcript-rebuilt; emitter-appended) ---
"""Pipeline reference for scband-rgcn-79388175499709 (READ-ONLY COPY).

The authoritative reference and input builder live on the scoring server;
editing this copy changes nothing except your own understanding.
"""

import jax, jax.numpy as jnp
import numpy as np

N = 10000
D = 128   # input / embed dim
H = 128   # hidden_channels
OUT = 128 # out_channels
E = 160000


def setup_inputs(seed: int = 0) -> dict:
    key = jax.random.key(seed)
    ks = jax.random.split(key, 16)
    inp = {}
    inp["x"] = jax.random.normal(ks[0], (N, D), dtype=jnp.float32)
    inp["edge_index_r0"] = jax.random.randint(ks[1], (2, E), 0, N, dtype=jnp.int32)
    inp["edge_index_r1"] = jax.random.randint(ks[2], (2, E), 0, N, dtype=jnp.int32)
    s = 1.0 / np.sqrt(D)
    # feature embedder (entity): Linear(D -> embed_dim)
    inp["W_emb"] = jax.random.normal(ks[3], (D, D), dtype=jnp.float32) * s
    inp["b_emb"] = jnp.zeros((D,), dtype=jnp.float32)
    # layer 0 GCNConv per relation (embed_dim -> hidden)
    inp["W00"] = jax.random.normal(ks[4], (D, H), dtype=jnp.float32) * s
    inp["b00"] = jnp.zeros((H,), dtype=jnp.float32)
    inp["W01"] = jax.random.normal(ks[5], (D, H), dtype=jnp.float32) * s
    inp["b01"] = jnp.zeros((H,), dtype=jnp.float32)
    # layer 1 GCNConv per relation (hidden -> hidden)
    inp["W10"] = jax.random.normal(ks[6], (H, H), dtype=jnp.float32) * (1.0 / np.sqrt(H))
    inp["b10"] = jnp.zeros((H,), dtype=jnp.float32)
    inp["W11"] = jax.random.normal(ks[7], (H, H), dtype=jnp.float32) * (1.0 / np.sqrt(H))
    inp["b11"] = jnp.zeros((H,), dtype=jnp.float32)
    # final linear (hidden -> out)
    inp["W_lin"] = jax.random.normal(ks[8], (H, OUT), dtype=jnp.float32) * (1.0 / np.sqrt(H))
    inp["b_lin"] = jnp.zeros((OUT,), dtype=jnp.float32)
    return inp


def _gcn_conv(x, edge_index, W, b):
    # PyG GCNConv: add self-loops, symmetric normalization, then scatter-add of x@W messages, plus bias
    n = x.shape[0]
    src = edge_index[0]
    dst = edge_index[1]
    loop = jnp.arange(n, dtype=src.dtype)
    src = jnp.concatenate([src, loop])
    dst = jnp.concatenate([dst, loop])
    deg = jnp.zeros((n,), dtype=x.dtype).at[dst].add(1.0)
    dinv = jnp.where(deg > 0, jax.lax.rsqrt(jnp.maximum(deg, 1e-12)), 0.0)
    norm = dinv[src] * dinv[dst]
    xw = x @ W
    msg = xw[src] * norm[:, None]
    out = jnp.zeros((n, W.shape[1]), dtype=x.dtype).at[dst].add(msg)
    return out + b


def reference(x, edge_index_r0, edge_index_r1, W_emb, b_emb, W00, b00, W01, b01, W10, b10, W11, b11, W_lin, b_lin):
    # eval mode: dropout is identity
    h = jax.nn.relu(x @ W_emb + b_emb)
    # layer 0: HeteroConv sums over relations for dst node type 'entity'
    h1 = _gcn_conv(h, edge_index_r0, W00, b00) + _gcn_conv(h, edge_index_r1, W01, b01)
    h1 = jax.nn.relu(h1)
    # layer 1
    h2 = _gcn_conv(h1, edge_index_r0, W10, b10) + _gcn_conv(h1, edge_index_r1, W11, b11)
    h2 = jax.nn.relu(h2)
    return h2 @ W_lin + b_lin

if __name__ == "__main__":
    import jax
    _d = setup_inputs()
    print(jax.jit(kernel)(*tuple(_d.values())))

</pallas_src>

<mosaic_0001>
#map = affine_map<(d0, d1) -> (0, 0)>
#map1 = affine_map<(d0, d1) -> (0)>
module attributes {stable_mosaic.version = 14 : i64} {
  func.func @_agg_body(%arg0: i32, %arg1: i32, %arg2: memref<10000x128xf32, #tpu.memory_space<hbm>>, %arg3: memref<10000x128xf32, #tpu.memory_space<hbm>>, %arg4: memref<320000xi32, #tpu.memory_space<hbm>>, %arg5: memref<320000xi32, #tpu.memory_space<hbm>>, %arg6: memref<20000x128xf32, #tpu.memory_space<hbm>>, %arg7: memref<80xi32, #tpu.memory_space<vmem>>, %arg8: memref<80xi32, #tpu.memory_space<vmem>>, %arg9: memref<80xi32, #tpu.memory_space<vmem>>, %arg10: memref<80xi32, #tpu.memory_space<vmem>>, %arg11: memref<80xi32, #tpu.memory_space<vmem>>, %arg12: memref<80xi32, #tpu.memory_space<vmem>>, %arg13: memref<80xi32, #tpu.memory_space<vmem>>, %arg14: memref<80xi32, #tpu.memory_space<vmem>>, %arg15: memref<80x128xf32, #tpu.memory_space<vmem>>, %arg16: memref<80x128xf32, #tpu.memory_space<vmem>>, %arg17: memref<80x128xf32, #tpu.memory_space<vmem>>, %arg18: memref<80x128xf32, #tpu.memory_space<vmem>>, %arg19: memref<10000x128xf32, #tpu.memory_space<vmem_shared>>, %arg20: memref<!tpu.dma_semaphore, #tpu.memory_space<semaphore_mem>>, %arg21: memref<!tpu.dma_semaphore, #tpu.memory_space<semaphore_mem>>, %arg22: memref<!tpu.dma_semaphore, #tpu.memory_space<semaphore_mem>>, %arg23: memref<!tpu.dma_semaphore, #tpu.memory_space<semaphore_mem>>, %arg24: memref<!tpu.dma_semaphore, #tpu.memory_space<semaphore_mem>>, %arg25: memref<!tpu.dma_semaphore, #tpu.memory_space<semaphore_mem>>, %arg26: memref<!tpu.dma_semaphore, #tpu.memory_space<semaphore_mem>>, %arg27: memref<!tpu.dma_semaphore, #tpu.memory_space<semaphore_mem>>, %arg28: memref<!tpu.dma_semaphore, #tpu.memory_space<semaphore_mem>>, %arg29: memref<!tpu.dma_semaphore, #tpu.memory_space<semaphore_mem>>, %arg30: memref<!tpu.dma_semaphore, #tpu.memory_space<semaphore_mem>>, %arg31: memref<!tpu.dma_semaphore, #tpu.memory_space<semaphore_mem>>, %arg32: memref<!tpu.dma_semaphore, #tpu.memory_space<semaphore_mem>>, %arg33: memref<!tpu.dma_semaphore, #tpu.memory_space<semaphore_mem>>, %arg34: memref<!tpu.dma_semaphore, #tpu.memory_space<semaphore_mem>>, %arg35: memref<!tpu.dma_semaphore, #tpu.memory_space<semaphore_mem>>) attributes {dimension_semantics = [#tpu.dimension_semantics<core_parallel>, #tpu.dimension_semantics<subcore_parallel>], iteration_bounds = array<i64: 2, 16>, scalar_prefetch = 0 : i64, scratch_operands = 29 : i64, tpu.core_type = #tpu.core_type<sc_vector_subcore>, window_params = [{transform_indices = #map}, {transform_indices = #map}, {transform_indices = #map1}, {transform_indices = #map1}, {transform_indices = #map}]} {
    %mul3A = arith.constant 10000 : i32
    %mul3A_0 = arith.muli %arg1, %mul3A : i32
    %mul3A_1 = arith.constant 10000 : i32
    %mul3A_2 = arith.muli %arg1, %mul3A_1 : i32
    %add3A = arith.constant 160000 : i32
    %add3A_3 = arith.addi %add3A, %mul3A_2 : i32
    %eq3A = arith.constant 0 : i32
    %eq3A_4 = arith.cmpi eq, %arg0, %eq3A : i32
    %convert_element_type3A = arith.extui %eq3A_4 : i1 to i32
    %cond3A = arith.constant 0 : i32
    %cond3A_5 = arith.cmpi ne, %convert_element_type3A, %cond3A : i32
    scf.if %cond3A_5 {
      %add3A_313 = arith.constant 0 : i32
      %add3A_314 = arith.addi %mul3A_0, %add3A_313 : i32
      %dma_start3A_315 = tpu.memref_slice %arg4[%add3A_314] : memref<320000xi32, #tpu.memory_space<hbm>> -> memref<80xi32, #tpu.memory_space<hbm>>
      %dma_start3A_316 = tpu.memref_slice %arg4[%add3A_314] : memref<320000xi32, #tpu.memory_space<hbm>> -> memref<80xi32, #tpu.memory_space<hbm>>
      tpu.enqueue_dma source(%dma_start3A_316 : memref<80xi32, #tpu.memory_space<hbm>>) target(%arg7 : memref<80xi32, #tpu.memory_space<vmem>>) target_semaphore(%arg20 : memref<!tpu.dma_semaphore, #tpu.memory_space<semaphore_mem>>)
    } else {
    }
    %eq3A_6 = arith.constant 1 : i32
    %eq3A_7 = arith.cmpi eq, %arg0, %eq3A_6 : i32
    %convert_element_type3A_8 = arith.extui %eq3A_7 : i1 to i32
    %cond3A_9 = arith.constant 0 : i32
    %cond3A_10 = arith.cmpi ne, %convert_element_type3A_8, %cond3A_9 : i32
    scf.if %cond3A_10 {
      %add3A_313 = arith.constant 0 : i32
      %add3A_314 = arith.addi %mul3A_0, %add3A_313 : i32
      %dma_start3A_315 = tpu.memref_slice %arg5[%add3A_314] : memref<320000xi32, #tpu.memory_space<hbm>> -> memref<80xi32, #tpu.memory_space<hbm>>
      %dma_start3A_316 = tpu.memref_slice %arg5[%add3A_314] : memref<320000xi32, #tpu.memory_space<hbm>> -> memref<80xi32, #tpu.memory_space<hbm>>
      tpu.enqueue_dma source(%dma_start3A_316 : memref<80xi32, #tpu.memory_space<hbm>>) target(%arg7 : memref<80xi32, #tpu.memory_space<vmem>>) target_semaphore(%arg20 : memref<!tpu.dma_semaphore, #tpu.memory_space<semaphore_mem>>)
    } else {
    }
    %eq3A_11 = arith.constant 0 : i32
    %eq3A_12 = arith.cmpi eq, %arg0, %eq3A_11 : i32
    %convert_element_type3A_13 = arith.extui %eq3A_12 : i1 to i32
    %cond3A_14 = arith.constant 0 : i32
    %cond3A_15 = arith.cmpi ne, %convert_element_type3A_13, %cond3A_14 : i32
    scf.if %cond3A_15 {
      %add3A_313 = arith.constant 80 : i32
      %add3A_314 = arith.addi %mul3A_0, %add3A_313 : i32
      %dma_start3A_315 = tpu.memref_slice %arg4[%add3A_314] : memref<320000xi32, #tpu.memory_space<hbm>> -> memref<80xi32, #tpu.memory_space<hbm>>
      %dma_start3A_316 = tpu.memref_slice %arg4[%add3A_314] : memref<320000xi32, #tpu.memory_space<hbm>> -> memref<80xi32, #tpu.memory_space<hbm>>
      tpu.enqueue_dma source(%dma_start3A_316 : memref<80xi32, #tpu.memory_space<hbm>>) target(%arg8 : memref<80xi32, #tpu.memory_space<vmem>>) target_semaphore(%arg21 : memref<!tpu.dma_semaphore, #tpu.memory_space<semaphore_mem>>)
    } else {
    }
    %eq3A_16 = arith.constant 1 : i32
    %eq3A_17 = arith.cmpi eq, %arg0, %eq3A_16 : i32
    %convert_element_type3A_18 = arith.extui %eq3A_17 : i1 to i32
    %cond3A_19 = arith.constant 0 : i32
    %cond3A_20 = arith.cmpi ne, %convert_element_type3A_18, %cond3A_19 : i32
    scf.if %cond3A_20 {
      %add3A_313 = arith.constant 80 : i32
      %add3A_314 = arith.addi %mul3A_0, %add3A_313 : i32
      %dma_start3A_315 = tpu.memref_slice %arg5[%add3A_314] : memref<320000xi32, #tpu.memory_space<hbm>> -> memref<80xi32, #tpu.memory_space<hbm>>
      %dma_start3A_316 = tpu.memref_slice %arg5[%add3A_314] : memref<320000xi32, #tpu.memory_space<hbm>> -> memref<80xi32, #tpu.memory_space<hbm>>
      tpu.enqueue_dma source(%dma_start3A_316 : memref<80xi32, #tpu.memory_space<hbm>>) target(%arg8 : memref<80xi32, #tpu.memory_space<vmem>>) target_semaphore(%arg21 : memref<!tpu.dma_semaphore, #tpu.memory_space<semaphore_mem>>)
    } else {
    }
    %eq3A_21 = arith.constant 0 : i32
    %eq3A_22 = arith.cmpi eq, %arg0, %eq3A_21 : i32
    %convert_element_type3A_23 = arith.extui %eq3A_22 : i1 to i32
    %cond3A_24 = arith.constant 0 : i32
    %cond3A_25 = arith.cmpi ne, %convert_element_type3A_23, %cond3A_24 : i32
    scf.if %cond3A_25 {
      %add3A_313 = arith.constant 160 : i32
      %add3A_314 = arith.addi %mul3A_0, %add3A_313 : i32
      %dma_start3A_315 = tpu.memref_slice %arg4[%add3A_314] : memref<320000xi32, #tpu.memory_space<hbm>> -> memref<80xi32, #tpu.memory_space<hbm>>
      %dma_start3A_316 = tpu.memref_slice %arg4[%add3A_314] : memref<320000xi32, #tpu.memory_space<hbm>> -> memref<80xi32, #tpu.memory_space<hbm>>
      tpu.enqueue_dma source(%dma_start3A_316 : memref<80xi32, #tpu.memory_space<hbm>>) target(%arg9 : memref<80xi32, #tpu.memory_space<vmem>>) target_semaphore(%arg22 : memref<!tpu.dma_semaphore, #tpu.memory_space<semaphore_mem>>)
    } else {
    }
    %eq3A_26 = arith.constant 1 : i32
    %eq3A_27 = arith.cmpi eq, %arg0, %eq3A_26 : i32
    %convert_element_type3A_28 = arith.extui %eq3A_27 : i1 to i32
    %cond3A_29 = arith.constant 0 : i32
    %cond3A_30 = arith.cmpi ne, %convert_element_type3A_28, %cond3A_29 : i32
    scf.if %cond3A_30 {
      %add3A_313 = arith.constant 160 : i32
      %add3A_314 = arith.addi %mul3A_0, %add3A_313 : i32
      %dma_start3A_315 = tpu.memref_slice %arg5[%add3A_314] : memref<320000xi32, #tpu.memory_space<hbm>> -> memref<80xi32, #tpu.memory_space<hbm>>
      %dma_start3A_316 = tpu.memref_slice %arg5[%add3A_314] : memref<320000xi32, #tpu.memory_space<hbm>> -> memref<80xi32, #tpu.memory_space<hbm>>
      tpu.enqueue_dma source(%dma_start3A_316 : memref<80xi32, #tpu.memory_space<hbm>>) target(%arg9 : memref<80xi32, #tpu.memory_space<vmem>>) target_semaphore(%arg22 : memref<!tpu.dma_semaphore, #tpu.memory_space<semaphore_mem>>)
    } else {
    }
    %eq3A_31 = arith.constant 0 : i32
    %eq3A_32 = arith.cmpi eq, %arg0, %eq3A_31 : i32
    %convert_element_type3A_33 = arith.extui %eq3A_32 : i1 to i32
    %cond3A_34 = arith.constant 0 : i32
    %cond3A_35 = arith.cmpi ne, %convert_element_type3A_33, %cond3A_34 : i32
    scf.if %cond3A_35 {
      %add3A_313 = arith.constant 0 : i32
      %add3A_314 = arith.addi %add3A_3, %add3A_313 : i32
      %dma_start3A_315 = tpu.memref_slice %arg4[%add3A_314] : memref<320000xi32, #tpu.memory_space<hbm>> -> memref<80xi32, #tpu.memory_space<hbm>>
      %dma_start3A_316 = tpu.memref_slice %arg4[%add3A_314] : memref<320000xi32, #tpu.memory_space<hbm>> -> memref<80xi32, #tpu.memory_space<hbm>>
      tpu.enqueue_dma source(%dma_start3A_316 : memref<80xi32, #tpu.memory_space<hbm>>) target(%arg11 : memref<80xi32, #tpu.memory_space<vmem>>) target_semaphore(%arg24 : memref<!tpu.dma_semaphore, #tpu.memory_space<semaphore_mem>>)
    } else {
    }
    %eq3A_36 = arith.constant 1 : i32
    %eq3A_37 = arith.cmpi eq, %arg0, %eq3A_36 : i32
    %convert_element_type3A_38 = arith.extui %eq3A_37 : i1 to i32
    %cond3A_39 = arith.constant 0 : i32
    %cond3A_40 = arith.cmpi ne, %convert_element_type3A_38, %cond3A_39 : i32
    scf.if %cond3A_40 {
      %add3A_313 = arith.constant 0 : i32
      %add3A_314 = arith.addi %add3A_3, %add3A_313 : i32
      %dma_start3A_315 = tpu.memref_slice %arg5[%add3A_314] : memref<320000xi32, #tpu.memory_space<hbm>> -> memref<80xi32, #tpu.memory_space<hbm>>
      %dma_start3A_316 = tpu.memref_slice %arg5[%add3A_314] : memref<320000xi32, #tpu.memory_space<hbm>> -> memref<80xi32, #tpu.memory_space<hbm>>
      tpu.enqueue_dma source(%dma_start3A_316 : memref<80xi32, #tpu.memory_space<hbm>>) target(%arg11 : memref<80xi32, #tpu.memory_space<vmem>>) target_semaphore(%arg24 : memref<!tpu.dma_semaphore, #tpu.memory_space<semaphore_mem>>)
    } else {
    }
    %eq3A_41 = arith.constant 0 : i32
    %eq3A_42 = arith.cmpi eq, %arg0, %eq3A_41 : i32
    %convert_element_type3A_43 = arith.extui %eq3A_42 : i1 to i32
    %cond3A_44 = arith.constant 0 : i32
    %cond3A_45 = arith.cmpi ne, %convert_element_type3A_43, %cond3A_44 : i32
    scf.if %cond3A_45 {
      %add3A_313 = arith.constant 80 : i32
      %add3A_314 = arith.addi %add3A_3, %add3A_313 : i32
      %dma_start3A_315 = tpu.memref_slice %arg4[%add3A_314] : memref<320000xi32, #tpu.memory_space<hbm>> -> memref<80xi32, #tpu.memory_space<hbm>>
      %dma_start3A_316 = tpu.memref_slice %arg4[%add3A_314] : memref<320000xi32, #tpu.memory_space<hbm>> -> memref<80xi32, #tpu.memory_space<hbm>>
      tpu.enqueue_dma source(%dma_start3A_316 : memref<80xi32, #tpu.memory_space<hbm>>) target(%arg12 : memref<80xi32, #tpu.memory_space<vmem>>) target_semaphore(%arg25 : memref<!tpu.dma_semaphore, #tpu.memory_space<semaphore_mem>>)
    } else {
    }
    %eq3A_46 = arith.constant 1 : i32
    %eq3A_47 = arith.cmpi eq, %arg0, %eq3A_46 : i32
    %convert_element_type3A_48 = arith.extui %eq3A_47 : i1 to i32
    %cond3A_49 = arith.constant 0 : i32
    %cond3A_50 = arith.cmpi ne, %convert_element_type3A_48, %cond3A_49 : i32
    scf.if %cond3A_50 {
      %add3A_313 = arith.constant 80 : i32
      %add3A_314 = arith.addi %add3A_3, %add3A_313 : i32
      %dma_start3A_315 = tpu.memref_slice %arg5[%add3A_314] : memref<320000xi32, #tpu.memory_space<hbm>> -> memref<80xi32, #tpu.memory_space<hbm>>
      %dma_start3A_316 = tpu.memref_slice %arg5[%add3A_314] : memref<320000xi32, #tpu.memory_space<hbm>> -> memref<80xi32, #tpu.memory_space<hbm>>
      tpu.enqueue_dma source(%dma_start3A_316 : memref<80xi32, #tpu.memory_space<hbm>>) target(%arg12 : memref<80xi32, #tpu.memory_space<vmem>>) target_semaphore(%arg25 : memref<!tpu.dma_semaphore, #tpu.memory_space<semaphore_mem>>)
    } else {
    }
    %scan3A = arith.constant 0 : i32
    %scan3A_51 = arith.constant 0 : i32
    %scan3A_52 = arith.constant 640 : i32
    %scan3A_53 = arith.addi %scan3A_51, %scan3A_52 : i32
    %scan3A_54 = arith.constant 1 : i32
    %scan3A_55 = scf.for %scan3A_313 = %scan3A_51 to %scan3A_53 step %scan3A_54 iter_args(%scan3A_314 = %scan3A) -> (i32)  : i32 {
      %jit3A = arith.constant 8 : i32
      %div3A = arith.divsi %scan3A_313, %jit3A : i32
      %sign3A = arith.constant 0 : i32
      %sign3A_315 = arith.cmpi sgt, %scan3A_313, %sign3A : i32
      %sign3A_316 = arith.extui %sign3A_315 : i1 to i32
      %sign3A_317 = arith.constant 0 : i32
      %sign3A_318 = arith.cmpi slt, %scan3A_313, %sign3A_317 : i32
      %sign3A_319 = arith.extui %sign3A_318 : i1 to i32
      %sign3A_320 = arith.subi %sign3A_316, %sign3A_319 : i32
      %sign3A_321 = arith.constant 0 : i32
      %sign3A_322 = arith.cmpi sgt, %jit3A, %sign3A_321 : i32
      %sign3A_323 = arith.extui %sign3A_322 : i1 to i32
      %sign3A_324 = arith.constant 0 : i32
      %sign3A_325 = arith.cmpi slt, %jit3A, %sign3A_324 : i32
      %sign3A_326 = arith.extui %sign3A_325 : i1 to i32
      %sign3A_327 = arith.subi %sign3A_323, %sign3A_326 : i32
      %ne3A = arith.cmpi ne, %sign3A_320, %sign3A_327 : i32
      %rem3A = arith.remsi %scan3A_313, %jit3A : i32
      %ne3A_328 = arith.constant 0 : i32
      %ne3A_329 = arith.cmpi ne, %rem3A, %ne3A_328 : i32
      %and3A = arith.andi %ne3A, %ne3A_329 : i1
      %sub3A = arith.constant 1 : i32
      %sub3A_330 = arith.subi %div3A, %sub3A : i32
      %select_n3A = arith.select %and3A, %sub3A_330, %div3A : i32
      %jit3A_331 = arith.constant 8 : i32
      %eq3A_332 = arith.constant 0 : i32
      %eq3A_333 = arith.cmpi eq, %jit3A_331, %eq3A_332 : i32
      %jit3A_334 = arith.constant 1 : i32
      %select_n3A_335 = arith.select %eq3A_333, %jit3A_334, %jit3A_331 : i32
      %rem3A_336 = arith.remsi %scan3A_313, %select_n3A_335 : i32
      %ne3A_337 = arith.constant 0 : i32
      %ne3A_338 = arith.cmpi ne, %rem3A_336, %ne3A_337 : i32
      %lt3A = arith.constant 0 : i32
      %lt3A_339 = arith.cmpi slt, %rem3A_336, %lt3A : i32
      %lt3A_340 = arith.constant 0 : i32
      %lt3A_341 = arith.cmpi slt, %select_n3A_335, %lt3A_340 : i32
      %ne3A_342 = arith.xori %lt3A_339, %lt3A_341 : i1
      %and3A_343 = arith.andi %ne3A_342, %ne3A_338 : i1
      %add3A_344 = arith.addi %rem3A_336, %select_n3A_335 : i32
      %select_n3A_345 = arith.select %and3A_343, %add3A_344, %rem3A_336 : i32
      %mul3A_346 = arith.constant 16 : i32
      %mul3A_347 = arith.muli %select_n3A_345, %mul3A_346 : i32
      %broadcast_in_dim3A = arith.constant 0.000000e+00 : f32
      %broadcast_in_dim3A_348 = vector.broadcast %broadcast_in_dim3A : f32 to vector<16xf32>
      %swap3A = arith.index_cast %select_n3A : i32 to index
      %swap3A_349 = arith.index_cast %mul3A_347 : i32 to index
      %swap3A_350 = tpu.vector_load %arg15[%swap3A, %swap3A_349] {strides = array<i32>} : memref<80x128xf32, #tpu.memory_space<vmem>>, vector<1x16xf32>,
      %swap3A_351 = vector.shape_cast %swap3A_350 : vector<1x16xf32> to vector<16xf32>
      %swap3A_352 = vector.shape_cast %broadcast_in_dim3A_348 : vector<16xf32> to vector<1x16xf32>
      tpu.vector_store %arg15[%swap3A, %swap3A_349], %swap3A_352 {strides = array<i32>} : memref<80x128xf32, #tpu.memory_space<vmem>>, vector<1x16xf32>,
      %scan3A_353 = arith.constant 0 : i32
      scf.yield %scan3A_353 : i32
    }
    %scan3A_56 = arith.constant 640 : i32
    %mul3A_57 = arith.constant 624 : i32
    %mul3A_58 = arith.muli %arg1, %mul3A_57 : i32
    %scan3A_59 = arith.constant 0 : i32
    %scan3A_60 = arith.constant 0 : i32
    %scan3A_61 = arith.constant 7 : i32
    %scan3A_62 = arith.addi %scan3A_60, %scan3A_61 : i32
    %scan3A_63 = arith.constant 1 : i32
    %scan3A_64 = scf.for %scan3A_313 = %scan3A_60 to %scan3A_62 step %scan3A_63 iter_args(%scan3A_314 = %scan3A_59) -> (i32)  : i32 {
      %mul3A_315 = arith.constant 80 : i32
      %mul3A_316 = arith.muli %scan3A_313, %mul3A_315 : i32
      %add3A_317 = arith.addi %mul3A_58, %mul3A_316 : i32
      "tpu.region"() ({
        %run_scoped3A = tpu.sem_alloc : memref<!tpu.dma_semaphore, #tpu.memory_space<semaphore_mem>>
        %dma_start3A_319 = arith.constant 0 : i32
        %dma_start3A_320 = tpu.memref_slice %arg19[%add3A_317, %dma_start3A_319] : memref<10000x128xf32, #tpu.memory_space<vmem_shared>> -> memref<80x128xf32, #tpu.memory_space<vmem_shared>>
        %dma_start3A_321 = arith.constant 0 : i32
        %dma_start3A_322 = tpu.memref_slice %arg19[%add3A_317, %dma_start3A_321] : memref<10000x128xf32, #tpu.memory_space<vmem_shared>> -> memref<80x128xf32, #tpu.memory_space<vmem_shared>>
        tpu.enqueue_dma source(%arg15 : memref<80x128xf32, #tpu.memory_space<vmem>>) target(%dma_start3A_322 : memref<80x128xf32, #tpu.memory_space<vmem_shared>>) target_semaphore(%run_scoped3A : memref<!tpu.dma_semaphore, #tpu.memory_space<semaphore_mem>>)
        %dma_wait3A_323 = arith.constant 0 : i32
        %dma_wait3A_324 = tpu.memref_slice %arg19[%add3A_317, %dma_wait3A_323] : memref<10000x128xf32, #tpu.memory_space<vmem_shared>> -> memref<80x128xf32, #tpu.memory_space<vmem_shared>>
        %dma_wait3A_325 = arith.constant 0 : i32
        %dma_wait3A_326 = tpu.memref_slice %arg19[%add3A_317, %dma_wait3A_325] : memref<10000x128xf32, #tpu.memory_space<vmem_shared>> -> memref<80x128xf32, #tpu.memory_space<vmem_shared>>
        tpu.wait_dma2 semaphore(%run_scoped3A : memref<!tpu.dma_semaphore, #tpu.memory_space<semaphore_mem>>) src(%arg15 : memref<80x128xf32, #tpu.memory_space<vmem>>) dst(%dma_wait3A_326 : memref<80x128xf32, #tpu.memory_space<vmem_shared>>)
        tpu.yield
      }) : () -> ()
      %scan3A_318 = arith.constant 0 : i32
      scf.yield %scan3A_318 : i32
    }
    %scan3A_65 = arith.constant 7 : i32
    %add3A_66 = arith.constant 560 : i32
    %add3A_67 = arith.addi %mul3A_58, %add3A_66 : i32
    "tpu.region"() ({
      %run_scoped3A = tpu.sem_alloc : memref<!tpu.dma_semaphore, #tpu.memory_space<semaphore_mem>>
      %dma_start3A_313 = arith.constant 0 : i32
      %dma_start3A_314 = arith.constant 0 : i32
      %dma_start3A_315 = tpu.memref_slice %arg15[%dma_start3A_313, %dma_start3A_314] : memref<80x128xf32, #tpu.memory_space<vmem>> -> memref<64x128xf32, #tpu.memory_space<vmem>>
      %dma_start3A_316 = arith.constant 0 : i32
      %dma_start3A_317 = tpu.memref_slice %arg19[%add3A_67, %dma_start3A_316] : memref<10000x128xf32, #tpu.memory_space<vmem_shared>> -> memref<64x128xf32, #tpu.memory_space<vmem_shared>>
      %dma_start3A_318 = arith.constant 0 : i32
      %dma_start3A_319 = tpu.memref_slice %arg19[%add3A_67, %dma_start3A_318] : memref<10000x128xf32, #tpu.memory_space<vmem_shared>> -> memref<64x128xf32, #tpu.memory_space<vmem_shared>>
      %dma_start3A_320 = arith.constant 0 : i32
      %dma_start3A_321 = arith.constant 0 : i32
      %dma_start3A_322 = tpu.memref_slice %arg15[%dma_start3A_320, %dma_start3A_321] : memref<80x128xf32, #tpu.memory_space<vmem>> -> memref<64x128xf32, #tpu.memory_space<vmem>>
      tpu.enqueue_dma source(%dma_start3A_322 : memref<64x128xf32, #tpu.memory_space<vmem>>) target(%dma_start3A_319 : memref<64x128xf32, #tpu.memory_space<vmem_shared>>) target_semaphore(%run_scoped3A : memref<!tpu.dma_semaphore, #tpu.memory_space<semaphore_mem>>)
      %dma_wait3A_323 = arith.constant 0 : i32
      %dma_wait3A_324 = arith.constant 0 : i32
      %dma_wait3A_325 = tpu.memref_slice %arg15[%dma_wait3A_323, %dma_wait3A_324] : memref<80x128xf32, #tpu.memory_space<vmem>> -> memref<64x128xf32, #tpu.memory_space<vmem>>
      %dma_wait3A_326 = arith.constant 0 : i32
      %dma_wait3A_327 = tpu.memref_slice %arg19[%add3A_67, %dma_wait3A_326] : memref<10000x128xf32, #tpu.memory_space<vmem_shared>> -> memref<64x128xf32, #tpu.memory_space<vmem_shared>>
      %dma_wait3A_328 = arith.constant 0 : i32
      %dma_wait3A_329 = tpu.memref_slice %arg19[%add3A_67, %dma_wait3A_328] : memref<10000x128xf32, #tpu.memory_space<vmem_shared>> -> memref<64x128xf32, #tpu.memory_space<vmem_shared>>
      %dma_wait3A_330 = arith.constant 0 : i32
      %dma_wait3A_331 = arith.constant 0 : i32
      %dma_wait3A_332 = tpu.memref_slice %arg15[%dma_wait3A_330, %dma_wait3A_331] : memref<80x128xf32, #tpu.memory_space<vmem>> -> memref<64x128xf32, #tpu.memory_space<vmem>>
      tpu.wait_dma2 semaphore(%run_scoped3A : memref<!tpu.dma_semaphore, #tpu.memory_space<semaphore_mem>>) src(%dma_wait3A_332 : memref<64x128xf32, #tpu.memory_space<vmem>>) dst(%dma_wait3A_329 : memref<64x128xf32, #tpu.memory_space<vmem_shared>>)
      tpu.yield
    }) : () -> ()
    %eq3A_68 = arith.constant 15 : i32
    %eq3A_69 = arith.cmpi eq, %arg1, %eq3A_68 : i32
    %convert_element_type3A_70 = arith.extui %eq3A_69 : i1 to i32
    %cond3A_71 = arith.constant 0 : i32
    %cond3A_72 = arith.cmpi ne, %convert_element_type3A_70, %cond3A_71 : i32
    scf.if %cond3A_72 {
      "tpu.region"() ({
        %run_scoped3A = tpu.sem_alloc : memref<!tpu.dma_semaphore, #tpu.memory_space<semaphore_mem>>
        %dma_start3A_313 = arith.constant 0 : i32
        %dma_start3A_314 = arith.constant 0 : i32
        %dma_start3A_315 = tpu.memref_slice %arg15[%dma_start3A_313, %dma_start3A_314] : memref<80x128xf32, #tpu.memory_space<vmem>> -> memref<16x128xf32, #tpu.memory_space<vmem>>
        %dma_start3A_316 = arith.constant 9984 : i32
        %dma_start3A_317 = arith.constant 0 : i32
        %dma_start3A_318 = tpu.memref_slice %arg19[%dma_start3A_316, %dma_start3A_317] : memref<10000x128xf32, #tpu.memory_space<vmem_shared>> -> memref<16x128xf32, #tpu.memory_space<vmem_shared>>
        %dma_start3A_319 = arith.constant 9984 : i32
        %dma_start3A_320 = arith.constant 0 : i32
        %dma_start3A_321 = tpu.memref_slice %arg19[%dma_start3A_319, %dma_start3A_320] : memref<10000x128xf32, #tpu.memory_space<vmem_shared>> -> memref<16x128xf32, #tpu.memory_space<vmem_shared>>
        %dma_start3A_322 = arith.constant 0 : i32
        %dma_start3A_323 = arith.constant 0 : i32
        %dma_start3A_324 = tpu.memref_slice %arg15[%dma_start3A_322, %dma_start3A_323] : memref<80x128xf32, #tpu.memory_space<vmem>> -> memref<16x128xf32, #tpu.memory_space<vmem>>
        tpu.enqueue_dma source(%dma_start3A_324 : memref<16x128xf32, #tpu.memory_space<vmem>>) target(%dma_start3A_321 : memref<16x128xf32, #tpu.memory_space<vmem_shared>>) target_semaphore(%run_scoped3A : memref<!tpu.dma_semaphore, #tpu.memory_space<semaphore_mem>>)
        %dma_wait3A_325 = arith.constant 0 : i32
        %dma_wait3A_326 = arith.constant 0 : i32
        %dma_wait3A_327 = tpu.memref_slice %arg15[%dma_wait3A_325, %dma_wait3A_326] : memref<80x128xf32, #tpu.memory_space<vmem>> -> memref<16x128xf32, #tpu.memory_space<vmem>>
        %dma_wait3A_328 = arith.constant 9984 : i32
        %dma_wait3A_329 = arith.constant 0 : i32
        %dma_wait3A_330 = tpu.memref_slice %arg19[%dma_wait3A_328, %dma_wait3A_329] : memref<10000x128xf32, #tpu.memory_space<vmem_shared>> -> memref<16x128xf32, #tpu.memory_space<vmem_shared>>
        %dma_wait3A_331 = arith.constant 9984 : i32
        %dma_wait3A_332 = arith.constant 0 : i32
        %dma_wait3A_333 = tpu.memref_slice %arg19[%dma_wait3A_331, %dma_wait3A_332] : memref<10000x128xf32, #tpu.memory_space<vmem_shared>> -> memref<16x128xf32, #tpu.memory_space<vmem_shared>>
        %dma_wait3A_334 = arith.constant 0 : i32
        %dma_wait3A_335 = arith.constant 0 : i32
        %dma_wait3A_336 = tpu.memref_slice %arg15[%dma_wait3A_334, %dma_wait3A_335] : memref<80x128xf32, #tpu.memory_space<vmem>> -> memref<16x128xf32, #tpu.memory_space<vmem>>
        tpu.wait_dma2 semaphore(%run_scoped3A : memref<!tpu.dma_semaphore, #tpu.memory_space<semaphore_mem>>) src(%dma_wait3A_336 : memref<16x128xf32, #tpu.memory_space<vmem>>) dst(%dma_wait3A_333 : memref<16x128xf32, #tpu.memory_space<vmem_shared>>)
        tpu.yield
      }) : () -> ()
    } else {
    }
    %dma_wait3A = arith.constant 0 : i32
    %dma_wait3A_73 = tpu.memref_slice %arg4[%dma_wait3A] : memref<320000xi32, #tpu.memory_space<hbm>> -> memref<80xi32, #tpu.memory_space<hbm>>
    %dma_wait3A_74 = arith.constant 0 : i32
    %dma_wait3A_75 = tpu.memref_slice %arg4[%dma_wait3A_74] : memref<320000xi32, #tpu.memory_space<hbm>> -> memref<80xi32, #tpu.memory_space<hbm>>
    tpu.wait_dma2 semaphore(%arg20 : memref<!tpu.dma_semaphore, #tpu.memory_space<semaphore_mem>>) src(%dma_wait3A_75 : memref<80xi32, #tpu.memory_space<hbm>>) dst(%arg7 : memref<80xi32, #tpu.memory_space<vmem>>)
    %eq3A_76 = arith.constant 0 : i32
    %eq3A_77 = arith.cmpi eq, %arg0, %eq3A_76 : i32
    %convert_element_type3A_78 = arith.extui %eq3A_77 : i1 to i32
    %cond3A_79 = arith.constant 0 : i32
    %cond3A_80 = arith.cmpi ne, %convert_element_type3A_78, %cond3A_79 : i32
    scf.if %cond3A_80 {
      %dma_start3A_313 = arith.constant 0 : i32
      %dma_start3A_314 = arith.constant 0 : i32
      %dma_start3A_315 = tpu.memref_slice %arg2[%dma_start3A_313, %dma_start3A_314] : memref<10000x128xf32, #tpu.memory_space<hbm>> -> memref<10000x128xf32, #tpu.memory_space<hbm>>
      tpu.enqueue_indirect_dma source(%dma_start3A_315 : memref<10000x128xf32, #tpu.memory_space<hbm>>) target(%arg15 : memref<80x128xf32, #tpu.memory_space<vmem>>) offsets(%arg7 : memref<80xi32, #tpu.memory_space<vmem>>) semaphore(%arg28 : memref<!tpu.dma_semaphore, #tpu.memory_space<semaphore_mem>>)
    } else {
    }
    %eq3A_81 = arith.constant 1 : i32
    %eq3A_82 = arith.cmpi eq, %arg0, %eq3A_81 : i32
    %convert_element_type3A_83 = arith.extui %eq3A_82 : i1 to i32
    %cond3A_84 = arith.constant 0 : i32
    %cond3A_85 = arith.cmpi ne, %convert_element_type3A_83, %cond3A_84 : i32
    scf.if %cond3A_85 {
      %dma_start3A_313 = arith.constant 0 : i32
      %dma_start3A_314 = arith.constant 0 : i32
      %dma_start3A_315 = tpu.memref_slice %arg3[%dma_start3A_313, %dma_start3A_314] : memref<10000x128xf32, #tpu.memory_space<hbm>> -> memref<10000x128xf32, #tpu.memory_space<hbm>>
      tpu.enqueue_indirect_dma source(%dma_start3A_315 : memref<10000x128xf32, #tpu.memory_space<hbm>>) target(%arg15 : memref<80x128xf32, #tpu.memory_space<vmem>>) offsets(%arg7 : memref<80xi32, #tpu.memory_space<vmem>>) semaphore(%arg28 : memref<!tpu.dma_semaphore, #tpu.memory_space<semaphore_mem>>)
    } else {
    }
    %dma_wait3A_86 = arith.constant 0 : i32
    %dma_wait3A_87 = tpu.memref_slice %arg4[%dma_wait3A_86] : memref<320000xi32, #tpu.memory_space<hbm>> -> memref<80xi32, #tpu.memory_space<hbm>>
    %dma_wait3A_88 = arith.constant 0 : i32
    %dma_wait3A_89 = tpu.memref_slice %arg4[%dma_wait3A_88] : memref<320000xi32, #tpu.memory_space<hbm>> -> memref<80xi32, #tpu.memory_space<hbm>>
    tpu.wait_dma2 semaphore(%arg21 : memref<!tpu.dma_semaphore, #tpu.memory_space<semaphore_mem>>) src(%dma_wait3A_89 : memref<80xi32, #tpu.memory_space<hbm>>) dst(%arg8 : memref<80xi32, #tpu.memory_space<vmem>>)
    %eq3A_90 = arith.constant 0 : i32
    %eq3A_91 = arith.cmpi eq, %arg0, %eq3A_90 : i32
    %convert_element_type3A_92 = arith.extui %eq3A_91 : i1 to i32
    %cond3A_93 = arith.constant 0 : i32
    %cond3A_94 = arith.cmpi ne, %convert_element_type3A_92, %cond3A_93 : i32
    scf.if %cond3A_94 {
      %dma_start3A_313 = arith.constant 0 : i32
      %dma_start3A_314 = arith.constant 0 : i32
      %dma_start3A_315 = tpu.memref_slice %arg2[%dma_start3A_313, %dma_start3A_314] : memref<10000x128xf32, #tpu.memory_space<hbm>> -> memref<10000x128xf32, #tpu.memory_space<hbm>>
      tpu.enqueue_indirect_dma source(%dma_start3A_315 : memref<10000x128xf32, #tpu.memory_space<hbm>>) target(%arg16 : memref<80x128xf32, #tpu.memory_space<vmem>>) offsets(%arg8 : memref<80xi32, #tpu.memory_space<vmem>>) semaphore(%arg29 : memref<!tpu.dma_semaphore, #tpu.memory_space<semaphore_mem>>)
    } else {
    }
    %eq3A_95 = arith.constant 1 : i32
    %eq3A_96 = arith.cmpi eq, %arg0, %eq3A_95 : i32
    %convert_element_type3A_97 = arith.extui %eq3A_96 : i1 to i32
    %cond3A_98 = arith.constant 0 : i32
    %cond3A_99 = arith.cmpi ne, %convert_element_type3A_97, %cond3A_98 : i32
    scf.if %cond3A_99 {
      %dma_start3A_313 = arith.constant 0 : i32
      %dma_start3A_314 = arith.constant 0 : i32
      %dma_start3A_315 = tpu.memref_slice %arg3[%dma_start3A_313, %dma_start3A_314] : memref<10000x128xf32, #tpu.memory_space<hbm>> -> memref<10000x128xf32, #tpu.memory_space<hbm>>
      tpu.enqueue_indirect_dma source(%dma_start3A_315 : memref<10000x128xf32, #tpu.memory_space<hbm>>) target(%arg16 : memref<80x128xf32, #tpu.memory_space<vmem>>) offsets(%arg8 : memref<80xi32, #tpu.memory_space<vmem>>) semaphore(%arg29 : memref<!tpu.dma_semaphore, #tpu.memory_space<semaphore_mem>>)
    } else {
    }
    %barrier3A = arith.constant 0 : index
    tpu.barrier barrier_id(%barrier3A)
    %dma_wait3A_100 = arith.constant 0 : i32
    %dma_wait3A_101 = arith.constant 0 : i32
    %dma_wait3A_102 = tpu.memref_slice %arg2[%dma_wait3A_100, %dma_wait3A_101] : memref<10000x128xf32, #tpu.memory_space<hbm>> -> memref<80x128xf32, #tpu.memory_space<hbm>>
    %dma_wait3A_103 = arith.constant 0 : i32
    %dma_wait3A_104 = arith.constant 0 : i32
    %dma_wait3A_105 = tpu.memref_slice %arg2[%dma_wait3A_103, %dma_wait3A_104] : memref<10000x128xf32, #tpu.memory_space<hbm>> -> memref<80x128xf32, #tpu.memory_space<hbm>>
    tpu.wait_dma2 semaphore(%arg28 : memref<!tpu.dma_semaphore, #tpu.memory_space<semaphore_mem>>) src(%dma_wait3A_105 : memref<80x128xf32, #tpu.memory_space<hbm>>) dst(%arg15 : memref<80x128xf32, #tpu.memory_space<vmem>>)
    %dma_wait3A_106 = arith.constant 0 : i32
    %dma_wait3A_107 = tpu.memref_slice %arg4[%dma_wait3A_106] : memref<320000xi32, #tpu.memory_space<hbm>> -> memref<80xi32, #tpu.memory_space<hbm>>
    %dma_wait3A_108 = arith.constant 0 : i32
    %dma_wait3A_109 = tpu.memref_slice %arg4[%dma_wait3A_108] : memref<320000xi32, #tpu.memory_space<hbm>> -> memref<80xi32, #tpu.memory_space<hbm>>
    tpu.wait_dma2 semaphore(%arg24 : memref<!tpu.dma_semaphore, #tpu.memory_space<semaphore_mem>>) src(%dma_wait3A_109 : memref<80xi32, #tpu.memory_space<hbm>>) dst(%arg11 : memref<80xi32, #tpu.memory_space<vmem>>)
    %dma_start3A = arith.constant 0 : i32
    %dma_start3A_110 = arith.constant 0 : i32
    %dma_start3A_111 = tpu.memref_slice %arg19[%dma_start3A, %dma_start3A_110] : memref<10000x128xf32, #tpu.memory_space<vmem_shared>> -> memref<10000x128xf32, #tpu.memory_space<vmem_shared>>
    tpu.enqueue_indirect_dma source(%arg15 : memref<80x128xf32, #tpu.memory_space<vmem>>) target(%dma_start3A_111 : memref<10000x128xf32, #tpu.memory_space<vmem_shared>>) offsets(%arg11 : memref<80xi32, #tpu.memory_space<vmem>>) semaphore(%arg32 : memref<!tpu.dma_semaphore, #tpu.memory_space<semaphore_mem>>) {add = true}
    %eq3A_112 = arith.constant 0 : i32
    %eq3A_113 = arith.cmpi eq, %arg0, %eq3A_112 : i32
    %convert_element_type3A_114 = arith.extui %eq3A_113 : i1 to i32
    %cond3A_115 = arith.constant 0 : i32
    %cond3A_116 = arith.cmpi ne, %convert_element_type3A_114, %cond3A_115 : i32
    scf.if %cond3A_116 {
      %add3A_313 = arith.constant 160 : i32
      %add3A_314 = arith.addi %add3A_3, %add3A_313 : i32
      %dma_start3A_315 = tpu.memref_slice %arg4[%add3A_314] : memref<320000xi32, #tpu.memory_space<hbm>> -> memref<80xi32, #tpu.memory_space<hbm>>
      %dma_start3A_316 = tpu.memref_slice %arg4[%add3A_314] : memref<320000xi32, #tpu.memory_space<hbm>> -> memref<80xi32, #tpu.memory_space<hbm>>
      tpu.enqueue_dma source(%dma_start3A_316 : memref<80xi32, #tpu.memory_space<hbm>>) target(%arg13 : memref<80xi32, #tpu.memory_space<vmem>>) target_semaphore(%arg26 : memref<!tpu.dma_semaphore, #tpu.memory_space<semaphore_mem>>)
    } else {
    }
    %eq3A_117 = arith.constant 1 : i32
    %eq3A_118 = arith.cmpi eq, %arg0, %eq3A_117 : i32
    %convert_element_type3A_119 = arith.extui %eq3A_118 : i1 to i32
    %cond3A_120 = arith.constant 0 : i32
    %cond3A_121 = arith.cmpi ne, %convert_element_type3A_119, %cond3A_120 : i32
    scf.if %cond3A_121 {
      %add3A_313 = arith.constant 160 : i32
      %add3A_314 = arith.addi %add3A_3, %add3A_313 : i32
      %dma_start3A_315 = tpu.memref_slice %arg5[%add3A_314] : memref<320000xi32, #tpu.memory_space<hbm>> -> memref<80xi32, #tpu.memory_space<hbm>>
      %dma_start3A_316 = tpu.memref_slice %arg5[%add3A_314] : memref<320000xi32, #tpu.memory_space<hbm>> -> memref<80xi32, #tpu.memory_space<hbm>>
      tpu.enqueue_dma source(%dma_start3A_316 : memref<80xi32, #tpu.memory_space<hbm>>) target(%arg13 : memref<80xi32, #tpu.memory_space<vmem>>) target_semaphore(%arg26 : memref<!tpu.dma_semaphore, #tpu.memory_space<semaphore_mem>>)
    } else {
    }
    %dma_wait3A_122 = arith.constant 0 : i32
    %dma_wait3A_123 = tpu.memref_slice %arg4[%dma_wait3A_122] : memref<320000xi32, #tpu.memory_space<hbm>> -> memref<80xi32, #tpu.memory_space<hbm>>
    %dma_wait3A_124 = arith.constant 0 : i32
    %dma_wait3A_125 = tpu.memref_slice %arg4[%dma_wait3A_124] : memref<320000xi32, #tpu.memory_space<hbm>> -> memref<80xi32, #tpu.memory_space<hbm>>
    tpu.wait_dma2 semaphore(%arg22 : memref<!tpu.dma_semaphore, #tpu.memory_space<semaphore_mem>>) src(%dma_wait3A_125 : memref<80xi32, #tpu.memory_space<hbm>>) dst(%arg9 : memref<80xi32, #tpu.memory_space<vmem>>)
    %eq3A_126 = arith.constant 0 : i32
    %eq3A_127 = arith.cmpi eq, %arg0, %eq3A_126 : i32
    %convert_element_type3A_128 = arith.extui %eq3A_127 : i1 to i32
    %cond3A_129 = arith.constant 0 : i32
    %cond3A_130 = arith.cmpi ne, %convert_element_type3A_128, %cond3A_129 : i32
    scf.if %cond3A_130 {
      %dma_start3A_313 = arith.constant 0 : i32
      %dma_start3A_314 = arith.constant 0 : i32
      %dma_start3A_315 = tpu.memref_slice %arg2[%dma_start3A_313, %dma_start3A_314] : memref<10000x128xf32, #tpu.memory_space<hbm>> -> memref<10000x128xf32, #tpu.memory_space<hbm>>
      tpu.enqueue_indirect_dma source(%dma_start3A_315 : memref<10000x128xf32, #tpu.memory_space<hbm>>) target(%arg17 : memref<80x128xf32, #tpu.memory_space<vmem>>) offsets(%arg9 : memref<80xi32, #tpu.memory_space<vmem>>) semaphore(%arg30 : memref<!tpu.dma_semaphore, #tpu.memory_space<semaphore_mem>>)
    } else {
    }
    %eq3A_131 = arith.constant 1 : i32
    %eq3A_132 = arith.cmpi eq, %arg0, %eq3A_131 : i32
    %convert_element_type3A_133 = arith.extui %eq3A_132 : i1 to i32
    %cond3A_134 = arith.constant 0 : i32
    %cond3A_135 = arith.cmpi ne, %convert_element_type3A_133, %cond3A_134 : i32
    scf.if %cond3A_135 {
      %dma_start3A_313 = arith.constant 0 : i32
      %dma_start3A_314 = arith.constant 0 : i32
      %dma_start3A_315 = tpu.memref_slice %arg3[%dma_start3A_313, %dma_start3A_314] : memref<10000x128xf32, #tpu.memory_space<hbm>> -> memref<10000x128xf32, #tpu.memory_space<hbm>>
      tpu.enqueue_indirect_dma source(%dma_start3A_315 : memref<10000x128xf32, #tpu.memory_space<hbm>>) target(%arg17 : memref<80x128xf32, #tpu.memory_space<vmem>>) offsets(%arg9 : memref<80xi32, #tpu.memory_space<vmem>>) semaphore(%arg30 : memref<!tpu.dma_semaphore, #tpu.memory_space<semaphore_mem>>)
    } else {
    }
    %eq3A_136 = arith.constant 0 : i32
    %eq3A_137 = arith.cmpi eq, %arg0, %eq3A_136 : i32
    %convert_element_type3A_138 = arith.extui %eq3A_137 : i1 to i32
    %cond3A_139 = arith.constant 0 : i32
    %cond3A_140 = arith.cmpi ne, %convert_element_type3A_138, %cond3A_139 : i32
    scf.if %cond3A_140 {
      %add3A_313 = arith.constant 240 : i32
      %add3A_314 = arith.addi %mul3A_0, %add3A_313 : i32
      %dma_start3A_315 = tpu.memref_slice %arg4[%add3A_314] : memref<320000xi32, #tpu.memory_space<hbm>> -> memref<80xi32, #tpu.memory_space<hbm>>
      %dma_start3A_316 = tpu.memref_slice %arg4[%add3A_314] : memref<320000xi32, #tpu.memory_space<hbm>> -> memref<80xi32, #tpu.memory_space<hbm>>
      tpu.enqueue_dma source(%dma_start3A_316 : memref<80xi32, #tpu.memory_space<hbm>>) target(%arg10 : memref<80xi32, #tpu.memory_space<vmem>>) target_semaphore(%arg23 : memref<!tpu.dma_semaphore, #tpu.memory_space<semaphore_mem>>)
    } else {
    }
    %eq3A_141 = arith.constant 1 : i32
    %eq3A_142 = arith.cmpi eq, %arg0, %eq3A_141 : i32
    %convert_element_type3A_143 = arith.extui %eq3A_142 : i1 to i32
    %cond3A_144 = arith.constant 0 : i32
    %cond3A_145 = arith.cmpi ne, %convert_element_type3A_143, %cond3A_144 : i32
    scf.if %cond3A_145 {
      %add3A_313 = arith.constant 240 : i32
      %add3A_314 = arith.addi %mul3A_0, %add3A_313 : i32
      %dma_start3A_315 = tpu.memref_slice %arg5[%add3A_314] : memref<320000xi32, #tpu.memory_space<hbm>> -> memref<80xi32, #tpu.memory_space<hbm>>
      %dma_start3A_316 = tpu.memref_slice %arg5[%add3A_314] : memref<320000xi32, #tpu.memory_space<hbm>> -> memref<80xi32, #tpu.memory_space<hbm>>
      tpu.enqueue_dma source(%dma_start3A_316 : memref<80xi32, #tpu.memory_space<hbm>>) target(%arg10 : memref<80xi32, #tpu.memory_space<vmem>>) target_semaphore(%arg23 : memref<!tpu.dma_semaphore, #tpu.memory_space<semaphore_mem>>)
    } else {
    }
    %dma_wait3A_146 = arith.constant 0 : i32
    %dma_wait3A_147 = arith.constant 0 : i32
    %dma_wait3A_148 = tpu.memref_slice %arg2[%dma_wait3A_146, %dma_wait3A_147] : memref<10000x128xf32, #tpu.memory_space<hbm>> -> memref<80x128xf32, #tpu.memory_space<hbm>>
    %dma_wait3A_149 = arith.constant 0 : i32
    %dma_wait3A_150 = arith.constant 0 : i32
    %dma_wait3A_151 = tpu.memref_slice %arg2[%dma_wait3A_149, %dma_wait3A_150] : memref<10000x128xf32, #tpu.memory_space<hbm>> -> memref<80x128xf32, #tpu.memory_space<hbm>>
    tpu.wait_dma2 semaphore(%arg29 : memref<!tpu.dma_semaphore, #tpu.memory_space<semaphore_mem>>) src(%dma_wait3A_151 : memref<80x128xf32, #tpu.memory_space<hbm>>) dst(%arg16 : memref<80x128xf32, #tpu.memory_space<vmem>>)
    %dma_wait3A_152 = arith.constant 0 : i32
    %dma_wait3A_153 = tpu.memref_slice %arg4[%dma_wait3A_152] : memref<320000xi32, #tpu.memory_space<hbm>> -> memref<80xi32, #tpu.memory_space<hbm>>
    %dma_wait3A_154 = arith.constant 0 : i32
    %dma_wait3A_155 = tpu.memref_slice %arg4[%dma_wait3A_154] : memref<320000xi32, #tpu.memory_space<hbm>> -> memref<80xi32, #tpu.memory_space<hbm>>
    tpu.wait_dma2 semaphore(%arg25 : memref<!tpu.dma_semaphore, #tpu.memory_space<semaphore_mem>>) src(%dma_wait3A_155 : memref<80xi32, #tpu.memory_space<hbm>>) dst(%arg12 : memref<80xi32, #tpu.memory_space<vmem>>)
    %dma_start3A_156 = arith.constant 0 : i32
    %dma_start3A_157 = arith.constant 0 : i32
    %dma_start3A_158 = tpu.memref_slice %arg19[%dma_start3A_156, %dma_start3A_157] : memref<10000x128xf32, #tpu.memory_space<vmem_shared>> -> memref<10000x128xf32, #tpu.memory_space<vmem_shared>>
    tpu.enqueue_indirect_dma source(%arg16 : memref<80x128xf32, #tpu.memory_space<vmem>>) target(%dma_start3A_158 : memref<10000x128xf32, #tpu.memory_space<vmem_shared>>) offsets(%arg12 : memref<80xi32, #tpu.memory_space<vmem>>) semaphore(%arg33 : memref<!tpu.dma_semaphore, #tpu.memory_space<semaphore_mem>>) {add = true}
    %eq3A_159 = arith.constant 0 : i32
    %eq3A_160 = arith.cmpi eq, %arg0, %eq3A_159 : i32
    %convert_element_type3A_161 = arith.extui %eq3A_160 : i1 to i32
    %cond3A_162 = arith.constant 0 : i32
    %cond3A_163 = arith.cmpi ne, %convert_element_type3A_161, %cond3A_162 : i32
    scf.if %cond3A_163 {
      %add3A_313 = arith.constant 240 : i32
      %add3A_314 = arith.addi %add3A_3, %add3A_313 : i32
      %dma_start3A_315 = tpu.memref_slice %arg4[%add3A_314] : memref<320000xi32, #tpu.memory_space<hbm>> -> memref<80xi32, #tpu.memory_space<hbm>>
      %dma_start3A_316 = tpu.memref_slice %arg4[%add3A_314] : memref<320000xi32, #tpu.memory_space<hbm>> -> memref<80xi32, #tpu.memory_space<hbm>>
      tpu.enqueue_dma source(%dma_start3A_316 : memref<80xi32, #tpu.memory_space<hbm>>) target(%arg14 : memref<80xi32, #tpu.memory_space<vmem>>) target_semaphore(%arg27 : memref<!tpu.dma_semaphore, #tpu.memory_space<semaphore_mem>>)
    } else {
    }
    %eq3A_164 = arith.constant 1 : i32
    %eq3A_165 = arith.cmpi eq, %arg0, %eq3A_164 : i32
    %convert_element_type3A_166 = arith.extui %eq3A_165 : i1 to i32
    %cond3A_167 = arith.constant 0 : i32
    %cond3A_168 = arith.cmpi ne, %convert_element_type3A_166, %cond3A_167 : i32
    scf.if %cond3A_168 {
      %add3A_313 = arith.constant 240 : i32
      %add3A_314 = arith.addi %add3A_3, %add3A_313 : i32
      %dma_start3A_315 = tpu.memref_slice %arg5[%add3A_314] : memref<320000xi32, #tpu.memory_space<hbm>> -> memref<80xi32, #tpu.memory_space<hbm>>
      %dma_start3A_316 = tpu.memref_slice %arg5[%add3A_314] : memref<320000xi32, #tpu.memory_space<hbm>> -> memref<80xi32, #tpu.memory_space<hbm>>
      tpu.enqueue_dma source(%dma_start3A_316 : memref<80xi32, #tpu.memory_space<hbm>>) target(%arg14 : memref<80xi32, #tpu.memory_space<vmem>>) target_semaphore(%arg27 : memref<!tpu.dma_semaphore, #tpu.memory_space<semaphore_mem>>)
    } else {
    }
    %dma_wait3A_169 = arith.constant 0 : i32
    %dma_wait3A_170 = tpu.memref_slice %arg4[%dma_wait3A_169] : memref<320000xi32, #tpu.memory_space<hbm>> -> memref<80xi32, #tpu.memory_space<hbm>>
    %dma_wait3A_171 = arith.constant 0 : i32
    %dma_wait3A_172 = tpu.memref_slice %arg4[%dma_wait3A_171] : memref<320000xi32, #tpu.memory_space<hbm>> -> memref<80xi32, #tpu.memory_space<hbm>>
    tpu.wait_dma2 semaphore(%arg23 : memref<!tpu.dma_semaphore, #tpu.memory_space<semaphore_mem>>) src(%dma_wait3A_172 : memref<80xi32, #tpu.memory_space<hbm>>) dst(%arg10 : memref<80xi32, #tpu.memory_space<vmem>>)
    %eq3A_173 = arith.constant 0 : i32
    %eq3A_174 = arith.cmpi eq, %arg0, %eq3A_173 : i32
    %convert_element_type3A_175 = arith.extui %eq3A_174 : i1 to i32
    %cond3A_176 = arith.constant 0 : i32
    %cond3A_177 = arith.cmpi ne, %convert_element_type3A_175, %cond3A_176 : i32
    scf.if %cond3A_177 {
      %dma_start3A_313 = arith.constant 0 : i32
      %dma_start3A_314 = arith.constant 0 : i32
      %dma_start3A_315 = tpu.memref_slice %arg2[%dma_start3A_313, %dma_start3A_314] : memref<10000x128xf32, #tpu.memory_space<hbm>> -> memref<10000x128xf32, #tpu.memory_space<hbm>>
      tpu.enqueue_indirect_dma source(%dma_start3A_315 : memref<10000x128xf32, #tpu.memory_space<hbm>>) target(%arg18 : memref<80x128xf32, #tpu.memory_space<vmem>>) offsets(%arg10 : memref<80xi32, #tpu.memory_space<vmem>>) semaphore(%arg31 : memref<!tpu.dma_semaphore, #tpu.memory_space<semaphore_mem>>)
    } else {
    }
    %eq3A_178 = arith.constant 1 : i32
    %eq3A_179 = arith.cmpi eq, %arg0, %eq3A_178 : i32
    %convert_element_type3A_180 = arith.extui %eq3A_179 : i1 to i32
    %cond3A_181 = arith.constant 0 : i32
    %cond3A_182 = arith.cmpi ne, %convert_element_type3A_180, %cond3A_181 : i32
    scf.if %cond3A_182 {
      %dma_start3A_313 = arith.constant 0 : i32
      %dma_start3A_314 = arith.constant 0 : i32
      %dma_start3A_315 = tpu.memref_slice %arg3[%dma_start3A_313, %dma_start3A_314] : memref<10000x128xf32, #tpu.memory_space<hbm>> -> memref<10000x128xf32, #tpu.memory_space<hbm>>
      tpu.enqueue_indirect_dma source(%dma_start3A_315 : memref<10000x128xf32, #tpu.memory_space<hbm>>) target(%arg18 : memref<80x128xf32, #tpu.memory_space<vmem>>) offsets(%arg10 : memref<80xi32, #tpu.memory_space<vmem>>) semaphore(%arg31 : memref<!tpu.dma_semaphore, #tpu.memory_space<semaphore_mem>>)
    } else {
    }
    %eq3A_183 = arith.constant 0 : i32
    %eq3A_184 = arith.cmpi eq, %arg0, %eq3A_183 : i32
    %convert_element_type3A_185 = arith.extui %eq3A_184 : i1 to i32
    %cond3A_186 = arith.constant 0 : i32
    %cond3A_187 = arith.cmpi ne, %convert_element_type3A_185, %cond3A_186 : i32
    scf.if %cond3A_187 {
      %add3A_313 = arith.constant 320 : i32
      %add3A_314 = arith.addi %mul3A_0, %add3A_313 : i32
      %dma_start3A_315 = tpu.memref_slice %arg4[%add3A_314] : memref<320000xi32, #tpu.memory_space<hbm>> -> memref<80xi32, #tpu.memory_space<hbm>>
      %dma_start3A_316 = tpu.memref_slice %arg4[%add3A_314] : memref<320000xi32, #tpu.memory_space<hbm>> -> memref<80xi32, #tpu.memory_space<hbm>>
      tpu.enqueue_dma source(%dma_start3A_316 : memref<80xi32, #tpu.memory_space<hbm>>) target(%arg7 : memref<80xi32, #tpu.memory_space<vmem>>) target_semaphore(%arg20 : memref<!tpu.dma_semaphore, #tpu.memory_space<semaphore_mem>>)
    } else {
    }
    %eq3A_188 = arith.constant 1 : i32
    %eq3A_189 = arith.cmpi eq, %arg0, %eq3A_188 : i32
    %convert_element_type3A_190 = arith.extui %eq3A_189 : i1 to i32
    %cond3A_191 = arith.constant 0 : i32
    %cond3A_192 = arith.cmpi ne, %convert_element_type3A_190, %cond3A_191 : i32
    scf.if %cond3A_192 {
      %add3A_313 = arith.constant 320 : i32
      %add3A_314 = arith.addi %mul3A_0, %add3A_313 : i32
      %dma_start3A_315 = tpu.memref_slice %arg5[%add3A_314] : memref<320000xi32, #tpu.memory_space<hbm>> -> memref<80xi32, #tpu.memory_space<hbm>>
      %dma_start3A_316 = tpu.memref_slice %arg5[%add3A_314] : memref<320000xi32, #tpu.memory_space<hbm>> -> memref<80xi32, #tpu.memory_space<hbm>>
      tpu.enqueue_dma source(%dma_start3A_316 : memref<80xi32, #tpu.memory_space<hbm>>) target(%arg7 : memref<80xi32, #tpu.memory_space<vmem>>) target_semaphore(%arg20 : memref<!tpu.dma_semaphore, #tpu.memory_space<semaphore_mem>>)
    } else {
    }
    %scan3A_193 = arith.constant 0 : i32
    %scan3A_194 = arith.constant 0 : i32
    %scan3A_195 = arith.constant 30 : i32
    %scan3A_196 = arith.addi %scan3A_194, %scan3A_195 : i32
    %scan3A_197 = arith.constant 1 : i32
    %scan3A_198 = scf.for %scan3A_313 = %scan3A_194 to %scan3A_196 step %scan3A_197 iter_args(%scan3A_314 = %scan3A_193) -> (i32)  : i32 {
      %mul3A_315 = arith.constant 4 : i32
      %mul3A_316 = arith.muli %scan3A_313, %mul3A_315 : i32
      %add3A_317 = arith.constant 2 : i32
      %add3A_318 = arith.addi %add3A_317, %mul3A_316 : i32
      %add3A_319 = arith.constant 0 : i32
      %add3A_320 = arith.addi %add3A_318, %add3A_319 : i32
      %dma_wait3A_321 = arith.constant 0 : i32
      %dma_wait3A_322 = arith.constant 0 : i32
      %dma_wait3A_323 = tpu.memref_slice %arg2[%dma_wait3A_321, %dma_wait3A_322] : memref<10000x128xf32, #tpu.memory_space<hbm>> -> memref<80x128xf32, #tpu.memory_space<hbm>>
      %dma_wait3A_324 = arith.constant 0 : i32
      %dma_wait3A_325 = arith.constant 0 : i32
      %dma_wait3A_326 = tpu.memref_slice %arg2[%dma_wait3A_324, %dma_wait3A_325] : memref<10000x128xf32, #tpu.memory_space<hbm>> -> memref<80x128xf32, #tpu.memory_space<hbm>>
      tpu.wait_dma2 semaphore(%arg30 : memref<!tpu.dma_semaphore, #tpu.memory_space<semaphore_mem>>) src(%dma_wait3A_326 : memref<80x128xf32, #tpu.memory_space<hbm>>) dst(%arg17 : memref<80x128xf32, #tpu.memory_space<vmem>>)
      %dma_wait3A_327 = arith.constant 0 : i32
      %dma_wait3A_328 = tpu.memref_slice %arg4[%dma_wait3A_327] : memref<320000xi32, #tpu.memory_space<hbm>> -> memref<80xi32, #tpu.memory_space<hbm>>
      %dma_wait3A_329 = arith.constant 0 : i32
      %dma_wait3A_330 = tpu.memref_slice %arg4[%dma_wait3A_329] : memref<320000xi32, #tpu.memory_space<hbm>> -> memref<80xi32, #tpu.memory_space<hbm>>
      tpu.wait_dma2 semaphore(%arg26 : memref<!tpu.dma_semaphore, #tpu.memory_space<semaphore_mem>>) src(%dma_wait3A_330 : memref<80xi32, #tpu.memory_space<hbm>>) dst(%arg13 : memref<80xi32, #tpu.memory_space<vmem>>)
      %dma_start3A_331 = arith.constant 0 : i32
      %dma_start3A_332 = arith.constant 0 : i32
      %dma_start3A_333 = tpu.memref_slice %arg19[%dma_start3A_331, %dma_start3A_332] : memref<10000x128xf32, #tpu.memory_space<vmem_shared>> -> memref<10000x128xf32, #tpu.memory_space<vmem_shared>>
      tpu.enqueue_indirect_dma source(%arg17 : memref<80x128xf32, #tpu.memory_space<vmem>>) target(%dma_start3A_333 : memref<10000x128xf32, #tpu.memory_space<vmem_shared>>) offsets(%arg13 : memref<80xi32, #tpu.memory_space<vmem>>) semaphore(%arg34 : memref<!tpu.dma_semaphore, #tpu.memory_space<semaphore_mem>>) {add = true}
      %dma_wait3A_334 = arith.constant 0 : i32
      %dma_wait3A_335 = arith.constant 0 : i32
      %dma_wait3A_336 = tpu.memref_slice %arg2[%dma_wait3A_334, %dma_wait3A_335] : memref<10000x128xf32, #tpu.memory_space<hbm>> -> memref<80x128xf32, #tpu.memory_space<hbm>>
      %dma_wait3A_337 = arith.constant 0 : i32
      %dma_wait3A_338 = arith.constant 0 : i32
      %dma_wait3A_339 = tpu.memref_slice %arg2[%dma_wait3A_337, %dma_wait3A_338] : memref<10000x128xf32, #tpu.memory_space<hbm>> -> memref<80x128xf32, #tpu.memory_space<hbm>>
      tpu.wait_dma2 semaphore(%arg32 : memref<!tpu.dma_semaphore, #tpu.memory_space<semaphore_mem>>) src(%dma_wait3A_339 : memref<80x128xf32, #tpu.memory_space<hbm>>) dst(%arg15 : memref<80x128xf32, #tpu.memory_space<vmem>>)
      %add3A_340 = arith.constant 2 : i32
      %add3A_341 = arith.addi %add3A_320, %add3A_340 : i32
      %eq3A_342 = arith.constant 0 : i32
      %eq3A_343 = arith.cmpi eq, %arg0, %eq3A_342 : i32
      %convert_element_type3A_344 = arith.extui %eq3A_343 : i1 to i32
      %cond3A_345 = arith.constant 0 : i32
      %cond3A_346 = arith.cmpi ne, %convert_element_type3A_344, %cond3A_345 : i32
      scf.if %cond3A_346 {
        %mul3A_568 = arith.constant 80 : i32
        %mul3A_569 = arith.muli %add3A_341, %mul3A_568 : i32
        %add3A_570 = arith.addi %add3A_3, %mul3A_569 : i32
        %dma_start3A_571 = tpu.memref_slice %arg4[%add3A_570] : memref<320000xi32, #tpu.memory_space<hbm>> -> memref<80xi32, #tpu.memory_space<hbm>>
        %dma_start3A_572 = tpu.memref_slice %arg4[%add3A_570] : memref<320000xi32, #tpu.memory_space<hbm>> -> memref<80xi32, #tpu.memory_space<hbm>>
        tpu.enqueue_dma source(%dma_start3A_572 : memref<80xi32, #tpu.memory_space<hbm>>) target(%arg11 : memref<80xi32, #tpu.memory_space<vmem>>) target_semaphore(%arg24 : memref<!tpu.dma_semaphore, #tpu.memory_space<semaphore_mem>>)
      } else {
      }
      %eq3A_347 = arith.constant 1 : i32
      %eq3A_348 = arith.cmpi eq, %arg0, %eq3A_347 : i32
      %convert_element_type3A_349 = arith.extui %eq3A_348 : i1 to i32
      %cond3A_350 = arith.constant 0 : i32
      %cond3A_351 = arith.cmpi ne, %convert_element_type3A_349, %cond3A_350 : i32
      scf.if %cond3A_351 {
        %mul3A_568 = arith.constant 80 : i32
        %mul3A_569 = arith.muli %add3A_341, %mul3A_568 : i32
        %add3A_570 = arith.addi %add3A_3, %mul3A_569 : i32
        %dma_start3A_571 = tpu.memref_slice %arg5[%add3A_570] : memref<320000xi32, #tpu.memory_space<hbm>> -> memref<80xi32, #tpu.memory_space<hbm>>
        %dma_start3A_572 = tpu.memref_slice %arg5[%add3A_570] : memref<320000xi32, #tpu.memory_space<hbm>> -> memref<80xi32, #tpu.memory_space<hbm>>
        tpu.enqueue_dma source(%dma_start3A_572 : memref<80xi32, #tpu.memory_space<hbm>>) target(%arg11 : memref<80xi32, #tpu.memory_space<vmem>>) target_semaphore(%arg24 : memref<!tpu.dma_semaphore, #tpu.memory_space<semaphore_mem>>)
      } else {
      }
      %dma_wait3A_352 = arith.constant 0 : i32
      %dma_wait3A_353 = tpu.memref_slice %arg4[%dma_wait3A_352] : memref<320000xi32, #tpu.memory_space<hbm>> -> memref<80xi32, #tpu.memory_space<hbm>>
      %dma_wait3A_354 = arith.constant 0 : i32
      %dma_wait3A_355 = tpu.memref_slice %arg4[%dma_wait3A_354] : memref<320000xi32, #tpu.memory_space<hbm>> -> memref<80xi32, #tpu.memory_space<hbm>>
      tpu.wait_dma2 semaphore(%arg20 : memref<!tpu.dma_semaphore, #tpu.memory_space<semaphore_mem>>) src(%dma_wait3A_355 : memref<80xi32, #tpu.memory_space<hbm>>) dst(%arg7 : memref<80xi32, #tpu.memory_space<vmem>>)
      %eq3A_356 = arith.constant 0 : i32
      %eq3A_357 = arith.cmpi eq, %arg0, %eq3A_356 : i32
      %convert_element_type3A_358 = arith.extui %eq3A_357 : i1 to i32
      %cond3A_359 = arith.constant 0 : i32
      %cond3A_360 = arith.cmpi ne, %convert_element_type3A_358, %cond3A_359 : i32
      scf.if %cond3A_360 {
        %dma_start3A_568 = arith.constant 0 : i32
        %dma_start3A_569 = arith.constant 0 : i32
        %dma_start3A_570 = tpu.memref_slice %arg2[%dma_start3A_568, %dma_start3A_569] : memref<10000x128xf32, #tpu.memory_space<hbm>> -> memref<10000x128xf32, #tpu.memory_space<hbm>>
        tpu.enqueue_indirect_dma source(%dma_start3A_570 : memref<10000x128xf32, #tpu.memory_space<hbm>>) target(%arg15 : memref<80x128xf32, #tpu.memory_space<vmem>>) offsets(%arg7 : memref<80xi32, #tpu.memory_space<vmem>>) semaphore(%arg28 : memref<!tpu.dma_semaphore, #tpu.memory_space<semaphore_mem>>)
      } else {
      }
      %eq3A_361 = arith.constant 1 : i32
      %eq3A_362 = arith.cmpi eq, %arg0, %eq3A_361 : i32
      %convert_element_type3A_363 = arith.extui %eq3A_362 : i1 to i32
      %cond3A_364 = arith.constant 0 : i32
      %cond3A_365 = arith.cmpi ne, %convert_element_type3A_363, %cond3A_364 : i32
      scf.if %cond3A_365 {
        %dma_start3A_568 = arith.constant 0 : i32
        %dma_start3A_569 = arith.constant 0 : i32
        %dma_start3A_570 = tpu.memref_slice %arg3[%dma_start3A_568, %dma_start3A_569] : memref<10000x128xf32, #tpu.memory_space<hbm>> -> memref<10000x128xf32, #tpu.memory_space<hbm>>
        tpu.enqueue_indirect_dma source(%dma_start3A_570 : memref<10000x128xf32, #tpu.memory_space<hbm>>) target(%arg15 : memref<80x128xf32, #tpu.memory_space<vmem>>) offsets(%arg7 : memref<80xi32, #tpu.memory_space<vmem>>) semaphore(%arg28 : memref<!tpu.dma_semaphore, #tpu.memory_space<semaphore_mem>>)
      } else {
      }
      %add3A_366 = arith.constant 3 : i32
      %add3A_367 = arith.addi %add3A_320, %add3A_366 : i32
      %eq3A_368 = arith.constant 0 : i32
      %eq3A_369 = arith.cmpi eq, %arg0, %eq3A_368 : i32
      %convert_element_type3A_370 = arith.extui %eq3A_369 : i1 to i32
      %cond3A_371 = arith.constant 0 : i32
      %cond3A_372 = arith.cmpi ne, %convert_element_type3A_370, %cond3A_371 : i32
      scf.if %cond3A_372 {
        %mul3A_568 = arith.constant 80 : i32
        %mul3A_569 = arith.muli %add3A_367, %mul3A_568 : i32
        %add3A_570 = arith.addi %mul3A_0, %mul3A_569 : i32
        %dma_start3A_571 = tpu.memref_slice %arg4[%add3A_570] : memref<320000xi32, #tpu.memory_space<hbm>> -> memref<80xi32, #tpu.memory_space<hbm>>
        %dma_start3A_572 = tpu.memref_slice %arg4[%add3A_570] : memref<320000xi32, #tpu.memory_space<hbm>> -> memref<80xi32, #tpu.memory_space<hbm>>
        tpu.enqueue_dma source(%dma_start3A_572 : memref<80xi32, #tpu.memory_space<hbm>>) target(%arg8 : memref<80xi32, #tpu.memory_space<vmem>>) target_semaphore(%arg21 : memref<!tpu.dma_semaphore, #tpu.memory_space<semaphore_mem>>)
      } else {
      }
      %eq3A_373 = arith.constant 1 : i32
      %eq3A_374 = arith.cmpi eq, %arg0, %eq3A_373 : i32
      %convert_element_type3A_375 = arith.extui %eq3A_374 : i1 to i32
      %cond3A_376 = arith.constant 0 : i32
      %cond3A_377 = arith.cmpi ne, %convert_element_type3A_375, %cond3A_376 : i32
      scf.if %cond3A_377 {
        %mul3A_568 = arith.constant 80 : i32
        %mul3A_569 = arith.muli %add3A_367, %mul3A_568 : i32
        %add3A_570 = arith.addi %mul3A_0, %mul3A_569 : i32
        %dma_start3A_571 = tpu.memref_slice %arg5[%add3A_570] : memref<320000xi32, #tpu.memory_space<hbm>> -> memref<80xi32, #tpu.memory_space<hbm>>
        %dma_start3A_572 = tpu.memref_slice %arg5[%add3A_570] : memref<320000xi32, #tpu.memory_space<hbm>> -> memref<80xi32, #tpu.memory_space<hbm>>
        tpu.enqueue_dma source(%dma_start3A_572 : memref<80xi32, #tpu.memory_space<hbm>>) target(%arg8 : memref<80xi32, #tpu.memory_space<vmem>>) target_semaphore(%arg21 : memref<!tpu.dma_semaphore, #tpu.memory_space<semaphore_mem>>)
      } else {
      }
      %mul3A_378 = arith.constant 4 : i32
      %mul3A_379 = arith.muli %scan3A_313, %mul3A_378 : i32
      %add3A_380 = arith.constant 2 : i32
      %add3A_381 = arith.addi %add3A_380, %mul3A_379 : i32
      %add3A_382 = arith.constant 1 : i32
      %add3A_383 = arith.addi %add3A_381, %add3A_382 : i32
      %dma_wait3A_384 = arith.constant 0 : i32
      %dma_wait3A_385 = arith.constant 0 : i32
      %dma_wait3A_386 = tpu.memref_slice %arg2[%dma_wait3A_384, %dma_wait3A_385] : memref<10000x128xf32, #tpu.memory_space<hbm>> -> memref<80x128xf32, #tpu.memory_space<hbm>>
      %dma_wait3A_387 = arith.constant 0 : i32
      %dma_wait3A_388 = arith.constant 0 : i32
      %dma_wait3A_389 = tpu.memref_slice %arg2[%dma_wait3A_387, %dma_wait3A_388] : memref<10000x128xf32, #tpu.memory_space<hbm>> -> memref<80x128xf32, #tpu.memory_space<hbm>>
      tpu.wait_dma2 semaphore(%arg31 : memref<!tpu.dma_semaphore, #tpu.memory_space<semaphore_mem>>) src(%dma_wait3A_389 : memref<80x128xf32, #tpu.memory_space<hbm>>) dst(%arg18 : memref<80x128xf32, #tpu.memory_space<vmem>>)
      %dma_wait3A_390 = arith.constant 0 : i32
      %dma_wait3A_391 = tpu.memref_slice %arg4[%dma_wait3A_390] : memref<320000xi32, #tpu.memory_space<hbm>> -> memref<80xi32, #tpu.memory_space<hbm>>
      %dma_wait3A_392 = arith.constant 0 : i32
      %dma_wait3A_393 = tpu.memref_slice %arg4[%dma_wait3A_392] : memref<320000xi32, #tpu.memory_space<hbm>> -> memref<80xi32, #tpu.memory_space<hbm>>
      tpu.wait_dma2 semaphore(%arg27 : memref<!tpu.dma_semaphore, #tpu.memory_space<semaphore_mem>>) src(%dma_wait3A_393 : memref<80xi32, #tpu.memory_space<hbm>>) dst(%arg14 : memref<80xi32, #tpu.memory_space<vmem>>)
      %dma_start3A_394 = arith.constant 0 : i32
      %dma_start3A_395 = arith.constant 0 : i32
      %dma_start3A_396 = tpu.memref_slice %arg19[%dma_start3A_394, %dma_start3A_395] : memref<10000x128xf32, #tpu.memory_space<vmem_shared>> -> memref<10000x128xf32, #tpu.memory_space<vmem_shared>>
      tpu.enqueue_indirect_dma source(%arg18 : memref<80x128xf32, #tpu.memory_space<vmem>>) target(%dma_start3A_396 : memref<10000x128xf32, #tpu.memory_space<vmem_shared>>) offsets(%arg14 : memref<80xi32, #tpu.memory_space<vmem>>) semaphore(%arg35 : memref<!tpu.dma_semaphore, #tpu.memory_space<semaphore_mem>>) {add = true}
      %dma_wait3A_397 = arith.constant 0 : i32
      %dma_wait3A_398 = arith.constant 0 : i32
      %dma_wait3A_399 = tpu.memref_slice %arg2[%dma_wait3A_397, %dma_wait3A_398] : memref<10000x128xf32, #tpu.memory_space<hbm>> -> memref<80x128xf32, #tpu.memory_space<hbm>>
      %dma_wait3A_400 = arith.constant 0 : i32
      %dma_wait3A_401 = arith.constant 0 : i32
      %dma_wait3A_402 = tpu.memref_slice %arg2[%dma_wait3A_400, %dma_wait3A_401] : memref<10000x128xf32, #tpu.memory_space<hbm>> -> memref<80x128xf32, #tpu.memory_space<hbm>>
      tpu.wait_dma2 semaphore(%arg33 : memref<!tpu.dma_semaphore, #tpu.memory_space<semaphore_mem>>) src(%dma_wait3A_402 : memref<80x128xf32, #tpu.memory_space<hbm>>) dst(%arg16 : memref<80x128xf32, #tpu.memory_space<vmem>>)
      %add3A_403 = arith.constant 2 : i32
      %add3A_404 = arith.addi %add3A_383, %add3A_403 : i32
      %eq3A_405 = arith.constant 0 : i32
      %eq3A_406 = arith.cmpi eq, %arg0, %eq3A_405 : i32
      %convert_element_type3A_407 = arith.extui %eq3A_406 : i1 to i32
      %cond3A_408 = arith.constant 0 : i32
      %cond3A_409 = arith.cmpi ne, %convert_element_type3A_407, %cond3A_408 : i32
      scf.if %cond3A_409 {
        %mul3A_568 = arith.constant 80 : i32
        %mul3A_569 = arith.muli %add3A_404, %mul3A_568 : i32
        %add3A_570 = arith.addi %add3A_3, %mul3A_569 : i32
        %dma_start3A_571 = tpu.memref_slice %arg4[%add3A_570] : memref<320000xi32, #tpu.memory_space<hbm>> -> memref<80xi32, #tpu.memory_space<hbm>>
        %dma_start3A_572 = tpu.memref_slice %arg4[%add3A_570] : memref<320000xi32, #tpu.memory_space<hbm>> -> memref<80xi32, #tpu.memory_space<hbm>>
        tpu.enqueue_dma source(%dma_start3A_572 : memref<80xi32, #tpu.memory_space<hbm>>) target(%arg12 : memref<80xi32, #tpu.memory_space<vmem>>) target_semaphore(%arg25 : memref<!tpu.dma_semaphore, #tpu.memory_space<semaphore_mem>>)
      } else {
      }
      %eq3A_410 = arith.constant 1 : i32
      %eq3A_411 = arith.cmpi eq, %arg0, %eq3A_410 : i32
      %convert_element_type3A_412 = arith.extui %eq3A_411 : i1 to i32
      %cond3A_413 = arith.constant 0 : i32
      %cond3A_414 = arith.cmpi ne, %convert_element_type3A_412, %cond3A_413 : i32
      scf.if %cond3A_414 {
        %mul3A_568 = arith.constant 80 : i32
        %mul3A_569 = arith.muli %add3A_404, %mul3A_568 : i32
        %add3A_570 = arith.addi %add3A_3, %mul3A_569 : i32
        %dma_start3A_571 = tpu.memref_slice %arg5[%add3A_570] : memref<320000xi32, #tpu.memory_space<hbm>> -> memref<80xi32, #tpu.memory_space<hbm>>
        %dma_start3A_572 = tpu.memref_slice %arg5[%add3A_570] : memref<320000xi32, #tpu.memory_space<hbm>> -> memref<80xi32, #tpu.memory_space<hbm>>
        tpu.enqueue_dma source(%dma_start3A_572 : memref<80xi32, #tpu.memory_space<hbm>>) target(%arg12 : memref<80xi32, #tpu.memory_space<vmem>>) target_semaphore(%arg25 : memref<!tpu.dma_semaphore, #tpu.memory_space<semaphore_mem>>)
      } else {
      }
      %dma_wait3A_415 = arith.constant 0 : i32
      %dma_wait3A_416 = tpu.memref_slice %arg4[%dma_wait3A_415] : memref<320000xi32, #tpu.memory_space<hbm>> -> memref<80xi32, #tpu.memory_space<hbm>>
      %dma_wait3A_417 = arith.constant 0 : i32
      %dma_wait3A_418 = tpu.memref_slice %arg4[%dma_wait3A_417] : memref<320000xi32, #tpu.memory_space<hbm>> -> memref<80xi32, #tpu.memory_space<hbm>>
      tpu.wait_dma2 semaphore(%arg21 : memref<!tpu.dma_semaphore, #tpu.memory_space<semaphore_mem>>) src(%dma_wait3A_418 : memref<80xi32, #tpu.memory_space<hbm>>) dst(%arg8 : memref<80xi32, #tpu.memory_space<vmem>>)
      %eq3A_419 = arith.constant 0 : i32
      %eq3A_420 = arith.cmpi eq, %arg0, %eq3A_419 : i32
      %convert_element_type3A_421 = arith.extui %eq3A_420 : i1 to i32
      %cond3A_422 = arith.constant 0 : i32
      %cond3A_423 = arith.cmpi ne, %convert_element_type3A_421, %cond3A_422 : i32
      scf.if %cond3A_423 {
        %dma_start3A_568 = arith.constant 0 : i32
        %dma_start3A_569 = arith.constant 0 : i32
        %dma_start3A_570 = tpu.memref_slice %arg2[%dma_start3A_568, %dma_start3A_569] : memref<10000x128xf32, #tpu.memory_space<hbm>> -> memref<10000x128xf32, #tpu.memory_space<hbm>>
        tpu.enqueue_indirect_dma source(%dma_start3A_570 : memref<10000x128xf32, #tpu.memory_space<hbm>>) target(%arg16 : memref<80x128xf32, #tpu.memory_space<vmem>>) offsets(%arg8 : memref<80xi32, #tpu.memory_space<vmem>>) semaphore(%arg29 : memref<!tpu.dma_semaphore, #tpu.memory_space<semaphore_mem>>)
      } else {
      }
      %eq3A_424 = arith.constant 1 : i32
      %eq3A_425 = arith.cmpi eq, %arg0, %eq3A_424 : i32
      %convert_element_type3A_426 = arith.extui %eq3A_425 : i1 to i32
      %cond3A_427 = arith.constant 0 : i32
      %cond3A_428 = arith.cmpi ne, %convert_element_type3A_426, %cond3A_427 : i32
      scf.if %cond3A_428 {
        %dma_start3A_568 = arith.constant 0 : i32
        %dma_start3A_569 = arith.constant 0 : i32
        %dma_start3A_570 = tpu.memref_slice %arg3[%dma_start3A_568, %dma_start3A_569] : memref<10000x128xf32, #tpu.memory_space<hbm>> -> memref<10000x128xf32, #tpu.memory_space<hbm>>
        tpu.enqueue_indirect_dma source(%dma_start3A_570 : memref<10000x128xf32, #tpu.memory_space<hbm>>) target(%arg16 : memref<80x128xf32, #tpu.memory_space<vmem>>) offsets(%arg8 : memref<80xi32, #tpu.memory_space<vmem>>) semaphore(%arg29 : memref<!tpu.dma_semaphore, #tpu.memory_space<semaphore_mem>>)
      } else {
      }
      %add3A_429 = arith.constant 3 : i32
      %add3A_430 = arith.addi %add3A_383, %add3A_429 : i32
      %eq3A_431 = arith.constant 0 : i32
      %eq3A_432 = arith.cmpi eq, %arg0, %eq3A_431 : i32
      %convert_element_type3A_433 = arith.extui %eq3A_432 : i1 to i32
      %cond3A_434 = arith.constant 0 : i32
      %cond3A_435 = arith.cmpi ne, %convert_element_type3A_433, %cond3A_434 : i32
      scf.if %cond3A_435 {
        %mul3A_568 = arith.constant 80 : i32
        %mul3A_569 = arith.muli %add3A_430, %mul3A_568 : i32
        %add3A_570 = arith.addi %mul3A_0, %mul3A_569 : i32
        %dma_start3A_571 = tpu.memref_slice %arg4[%add3A_570] : memref<320000xi32, #tpu.memory_space<hbm>> -> memref<80xi32, #tpu.memory_space<hbm>>
        %dma_start3A_572 = tpu.memref_slice %arg4[%add3A_570] : memref<320000xi32, #tpu.memory_space<hbm>> -> memref<80xi32, #tpu.memory_space<hbm>>
        tpu.enqueue_dma source(%dma_start3A_572 : memref<80xi32, #tpu.memory_space<hbm>>) target(%arg9 : memref<80xi32, #tpu.memory_space<vmem>>) target_semaphore(%arg22 : memref<!tpu.dma_semaphore, #tpu.memory_space<semaphore_mem>>)
      } else {
      }
      %eq3A_436 = arith.constant 1 : i32
      %eq3A_437 = arith.cmpi eq, %arg0, %eq3A_436 : i32
      %convert_element_type3A_438 = arith.extui %eq3A_437 : i1 to i32
      %cond3A_439 = arith.constant 0 : i32
      %cond3A_440 = arith.cmpi ne, %convert_element_type3A_438, %cond3A_439 : i32
      scf.if %cond3A_440 {
        %mul3A_568 = arith.constant 80 : i32
        %mul3A_569 = arith.muli %add3A_430, %mul3A_568 : i32
        %add3A_570 = arith.addi %mul3A_0, %mul3A_569 : i32
        %dma_start3A_571 = tpu.memref_slice %arg5[%add3A_570] : memref<320000xi32, #tpu.memory_space<hbm>> -> memref<80xi32, #tpu.memory_space<hbm>>
        %dma_start3A_572 = tpu.memref_slice %arg5[%add3A_570] : memref<320000xi32, #tpu.memory_space<hbm>> -> memref<80xi32, #tpu.memory_space<hbm>>
        tpu.enqueue_dma source(%dma_start3A_572 : memref<80xi32, #tpu.memory_space<hbm>>) target(%arg9 : memref<80xi32, #tpu.memory_space<vmem>>) target_semaphore(%arg22 : memref<!tpu.dma_semaphore, #tpu.memory_space<semaphore_mem>>)
      } else {
      }
      %mul3A_441 = arith.constant 4 : i32
      %mul3A_442 = arith.muli %scan3A_313, %mul3A_441 : i32
      %add3A_443 = arith.constant 2 : i32
      %add3A_444 = arith.addi %add3A_443, %mul3A_442 : i32
      %add3A_445 = arith.constant 2 : i32
      %add3A_446 = arith.addi %add3A_444, %add3A_445 : i32
      %dma_wait3A_447 = arith.constant 0 : i32
      %dma_wait3A_448 = arith.constant 0 : i32
      %dma_wait3A_449 = tpu.memref_slice %arg2[%dma_wait3A_447, %dma_wait3A_448] : memref<10000x128xf32, #tpu.memory_space<hbm>> -> memref<80x128xf32, #tpu.memory_space<hbm>>
      %dma_wait3A_450 = arith.constant 0 : i32
      %dma_wait3A_451 = arith.constant 0 : i32
      %dma_wait3A_452 = tpu.memref_slice %arg2[%dma_wait3A_450, %dma_wait3A_451] : memref<10000x128xf32, #tpu.memory_space<hbm>> -> memref<80x128xf32, #tpu.memory_space<hbm>>
      tpu.wait_dma2 semaphore(%arg28 : memref<!tpu.dma_semaphore, #tpu.memory_space<semaphore_mem>>) src(%dma_wait3A_452 : memref<80x128xf32, #tpu.memory_space<hbm>>) dst(%arg15 : memref<80x128xf32, #tpu.memory_space<vmem>>)
      %dma_wait3A_453 = arith.constant 0 : i32
      %dma_wait3A_454 = tpu.memref_slice %arg4[%dma_wait3A_453] : memref<320000xi32, #tpu.memory_space<hbm>> -> memref<80xi32, #tpu.memory_space<hbm>>
      %dma_wait3A_455 = arith.constant 0 : i32
      %dma_wait3A_456 = tpu.memref_slice %arg4[%dma_wait3A_455] : memref<320000xi32, #tpu.memory_space<hbm>> -> memref<80xi32, #tpu.memory_space<hbm>>
      tpu.wait_dma2 semaphore(%arg24 : memref<!tpu.dma_semaphore, #tpu.memory_space<semaphore_mem>>) src(%dma_wait3A_456 : memref<80xi32, #tpu.memory_space<hbm>>) dst(%arg11 : memref<80xi32, #tpu.memory_space<vmem>>)
      %dma_start3A_457 = arith.constant 0 : i32
      %dma_start3A_458 = arith.constant 0 : i32
      %dma_start3A_459 = tpu.memref_slice %arg19[%dma_start3A_457, %dma_start3A_458] : memref<10000x128xf32, #tpu.memory_space<vmem_shared>> -> memref<10000x128xf32, #tpu.memory_space<vmem_shared>>
      tpu.enqueue_indirect_dma source(%arg15 : memref<80x128xf32, #tpu.memory_space<vmem>>) target(%dma_start3A_459 : memref<10000x128xf32, #tpu.memory_space<vmem_shared>>) offsets(%arg11 : memref<80xi32, #tpu.memory_space<vmem>>) semaphore(%arg32 : memref<!tpu.dma_semaphore, #tpu.memory_space<semaphore_mem>>) {add = true}
      %dma_wait3A_460 = arith.constant 0 : i32
      %dma_wait3A_461 = arith.constant 0 : i32
      %dma_wait3A_462 = tpu.memref_slice %arg2[%dma_wait3A_460, %dma_wait3A_461] : memref<10000x128xf32, #tpu.memory_space<hbm>> -> memref<80x128xf32, #tpu.memory_space<hbm>>
      %dma_wait3A_463 = arith.constant 0 : i32
      %dma_wait3A_464 = arith.constant 0 : i32
      %dma_wait3A_465 = tpu.memref_slice %arg2[%dma_wait3A_463, %dma_wait3A_464] : memref<10000x128xf32, #tpu.memory_space<hbm>> -> memref<80x128xf32, #tpu.memory_space<hbm>>
      tpu.wait_dma2 semaphore(%arg34 : memref<!tpu.dma_semaphore, #tpu.memory_space<semaphore_mem>>) src(%dma_wait3A_465 : memref<80x128xf32, #tpu.memory_space<hbm>>) dst(%arg17 : memref<80x128xf32, #tpu.memory_space<vmem>>)
      %add3A_466 = arith.constant 2 : i32
      %add3A_467 = arith.addi %add3A_446, %add3A_466 : i32
      %eq3A_468 = arith.constant 0 : i32
      %eq3A_469 = arith.cmpi eq, %arg0, %eq3A_468 : i32
      %convert_element_type3A_470 = arith.extui %eq3A_469 : i1 to i32
      %cond3A_471 = arith.constant 0 : i32
      %cond3A_472 = arith.cmpi ne, %convert_element_type3A_470, %cond3A_471 : i32
      scf.if %cond3A_472 {
        %mul3A_568 = arith.constant 80 : i32
        %mul3A_569 = arith.muli %add3A_467, %mul3A_568 : i32
        %add3A_570 = arith.addi %add3A_3, %mul3A_569 : i32
        %dma_start3A_571 = tpu.memref_slice %arg4[%add3A_570] : memref<320000xi32, #tpu.memory_space<hbm>> -> memref<80xi32, #tpu.memory_space<hbm>>
        %dma_start3A_572 = tpu.memref_slice %arg4[%add3A_570] : memref<320000xi32, #tpu.memory_space<hbm>> -> memref<80xi32, #tpu.memory_space<hbm>>
        tpu.enqueue_dma source(%dma_start3A_572 : memref<80xi32, #tpu.memory_space<hbm>>) target(%arg13 : memref<80xi32, #tpu.memory_space<vmem>>) target_semaphore(%arg26 : memref<!tpu.dma_semaphore, #tpu.memory_space<semaphore_mem>>)
      } else {
      }
      %eq3A_473 = arith.constant 1 : i32
      %eq3A_474 = arith.cmpi eq, %arg0, %eq3A_473 : i32
      %convert_element_type3A_475 = arith.extui %eq3A_474 : i1 to i32
      %cond3A_476 = arith.constant 0 : i32
      %cond3A_477 = arith.cmpi ne, %convert_element_type3A_475, %cond3A_476 : i32
      scf.if %cond3A_477 {
        %mul3A_568 = arith.constant 80 : i32
        %mul3A_569 = arith.muli %add3A_467, %mul3A_568 : i32
        %add3A_570 = arith.addi %add3A_3, %mul3A_569 : i32
        %dma_start3A_571 = tpu.memref_slice %arg5[%add3A_570] : memref<320000xi32, #tpu.memory_space<hbm>> -> memref<80xi32, #tpu.memory_space<hbm>>
        %dma_start3A_572 = tpu.memref_slice %arg5[%add3A_570] : memref<320000xi32, #tpu.memory_space<hbm>> -> memref<80xi32, #tpu.memory_space<hbm>>
        tpu.enqueue_dma source(%dma_start3A_572 : memref<80xi32, #tpu.memory_space<hbm>>) target(%arg13 : memref<80xi32, #tpu.memory_space<vmem>>) target_semaphore(%arg26 : memref<!tpu.dma_semaphore, #tpu.memory_space<semaphore_mem>>)
      } else {
      }
      %dma_wait3A_478 = arith.constant 0 : i32
      %dma_wait3A_479 = tpu.memref_slice %arg4[%dma_wait3A_478] : memref<320000xi32, #tpu.memory_space<hbm>> -> memref<80xi32, #tpu.memory_space<hbm>>
      %dma_wait3A_480 = arith.constant 0 : i32
      %dma_wait3A_481 = tpu.memref_slice %arg4[%dma_wait3A_480] : memref<320000xi32, #tpu.memory_space<hbm>> -> memref<80xi32, #tpu.memory_space<hbm>>
      tpu.wait_dma2 semaphore(%arg22 : memref<!tpu.dma_semaphore, #tpu.memory_space<semaphore_mem>>) src(%dma_wait3A_481 : memref<80xi32, #tpu.memory_space<hbm>>) dst(%arg9 : memref<80xi32, #tpu.memory_space<vmem>>)
      %eq3A_482 = arith.constant 0 : i32
      %eq3A_483 = arith.cmpi eq, %arg0, %eq3A_482 : i32
      %convert_element_type3A_484 = arith.extui %eq3A_483 : i1 to i32
      %cond3A_485 = arith.constant 0 : i32
      %cond3A_486 = arith.cmpi ne, %convert_element_type3A_484, %cond3A_485 : i32
      scf.if %cond3A_486 {
        %dma_start3A_568 = arith.constant 0 : i32
        %dma_start3A_569 = arith.constant 0 : i32
        %dma_start3A_570 = tpu.memref_slice %arg2[%dma_start3A_568, %dma_start3A_569] : memref<10000x128xf32, #tpu.memory_space<hbm>> -> memref<10000x128xf32, #tpu.memory_space<hbm>>
        tpu.enqueue_indirect_dma source(%dma_start3A_570 : memref<10000x128xf32, #tpu.memory_space<hbm>>) target(%arg17 : memref<80x128xf32, #tpu.memory_space<vmem>>) offsets(%arg9 : memref<80xi32, #tpu.memory_space<vmem>>) semaphore(%arg30 : memref<!tpu.dma_semaphore, #tpu.memory_space<semaphore_mem>>)
      } else {
      }
      %eq3A_487 = arith.constant 1 : i32
      %eq3A_488 = arith.cmpi eq, %arg0, %eq3A_487 : i32
      %convert_element_type3A_489 = arith.extui %eq3A_488 : i1 to i32
      %cond3A_490 = arith.constant 0 : i32
      %cond3A_491 = arith.cmpi ne, %convert_element_type3A_489, %cond3A_490 : i32
      scf.if %cond3A_491 {
        %dma_start3A_568 = arith.constant 0 : i32
        %dma_start3A_569 = arith.constant 0 : i32
        %dma_start3A_570 = tpu.memref_slice %arg3[%dma_start3A_568, %dma_start3A_569] : memref<10000x128xf32, #tpu.memory_space<hbm>> -> memref<10000x128xf32, #tpu.memory_space<hbm>>
        tpu.enqueue_indirect_dma source(%dma_start3A_570 : memref<10000x128xf32, #tpu.memory_space<hbm>>) target(%arg17 : memref<80x128xf32, #tpu.memory_space<vmem>>) offsets(%arg9 : memref<80xi32, #tpu.memory_space<vmem>>) semaphore(%arg30 : memref<!tpu.dma_semaphore, #tpu.memory_space<semaphore_mem>>)
      } else {
      }
      %add3A_492 = arith.constant 3 : i32
      %add3A_493 = arith.addi %add3A_446, %add3A_492 : i32
      %eq3A_494 = arith.constant 0 : i32
      %eq3A_495 = arith.cmpi eq, %arg0, %eq3A_494 : i32
      %convert_element_type3A_496 = arith.extui %eq3A_495 : i1 to i32
      %cond3A_497 = arith.constant 0 : i32
      %cond3A_498 = arith.cmpi ne, %convert_element_type3A_496, %cond3A_497 : i32
      scf.if %cond3A_498 {
        %mul3A_568 = arith.constant 80 : i32
        %mul3A_569 = arith.muli %add3A_493, %mul3A_568 : i32
        %add3A_570 = arith.addi %mul3A_0, %mul3A_569 : i32
        %dma_start3A_571 = tpu.memref_slice %arg4[%add3A_570] : memref<320000xi32, #tpu.memory_space<hbm>> -> memref<80xi32, #tpu.memory_space<hbm>>
        %dma_start3A_572 = tpu.memref_slice %arg4[%add3A_570] : memref<320000xi32, #tpu.memory_space<hbm>> -> memref<80xi32, #tpu.memory_space<hbm>>
        tpu.enqueue_dma source(%dma_start3A_572 : memref<80xi32, #tpu.memory_space<hbm>>) target(%arg10 : memref<80xi32, #tpu.memory_space<vmem>>) target_semaphore(%arg23 : memref<!tpu.dma_semaphore, #tpu.memory_space<semaphore_mem>>)
      } else {
      }
      %eq3A_499 = arith.constant 1 : i32
      %eq3A_500 = arith.cmpi eq, %arg0, %eq3A_499 : i32
      %convert_element_type3A_501 = arith.extui %eq3A_500 : i1 to i32
      %cond3A_502 = arith.constant 0 : i32
      %cond3A_503 = arith.cmpi ne, %convert_element_type3A_501, %cond3A_502 : i32
      scf.if %cond3A_503 {
        %mul3A_568 = arith.constant 80 : i32
        %mul3A_569 = arith.muli %add3A_493, %mul3A_568 : i32
        %add3A_570 = arith.addi %mul3A_0, %mul3A_569 : i32
        %dma_start3A_571 = tpu.memref_slice %arg5[%add3A_570] : memref<320000xi32, #tpu.memory_space<hbm>> -> memref<80xi32, #tpu.memory_space<hbm>>
        %dma_start3A_572 = tpu.memref_slice %arg5[%add3A_570] : memref<320000xi32, #tpu.memory_space<hbm>> -> memref<80xi32, #tpu.memory_space<hbm>>
        tpu.enqueue_dma source(%dma_start3A_572 : memref<80xi32, #tpu.memory_space<hbm>>) target(%arg10 : memref<80xi32, #tpu.memory_space<vmem>>) target_semaphore(%arg23 : memref<!tpu.dma_semaphore, #tpu.memory_space<semaphore_mem>>)
      } else {
      }
      %mul3A_504 = arith.constant 4 : i32
      %mul3A_505 = arith.muli %scan3A_313, %mul3A_504 : i32
      %add3A_506 = arith.constant 2 : i32
      %add3A_507 = arith.addi %add3A_506, %mul3A_505 : i32
      %add3A_508 = arith.constant 3 : i32
      %add3A_509 = arith.addi %add3A_507, %add3A_508 : i32
      %dma_wait3A_510 = arith.constant 0 : i32
      %dma_wait3A_511 = arith.constant 0 : i32
      %dma_wait3A_512 = tpu.memref_slice %arg2[%dma_wait3A_510, %dma_wait3A_511] : memref<10000x128xf32, #tpu.memory_space<hbm>> -> memref<80x128xf32, #tpu.memory_space<hbm>>
      %dma_wait3A_513 = arith.constant 0 : i32
      %dma_wait3A_514 = arith.constant 0 : i32
      %dma_wait3A_515 = tpu.memref_slice %arg2[%dma_wait3A_513, %dma_wait3A_514] : memref<10000x128xf32, #tpu.memory_space<hbm>> -> memref<80x128xf32, #tpu.memory_space<hbm>>
      tpu.wait_dma2 semaphore(%arg29 : memref<!tpu.dma_semaphore, #tpu.memory_space<semaphore_mem>>) src(%dma_wait3A_515 : memref<80x128xf32, #tpu.memory_space<hbm>>) dst(%arg16 : memref<80x128xf32, #tpu.memory_space<vmem>>)
      %dma_wait3A_516 = arith.constant 0 : i32
      %dma_wait3A_517 = tpu.memref_slice %arg4[%dma_wait3A_516] : memref<320000xi32, #tpu.memory_space<hbm>> -> memref<80xi32, #tpu.memory_space<hbm>>
      %dma_wait3A_518 = arith.constant 0 : i32
      %dma_wait3A_519 = tpu.memref_slice %arg4[%dma_wait3A_518] : memref<320000xi32, #tpu.memory_space<hbm>> -> memref<80xi32, #tpu.memory_space<hbm>>
      tpu.wait_dma2 semaphore(%arg25 : memref<!tpu.dma_semaphore, #tpu.memory_space<semaphore_mem>>) src(%dma_wait3A_519 : memref<80xi32, #tpu.memory_space<hbm>>) dst(%arg12 : memref<80xi32, #tpu.memory_space<vmem>>)
      %dma_start3A_520 = arith.constant 0 : i32
      %dma_start3A_521 = arith.constant 0 : i32
      %dma_start3A_522 = tpu.memref_slice %arg19[%dma_start3A_520, %dma_start3A_521] : memref<10000x128xf32, #tpu.memory_space<vmem_shared>> -> memref<10000x128xf32, #tpu.memory_space<vmem_shared>>
      tpu.enqueue_indirect_dma source(%arg16 : memref<80x128xf32, #tpu.memory_space<vmem>>) target(%dma_start3A_522 : memref<10000x128xf32, #tpu.memory_space<vmem_shared>>) offsets(%arg12 : memref<80xi32, #tpu.memory_space<vmem>>) semaphore(%arg33 : memref<!tpu.dma_semaphore, #tpu.memory_space<semaphore_mem>>) {add = true}
      %dma_wait3A_523 = arith.constant 0 : i32
      %dma_wait3A_524 = arith.constant 0 : i32
      %dma_wait3A_525 = tpu.memref_slice %arg2[%dma_wait3A_523, %dma_wait3A_524] : memref<10000x128xf32, #tpu.memory_space<hbm>> -> memref<80x128xf32, #tpu.memory_space<hbm>>
      %dma_wait3A_526 = arith.constant 0 : i32
      %dma_wait3A_527 = arith.constant 0 : i32
      %dma_wait3A_528 = tpu.memref_slice %arg2[%dma_wait3A_526, %dma_wait3A_527] : memref<10000x128xf32, #tpu.memory_space<hbm>> -> memref<80x128xf32, #tpu.memory_space<hbm>>
      tpu.wait_dma2 semaphore(%arg35 : memref<!tpu.dma_semaphore, #tpu.memory_space<semaphore_mem>>) src(%dma_wait3A_528 : memref<80x128xf32, #tpu.memory_space<hbm>>) dst(%arg18 : memref<80x128xf32, #tpu.memory_space<vmem>>)
      %add3A_529 = arith.constant 2 : i32
      %add3A_530 = arith.addi %add3A_509, %add3A_529 : i32
      %eq3A_531 = arith.constant 0 : i32
      %eq3A_532 = arith.cmpi eq, %arg0, %eq3A_531 : i32
      %convert_element_type3A_533 = arith.extui %eq3A_532 : i1 to i32
      %cond3A_534 = arith.constant 0 : i32
      %cond3A_535 = arith.cmpi ne, %convert_element_type3A_533, %cond3A_534 : i32
      scf.if %cond3A_535 {
        %mul3A_568 = arith.constant 80 : i32
        %mul3A_569 = arith.muli %add3A_530, %mul3A_568 : i32
        %add3A_570 = arith.addi %add3A_3, %mul3A_569 : i32
        %dma_start3A_571 = tpu.memref_slice %arg4[%add3A_570] : memref<320000xi32, #tpu.memory_space<hbm>> -> memref<80xi32, #tpu.memory_space<hbm>>
        %dma_start3A_572 = tpu.memref_slice %arg4[%add3A_570] : memref<320000xi32, #tpu.memory_space<hbm>> -> memref<80xi32, #tpu.memory_space<hbm>>
        tpu.enqueue_dma source(%dma_start3A_572 : memref<80xi32, #tpu.memory_space<hbm>>) target(%arg14 : memref<80xi32, #tpu.memory_space<vmem>>) target_semaphore(%arg27 : memref<!tpu.dma_semaphore, #tpu.memory_space<semaphore_mem>>)
      } else {
      }
      %eq3A_536 = arith.constant 1 : i32
      %eq3A_537 = arith.cmpi eq, %arg0, %eq3A_536 : i32
      %convert_element_type3A_538 = arith.extui %eq3A_537 : i1 to i32
      %cond3A_539 = arith.constant 0 : i32
      %cond3A_540 = arith.cmpi ne, %convert_element_type3A_538, %cond3A_539 : i32
      scf.if %cond3A_540 {
        %mul3A_568 = arith.constant 80 : i32
        %mul3A_569 = arith.muli %add3A_530, %mul3A_568 : i32
        %add3A_570 = arith.addi %add3A_3, %mul3A_569 : i32
        %dma_start3A_571 = tpu.memref_slice %arg5[%add3A_570] : memref<320000xi32, #tpu.memory_space<hbm>> -> memref<80xi32, #tpu.memory_space<hbm>>
        %dma_start3A_572 = tpu.memref_slice %arg5[%add3A_570] : memref<320000xi32, #tpu.memory_space<hbm>> -> memref<80xi32, #tpu.memory_space<hbm>>
        tpu.enqueue_dma source(%dma_start3A_572 : memref<80xi32, #tpu.memory_space<hbm>>) target(%arg14 : memref<80xi32, #tpu.memory_space<vmem>>) target_semaphore(%arg27 : memref<!tpu.dma_semaphore, #tpu.memory_space<semaphore_mem>>)
      } else {
      }
      %dma_wait3A_541 = arith.constant 0 : i32
      %dma_wait3A_542 = tpu.memref_slice %arg4[%dma_wait3A_541] : memref<320000xi32, #tpu.memory_space<hbm>> -> memref<80xi32, #tpu.memory_space<hbm>>
      %dma_wait3A_543 = arith.constant 0 : i32
      %dma_wait3A_544 = tpu.memref_slice %arg4[%dma_wait3A_543] : memref<320000xi32, #tpu.memory_space<hbm>> -> memref<80xi32, #tpu.memory_space<hbm>>
      tpu.wait_dma2 semaphore(%arg23 : memref<!tpu.dma_semaphore, #tpu.memory_space<semaphore_mem>>) src(%dma_wait3A_544 : memref<80xi32, #tpu.memory_space<hbm>>) dst(%arg10 : memref<80xi32, #tpu.memory_space<vmem>>)
      %eq3A_545 = arith.constant 0 : i32
      %eq3A_546 = arith.cmpi eq, %arg0, %eq3A_545 : i32
      %convert_element_type3A_547 = arith.extui %eq3A_546 : i1 to i32
      %cond3A_548 = arith.constant 0 : i32
      %cond3A_549 = arith.cmpi ne, %convert_element_type3A_547, %cond3A_548 : i32
      scf.if %cond3A_549 {
        %dma_start3A_568 = arith.constant 0 : i32
        %dma_start3A_569 = arith.constant 0 : i32
        %dma_start3A_570 = tpu.memref_slice %arg2[%dma_start3A_568, %dma_start3A_569] : memref<10000x128xf32, #tpu.memory_space<hbm>> -> memref<10000x128xf32, #tpu.memory_space<hbm>>
        tpu.enqueue_indirect_dma source(%dma_start3A_570 : memref<10000x128xf32, #tpu.memory_space<hbm>>) target(%arg18 : memref<80x128xf32, #tpu.memory_space<vmem>>) offsets(%arg10 : memref<80xi32, #tpu.memory_space<vmem>>) semaphore(%arg31 : memref<!tpu.dma_semaphore, #tpu.memory_space<semaphore_mem>>)
      } else {
      }
      %eq3A_550 = arith.constant 1 : i32
      %eq3A_551 = arith.cmpi eq, %arg0, %eq3A_550 : i32
      %convert_element_type3A_552 = arith.extui %eq3A_551 : i1 to i32
      %cond3A_553 = arith.constant 0 : i32
      %cond3A_554 = arith.cmpi ne, %convert_element_type3A_552, %cond3A_553 : i32
      scf.if %cond3A_554 {
        %dma_start3A_568 = arith.constant 0 : i32
        %dma_start3A_569 = arith.constant 0 : i32
        %dma_start3A_570 = tpu.memref_slice %arg3[%dma_start3A_568, %dma_start3A_569] : memref<10000x128xf32, #tpu.memory_space<hbm>> -> memref<10000x128xf32, #tpu.memory_space<hbm>>
        tpu.enqueue_indirect_dma source(%dma_start3A_570 : memref<10000x128xf32, #tpu.memory_space<hbm>>) target(%arg18 : memref<80x128xf32, #tpu.memory_space<vmem>>) offsets(%arg10 : memref<80xi32, #tpu.memory_space<vmem>>) semaphore(%arg31 : memref<!tpu.dma_semaphore, #tpu.memory_space<semaphore_mem>>)
      } else {
      }
      %add3A_555 = arith.constant 3 : i32
      %add3A_556 = arith.addi %add3A_509, %add3A_555 : i32
      %eq3A_557 = arith.constant 0 : i32
      %eq3A_558 = arith.cmpi eq, %arg0, %eq3A_557 : i32
      %convert_element_type3A_559 = arith.extui %eq3A_558 : i1 to i32
      %cond3A_560 = arith.constant 0 : i32
      %cond3A_561 = arith.cmpi ne, %convert_element_type3A_559, %cond3A_560 : i32
      scf.if %cond3A_561 {
        %mul3A_568 = arith.constant 80 : i32
        %mul3A_569 = arith.muli %add3A_556, %mul3A_568 : i32
        %add3A_570 = arith.addi %mul3A_0, %mul3A_569 : i32
        %dma_start3A_571 = tpu.memref_slice %arg4[%add3A_570] : memref<320000xi32, #tpu.memory_space<hbm>> -> memref<80xi32, #tpu.memory_space<hbm>>
        %dma_start3A_572 = tpu.memref_slice %arg4[%add3A_570] : memref<320000xi32, #tpu.memory_space<hbm>> -> memref<80xi32, #tpu.memory_space<hbm>>
        tpu.enqueue_dma source(%dma_start3A_572 : memref<80xi32, #tpu.memory_space<hbm>>) target(%arg7 : memref<80xi32, #tpu.memory_space<vmem>>) target_semaphore(%arg20 : memref<!tpu.dma_semaphore, #tpu.memory_space<semaphore_mem>>)
      } else {
      }
      %eq3A_562 = arith.constant 1 : i32
      %eq3A_563 = arith.cmpi eq, %arg0, %eq3A_562 : i32
      %convert_element_type3A_564 = arith.extui %eq3A_563 : i1 to i32
      %cond3A_565 = arith.constant 0 : i32
      %cond3A_566 = arith.cmpi ne, %convert_element_type3A_564, %cond3A_565 : i32
      scf.if %cond3A_566 {
        %mul3A_568 = arith.constant 80 : i32
        %mul3A_569 = arith.muli %add3A_556, %mul3A_568 : i32
        %add3A_570 = arith.addi %mul3A_0, %mul3A_569 : i32
        %dma_start3A_571 = tpu.memref_slice %arg5[%add3A_570] : memref<320000xi32, #tpu.memory_space<hbm>> -> memref<80xi32, #tpu.memory_space<hbm>>
        %dma_start3A_572 = tpu.memref_slice %arg5[%add3A_570] : memref<320000xi32, #tpu.memory_space<hbm>> -> memref<80xi32, #tpu.memory_space<hbm>>
        tpu.enqueue_dma source(%dma_start3A_572 : memref<80xi32, #tpu.memory_space<hbm>>) target(%arg7 : memref<80xi32, #tpu.memory_space<vmem>>) target_semaphore(%arg20 : memref<!tpu.dma_semaphore, #tpu.memory_space<semaphore_mem>>)
      } else {
      }
      %scan3A_567 = arith.constant 0 : i32
      scf.yield %scan3A_567 : i32
    }
    %scan3A_199 = arith.constant 30 : i32
    %dma_wait3A_200 = arith.constant 0 : i32
    %dma_wait3A_201 = arith.constant 0 : i32
    %dma_wait3A_202 = tpu.memref_slice %arg2[%dma_wait3A_200, %dma_wait3A_201] : memref<10000x128xf32, #tpu.memory_space<hbm>> -> memref<80x128xf32, #tpu.memory_space<hbm>>
    %dma_wait3A_203 = arith.constant 0 : i32
    %dma_wait3A_204 = arith.constant 0 : i32
    %dma_wait3A_205 = tpu.memref_slice %arg2[%dma_wait3A_203, %dma_wait3A_204] : memref<10000x128xf32, #tpu.memory_space<hbm>> -> memref<80x128xf32, #tpu.memory_space<hbm>>
    tpu.wait_dma2 semaphore(%arg30 : memref<!tpu.dma_semaphore, #tpu.memory_space<semaphore_mem>>) src(%dma_wait3A_205 : memref<80x128xf32, #tpu.memory_space<hbm>>) dst(%arg17 : memref<80x128xf32, #tpu.memory_space<vmem>>)
    %dma_wait3A_206 = arith.constant 0 : i32
    %dma_wait3A_207 = tpu.memref_slice %arg4[%dma_wait3A_206] : memref<320000xi32, #tpu.memory_space<hbm>> -> memref<80xi32, #tpu.memory_space<hbm>>
    %dma_wait3A_208 = arith.constant 0 : i32
    %dma_wait3A_209 = tpu.memref_slice %arg4[%dma_wait3A_208] : memref<320000xi32, #tpu.memory_space<hbm>> -> memref<80xi32, #tpu.memory_space<hbm>>
    tpu.wait_dma2 semaphore(%arg26 : memref<!tpu.dma_semaphore, #tpu.memory_space<semaphore_mem>>) src(%dma_wait3A_209 : memref<80xi32, #tpu.memory_space<hbm>>) dst(%arg13 : memref<80xi32, #tpu.memory_space<vmem>>)
    %dma_start3A_210 = arith.constant 0 : i32
    %dma_start3A_211 = arith.constant 0 : i32
    %dma_start3A_212 = tpu.memref_slice %arg19[%dma_start3A_210, %dma_start3A_211] : memref<10000x128xf32, #tpu.memory_space<vmem_shared>> -> memref<10000x128xf32, #tpu.memory_space<vmem_shared>>
    tpu.enqueue_indirect_dma source(%arg17 : memref<80x128xf32, #tpu.memory_space<vmem>>) target(%dma_start3A_212 : memref<10000x128xf32, #tpu.memory_space<vmem_shared>>) offsets(%arg13 : memref<80xi32, #tpu.memory_space<vmem>>) semaphore(%arg34 : memref<!tpu.dma_semaphore, #tpu.memory_space<semaphore_mem>>) {add = true}
    %dma_wait3A_213 = arith.constant 0 : i32
    %dma_wait3A_214 = arith.constant 0 : i32
    %dma_wait3A_215 = tpu.memref_slice %arg2[%dma_wait3A_213, %dma_wait3A_214] : memref<10000x128xf32, #tpu.memory_space<hbm>> -> memref<80x128xf32, #tpu.memory_space<hbm>>
    %dma_wait3A_216 = arith.constant 0 : i32
    %dma_wait3A_217 = arith.constant 0 : i32
    %dma_wait3A_218 = tpu.memref_slice %arg2[%dma_wait3A_216, %dma_wait3A_217] : memref<10000x128xf32, #tpu.memory_space<hbm>> -> memref<80x128xf32, #tpu.memory_space<hbm>>
    tpu.wait_dma2 semaphore(%arg32 : memref<!tpu.dma_semaphore, #tpu.memory_space<semaphore_mem>>) src(%dma_wait3A_218 : memref<80x128xf32, #tpu.memory_space<hbm>>) dst(%arg15 : memref<80x128xf32, #tpu.memory_space<vmem>>)
    %eq3A_219 = arith.constant 0 : i32
    %eq3A_220 = arith.cmpi eq, %arg0, %eq3A_219 : i32
    %convert_element_type3A_221 = arith.extui %eq3A_220 : i1 to i32
    %cond3A_222 = arith.constant 0 : i32
    %cond3A_223 = arith.cmpi ne, %convert_element_type3A_221, %cond3A_222 : i32
    scf.if %cond3A_223 {
      %add3A_313 = arith.constant 9920 : i32
      %add3A_314 = arith.addi %add3A_3, %add3A_313 : i32
      %dma_start3A_315 = tpu.memref_slice %arg4[%add3A_314] : memref<320000xi32, #tpu.memory_space<hbm>> -> memref<80xi32, #tpu.memory_space<hbm>>
      %dma_start3A_316 = tpu.memref_slice %arg4[%add3A_314] : memref<320000xi32, #tpu.memory_space<hbm>> -> memref<80xi32, #tpu.memory_space<hbm>>
      tpu.enqueue_dma source(%dma_start3A_316 : memref<80xi32, #tpu.memory_space<hbm>>) target(%arg11 : memref<80xi32, #tpu.memory_space<vmem>>) target_semaphore(%arg24 : memref<!tpu.dma_semaphore, #tpu.memory_space<semaphore_mem>>)
    } else {
    }
    %eq3A_224 = arith.constant 1 : i32
    %eq3A_225 = arith.cmpi eq, %arg0, %eq3A_224 : i32
    %convert_element_type3A_226 = arith.extui %eq3A_225 : i1 to i32
    %cond3A_227 = arith.constant 0 : i32
    %cond3A_228 = arith.cmpi ne, %convert_element_type3A_226, %cond3A_227 : i32
    scf.if %cond3A_228 {
      %add3A_313 = arith.constant 9920 : i32
      %add3A_314 = arith.addi %add3A_3, %add3A_313 : i32
      %dma_start3A_315 = tpu.memref_slice %arg5[%add3A_314] : memref<320000xi32, #tpu.memory_space<hbm>> -> memref<80xi32, #tpu.memory_space<hbm>>
      %dma_start3A_316 = tpu.memref_slice %arg5[%add3A_314] : memref<320000xi32, #tpu.memory_space<hbm>> -> memref<80xi32, #tpu.memory_space<hbm>>
      tpu.enqueue_dma source(%dma_start3A_316 : memref<80xi32, #tpu.memory_space<hbm>>) target(%arg11 : memref<80xi32, #tpu.memory_space<vmem>>) target_semaphore(%arg24 : memref<!tpu.dma_semaphore, #tpu.memory_space<semaphore_mem>>)
    } else {
    }
    %dma_wait3A_229 = arith.constant 0 : i32
    %dma_wait3A_230 = tpu.memref_slice %arg4[%dma_wait3A_229] : memref<320000xi32, #tpu.memory_space<hbm>> -> memref<80xi32, #tpu.memory_space<hbm>>
    %dma_wait3A_231 = arith.constant 0 : i32
    %dma_wait3A_232 = tpu.memref_slice %arg4[%dma_wait3A_231] : memref<320000xi32, #tpu.memory_space<hbm>> -> memref<80xi32, #tpu.memory_space<hbm>>
    tpu.wait_dma2 semaphore(%arg20 : memref<!tpu.dma_semaphore, #tpu.memory_space<semaphore_mem>>) src(%dma_wait3A_232 : memref<80xi32, #tpu.memory_space<hbm>>) dst(%arg7 : memref<80xi32, #tpu.memory_space<vmem>>)
    %eq3A_233 = arith.constant 0 : i32
    %eq3A_234 = arith.cmpi eq, %arg0, %eq3A_233 : i32
    %convert_element_type3A_235 = arith.extui %eq3A_234 : i1 to i32
    %cond3A_236 = arith.constant 0 : i32
    %cond3A_237 = arith.cmpi ne, %convert_element_type3A_235, %cond3A_236 : i32
    scf.if %cond3A_237 {
      %dma_start3A_313 = arith.constant 0 : i32
      %dma_start3A_314 = arith.constant 0 : i32
      %dma_start3A_315 = tpu.memref_slice %arg2[%dma_start3A_313, %dma_start3A_314] : memref<10000x128xf32, #tpu.memory_space<hbm>> -> memref<10000x128xf32, #tpu.memory_space<hbm>>
      tpu.enqueue_indirect_dma source(%dma_start3A_315 : memref<10000x128xf32, #tpu.memory_space<hbm>>) target(%arg15 : memref<80x128xf32, #tpu.memory_space<vmem>>) offsets(%arg7 : memref<80xi32, #tpu.memory_space<vmem>>) semaphore(%arg28 : memref<!tpu.dma_semaphore, #tpu.memory_space<semaphore_mem>>)
    } else {
    }
    %eq3A_238 = arith.constant 1 : i32
    %eq3A_239 = arith.cmpi eq, %arg0, %eq3A_238 : i32
    %convert_element_type3A_240 = arith.extui %eq3A_239 : i1 to i32
    %cond3A_241 = arith.constant 0 : i32
    %cond3A_242 = arith.cmpi ne, %convert_element_type3A_240, %cond3A_241 : i32
    scf.if %cond3A_242 {
      %dma_start3A_313 = arith.constant 0 : i32
      %dma_start3A_314 = arith.constant 0 : i32
      %dma_start3A_315 = tpu.memref_slice %arg3[%dma_start3A_313, %dma_start3A_314] : memref<10000x128xf32, #tpu.memory_space<hbm>> -> memref<10000x128xf32, #tpu.memory_space<hbm>>
      tpu.enqueue_indirect_dma source(%dma_start3A_315 : memref<10000x128xf32, #tpu.memory_space<hbm>>) target(%arg15 : memref<80x128xf32, #tpu.memory_space<vmem>>) offsets(%arg7 : memref<80xi32, #tpu.memory_space<vmem>>) semaphore(%arg28 : memref<!tpu.dma_semaphore, #tpu.memory_space<semaphore_mem>>)
    } else {
    }
    %dma_wait3A_243 = arith.constant 0 : i32
    %dma_wait3A_244 = arith.constant 0 : i32
    %dma_wait3A_245 = tpu.memref_slice %arg2[%dma_wait3A_243, %dma_wait3A_244] : memref<10000x128xf32, #tpu.memory_space<hbm>> -> memref<80x128xf32, #tpu.memory_space<hbm>>
    %dma_wait3A_246 = arith.constant 0 : i32
    %dma_wait3A_247 = arith.constant 0 : i32
    %dma_wait3A_248 = tpu.memref_slice %arg2[%dma_wait3A_246, %dma_wait3A_247] : memref<10000x128xf32, #tpu.memory_space<hbm>> -> memref<80x128xf32, #tpu.memory_space<hbm>>
    tpu.wait_dma2 semaphore(%arg31 : memref<!tpu.dma_semaphore, #tpu.memory_space<semaphore_mem>>) src(%dma_wait3A_248 : memref<80x128xf32, #tpu.memory_space<hbm>>) dst(%arg18 : memref<80x128xf32, #tpu.memory_space<vmem>>)
    %dma_wait3A_249 = arith.constant 0 : i32
    %dma_wait3A_250 = tpu.memref_slice %arg4[%dma_wait3A_249] : memref<320000xi32, #tpu.memory_space<hbm>> -> memref<80xi32, #tpu.memory_space<hbm>>
    %dma_wait3A_251 = arith.constant 0 : i32
    %dma_wait3A_252 = tpu.memref_slice %arg4[%dma_wait3A_251] : memref<320000xi32, #tpu.memory_space<hbm>> -> memref<80xi32, #tpu.memory_space<hbm>>
    tpu.wait_dma2 semaphore(%arg27 : memref<!tpu.dma_semaphore, #tpu.memory_space<semaphore_mem>>) src(%dma_wait3A_252 : memref<80xi32, #tpu.memory_space<hbm>>) dst(%arg14 : memref<80xi32, #tpu.memory_space<vmem>>)
    %dma_start3A_253 = arith.constant 0 : i32
    %dma_start3A_254 = arith.constant 0 : i32
    %dma_start3A_255 = tpu.memref_slice %arg19[%dma_start3A_253, %dma_start3A_254] : memref<10000x128xf32, #tpu.memory_space<vmem_shared>> -> memref<10000x128xf32, #tpu.memory_space<vmem_shared>>
    tpu.enqueue_indirect_dma source(%arg18 : memref<80x128xf32, #tpu.memory_space<vmem>>) target(%dma_start3A_255 : memref<10000x128xf32, #tpu.memory_space<vmem_shared>>) offsets(%arg14 : memref<80xi32, #tpu.memory_space<vmem>>) semaphore(%arg35 : memref<!tpu.dma_semaphore, #tpu.memory_space<semaphore_mem>>) {add = true}
    %dma_wait3A_256 = arith.constant 0 : i32
    %dma_wait3A_257 = arith.constant 0 : i32
    %dma_wait3A_258 = tpu.memref_slice %arg2[%dma_wait3A_256, %dma_wait3A_257] : memref<10000x128xf32, #tpu.memory_space<hbm>> -> memref<80x128xf32, #tpu.memory_space<hbm>>
    %dma_wait3A_259 = arith.constant 0 : i32
    %dma_wait3A_260 = arith.constant 0 : i32
    %dma_wait3A_261 = tpu.memref_slice %arg2[%dma_wait3A_259, %dma_wait3A_260] : memref<10000x128xf32, #tpu.memory_space<hbm>> -> memref<80x128xf32, #tpu.memory_space<hbm>>
    tpu.wait_dma2 semaphore(%arg33 : memref<!tpu.dma_semaphore, #tpu.memory_space<semaphore_mem>>) src(%dma_wait3A_261 : memref<80x128xf32, #tpu.memory_space<hbm>>) dst(%arg16 : memref<80x128xf32, #tpu.memory_space<vmem>>)
    %dma_wait3A_262 = arith.constant 0 : i32
    %dma_wait3A_263 = arith.constant 0 : i32
    %dma_wait3A_264 = tpu.memref_slice %arg2[%dma_wait3A_262, %dma_wait3A_263] : memref<10000x128xf32, #tpu.memory_space<hbm>> -> memref<80x128xf32, #tpu.memory_space<hbm>>
    %dma_wait3A_265 = arith.constant 0 : i32
    %dma_wait3A_266 = arith.constant 0 : i32
    %dma_wait3A_267 = tpu.memref_slice %arg2[%dma_wait3A_265, %dma_wait3A_266] : memref<10000x128xf32, #tpu.memory_space<hbm>> -> memref<80x128xf32, #tpu.memory_space<hbm>>
    tpu.wait_dma2 semaphore(%arg28 : memref<!tpu.dma_semaphore, #tpu.memory_space<semaphore_mem>>) src(%dma_wait3A_267 : memref<80x128xf32, #tpu.memory_space<hbm>>) dst(%arg15 : memref<80x128xf32, #tpu.memory_space<vmem>>)
    %dma_wait3A_268 = arith.constant 0 : i32
    %dma_wait3A_269 = tpu.memref_slice %arg4[%dma_wait3A_268] : memref<320000xi32, #tpu.memory_space<hbm>> -> memref<80xi32, #tpu.memory_space<hbm>>
    %dma_wait3A_270 = arith.constant 0 : i32
    %dma_wait3A_271 = tpu.memref_slice %arg4[%dma_wait3A_270] : memref<320000xi32, #tpu.memory_space<hbm>> -> memref<80xi32, #tpu.memory_space<hbm>>
    tpu.wait_dma2 semaphore(%arg24 : memref<!tpu.dma_semaphore, #tpu.memory_space<semaphore_mem>>) src(%dma_wait3A_271 : memref<80xi32, #tpu.memory_space<hbm>>) dst(%arg11 : memref<80xi32, #tpu.memory_space<vmem>>)
    %dma_start3A_272 = arith.constant 0 : i32
    %dma_start3A_273 = arith.constant 0 : i32
    %dma_start3A_274 = tpu.memref_slice %arg19[%dma_start3A_272, %dma_start3A_273] : memref<10000x128xf32, #tpu.memory_space<vmem_shared>> -> memref<10000x128xf32, #tpu.memory_space<vmem_shared>>
    tpu.enqueue_indirect_dma source(%arg15 : memref<80x128xf32, #tpu.memory_space<vmem>>) target(%dma_start3A_274 : memref<10000x128xf32, #tpu.memory_space<vmem_shared>>) offsets(%arg11 : memref<80xi32, #tpu.memory_space<vmem>>) semaphore(%arg32 : memref<!tpu.dma_semaphore, #tpu.memory_space<semaphore_mem>>) {add = true}
    %dma_wait3A_275 = arith.constant 0 : i32
    %dma_wait3A_276 = arith.constant 0 : i32
    %dma_wait3A_277 = tpu.memref_slice %arg2[%dma_wait3A_275, %dma_wait3A_276] : memref<10000x128xf32, #tpu.memory_space<hbm>> -> memref<80x128xf32, #tpu.memory_space<hbm>>
    %dma_wait3A_278 = arith.constant 0 : i32
    %dma_wait3A_279 = arith.constant 0 : i32
    %dma_wait3A_280 = tpu.memref_slice %arg2[%dma_wait3A_278, %dma_wait3A_279] : memref<10000x128xf32, #tpu.memory_space<hbm>> -> memref<80x128xf32, #tpu.memory_space<hbm>>
    tpu.wait_dma2 semaphore(%arg34 : memref<!tpu.dma_semaphore, #tpu.memory_space<semaphore_mem>>) src(%dma_wait3A_280 : memref<80x128xf32, #tpu.memory_space<hbm>>) dst(%arg17 : memref<80x128xf32, #tpu.memory_space<vmem>>)
    %dma_wait3A_281 = arith.constant 0 : i32
    %dma_wait3A_282 = arith.constant 0 : i32
    %dma_wait3A_283 = tpu.memref_slice %arg2[%dma_wait3A_281, %dma_wait3A_282] : memref<10000x128xf32, #tpu.memory_space<hbm>> -> memref<80x128xf32, #tpu.memory_space<hbm>>
    %dma_wait3A_284 = arith.constant 0 : i32
    %dma_wait3A_285 = arith.constant 0 : i32
    %dma_wait3A_286 = tpu.memref_slice %arg2[%dma_wait3A_284, %dma_wait3A_285] : memref<10000x128xf32, #tpu.memory_space<hbm>> -> memref<80x128xf32, #tpu.memory_space<hbm>>
    tpu.wait_dma2 semaphore(%arg35 : memref<!tpu.dma_semaphore, #tpu.memory_space<semaphore_mem>>) src(%dma_wait3A_286 : memref<80x128xf32, #tpu.memory_space<hbm>>) dst(%arg18 : memref<80x128xf32, #tpu.memory_space<vmem>>)
    %dma_wait3A_287 = arith.constant 0 : i32
    %dma_wait3A_288 = arith.constant 0 : i32
    %dma_wait3A_289 = tpu.memref_slice %arg2[%dma_wait3A_287, %dma_wait3A_288] : memref<10000x128xf32, #tpu.memory_space<hbm>> -> memref<80x128xf32, #tpu.memory_space<hbm>>
    %dma_wait3A_290 = arith.constant 0 : i32
    %dma_wait3A_291 = arith.constant 0 : i32
    %dma_wait3A_292 = tpu.memref_slice %arg2[%dma_wait3A_290, %dma_wait3A_291] : memref<10000x128xf32, #tpu.memory_space<hbm>> -> memref<80x128xf32, #tpu.memory_space<hbm>>
    tpu.wait_dma2 semaphore(%arg32 : memref<!tpu.dma_semaphore, #tpu.memory_space<semaphore_mem>>) src(%dma_wait3A_292 : memref<80x128xf32, #tpu.memory_space<hbm>>) dst(%arg15 : memref<80x128xf32, #tpu.memory_space<vmem>>)
    %barrier3A_293 = arith.constant 0 : index
    tpu.barrier barrier_id(%barrier3A_293)
    %mul3A_294 = arith.constant 10000 : i32
    %mul3A_295 = arith.muli %arg0, %mul3A_294 : i32
    %add3A_296 = arith.addi %mul3A_295, %mul3A_58 : i32
    %scan3A_297 = arith.constant 0 : i32
    %scan3A_298 = arith.constant 0 : i32
    %scan3A_299 = arith.constant 7 : i32
    %scan3A_300 = arith.addi %scan3A_298, %scan3A_299 : i32
    %scan3A_301 = arith.constant 1 : i32
    %scan3A_302 = scf.for %scan3A_313 = %scan3A_298 to %scan3A_300 step %scan3A_301 iter_args(%scan3A_314 = %scan3A_297) -> (i32)  : i32 {
      %mul3A_315 = arith.constant 80 : i32
      %mul3A_316 = arith.muli %scan3A_313, %mul3A_315 : i32
      %add3A_317 = arith.addi %mul3A_58, %mul3A_316 : i32
      "tpu.region"() ({
        %run_scoped3A = tpu.sem_alloc : memref<!tpu.dma_semaphore, #tpu.memory_space<semaphore_mem>>
        %dma_start3A_322 = arith.constant 0 : i32
        %dma_start3A_323 = tpu.memref_slice %arg19[%add3A_317, %dma_start3A_322] : memref<10000x128xf32, #tpu.memory_space<vmem_shared>> -> memref<80x128xf32, #tpu.memory_space<vmem_shared>>
        %dma_start3A_324 = arith.constant 0 : i32
        %dma_start3A_325 = tpu.memref_slice %arg19[%add3A_317, %dma_start3A_324] : memref<10000x128xf32, #tpu.memory_space<vmem_shared>> -> memref<80x128xf32, #tpu.memory_space<vmem_shared>>
        tpu.enqueue_dma source(%dma_start3A_325 : memref<80x128xf32, #tpu.memory_space<vmem_shared>>) target(%arg15 : memref<80x128xf32, #tpu.memory_space<vmem>>) target_semaphore(%run_scoped3A : memref<!tpu.dma_semaphore, #tpu.memory_space<semaphore_mem>>)
        %dma_wait3A_326 = arith.constant 0 : i32
        %dma_wait3A_327 = tpu.memref_slice %arg19[%add3A_317, %dma_wait3A_326] : memref<10000x128xf32, #tpu.memory_space<vmem_shared>> -> memref<80x128xf32, #tpu.memory_space<vmem_shared>>
        %dma_wait3A_328 = arith.constant 0 : i32
        %dma_wait3A_329 = tpu.memref_slice %arg19[%add3A_317, %dma_wait3A_328] : memref<10000x128xf32, #tpu.memory_space<vmem_shared>> -> memref<80x128xf32, #tpu.memory_space<vmem_shared>>
        tpu.wait_dma2 semaphore(%run_scoped3A : memref<!tpu.dma_semaphore, #tpu.memory_space<semaphore_mem>>) src(%dma_wait3A_329 : memref<80x128xf32, #tpu.memory_space<vmem_shared>>) dst(%arg15 : memref<80x128xf32, #tpu.memory_space<vmem>>)
        tpu.yield
      }) : () -> ()
      %mul3A_318 = arith.constant 80 : i32
      %mul3A_319 = arith.muli %scan3A_313, %mul3A_318 : i32
      %add3A_320 = arith.addi %add3A_296, %mul3A_319 : i32
      "tpu.region"() ({
        %run_scoped3A = tpu.sem_alloc : memref<!tpu.dma_semaphore, #tpu.memory_space<semaphore_mem>>
        %dma_start3A_322 = arith.constant 0 : i32
        %dma_start3A_323 = tpu.memref_slice %arg6[%add3A_320, %dma_start3A_322] : memref<20000x128xf32, #tpu.memory_space<hbm>> -> memref<80x128xf32, #tpu.memory_space<hbm>>
        %dma_start3A_324 = arith.constant 0 : i32
        %dma_start3A_325 = tpu.memref_slice %arg6[%add3A_320, %dma_start3A_324] : memref<20000x128xf32, #tpu.memory_space<hbm>> -> memref<80x128xf32, #tpu.memory_space<hbm>>
        tpu.enqueue_dma source(%arg15 : memref<80x128xf32, #tpu.memory_space<vmem>>) target(%dma_start3A_325 : memref<80x128xf32, #tpu.memory_space<hbm>>) target_semaphore(%run_scoped3A : memref<!tpu.dma_semaphore, #tpu.memory_space<semaphore_mem>>)
        %dma_wait3A_326 = arith.constant 0 : i32
        %dma_wait3A_327 = tpu.memref_slice %arg6[%add3A_320, %dma_wait3A_326] : memref<20000x128xf32, #tpu.memory_space<hbm>> -> memref<80x128xf32, #tpu.memory_space<hbm>>
        %dma_wait3A_328 = arith.constant 0 : i32
        %dma_wait3A_329 = tpu.memref_slice %arg6[%add3A_320, %dma_wait3A_328] : memref<20000x128xf32, #tpu.memory_space<hbm>> -> memref<80x128xf32, #tpu.memory_space<hbm>>
        tpu.wait_dma2 semaphore(%run_scoped3A : memref<!tpu.dma_semaphore, #tpu.memory_space<semaphore_mem>>) src(%arg15 : memref<80x128xf32, #tpu.memory_space<vmem>>) dst(%dma_wait3A_329 : memref<80x128xf32, #tpu.memory_space<hbm>>)
        tpu.yield
      }) : () -> ()
      %scan3A_321 = arith.constant 0 : i32
      scf.yield %scan3A_321 : i32
    }
    %scan3A_303 = arith.constant 7 : i32
    %add3A_304 = arith.constant 560 : i32
    %add3A_305 = arith.addi %mul3A_58, %add3A_304 : i32
    "tpu.region"() ({
      %run_scoped3A = tpu.sem_alloc : memref<!tpu.dma_semaphore, #tpu.memory_space<semaphore_mem>>
      %dma_start3A_313 = arith.constant 0 : i32
      %dma_start3A_314 = arith.constant 0 : i32
      %dma_start3A_315 = tpu.memref_slice %arg16[%dma_start3A_313, %dma_start3A_314] : memref<80x128xf32, #tpu.memory_space<vmem>> -> memref<64x128xf32, #tpu.memory_space<vmem>>
      %dma_start3A_316 = arith.constant 0 : i32
      %dma_start3A_317 = tpu.memref_slice %arg19[%add3A_305, %dma_start3A_316] : memref<10000x128xf32, #tpu.memory_space<vmem_shared>> -> memref<64x128xf32, #tpu.memory_space<vmem_shared>>
      %dma_start3A_318 = arith.constant 0 : i32
      %dma_start3A_319 = arith.constant 0 : i32
      %dma_start3A_320 = tpu.memref_slice %arg16[%dma_start3A_318, %dma_start3A_319] : memref<80x128xf32, #tpu.memory_space<vmem>> -> memref<64x128xf32, #tpu.memory_space<vmem>>
      %dma_start3A_321 = arith.constant 0 : i32
      %dma_start3A_322 = tpu.memref_slice %arg19[%add3A_305, %dma_start3A_321] : memref<10000x128xf32, #tpu.memory_space<vmem_shared>> -> memref<64x128xf32, #tpu.memory_space<vmem_shared>>
      tpu.enqueue_dma source(%dma_start3A_322 : memref<64x128xf32, #tpu.memory_space<vmem_shared>>) target(%dma_start3A_320 : memref<64x128xf32, #tpu.memory_space<vmem>>) target_semaphore(%run_scoped3A : memref<!tpu.dma_semaphore, #tpu.memory_space<semaphore_mem>>)
      %dma_wait3A_323 = arith.constant 0 : i32
      %dma_wait3A_324 = arith.constant 0 : i32
      %dma_wait3A_325 = tpu.memref_slice %arg16[%dma_wait3A_323, %dma_wait3A_324] : memref<80x128xf32, #tpu.memory_space<vmem>> -> memref<64x128xf32, #tpu.memory_space<vmem>>
      %dma_wait3A_326 = arith.constant 0 : i32
      %dma_wait3A_327 = tpu.memref_slice %arg19[%add3A_305, %dma_wait3A_326] : memref<10000x128xf32, #tpu.memory_space<vmem_shared>> -> memref<64x128xf32, #tpu.memory_space<vmem_shared>>
      %dma_wait3A_328 = arith.constant 0 : i32
      %dma_wait3A_329 = arith.constant 0 : i32
      %dma_wait3A_330 = tpu.memref_slice %arg16[%dma_wait3A_328, %dma_wait3A_329] : memref<80x128xf32, #tpu.memory_space<vmem>> -> memref<64x128xf32, #tpu.memory_space<vmem>>
      %dma_wait3A_331 = arith.constant 0 : i32
      %dma_wait3A_332 = tpu.memref_slice %arg19[%add3A_305, %dma_wait3A_331] : memref<10000x128xf32, #tpu.memory_space<vmem_shared>> -> memref<64x128xf32, #tpu.memory_space<vmem_shared>>
      tpu.wait_dma2 semaphore(%run_scoped3A : memref<!tpu.dma_semaphore, #tpu.memory_space<semaphore_mem>>) src(%dma_wait3A_332 : memref<64x128xf32, #tpu.memory_space<vmem_shared>>) dst(%dma_wait3A_330 : memref<64x128xf32, #tpu.memory_space<vmem>>)
      tpu.yield
    }) : () -> ()
    %add3A_306 = arith.constant 560 : i32
    %add3A_307 = arith.addi %add3A_296, %add3A_306 : i32
    "tpu.region"() ({
      %run_scoped3A = tpu.sem_alloc : memref<!tpu.dma_semaphore, #tpu.memory_space<semaphore_mem>>
      %dma_start3A_313 = arith.constant 0 : i32
      %dma_start3A_314 = arith.constant 0 : i32
      %dma_start3A_315 = tpu.memref_slice %arg16[%dma_start3A_313, %dma_start3A_314] : memref<80x128xf32, #tpu.memory_space<vmem>> -> memref<64x128xf32, #tpu.memory_space<vmem>>
      %dma_start3A_316 = arith.constant 0 : i32
      %dma_start3A_317 = tpu.memref_slice %arg6[%add3A_307, %dma_start3A_316] : memref<20000x128xf32, #tpu.memory_space<hbm>> -> memref<64x128xf32, #tpu.memory_space<hbm>>
      %dma_start3A_318 = arith.constant 0 : i32
      %dma_start3A_319 = tpu.memref_slice %arg6[%add3A_307, %dma_start3A_318] : memref<20000x128xf32, #tpu.memory_space<hbm>> -> memref<64x128xf32, #tpu.memory_space<hbm>>
      %dma_start3A_320 = arith.constant 0 : i32
      %dma_start3A_321 = arith.constant 0 : i32
      %dma_start3A_322 = tpu.memref_slice %arg16[%dma_start3A_320, %dma_start3A_321] : memref<80x128xf32, #tpu.memory_space<vmem>> -> memref<64x128xf32, #tpu.memory_space<vmem>>
      tpu.enqueue_dma source(%dma_start3A_322 : memref<64x128xf32, #tpu.memory_space<vmem>>) target(%dma_start3A_319 : memref<64x128xf32, #tpu.memory_space<hbm>>) target_semaphore(%run_scoped3A : memref<!tpu.dma_semaphore, #tpu.memory_space<semaphore_mem>>)
      %dma_wait3A_323 = arith.constant 0 : i32
      %dma_wait3A_324 = arith.constant 0 : i32
      %dma_wait3A_325 = tpu.memref_slice %arg16[%dma_wait3A_323, %dma_wait3A_324] : memref<80x128xf32, #tpu.memory_space<vmem>> -> memref<64x128xf32, #tpu.memory_space<vmem>>
      %dma_wait3A_326 = arith.constant 0 : i32
      %dma_wait3A_327 = tpu.memref_slice %arg6[%add3A_307, %dma_wait3A_326] : memref<20000x128xf32, #tpu.memory_space<hbm>> -> memref<64x128xf32, #tpu.memory_space<hbm>>
      %dma_wait3A_328 = arith.constant 0 : i32
      %dma_wait3A_329 = tpu.memref_slice %arg6[%add3A_307, %dma_wait3A_328] : memref<20000x128xf32, #tpu.memory_space<hbm>> -> memref<64x128xf32, #tpu.memory_space<hbm>>
      %dma_wait3A_330 = arith.constant 0 : i32
      %dma_wait3A_331 = arith.constant 0 : i32
      %dma_wait3A_332 = tpu.memref_slice %arg16[%dma_wait3A_330, %dma_wait3A_331] : memref<80x128xf32, #tpu.memory_space<vmem>> -> memref<64x128xf32, #tpu.memory_space<vmem>>
      tpu.wait_dma2 semaphore(%run_scoped3A : memref<!tpu.dma_semaphore, #tpu.memory_space<semaphore_mem>>) src(%dma_wait3A_332 : memref<64x128xf32, #tpu.memory_space<vmem>>) dst(%dma_wait3A_329 : memref<64x128xf32, #tpu.memory_space<hbm>>)
      tpu.yield
    }) : () -> ()
    %eq3A_308 = arith.constant 15 : i32
    %eq3A_309 = arith.cmpi eq, %arg1, %eq3A_308 : i32
    %convert_element_type3A_310 = arith.extui %eq3A_309 : i1 to i32
    %cond3A_311 = arith.constant 0 : i32
    %cond3A_312 = arith.cmpi ne, %convert_element_type3A_310, %cond3A_311 : i32
    scf.if %cond3A_312 {
      "tpu.region"() ({
        %run_scoped3A = tpu.sem_alloc : memref<!tpu.dma_semaphore, #tpu.memory_space<semaphore_mem>>
        %dma_start3A_317 = arith.constant 0 : i32
        %dma_start3A_318 = arith.constant 0 : i32
        %dma_start3A_319 = tpu.memref_slice %arg17[%dma_start3A_317, %dma_start3A_318] : memref<80x128xf32, #tpu.memory_space<vmem>> -> memref<16x128xf32, #tpu.memory_space<vmem>>
        %dma_start3A_320 = arith.constant 9984 : i32
        %dma_start3A_321 = arith.constant 0 : i32
        %dma_start3A_322 = tpu.memref_slice %arg19[%dma_start3A_320, %dma_start3A_321] : memref<10000x128xf32, #tpu.memory_space<vmem_shared>> -> memref<16x128xf32, #tpu.memory_space<vmem_shared>>
        %dma_start3A_323 = arith.constant 0 : i32
        %dma_start3A_324 = arith.constant 0 : i32
        %dma_start3A_325 = tpu.memref_slice %arg17[%dma_start3A_323, %dma_start3A_324] : memref<80x128xf32, #tpu.memory_space<vmem>> -> memref<16x128xf32, #tpu.memory_space<vmem>>
        %dma_start3A_326 = arith.constant 9984 : i32
        %dma_start3A_327 = arith.constant 0 : i32
        %dma_start3A_328 = tpu.memref_slice %arg19[%dma_start3A_326, %dma_start3A_327] : memref<10000x128xf32, #tpu.memory_space<vmem_shared>> -> memref<16x128xf32, #tpu.memory_space<vmem_shared>>
        tpu.enqueue_dma source(%dma_start3A_328 : memref<16x128xf32, #tpu.memory_space<vmem_shared>>) target(%dma_start3A_325 : memref<16x128xf32, #tpu.memory_space<vmem>>) target_semaphore(%run_scoped3A : memref<!tpu.dma_semaphore, #tpu.memory_space<semaphore_mem>>)
        %dma_wait3A_329 = arith.constant 0 : i32
        %dma_wait3A_330 = arith.constant 0 : i32
        %dma_wait3A_331 = tpu.memref_slice %arg17[%dma_wait3A_329, %dma_wait3A_330] : memref<80x128xf32, #tpu.memory_space<vmem>> -> memref<16x128xf32, #tpu.memory_space<vmem>>
        %dma_wait3A_332 = arith.constant 9984 : i32
        %dma_wait3A_333 = arith.constant 0 : i32
        %dma_wait3A_334 = tpu.memref_slice %arg19[%dma_wait3A_332, %dma_wait3A_333] : memref<10000x128xf32, #tpu.memory_space<vmem_shared>> -> memref<16x128xf32, #tpu.memory_space<vmem_shared>>
        %dma_wait3A_335 = arith.constant 0 : i32
        %dma_wait3A_336 = arith.constant 0 : i32
        %dma_wait3A_337 = tpu.memref_slice %arg17[%dma_wait3A_335, %dma_wait3A_336] : memref<80x128xf32, #tpu.memory_space<vmem>> -> memref<16x128xf32, #tpu.memory_space<vmem>>
        %dma_wait3A_338 = arith.constant 9984 : i32
        %dma_wait3A_339 = arith.constant 0 : i32
        %dma_wait3A_340 = tpu.memref_slice %arg19[%dma_wait3A_338, %dma_wait3A_339] : memref<10000x128xf32, #tpu.memory_space<vmem_shared>> -> memref<16x128xf32, #tpu.memory_space<vmem_shared>>
        tpu.wait_dma2 semaphore(%run_scoped3A : memref<!tpu.dma_semaphore, #tpu.memory_space<semaphore_mem>>) src(%dma_wait3A_340 : memref<16x128xf32, #tpu.memory_space<vmem_shared>>) dst(%dma_wait3A_337 : memref<16x128xf32, #tpu.memory_space<vmem>>)
        tpu.yield
      }) : () -> ()
      %mul3A_313 = arith.constant 10000 : i32
      %mul3A_314 = arith.muli %arg0, %mul3A_313 : i32
      %add3A_315 = arith.constant 9984 : i32
      %add3A_316 = arith.addi %mul3A_314, %add3A_315 : i32
      "tpu.region"() ({
        %run_scoped3A = tpu.sem_alloc : memref<!tpu.dma_semaphore, #tpu.memory_space<semaphore_mem>>
        %dma_start3A_317 = arith.constant 0 : i32
        %dma_start3A_318 = arith.constant 0 : i32
        %dma_start3A_319 = tpu.memref_slice %arg17[%dma_start3A_317, %dma_start3A_318] : memref<80x128xf32, #tpu.memory_space<vmem>> -> memref<16x128xf32, #tpu.memory_space<vmem>>
        %dma_start3A_320 = arith.constant 0 : i32
        %dma_start3A_321 = tpu.memref_slice %arg6[%add3A_316, %dma_start3A_320] : memref<20000x128xf32, #tpu.memory_space<hbm>> -> memref<16x128xf32, #tpu.memory_space<hbm>>
        %dma_start3A_322 = arith.constant 0 : i32
        %dma_start3A_323 = tpu.memref_slice %arg6[%add3A_316, %dma_start3A_322] : memref<20000x128xf32, #tpu.memory_space<hbm>> -> memref<16x128xf32, #tpu.memory_space<hbm>>
        %dma_start3A_324 = arith.constant 0 : i32
        %dma_start3A_325 = arith.constant 0 : i32
        %dma_start3A_326 = tpu.memref_slice %arg17[%dma_start3A_324, %dma_start3A_325] : memref<80x128xf32, #tpu.memory_space<vmem>> -> memref<16x128xf32, #tpu.memory_space<vmem>>
        tpu.enqueue_dma source(%dma_start3A_326 : memref<16x128xf32, #tpu.memory_space<vmem>>) target(%dma_start3A_323 : memref<16x128xf32, #tpu.memory_space<hbm>>) target_semaphore(%run_scoped3A : memref<!tpu.dma_semaphore, #tpu.memory_space<semaphore_mem>>)
        %dma_wait3A_327 = arith.constant 0 : i32
        %dma_wait3A_328 = arith.constant 0 : i32
        %dma_wait3A_329 = tpu.memref_slice %arg17[%dma_wait3A_327, %dma_wait3A_328] : memref<80x128xf32, #tpu.memory_space<vmem>> -> memref<16x128xf32, #tpu.memory_space<vmem>>
        %dma_wait3A_330 = arith.constant 0 : i32
        %dma_wait3A_331 = tpu.memref_slice %arg6[%add3A_316, %dma_wait3A_330] : memref<20000x128xf32, #tpu.memory_space<hbm>> -> memref<16x128xf32, #tpu.memory_space<hbm>>
        %dma_wait3A_332 = arith.constant 0 : i32
        %dma_wait3A_333 = tpu.memref_slice %arg6[%add3A_316, %dma_wait3A_332] : memref<20000x128xf32, #tpu.memory_space<hbm>> -> memref<16x128xf32, #tpu.memory_space<hbm>>
        %dma_wait3A_334 = arith.constant 0 : i32
        %dma_wait3A_335 = arith.constant 0 : i32
        %dma_wait3A_336 = tpu.memref_slice %arg17[%dma_wait3A_334, %dma_wait3A_335] : memref<80x128xf32, #tpu.memory_space<vmem>> -> memref<16x128xf32, #tpu.memory_space<vmem>>
        tpu.wait_dma2 semaphore(%run_scoped3A : memref<!tpu.dma_semaphore, #tpu.memory_space<semaphore_mem>>) src(%dma_wait3A_336 : memref<16x128xf32, #tpu.memory_space<vmem>>) dst(%dma_wait3A_333 : memref<16x128xf32, #tpu.memory_space<hbm>>)
        tpu.yield
      }) : () -> ()
    } else {
    }
    return
  }
}

#map = affine_map<(d0, d1) -> (0, 0)>
#map1 = affine_map<(d0, d1) -> (0)>
module attributes {stable_mosaic.version = 14 : i64} {
  func.func @_agg_body(%arg0: i32, %arg1: i32, %arg2: memref<10000x128xf32, #tpu.memory_space<hbm>>, %arg3: memref<10000x128xf32, #tpu.memory_space<hbm>>, %arg4: memref<320000xi32, #tpu.memory_space<hbm>>, %arg5: memref<320000xi32, #tpu.memory_space<hbm>>, %arg6: memref<20000x128xf32, #tpu.memory_space<hbm>>, %arg7: memref<80xi32, #tpu.memory_space<vmem>>, %arg8: memref<80xi32, #tpu.memory_space<vmem>>, %arg9: memref<80xi32, #tpu.memory_space<vmem>>, %arg10: memref<80xi32, #tpu.memory_space<vmem>>, %arg11: memref<80xi32, #tpu.memory_space<vmem>>, %arg12: memref<80xi32, #tpu.memory_space<vmem>>, %arg13: memref<80xi32, #tpu.memory_space<vmem>>, %arg14: memref<80xi32, #tpu.memory_space<vmem>>, %arg15: memref<80x128xf32, #tpu.memory_space<vmem>>, %arg16: memref<80x128xf32, #tpu.memory_space<vmem>>, %arg17: memref<80x128xf32, #tpu.memory_space<vmem>>, %arg18: memref<80x128xf32, #tpu.memory_space<vmem>>, %arg19: memref<10000x128xf32, #tpu.memory_space<vmem_shared>>, %arg20: memref<!tpu.dma_semaphore, #tpu.memory_space<semaphore_mem>>, %arg21: memref<!tpu.dma_semaphore, #tpu.memory_space<semaphore_mem>>, %arg22: memref<!tpu.dma_semaphore, #tpu.memory_space<semaphore_mem>>, %arg23: memref<!tpu.dma_semaphore, #tpu.memory_space<semaphore_mem>>, %arg24: memref<!tpu.dma_semaphore, #tpu.memory_space<semaphore_mem>>, %arg25: memref<!tpu.dma_semaphore, #tpu.memory_space<semaphore_mem>>, %arg26: memref<!tpu.dma_semaphore, #tpu.memory_space<semaphore_mem>>, %arg27: memref<!tpu.dma_semaphore, #tpu.memory_space<semaphore_mem>>, %arg28: memref<!tpu.dma_semaphore, #tpu.memory_space<semaphore_mem>>, %arg29: memref<!tpu.dma_semaphore, #tpu.memory_space<semaphore_mem>>, %arg30: memref<!tpu.dma_semaphore, #tpu.memory_space<semaphore_mem>>, %arg31: memref<!tpu.dma_semaphore, #tpu.memory_space<semaphore_mem>>, %arg32: memref<!tpu.dma_semaphore, #tpu.memory_space<semaphore_mem>>, %arg33: memref<!tpu.dma_semaphore, #tpu.memory_space<semaphore_mem>>, %arg34: memref<!tpu.dma_semaphore, #tpu.memory_space<semaphore_mem>>, %arg35: memref<!tpu.dma_semaphore, #tpu.memory_space<semaphore_mem>>) attributes {dimension_semantics = [#tpu.dimension_semantics<core_parallel>, #tpu.dimension_semantics<subcore_parallel>], iteration_bounds = array<i64: 2, 16>, scalar_prefetch = 0 : i64, scratch_operands = 29 : i64, tpu.core_type = #tpu.core_type<sc_vector_subcore>, window_params = [{transform_indices = #map}, {transform_indices = #map}, {transform_indices = #map1}, {transform_indices = #map1}, {transform_indices = #map}]} {
    %mul3A = arith.constant 10000 : i32
    %mul3A_0 = arith.muli %arg1, %mul3A : i32
    %mul3A_1 = arith.constant 10000 : i32
    %mul3A_2 = arith.muli %arg1, %mul3A_1 : i32
    %add3A = arith.constant 160000 : i32
    %add3A_3 = arith.addi %add3A, %mul3A_2 : i32
    %eq3A = arith.constant 0 : i32
    %eq3A_4 = arith.cmpi eq, %arg0, %eq3A : i32
    %convert_element_type3A = arith.extui %eq3A_4 : i1 to i32
    %cond3A = arith.constant 0 : i32
    %cond3A_5 = arith.cmpi ne, %convert_element_type3A, %cond3A : i32
    scf.if %cond3A_5 {
      %add3A_313 = arith.constant 0 : i32
      %add3A_314 = arith.addi %mul3A_0, %add3A_313 : i32
      %dma_start3A_315 = tpu.memref_slice %arg4[%add3A_314] : memref<320000xi32, #tpu.memory_space<hbm>> -> memref<80xi32, #tpu.memory_space<hbm>>
      %dma_start3A_316 = tpu.memref_slice %arg4[%add3A_314] : memref<320000xi32, #tpu.memory_space<hbm>> -> memref<80xi32, #tpu.memory_space<hbm>>
      tpu.enqueue_dma source(%dma_start3A_316 : memref<80xi32, #tpu.memory_space<hbm>>) target(%arg7 : memref<80xi32, #tpu.memory_space<vmem>>) target_semaphore(%arg20 : memref<!tpu.dma_semaphore, #tpu.memory_space<semaphore_mem>>)
    } else {
    }
    %eq3A_6 = arith.constant 1 : i32
    %eq3A_7 = arith.cmpi eq, %arg0, %eq3A_6 : i32
    %convert_element_type3A_8 = arith.extui %eq3A_7 : i1 to i32
    %cond3A_9 = arith.constant 0 : i32
    %cond3A_10 = arith.cmpi ne, %convert_element_type3A_8, %cond3A_9 : i32
    scf.if %cond3A_10 {
      %add3A_313 = arith.constant 0 : i32
      %add3A_314 = arith.addi %mul3A_0, %add3A_313 : i32
      %dma_start3A_315 = tpu.memref_slice %arg5[%add3A_314] : memref<320000xi32, #tpu.memory_space<hbm>> -> memref<80xi32, #tpu.memory_space<hbm>>
      %dma_start3A_316 = tpu.memref_slice %arg5[%add3A_314] : memref<320000xi32, #tpu.memory_space<hbm>> -> memref<80xi32, #tpu.memory_space<hbm>>
      tpu.enqueue_dma source(%dma_start3A_316 : memref<80xi32, #tpu.memory_space<hbm>>) target(%arg7 : memref<80xi32, #tpu.memory_space<vmem>>) target_semaphore(%arg20 : memref<!tpu.dma_semaphore, #tpu.memory_space<semaphore_mem>>)
    } else {
    }
    %eq3A_11 = arith.constant 0 : i32
    %eq3A_12 = arith.cmpi eq, %arg0, %eq3A_11 : i32
    %convert_element_type3A_13 = arith.extui %eq3A_12 : i1 to i32
    %cond3A_14 = arith.constant 0 : i32
    %cond3A_15 = arith.cmpi ne, %convert_element_type3A_13, %cond3A_14 : i32
    scf.if %cond3A_15 {
      %add3A_313 = arith.constant 80 : i32
      %add3A_314 = arith.addi %mul3A_0, %add3A_313 : i32
      %dma_start3A_315 = tpu.memref_slice %arg4[%add3A_314] : memref<320000xi32, #tpu.memory_space<hbm>> -> memref<80xi32, #tpu.memory_space<hbm>>
      %dma_start3A_316 = tpu.memref_slice %arg4[%add3A_314] : memref<320000xi32, #tpu.memory_space<hbm>> -> memref<80xi32, #tpu.memory_space<hbm>>
      tpu.enqueue_dma source(%dma_start3A_316 : memref<80xi32, #tpu.memory_space<hbm>>) target(%arg8 : memref<80xi32, #tpu.memory_space<vmem>>) target_semaphore(%arg21 : memref<!tpu.dma_semaphore, #tpu.memory_space<semaphore_mem>>)
    } else {
    }
    %eq3A_16 = arith.constant 1 : i32
    %eq3A_17 = arith.cmpi eq, %arg0, %eq3A_16 : i32
    %convert_element_type3A_18 = arith.extui %eq3A_17 : i1 to i32
    %cond3A_19 = arith.constant 0 : i32
    %cond3A_20 = arith.cmpi ne, %convert_element_type3A_18, %cond3A_19 : i32
    scf.if %cond3A_20 {
      %add3A_313 = arith.constant 80 : i32
      %add3A_314 = arith.addi %mul3A_0, %add3A_313 : i32
      %dma_start3A_315 = tpu.memref_slice %arg5[%add3A_314] : memref<320000xi32, #tpu.memory_space<hbm>> -> memref<80xi32, #tpu.memory_space<hbm>>
      %dma_start3A_316 = tpu.memref_slice %arg5[%add3A_314] : memref<320000xi32, #tpu.memory_space<hbm>> -> memref<80xi32, #tpu.memory_space<hbm>>
      tpu.enqueue_dma source(%dma_start3A_316 : memref<80xi32, #tpu.memory_space<hbm>>) target(%arg8 : memref<80xi32, #tpu.memory_space<vmem>>) target_semaphore(%arg21 : memref<!tpu.dma_semaphore, #tpu.memory_space<semaphore_mem>>)
    } else {
    }
    %eq3A_21 = arith.constant 0 : i32
    %eq3A_22 = arith.cmpi eq, %arg0, %eq3A_21 : i32
    %convert_element_type3A_23 = arith.extui %eq3A_22 : i1 to i32
    %cond3A_24 = arith.constant 0 : i32
    %cond3A_25 = arith.cmpi ne, %convert_element_type3A_23, %cond3A_24 : i32
    scf.if %cond3A_25 {
      %add3A_313 = arith.constant 160 : i32
      %add3A_314 = arith.addi %mul3A_0, %add3A_313 : i32
      %dma_start3A_315 = tpu.memref_slice %arg4[%add3A_314] : memref<320000xi32, #tpu.memory_space<hbm>> -> memref<80xi32, #tpu.memory_space<hbm>>
      %dma_start3A_316 = tpu.memref_slice %arg4[%add3A_314] : memref<320000xi32, #tpu.memory_space<hbm>> -> memref<80xi32, #tpu.memory_space<hbm>>
      tpu.enqueue_dma source(%dma_start3A_316 : memref<80xi32, #tpu.memory_space<hbm>>) target(%arg9 : memref<80xi32, #tpu.memory_space<vmem>>) target_semaphore(%arg22 : memref<!tpu.dma_semaphore, #tpu.memory_space<semaphore_mem>>)
    } else {
    }
    %eq3A_26 = arith.constant 1 : i32
    %eq3A_27 = arith.cmpi eq, %arg0, %eq3A_26 : i32
    %convert_element_type3A_28 = arith.extui %eq3A_27 : i1 to i32
    %cond3A_29 = arith.constant 0 : i32
    %cond3A_30 = arith.cmpi ne, %convert_element_type3A_28, %cond3A_29 : i32
    scf.if %cond3A_30 {
      %add3A_313 = arith.constant 160 : i32
      %add3A_314 = arith.addi %mul3A_0, %add3A_313 : i32
      %dma_start3A_315 = tpu.memref_slice %arg5[%add3A_314] : memref<320000xi32, #tpu.memory_space<hbm>> -> memref<80xi32, #tpu.memory_space<hbm>>
      %dma_start3A_316 = tpu.memref_slice %arg5[%add3A_314] : memref<320000xi32, #tpu.memory_space<hbm>> -> memref<80xi32, #tpu.memory_space<hbm>>
      tpu.enqueue_dma source(%dma_start3A_316 : memref<80xi32, #tpu.memory_space<hbm>>) target(%arg9 : memref<80xi32, #tpu.memory_space<vmem>>) target_semaphore(%arg22 : memref<!tpu.dma_semaphore, #tpu.memory_space<semaphore_mem>>)
    } else {
    }
    %eq3A_31 = arith.constant 0 : i32
    %eq3A_32 = arith.cmpi eq, %arg0, %eq3A_31 : i32
    %convert_element_type3A_33 = arith.extui %eq3A_32 : i1 to i32
    %cond3A_34 = arith.constant 0 : i32
    %cond3A_35 = arith.cmpi ne, %convert_element_type3A_33, %cond3A_34 : i32
    scf.if %cond3A_35 {
      %add3A_313 = arith.constant 0 : i32
      %add3A_314 = arith.addi %add3A_3, %add3A_313 : i32
      %dma_start3A_315 = tpu.memref_slice %arg4[%add3A_314] : memref<320000xi32, #tpu.memory_space<hbm>> -> memref<80xi32, #tpu.memory_space<hbm>>
      %dma_start3A_316 = tpu.memref_slice %arg4[%add3A_314] : memref<320000xi32, #tpu.memory_space<hbm>> -> memref<80xi32, #tpu.memory_space<hbm>>
      tpu.enqueue_dma source(%dma_start3A_316 : memref<80xi32, #tpu.memory_space<hbm>>) target(%arg11 : memref<80xi32, #tpu.memory_space<vmem>>) target_semaphore(%arg24 : memref<!tpu.dma_semaphore, #tpu.memory_space<semaphore_mem>>)
    } else {
    }
    %eq3A_36 = arith.constant 1 : i32
    %eq3A_37 = arith.cmpi eq, %arg0, %eq3A_36 : i32
    %convert_element_type3A_38 = arith.extui %eq3A_37 : i1 to i32
    %cond3A_39 = arith.constant 0 : i32
    %cond3A_40 = arith.cmpi ne, %convert_element_type3A_38, %cond3A_39 : i32
    scf.if %cond3A_40 {
      %add3A_313 = arith.constant 0 : i32
      %add3A_314 = arith.addi %add3A_3, %add3A_313 : i32
      %dma_start3A_315 = tpu.memref_slice %arg5[%add3A_314] : memref<320000xi32, #tpu.memory_space<hbm>> -> memref<80xi32, #tpu.memory_space<hbm>>
      %dma_start3A_316 = tpu.memref_slice %arg5[%add3A_314] : memref<320000xi32, #tpu.memory_space<hbm>> -> memref<80xi32, #tpu.memory_space<hbm>>
      tpu.enqueue_dma source(%dma_start3A_316 : memref<80xi32, #tpu.memory_space<hbm>>) target(%arg11 : memref<80xi32, #tpu.memory_space<vmem>>) target_semaphore(%arg24 : memref<!tpu.dma_semaphore, #tpu.memory_space<semaphore_mem>>)
    } else {
    }
    %eq3A_41 = arith.constant 0 : i32
    %eq3A_42 = arith.cmpi eq, %arg0, %eq3A_41 : i32
    %convert_element_type3A_43 = arith.extui %eq3A_42 : i1 to i32
    %cond3A_44 = arith.constant 0 : i32
    %cond3A_45 = arith.cmpi ne, %convert_element_type3A_43, %cond3A_44 : i32
    scf.if %cond3A_45 {
      %add3A_313 = arith.constant 80 : i32
      %add3A_314 = arith.addi %add3A_3, %add3A_313 : i32
      %dma_start3A_315 = tpu.memref_slice %arg4[%add3A_314] : memref<320000xi32, #tpu.memory_space<hbm>> -> memref<80xi32, #tpu.memory_space<hbm>>
      %dma_start3A_316 = tpu.memref_slice %arg4[%add3A_314] : memref<320000xi32, #tpu.memory_space<hbm>> -> memref<80xi32, #tpu.memory_space<hbm>>
      tpu.enqueue_dma source(%dma_start3A_316 : memref<80xi32, #tpu.memory_space<hbm>>) target(%arg12 : memref<80xi32, #tpu.memory_space<vmem>>) target_semaphore(%arg25 : memref<!tpu.dma_semaphore, #tpu.memory_space<semaphore_mem>>)
    } else {
    }
    %eq3A_46 = arith.constant 1 : i32
    %eq3A_47 = arith.cmpi eq, %arg0, %eq3A_46 : i32
    %convert_element_type3A_48 = arith.extui %eq3A_47 : i1 to i32
    %cond3A_49 = arith.constant 0 : i32
    %cond3A_50 = arith.cmpi ne, %convert_element_type3A_48, %cond3A_49 : i32
    scf.if %cond3A_50 {
      %add3A_313 = arith.constant 80 : i32
      %add3A_314 = arith.addi %add3A_3, %add3A_313 : i32
      %dma_start3A_315 = tpu.memref_slice %arg5[%add3A_314] : memref<320000xi32, #tpu.memory_space<hbm>> -> memref<80xi32, #tpu.memory_space<hbm>>
      %dma_start3A_316 = tpu.memref_slice %arg5[%add3A_314] : memref<320000xi32, #tpu.memory_space<hbm>> -> memref<80xi32, #tpu.memory_space<hbm>>
      tpu.enqueue_dma source(%dma_start3A_316 : memref<80xi32, #tpu.memory_space<hbm>>) target(%arg12 : memref<80xi32, #tpu.memory_space<vmem>>) target_semaphore(%arg25 : memref<!tpu.dma_semaphore, #tpu.memory_space<semaphore_mem>>)
    } else {
    }
    %scan3A = arith.constant 0 : i32
    %scan3A_51 = arith.constant 0 : i32
    %scan3A_52 = arith.constant 640 : i32
    %scan3A_53 = arith.addi %scan3A_51, %scan3A_52 : i32
    %scan3A_54 = arith.constant 1 : i32
    %scan3A_55 = scf.for %scan3A_313 = %scan3A_51 to %scan3A_53 step %scan3A_54 iter_args(%scan3A_314 = %scan3A) -> (i32)  : i32 {
      %jit3A = arith.constant 8 : i32
      %div3A = arith.divsi %scan3A_313, %jit3A : i32
      %sign3A = arith.constant 0 : i32
      %sign3A_315 = arith.cmpi sgt, %scan3A_313, %sign3A : i32
      %sign3A_316 = arith.extui %sign3A_315 : i1 to i32
      %sign3A_317 = arith.constant 0 : i32
      %sign3A_318 = arith.cmpi slt, %scan3A_313, %sign3A_317 : i32
      %sign3A_319 = arith.extui %sign3A_318 : i1 to i32
      %sign3A_320 = arith.subi %sign3A_316, %sign3A_319 : i32
      %sign3A_321 = arith.constant 0 : i32
      %sign3A_322 = arith.cmpi sgt, %jit3A, %sign3A_321 : i32
      %sign3A_323 = arith.extui %sign3A_322 : i1 to i32
      %sign3A_324 = arith.constant 0 : i32
      %sign3A_325 = arith.cmpi slt, %jit3A, %sign3A_324 : i32
      %sign3A_326 = arith.extui %sign3A_325 : i1 to i32
      %sign3A_327 = arith.subi %sign3A_323, %sign3A_326 : i32
      %ne3A = arith.cmpi ne, %sign3A_320, %sign3A_327 : i32
      %rem3A = arith.remsi %scan3A_313, %jit3A : i32
      %ne3A_328 = arith.constant 0 : i32
      %ne3A_329 = arith.cmpi ne, %rem3A, %ne3A_328 : i32
      %and3A = arith.andi %ne3A, %ne3A_329 : i1
      %sub3A = arith.constant 1 : i32
      %sub3A_330 = arith.subi %div3A, %sub3A : i32
      %select_n3A = arith.select %and3A, %sub3A_330, %div3A : i32
      %jit3A_331 = arith.constant 8 : i32
      %eq3A_332 = arith.constant 0 : i32
      %eq3A_333 = arith.cmpi eq, %jit3A_331, %eq3A_332 : i32
      %jit3A_334 = arith.constant 1 : i32
      %select_n3A_335 = arith.select %eq3A_333, %jit3A_334, %jit3A_331 : i32
      %rem3A_336 = arith.remsi %scan3A_313, %select_n3A_335 : i32
      %ne3A_337 = arith.constant 0 : i32
      %ne3A_338 = arith.cmpi ne, %rem3A_336, %ne3A_337 : i32
      %lt3A = arith.constant 0 : i32
      %lt3A_339 = arith.cmpi slt, %rem3A_336, %lt3A : i32
      %lt3A_340 = arith.constant 0 : i32
      %lt3A_341 = arith.cmpi slt, %select_n3A_335, %lt3A_340 : i32
      %ne3A_342 = arith.xori %lt3A_339, %lt3A_341 : i1
      %and3A_343 = arith.andi %ne3A_342, %ne3A_338 : i1
      %add3A_344 = arith.addi %rem3A_336, %select_n3A_335 : i32
      %select_n3A_345 = arith.select %and3A_343, %add3A_344, %rem3A_336 : i32
      %mul3A_346 = arith.constant 16 : i32
      %mul3A_347 = arith.muli %select_n3A_345, %mul3A_346 : i32
      %broadcast_in_dim3A = arith.constant 0.000000e+00 : f32
      %broadcast_in_dim3A_348 = vector.broadcast %broadcast_in_dim3A : f32 to vector<16xf32>
      %swap3A = arith.index_cast %select_n3A : i32 to index
      %swap3A_349 = arith.index_cast %mul3A_347 : i32 to index
      %swap3A_350 = tpu.vector_load %arg15[%swap3A, %swap3A_349] {strides = array<i32>} : memref<80x128xf32, #tpu.memory_space<vmem>>, vector<1x16xf32>,
      %swap3A_351 = vector.shape_cast %swap3A_350 : vector<1x16xf32> to vector<16xf32>
      %swap3A_352 = vector.shape_cast %broadcast_in_dim3A_348 : vector<16xf32> to vector<1x16xf32>
      tpu.vector_store %arg15[%swap3A, %swap3A_349], %swap3A_352 {strides = array<i32>} : memref<80x128xf32, #tpu.memory_space<vmem>>, vector<1x16xf32>,
      %scan3A_353 = arith.constant 0 : i32
      scf.yield %scan3A_353 : i32
    }
    %scan3A_56 = arith.constant 640 : i32
    %mul3A_57 = arith.constant 624 : i32
    %mul3A_58 = arith.muli %arg1, %mul3A_57 : i32
    %scan3A_59 = arith.constant 0 : i32
    %scan3A_60 = arith.constant 0 : i32
    %scan3A_61 = arith.constant 7 : i32
    %scan3A_62 = arith.addi %scan3A_60, %scan3A_61 : i32
    %scan3A_63 = arith.constant 1 : i32
    %scan3A_64 = scf.for %scan3A_313 = %scan3A_60 to %scan3A_62 step %scan3A_63 iter_args(%scan3A_314 = %scan3A_59) -> (i32)  : i32 {
      %mul3A_315 = arith.constant 80 : i32
      %mul3A_316 = arith.muli %scan3A_313, %mul3A_315 : i32
      %add3A_317 = arith.addi %mul3A_58, %mul3A_316 : i32
      "tpu.region"() ({
        %run_scoped3A = tpu.sem_alloc : memref<!tpu.dma_semaphore, #tpu.memory_space<semaphore_mem>>
        %dma_start3A_319 = arith.constant 0 : i32
        %dma_start3A_320 = tpu.memref_slice %arg19[%add3A_317, %dma_start3A_319] : memref<10000x128xf32, #tpu.memory_space<vmem_shared>> -> memref<80x128xf32, #tpu.memory_space<vmem_shared>>
        %dma_start3A_321 = arith.constant 0 : i32
        %dma_start3A_322 = tpu.memref_slice %arg19[%add3A_317, %dma_start3A_321] : memref<10000x128xf32, #tpu.memory_space<vmem_shared>> -> memref<80x128xf32, #tpu.memory_space<vmem_shared>>
        tpu.enqueue_dma source(%arg15 : memref<80x128xf32, #tpu.memory_space<vmem>>) target(%dma_start3A_322 : memref<80x128xf32, #tpu.memory_space<vmem_shared>>) target_semaphore(%run_scoped3A : memref<!tpu.dma_semaphore, #tpu.memory_space<semaphore_mem>>)
        %dma_wait3A_323 = arith.constant 0 : i32
        %dma_wait3A_324 = tpu.memref_slice %arg19[%add3A_317, %dma_wait3A_323] : memref<10000x128xf32, #tpu.memory_space<vmem_shared>> -> memref<80x128xf32, #tpu.memory_space<vmem_shared>>
        %dma_wait3A_325 = arith.constant 0 : i32
        %dma_wait3A_326 = tpu.memref_slice %arg19[%add3A_317, %dma_wait3A_325] : memref<10000x128xf32, #tpu.memory_space<vmem_shared>> -> memref<80x128xf32, #tpu.memory_space<vmem_shared>>
        tpu.wait_dma2 semaphore(%run_scoped3A : memref<!tpu.dma_semaphore, #tpu.memory_space<semaphore_mem>>) src(%arg15 : memref<80x128xf32, #tpu.memory_space<vmem>>) dst(%dma_wait3A_326 : memref<80x128xf32, #tpu.memory_space<vmem_shared>>)
        tpu.yield
      }) : () -> ()
      %scan3A_318 = arith.constant 0 : i32
      scf.yield %scan3A_318 : i32
    }
    %scan3A_65 = arith.constant 7 : i32
    %add3A_66 = arith.constant 560 : i32
    %add3A_67 = arith.addi %mul3A_58, %add3A_66 : i32
    "tpu.region"() ({
      %run_scoped3A = tpu.sem_alloc : memref<!tpu.dma_semaphore, #tpu.memory_space<semaphore_mem>>
      %dma_start3A_313 = arith.constant 0 : i32
      %dma_start3A_314 = arith.constant 0 : i32
      %dma_start3A_315 = tpu.memref_slice %arg15[%dma_start3A_313, %dma_start3A_314] : memref<80x128xf32, #tpu.memory_space<vmem>> -> memref<64x128xf32, #tpu.memory_space<vmem>>
      %dma_start3A_316 = arith.constant 0 : i32
      %dma_start3A_317 = tpu.memref_slice %arg19[%add3A_67, %dma_start3A_316] : memref<10000x128xf32, #tpu.memory_space<vmem_shared>> -> memref<64x128xf32, #tpu.memory_space<vmem_shared>>
      %dma_start3A_318 = arith.constant 0 : i32
      %dma_start3A_319 = tpu.memref_slice %arg19[%add3A_67, %dma_start3A_318] : memref<10000x128xf32, #tpu.memory_space<vmem_shared>> -> memref<64x128xf32, #tpu.memory_space<vmem_shared>>
      %dma_start3A_320 = arith.constant 0 : i32
      %dma_start3A_321 = arith.constant 0 : i32
      %dma_start3A_322 = tpu.memref_slice %arg15[%dma_start3A_320, %dma_start3A_321] : memref<80x128xf32, #tpu.memory_space<vmem>> -> memref<64x128xf32, #tpu.memory_space<vmem>>
      tpu.enqueue_dma source(%dma_start3A_322 : memref<64x128xf32, #tpu.memory_space<vmem>>) target(%dma_start3A_319 : memref<64x128xf32, #tpu.memory_space<vmem_shared>>) target_semaphore(%run_scoped3A : memref<!tpu.dma_semaphore, #tpu.memory_space<semaphore_mem>>)
      %dma_wait3A_323 = arith.constant 0 : i32
      %dma_wait3A_324 = arith.constant 0 : i32
      %dma_wait3A_325 = tpu.memref_slice %arg15[%dma_wait3A_323, %dma_wait3A_324] : memref<80x128xf32, #tpu.memory_space<vmem>> -> memref<64x128xf32, #tpu.memory_space<vmem>>
      %dma_wait3A_326 = arith.constant 0 : i32
      %dma_wait3A_327 = tpu.memref_slice %arg19[%add3A_67, %dma_wait3A_326] : memref<10000x128xf32, #tpu.memory_space<vmem_shared>> -> memref<64x128xf32, #tpu.memory_space<vmem_shared>>
      %dma_wait3A_328 = arith.constant 0 : i32
      %dma_wait3A_329 = tpu.memref_slice %arg19[%add3A_67, %dma_wait3A_328] : memref<10000x128xf32, #tpu.memory_space<vmem_shared>> -> memref<64x128xf32, #tpu.memory_space<vmem_shared>>
      %dma_wait3A_330 = arith.constant 0 : i32
      %dma_wait3A_331 = arith.constant 0 : i32
      %dma_wait3A_332 = tpu.memref_slice %arg15[%dma_wait3A_330, %dma_wait3A_331] : memref<80x128xf32, #tpu.memory_space<vmem>> -> memref<64x128xf32, #tpu.memory_space<vmem>>
      tpu.wait_dma2 semaphore(%run_scoped3A : memref<!tpu.dma_semaphore, #tpu.memory_space<semaphore_mem>>) src(%dma_wait3A_332 : memref<64x128xf32, #tpu.memory_space<vmem>>) dst(%dma_wait3A_329 : memref<64x128xf32, #tpu.memory_space<vmem_shared>>)
      tpu.yield
    }) : () -> ()
    %eq3A_68 = arith.constant 15 : i32
    %eq3A_69 = arith.cmpi eq, %arg1, %eq3A_68 : i32
    %convert_element_type3A_70 = arith.extui %eq3A_69 : i1 to i32
    %cond3A_71 = arith.constant 0 : i32
    %cond3A_72 = arith.cmpi ne, %convert_element_type3A_70, %cond3A_71 : i32
    scf.if %cond3A_72 {
      "tpu.region"() ({
        %run_scoped3A = tpu.sem_alloc : memref<!tpu.dma_semaphore, #tpu.memory_space<semaphore_mem>>
        %dma_start3A_313 = arith.constant 0 : i32
        %dma_start3A_314 = arith.constant 0 : i32
        %dma_start3A_315 = tpu.memref_slice %arg15[%dma_start3A_313, %dma_start3A_314] : memref<80x128xf32, #tpu.memory_space<vmem>> -> memref<16x128xf32, #tpu.memory_space<vmem>>
        %dma_start3A_316 = arith.constant 9984 : i32
        %dma_start3A_317 = arith.constant 0 : i32
        %dma_start3A_318 = tpu.memref_slice %arg19[%dma_start3A_316, %dma_start3A_317] : memref<10000x128xf32, #tpu.memory_space<vmem_shared>> -> memref<16x128xf32, #tpu.memory_space<vmem_shared>>
        %dma_start3A_319 = arith.constant 9984 : i32
        %dma_start3A_320 = arith.constant 0 : i32
        %dma_start3A_321 = tpu.memref_slice %arg19[%dma_start3A_319, %dma_start3A_320] : memref<10000x128xf32, #tpu.memory_space<vmem_shared>> -> memref<16x128xf32, #tpu.memory_space<vmem_shared>>
        %dma_start3A_322 = arith.constant 0 : i32
        %dma_start3A_323 = arith.constant 0 : i32
        %dma_start3A_324 = tpu.memref_slice %arg15[%dma_start3A_322, %dma_start3A_323] : memref<80x128xf32, #tpu.memory_space<vmem>> -> memref<16x128xf32, #tpu.memory_space<vmem>>
        tpu.enqueue_dma source(%dma_start3A_324 : memref<16x128xf32, #tpu.memory_space<vmem>>) target(%dma_start3A_321 : memref<16x128xf32, #tpu.memory_space<vmem_shared>>) target_semaphore(%run_scoped3A : memref<!tpu.dma_semaphore, #tpu.memory_space<semaphore_mem>>)
        %dma_wait3A_325 = arith.constant 0 : i32
        %dma_wait3A_326 = arith.constant 0 : i32
        %dma_wait3A_327 = tpu.memref_slice %arg15[%dma_wait3A_325, %dma_wait3A_326] : memref<80x128xf32, #tpu.memory_space<vmem>> -> memref<16x128xf32, #tpu.memory_space<vmem>>
        %dma_wait3A_328 = arith.constant 9984 : i32
        %dma_wait3A_329 = arith.constant 0 : i32
        %dma_wait3A_330 = tpu.memref_slice %arg19[%dma_wait3A_328, %dma_wait3A_329] : memref<10000x128xf32, #tpu.memory_space<vmem_shared>> -> memref<16x128xf32, #tpu.memory_space<vmem_shared>>
        %dma_wait3A_331 = arith.constant 9984 : i32
        %dma_wait3A_332 = arith.constant 0 : i32
        %dma_wait3A_333 = tpu.memref_slice %arg19[%dma_wait3A_331, %dma_wait3A_332] : memref<10000x128xf32, #tpu.memory_space<vmem_shared>> -> memref<16x128xf32, #tpu.memory_space<vmem_shared>>
        %dma_wait3A_334 = arith.constant 0 : i32
        %dma_wait3A_335 = arith.constant 0 : i32
        %dma_wait3A_336 = tpu.memref_slice %arg15[%dma_wait3A_334, %dma_wait3A_335] : memref<80x128xf32, #tpu.memory_space<vmem>> -> memref<16x128xf32, #tpu.memory_space<vmem>>
        tpu.wait_dma2 semaphore(%run_scoped3A : memref<!tpu.dma_semaphore, #tpu.memory_space<semaphore_mem>>) src(%dma_wait3A_336 : memref<16x128xf32, #tpu.memory_space<vmem>>) dst(%dma_wait3A_333 : memref<16x128xf32, #tpu.memory_space<vmem_shared>>)
        tpu.yield
      }) : () -> ()
    } else {
    }
    %dma_wait3A = arith.constant 0 : i32
    %dma_wait3A_73 = tpu.memref_slice %arg4[%dma_wait3A] : memref<320000xi32, #tpu.memory_space<hbm>> -> memref<80xi32, #tpu.memory_space<hbm>>
    %dma_wait3A_74 = arith.constant 0 : i32
    %dma_wait3A_75 = tpu.memref_slice %arg4[%dma_wait3A_74] : memref<320000xi32, #tpu.memory_space<hbm>> -> memref<80xi32, #tpu.memory_space<hbm>>
    tpu.wait_dma2 semaphore(%arg20 : memref<!tpu.dma_semaphore, #tpu.memory_space<semaphore_mem>>) src(%dma_wait3A_75 : memref<80xi32, #tpu.memory_space<hbm>>) dst(%arg7 : memref<80xi32, #tpu.memory_space<vmem>>)
    %eq3A_76 = arith.constant 0 : i32
    %eq3A_77 = arith.cmpi eq, %arg0, %eq3A_76 : i32
    %convert_element_type3A_78 = arith.extui %eq3A_77 : i1 to i32
    %cond3A_79 = arith.constant 0 : i32
    %cond3A_80 = arith.cmpi ne, %convert_element_type3A_78, %cond3A_79 : i32
    scf.if %cond3A_80 {
      %dma_start3A_313 = arith.constant 0 : i32
      %dma_start3A_314 = arith.constant 0 : i32
      %dma_start3A_315 = tpu.memref_slice %arg2[%dma_start3A_313, %dma_start3A_314] : memref<10000x128xf32, #tpu.memory_space<hbm>> -> memref<10000x128xf32, #tpu.memory_space<hbm>>
      tpu.enqueue_indirect_dma source(%dma_start3A_315 : memref<10000x128xf32, #tpu.memory_space<hbm>>) target(%arg15 : memref<80x128xf32, #tpu.memory_space<vmem>>) offsets(%arg7 : memref<80xi32, #tpu.memory_space<vmem>>) semaphore(%arg28 : memref<!tpu.dma_semaphore, #tpu.memory_space<semaphore_mem>>)
    } else {
    }
    %eq3A_81 = arith.constant 1 : i32
    %eq3A_82 = arith.cmpi eq, %arg0, %eq3A_81 : i32
    %convert_element_type3A_83 = arith.extui %eq3A_82 : i1 to i32
    %cond3A_84 = arith.constant 0 : i32
    %cond3A_85 = arith.cmpi ne, %convert_element_type3A_83, %cond3A_84 : i32
    scf.if %cond3A_85 {
      %dma_start3A_313 = arith.constant 0 : i32
      %dma_start3A_314 = arith.constant 0 : i32
      %dma_start3A_315 = tpu.memref_slice %arg3[%dma_start3A_313, %dma_start3A_314] : memref<10000x128xf32, #tpu.memory_space<hbm>> -> memref<10000x128xf32, #tpu.memory_space<hbm>>
      tpu.enqueue_indirect_dma source(%dma_start3A_315 : memref<10000x128xf32, #tpu.memory_space<hbm>>) target(%arg15 : memref<80x128xf32, #tpu.memory_space<vmem>>) offsets(%arg7 : memref<80xi32, #tpu.memory_space<vmem>>) semaphore(%arg28 : memref<!tpu.dma_semaphore, #tpu.memory_space<semaphore_mem>>)
    } else {
    }
    %dma_wait3A_86 = arith.constant 0 : i32
    %dma_wait3A_87 = tpu.memref_slice %arg4[%dma_wait3A_86] : memref<320000xi32, #tpu.memory_space<hbm>> -> memref<80xi32, #tpu.memory_space<hbm>>
    %dma_wait3A_88 = arith.constant 0 : i32
    %dma_wait3A_89 = tpu.memref_slice %arg4[%dma_wait3A_88] : memref<320000xi32, #tpu.memory_space<hbm>> -> memref<80xi32, #tpu.memory_space<hbm>>
    tpu.wait_dma2 semaphore(%arg21 : memref<!tpu.dma_semaphore, #tpu.memory_space<semaphore_mem>>) src(%dma_wait3A_89 : memref<80xi32, #tpu.memory_space<hbm>>) dst(%arg8 : memref<80xi32, #tpu.memory_space<vmem>>)
    %eq3A_90 = arith.constant 0 : i32
    %eq3A_91 = arith.cmpi eq, %arg0, %eq3A_90 : i32
    %convert_element_type3A_92 = arith.extui %eq3A_91 : i1 to i32
    %cond3A_93 = arith.constant 0 : i32
    %cond3A_94 = arith.cmpi ne, %convert_element_type3A_92, %cond3A_93 : i32
    scf.if %cond3A_94 {
      %dma_start3A_313 = arith.constant 0 : i32
      %dma_start3A_314 = arith.constant 0 : i32
      %dma_start3A_315 = tpu.memref_slice %arg2[%dma_start3A_313, %dma_start3A_314] : memref<10000x128xf32, #tpu.memory_space<hbm>> -> memref<10000x128xf32, #tpu.memory_space<hbm>>
      tpu.enqueue_indirect_dma source(%dma_start3A_315 : memref<10000x128xf32, #tpu.memory_space<hbm>>) target(%arg16 : memref<80x128xf32, #tpu.memory_space<vmem>>) offsets(%arg8 : memref<80xi32, #tpu.memory_space<vmem>>) semaphore(%arg29 : memref<!tpu.dma_semaphore, #tpu.memory_space<semaphore_mem>>)
    } else {
    }
    %eq3A_95 = arith.constant 1 : i32
    %eq3A_96 = arith.cmpi eq, %arg0, %eq3A_95 : i32
    %convert_element_type3A_97 = arith.extui %eq3A_96 : i1 to i32
    %cond3A_98 = arith.constant 0 : i32
    %cond3A_99 = arith.cmpi ne, %convert_element_type3A_97, %cond3A_98 : i32
    scf.if %cond3A_99 {
      %dma_start3A_313 = arith.constant 0 : i32
      %dma_start3A_314 = arith.constant 0 : i32
      %dma_start3A_315 = tpu.memref_slice %arg3[%dma_start3A_313, %dma_start3A_314] : memref<10000x128xf32, #tpu.memory_space<hbm>> -> memref<10000x128xf32, #tpu.memory_space<hbm>>
      tpu.enqueue_indirect_dma source(%dma_start3A_315 : memref<10000x128xf32, #tpu.memory_space<hbm>>) target(%arg16 : memref<80x128xf32, #tpu.memory_space<vmem>>) offsets(%arg8 : memref<80xi32, #tpu.memory_space<vmem>>) semaphore(%arg29 : memref<!tpu.dma_semaphore, #tpu.memory_space<semaphore_mem>>)
    } else {
    }
    %barrier3A = arith.constant 0 : index
    tpu.barrier barrier_id(%barrier3A)
    %dma_wait3A_100 = arith.constant 0 : i32
    %dma_wait3A_101 = arith.constant 0 : i32
    %dma_wait3A_102 = tpu.memref_slice %arg2[%dma_wait3A_100, %dma_wait3A_101] : memref<10000x128xf32, #tpu.memory_space<hbm>> -> memref<80x128xf32, #tpu.memory_space<hbm>>
    %dma_wait3A_103 = arith.constant 0 : i32
    %dma_wait3A_104 = arith.constant 0 : i32
    %dma_wait3A_105 = tpu.memref_slice %arg2[%dma_wait3A_103, %dma_wait3A_104] : memref<10000x128xf32, #tpu.memory_space<hbm>> -> memref<80x128xf32, #tpu.memory_space<hbm>>
    tpu.wait_dma2 semaphore(%arg28 : memref<!tpu.dma_semaphore, #tpu.memory_space<semaphore_mem>>) src(%dma_wait3A_105 : memref<80x128xf32, #tpu.memory_space<hbm>>) dst(%arg15 : memref<80x128xf32, #tpu.memory_space<vmem>>)
    %dma_wait3A_106 = arith.constant 0 : i32
    %dma_wait3A_107 = tpu.memref_slice %arg4[%dma_wait3A_106] : memref<320000xi32, #tpu.memory_space<hbm>> -> memref<80xi32, #tpu.memory_space<hbm>>
    %dma_wait3A_108 = arith.constant 0 : i32
    %dma_wait3A_109 = tpu.memref_slice %arg4[%dma_wait3A_108] : memref<320000xi32, #tpu.memory_space<hbm>> -> memref<80xi32, #tpu.memory_space<hbm>>
    tpu.wait_dma2 semaphore(%arg24 : memref<!tpu.dma_semaphore, #tpu.memory_space<semaphore_mem>>) src(%dma_wait3A_109 : memref<80xi32, #tpu.memory_space<hbm>>) dst(%arg11 : memref<80xi32, #tpu.memory_space<vmem>>)
    %dma_start3A = arith.constant 0 : i32
    %dma_start3A_110 = arith.constant 0 : i32
    %dma_start3A_111 = tpu.memref_slice %arg19[%dma_start3A, %dma_start3A_110] : memref<10000x128xf32, #tpu.memory_space<vmem_shared>> -> memref<10000x128xf32, #tpu.memory_space<vmem_shared>>
    tpu.enqueue_indirect_dma source(%arg15 : memref<80x128xf32, #tpu.memory_space<vmem>>) target(%dma_start3A_111 : memref<10000x128xf32, #tpu.memory_space<vmem_shared>>) offsets(%arg11 : memref<80xi32, #tpu.memory_space<vmem>>) semaphore(%arg32 : memref<!tpu.dma_semaphore, #tpu.memory_space<semaphore_mem>>) {add = true}
    %eq3A_112 = arith.constant 0 : i32
    %eq3A_113 = arith.cmpi eq, %arg0, %eq3A_112 : i32
    %convert_element_type3A_114 = arith.extui %eq3A_113 : i1 to i32
    %cond3A_115 = arith.constant 0 : i32
    %cond3A_116 = arith.cmpi ne, %convert_element_type3A_114, %cond3A_115 : i32
    scf.if %cond3A_116 {
      %add3A_313 = arith.constant 160 : i32
      %add3A_314 = arith.addi %add3A_3, %add3A_313 : i32
      %dma_start3A_315 = tpu.memref_slice %arg4[%add3A_314] : memref<320000xi32, #tpu.memory_space<hbm>> -> memref<80xi32, #tpu.memory_space<hbm>>
      %dma_start3A_316 = tpu.memref_slice %arg4[%add3A_314] : memref<320000xi32, #tpu.memory_space<hbm>> -> memref<80xi32, #tpu.memory_space<hbm>>
      tpu.enqueue_dma source(%dma_start3A_316 : memref<80xi32, #tpu.memory_space<hbm>>) target(%arg13 : memref<80xi32, #tpu.memory_space<vmem>>) target_semaphore(%arg26 : memref<!tpu.dma_semaphore, #tpu.memory_space<semaphore_mem>>)
    } else {
    }
    %eq3A_117 = arith.constant 1 : i32
    %eq3A_118 = arith.cmpi eq, %arg0, %eq3A_117 : i32
    %convert_element_type3A_119 = arith.extui %eq3A_118 : i1 to i32
    %cond3A_120 = arith.constant 0 : i32
    %cond3A_121 = arith.cmpi ne, %convert_element_type3A_119, %cond3A_120 : i32
    scf.if %cond3A_121 {
      %add3A_313 = arith.constant 160 : i32
      %add3A_314 = arith.addi %add3A_3, %add3A_313 : i32
      %dma_start3A_315 = tpu.memref_slice %arg5[%add3A_314] : memref<320000xi32, #tpu.memory_space<hbm>> -> memref<80xi32, #tpu.memory_space<hbm>>
      %dma_start3A_316 = tpu.memref_slice %arg5[%add3A_314] : memref<320000xi32, #tpu.memory_space<hbm>> -> memref<80xi32, #tpu.memory_space<hbm>>
      tpu.enqueue_dma source(%dma_start3A_316 : memref<80xi32, #tpu.memory_space<hbm>>) target(%arg13 : memref<80xi32, #tpu.memory_space<vmem>>) target_semaphore(%arg26 : memref<!tpu.dma_semaphore, #tpu.memory_space<semaphore_mem>>)
    } else {
    }
    %dma_wait3A_122 = arith.constant 0 : i32
    %dma_wait3A_123 = tpu.memref_slice %arg4[%dma_wait3A_122] : memref<320000xi32, #tpu.memory_space<hbm>> -> memref<80xi32, #tpu.memory_space<hbm>>
    %dma_wait3A_124 = arith.constant 0 : i32
    %dma_wait3A_125 = tpu.memref_slice %arg4[%dma_wait3A_124] : memref<320000xi32, #tpu.memory_space<hbm>> -> memref<80xi32, #tpu.memory_space<hbm>>
    tpu.wait_dma2 semaphore(%arg22 : memref<!tpu.dma_semaphore, #tpu.memory_space<semaphore_mem>>) src(%dma_wait3A_125 : memref<80xi32, #tpu.memory_space<hbm>>) dst(%arg9 : memref<80xi32, #tpu.memory_space<vmem>>)
    %eq3A_126 = arith.constant 0 : i32
    %eq3A_127 = arith.cmpi eq, %arg0, %eq3A_126 : i32
    %convert_element_type3A_128 = arith.extui %eq3A_127 : i1 to i32
    %cond3A_129 = arith.constant 0 : i32
    %cond3A_130 = arith.cmpi ne, %convert_element_type3A_128, %cond3A_129 : i32
    scf.if %cond3A_130 {
      %dma_start3A_313 = arith.constant 0 : i32
      %dma_start3A_314 = arith.constant 0 : i32
      %dma_start3A_315 = tpu.memref_slice %arg2[%dma_start3A_313, %dma_start3A_314] : memref<10000x128xf32, #tpu.memory_space<hbm>> -> memref<10000x128xf32, #tpu.memory_space<hbm>>
      tpu.enqueue_indirect_dma source(%dma_start3A_315 : memref<10000x128xf32, #tpu.memory_space<hbm>>) target(%arg17 : memref<80x128xf32, #tpu.memory_space<vmem>>) offsets(%arg9 : memref<80xi32, #tpu.memory_space<vmem>>) semaphore(%arg30 : memref<!tpu.dma_semaphore, #tpu.memory_space<semaphore_mem>>)
    } else {
    }
    %eq3A_131 = arith.constant 1 : i32
    %eq3A_132 = arith.cmpi eq, %arg0, %eq3A_131 : i32
    %convert_element_type3A_133 = arith.extui %eq3A_132 : i1 to i32
    %cond3A_134 = arith.constant 0 : i32
    %cond3A_135 = arith.cmpi ne, %convert_element_type3A_133, %cond3A_134 : i32
    scf.if %cond3A_135 {
      %dma_start3A_313 = arith.constant 0 : i32
      %dma_start3A_314 = arith.constant 0 : i32
      %dma_start3A_315 = tpu.memref_slice %arg3[%dma_start3A_313, %dma_start3A_314] : memref<10000x128xf32, #tpu.memory_space<hbm>> -> memref<10000x128xf32, #tpu.memory_space<hbm>>
      tpu.enqueue_indirect_dma source(%dma_start3A_315 : memref<10000x128xf32, #tpu.memory_space<hbm>>) target(%arg17 : memref<80x128xf32, #tpu.memory_space<vmem>>) offsets(%arg9 : memref<80xi32, #tpu.memory_space<vmem>>) semaphore(%arg30 : memref<!tpu.dma_semaphore, #tpu.memory_space<semaphore_mem>>)
    } else {
    }
    %eq3A_136 = arith.constant 0 : i32
    %eq3A_137 = arith.cmpi eq, %arg0, %eq3A_136 : i32
    %convert_element_type3A_138 = arith.extui %eq3A_137 : i1 to i32
    %cond3A_139 = arith.constant 0 : i32
    %cond3A_140 = arith.cmpi ne, %convert_element_type3A_138, %cond3A_139 : i32
    scf.if %cond3A_140 {
      %add3A_313 = arith.constant 240 : i32
      %add3A_314 = arith.addi %mul3A_0, %add3A_313 : i32
      %dma_start3A_315 = tpu.memref_slice %arg4[%add3A_314] : memref<320000xi32, #tpu.memory_space<hbm>> -> memref<80xi32, #tpu.memory_space<hbm>>
      %dma_start3A_316 = tpu.memref_slice %arg4[%add3A_314] : memref<320000xi32, #tpu.memory_space<hbm>> -> memref<80xi32, #tpu.memory_space<hbm>>
      tpu.enqueue_dma source(%dma_start3A_316 : memref<80xi32, #tpu.memory_space<hbm>>) target(%arg10 : memref<80xi32, #tpu.memory_space<vmem>>) target_semaphore(%arg23 : memref<!tpu.dma_semaphore, #tpu.memory_space<semaphore_mem>>)
    } else {
    }
    %eq3A_141 = arith.constant 1 : i32
    %eq3A_142 = arith.cmpi eq, %arg0, %eq3A_141 : i32
    %convert_element_type3A_143 = arith.extui %eq3A_142 : i1 to i32
    %cond3A_144 = arith.constant 0 : i32
    %cond3A_145 = arith.cmpi ne, %convert_element_type3A_143, %cond3A_144 : i32
    scf.if %cond3A_145 {
      %add3A_313 = arith.constant 240 : i32
      %add3A_314 = arith.addi %mul3A_0, %add3A_313 : i32
      %dma_start3A_315 = tpu.memref_slice %arg5[%add3A_314] : memref<320000xi32, #tpu.memory_space<hbm>> -> memref<80xi32, #tpu.memory_space<hbm>>
      %dma_start3A_316 = tpu.memref_slice %arg5[%add3A_314] : memref<320000xi32, #tpu.memory_space<hbm>> -> memref<80xi32, #tpu.memory_space<hbm>>
      tpu.enqueue_dma source(%dma_start3A_316 : memref<80xi32, #tpu.memory_space<hbm>>) target(%arg10 : memref<80xi32, #tpu.memory_space<vmem>>) target_semaphore(%arg23 : memref<!tpu.dma_semaphore, #tpu.memory_space<semaphore_mem>>)
    } else {
    }
    %dma_wait3A_146 = arith.constant 0 : i32
    %dma_wait3A_147 = arith.constant 0 : i32
    %dma_wait3A_148 = tpu.memref_slice %arg2[%dma_wait3A_146, %dma_wait3A_147] : memref<10000x128xf32, #tpu.memory_space<hbm>> -> memref<80x128xf32, #tpu.memory_space<hbm>>
    %dma_wait3A_149 = arith.constant 0 : i32
    %dma_wait3A_150 = arith.constant 0 : i32
    %dma_wait3A_151 = tpu.memref_slice %arg2[%dma_wait3A_149, %dma_wait3A_150] : memref<10000x128xf32, #tpu.memory_space<hbm>> -> memref<80x128xf32, #tpu.memory_space<hbm>>
    tpu.wait_dma2 semaphore(%arg29 : memref<!tpu.dma_semaphore, #tpu.memory_space<semaphore_mem>>) src(%dma_wait3A_151 : memref<80x128xf32, #tpu.memory_space<hbm>>) dst(%arg16 : memref<80x128xf32, #tpu.memory_space<vmem>>)
    %dma_wait3A_152 = arith.constant 0 : i32
    %dma_wait3A_153 = tpu.memref_slice %arg4[%dma_wait3A_152] : memref<320000xi32, #tpu.memory_space<hbm>> -> memref<80xi32, #tpu.memory_space<hbm>>
    %dma_wait3A_154 = arith.constant 0 : i32
    %dma_wait3A_155 = tpu.memref_slice %arg4[%dma_wait3A_154] : memref<320000xi32, #tpu.memory_space<hbm>> -> memref<80xi32, #tpu.memory_space<hbm>>
    tpu.wait_dma2 semaphore(%arg25 : memref<!tpu.dma_semaphore, #tpu.memory_space<semaphore_mem>>) src(%dma_wait3A_155 : memref<80xi32, #tpu.memory_space<hbm>>) dst(%arg12 : memref<80xi32, #tpu.memory_space<vmem>>)
    %dma_start3A_156 = arith.constant 0 : i32
    %dma_start3A_157 = arith.constant 0 : i32
    %dma_start3A_158 = tpu.memref_slice %arg19[%dma_start3A_156, %dma_start3A_157] : memref<10000x128xf32, #tpu.memory_space<vmem_shared>> -> memref<10000x128xf32, #tpu.memory_space<vmem_shared>>
    tpu.enqueue_indirect_dma source(%arg16 : memref<80x128xf32, #tpu.memory_space<vmem>>) target(%dma_start3A_158 : memref<10000x128xf32, #tpu.memory_space<vmem_shared>>) offsets(%arg12 : memref<80xi32, #tpu.memory_space<vmem>>) semaphore(%arg33 : memref<!tpu.dma_semaphore, #tpu.memory_space<semaphore_mem>>) {add = true}
    %eq3A_159 = arith.constant 0 : i32
    %eq3A_160 = arith.cmpi eq, %arg0, %eq3A_159 : i32
    %convert_element_type3A_161 = arith.extui %eq3A_160 : i1 to i32
    %cond3A_162 = arith.constant 0 : i32
    %cond3A_163 = arith.cmpi ne, %convert_element_type3A_161, %cond3A_162 : i32
    scf.if %cond3A_163 {
      %add3A_313 = arith.constant 240 : i32
      %add3A_314 = arith.addi %add3A_3, %add3A_313 : i32
      %dma_start3A_315 = tpu.memref_slice %arg4[%add3A_314] : memref<320000xi32, #tpu.memory_space<hbm>> -> memref<80xi32, #tpu.memory_space<hbm>>
      %dma_start3A_316 = tpu.memref_slice %arg4[%add3A_314] : memref<320000xi32, #tpu.memory_space<hbm>> -> memref<80xi32, #tpu.memory_space<hbm>>
      tpu.enqueue_dma source(%dma_start3A_316 : memref<80xi32, #tpu.memory_space<hbm>>) target(%arg14 : memref<80xi32, #tpu.memory_space<vmem>>) target_semaphore(%arg27 : memref<!tpu.dma_semaphore, #tpu.memory_space<semaphore_mem>>)
    } else {
    }
    %eq3A_164 = arith.constant 1 : i32
    %eq3A_165 = arith.cmpi eq, %arg0, %eq3A_164 : i32
    %convert_element_type3A_166 = arith.extui %eq3A_165 : i1 to i32
    %cond3A_167 = arith.constant 0 : i32
    %cond3A_168 = arith.cmpi ne, %convert_element_type3A_166, %cond3A_167 : i32
    scf.if %cond3A_168 {
      %add3A_313 = arith.constant 240 : i32
      %add3A_314 = arith.addi %add3A_3, %add3A_313 : i32
      %dma_start3A_315 = tpu.memref_slice %arg5[%add3A_314] : memref<320000xi32, #tpu.memory_space<hbm>> -> memref<80xi32, #tpu.memory_space<hbm>>
      %dma_start3A_316 = tpu.memref_slice %arg5[%add3A_314] : memref<320000xi32, #tpu.memory_space<hbm>> -> memref<80xi32, #tpu.memory_space<hbm>>
      tpu.enqueue_dma source(%dma_start3A_316 : memref<80xi32, #tpu.memory_space<hbm>>) target(%arg14 : memref<80xi32, #tpu.memory_space<vmem>>) target_semaphore(%arg27 : memref<!tpu.dma_semaphore, #tpu.memory_space<semaphore_mem>>)
    } else {
    }
    %dma_wait3A_169 = arith.constant 0 : i32
    %dma_wait3A_170 = tpu.memref_slice %arg4[%dma_wait3A_169] : memref<320000xi32, #tpu.memory_space<hbm>> -> memref<80xi32, #tpu.memory_space<hbm>>
    %dma_wait3A_171 = arith.constant 0 : i32
    %dma_wait3A_172 = tpu.memref_slice %arg4[%dma_wait3A_171] : memref<320000xi32, #tpu.memory_space<hbm>> -> memref<80xi32, #tpu.memory_space<hbm>>
    tpu.wait_dma2 semaphore(%arg23 : memref<!tpu.dma_semaphore, #tpu.memory_space<semaphore_mem>>) src(%dma_wait3A_172 : memref<80xi32, #tpu.memory_space<hbm>>) dst(%arg10 : memref<80xi32, #tpu.memory_space<vmem>>)
    %eq3A_173 = arith.constant 0 : i32
    %eq3A_174 = arith.cmpi eq, %arg0, %eq3A_173 : i32
    %convert_element_type3A_175 = arith.extui %eq3A_174 : i1 to i32
    %cond3A_176 = arith.constant 0 : i32
    %cond3A_177 = arith.cmpi ne, %convert_element_type3A_175, %cond3A_176 : i32
    scf.if %cond3A_177 {
      %dma_start3A_313 = arith.constant 0 : i32
      %dma_start3A_314 = arith.constant 0 : i32
      %dma_start3A_315 = tpu.memref_slice %arg2[%dma_start3A_313, %dma_start3A_314] : memref<10000x128xf32, #tpu.memory_space<hbm>> -> memref<10000x128xf32, #tpu.memory_space<hbm>>
      tpu.enqueue_indirect_dma source(%dma_start3A_315 : memref<10000x128xf32, #tpu.memory_space<hbm>>) target(%arg18 : memref<80x128xf32, #tpu.memory_space<vmem>>) offsets(%arg10 : memref<80xi32, #tpu.memory_space<vmem>>) semaphore(%arg31 : memref<!tpu.dma_semaphore, #tpu.memory_space<semaphore_mem>>)
    } else {
    }
    %eq3A_178 = arith.constant 1 : i32
    %eq3A_179 = arith.cmpi eq, %arg0, %eq3A_178 : i32
    %convert_element_type3A_180 = arith.extui %eq3A_179 : i1 to i32
    %cond3A_181 = arith.constant 0 : i32
    %cond3A_182 = arith.cmpi ne, %convert_element_type3A_180, %cond3A_181 : i32
    scf.if %cond3A_182 {
      %dma_start3A_313 = arith.constant 0 : i32
      %dma_start3A_314 = arith.constant 0 : i32
      %dma_start3A_315 = tpu.memref_slice %arg3[%dma_start3A_313, %dma_start3A_314] : memref<10000x128xf32, #tpu.memory_space<hbm>> -> memref<10000x128xf32, #tpu.memory_space<hbm>>
      tpu.enqueue_indirect_dma source(%dma_start3A_315 : memref<10000x128xf32, #tpu.memory_space<hbm>>) target(%arg18 : memref<80x128xf32, #tpu.memory_space<vmem>>) offsets(%arg10 : memref<80xi32, #tpu.memory_space<vmem>>) semaphore(%arg31 : memref<!tpu.dma_semaphore, #tpu.memory_space<semaphore_mem>>)
    } else {
    }
    %eq3A_183 = arith.constant 0 : i32
    %eq3A_184 = arith.cmpi eq, %arg0, %eq3A_183 : i32
    %convert_element_type3A_185 = arith.extui %eq3A_184 : i1 to i32
    %cond3A_186 = arith.constant 0 : i32
    %cond3A_187 = arith.cmpi ne, %convert_element_type3A_185, %cond3A_186 : i32
    scf.if %cond3A_187 {
      %add3A_313 = arith.constant 320 : i32
      %add3A_314 = arith.addi %mul3A_0, %add3A_313 : i32
      %dma_start3A_315 = tpu.memref_slice %arg4[%add3A_314] : memref<320000xi32, #tpu.memory_space<hbm>> -> memref<80xi32, #tpu.memory_space<hbm>>
      %dma_start3A_316 = tpu.memref_slice %arg4[%add3A_314] : memref<320000xi32, #tpu.memory_space<hbm>> -> memref<80xi32, #tpu.memory_space<hbm>>
      tpu.enqueue_dma source(%dma_start3A_316 : memref<80xi32, #tpu.memory_space<hbm>>) target(%arg7 : memref<80xi32, #tpu.memory_space<vmem>>) target_semaphore(%arg20 : memref<!tpu.dma_semaphore, #tpu.memory_space<semaphore_mem>>)
    } else {
    }
    %eq3A_188 = arith.constant 1 : i32
    %eq3A_189 = arith.cmpi eq, %arg0, %eq3A_188 : i32
    %convert_element_type3A_190 = arith.extui %eq3A_189 : i1 to i32
    %cond3A_191 = arith.constant 0 : i32
    %cond3A_192 = arith.cmpi ne, %convert_element_type3A_190, %cond3A_191 : i32
    scf.if %cond3A_192 {
      %add3A_313 = arith.constant 320 : i32
      %add3A_314 = arith.addi %mul3A_0, %add3A_313 : i32
      %dma_start3A_315 = tpu.memref_slice %arg5[%add3A_314] : memref<320000xi32, #tpu.memory_space<hbm>> -> memref<80xi32, #tpu.memory_space<hbm>>
      %dma_start3A_316 = tpu.memref_slice %arg5[%add3A_314] : memref<320000xi32, #tpu.memory_space<hbm>> -> memref<80xi32, #tpu.memory_space<hbm>>
      tpu.enqueue_dma source(%dma_start3A_316 : memref<80xi32, #tpu.memory_space<hbm>>) target(%arg7 : memref<80xi32, #tpu.memory_space<vmem>>) target_semaphore(%arg20 : memref<!tpu.dma_semaphore, #tpu.memory_space<semaphore_mem>>)
    } else {
    }
    %scan3A_193 = arith.constant 0 : i32
    %scan3A_194 = arith.constant 0 : i32
    %scan3A_195 = arith.constant 30 : i32
    %scan3A_196 = arith.addi %scan3A_194, %scan3A_195 : i32
    %scan3A_197 = arith.constant 1 : i32
    %scan3A_198 = scf.for %scan3A_313 = %scan3A_194 to %scan3A_196 step %scan3A_197 iter_args(%scan3A_314 = %scan3A_193) -> (i32)  : i32 {
      %mul3A_315 = arith.constant 4 : i32
      %mul3A_316 = arith.muli %scan3A_313, %mul3A_315 : i32
      %add3A_317 = arith.constant 2 : i32
      %add3A_318 = arith.addi %add3A_317, %mul3A_316 : i32
      %add3A_319 = arith.constant 0 : i32
      %add3A_320 = arith.addi %add3A_318, %add3A_319 : i32
      %dma_wait3A_321 = arith.constant 0 : i32
      %dma_wait3A_322 = arith.constant 0 : i32
      %dma_wait3A_323 = tpu.memref_slice %arg2[%dma_wait3A_321, %dma_wait3A_322] : memref<10000x128xf32, #tpu.memory_space<hbm>> -> memref<80x128xf32, #tpu.memory_space<hbm>>
      %dma_wait3A_324 = arith.constant 0 : i32
      %dma_wait3A_325 = arith.constant 0 : i32
      %dma_wait3A_326 = tpu.memref_slice %arg2[%dma_wait3A_324, %dma_wait3A_325] : memref<10000x128xf32, #tpu.memory_space<hbm>> -> memref<80x128xf32, #tpu.memory_space<hbm>>
      tpu.wait_dma2 semaphore(%arg30 : memref<!tpu.dma_semaphore, #tpu.memory_space<semaphore_mem>>) src(%dma_wait3A_326 : memref<80x128xf32, #tpu.memory_space<hbm>>) dst(%arg17 : memref<80x128xf32, #tpu.memory_space<vmem>>)
      %dma_wait3A_327 = arith.constant 0 : i32
      %dma_wait3A_328 = tpu.memref_slice %arg4[%dma_wait3A_327] : memref<320000xi32, #tpu.memory_space<hbm>> -> memref<80xi32, #tpu.memory_space<hbm>>
      %dma_wait3A_329 = arith.constant 0 : i32
      %dma_wait3A_330 = tpu.memref_slice %arg4[%dma_wait3A_329] : memref<320000xi32, #tpu.memory_space<hbm>> -> memref<80xi32, #tpu.memory_space<hbm>>
      tpu.wait_dma2 semaphore(%arg26 : memref<!tpu.dma_semaphore, #tpu.memory_space<semaphore_mem>>) src(%dma_wait3A_330 : memref<80xi32, #tpu.memory_space<hbm>>) dst(%arg13 : memref<80xi32, #tpu.memory_space<vmem>>)
      %dma_start3A_331 = arith.constant 0 : i32
      %dma_start3A_332 = arith.constant 0 : i32
      %dma_start3A_333 = tpu.memref_slice %arg19[%dma_start3A_331, %dma_start3A_332] : memref<10000x128xf32, #tpu.memory_space<vmem_shared>> -> memref<10000x128xf32, #tpu.memory_space<vmem_shared>>
      tpu.enqueue_indirect_dma source(%arg17 : memref<80x128xf32, #tpu.memory_space<vmem>>) target(%dma_start3A_333 : memref<10000x128xf32, #tpu.memory_space<vmem_shared>>) offsets(%arg13 : memref<80xi32, #tpu.memory_space<vmem>>) semaphore(%arg34 : memref<!tpu.dma_semaphore, #tpu.memory_space<semaphore_mem>>) {add = true}
      %dma_wait3A_334 = arith.constant 0 : i32
      %dma_wait3A_335 = arith.constant 0 : i32
      %dma_wait3A_336 = tpu.memref_slice %arg2[%dma_wait3A_334, %dma_wait3A_335] : memref<10000x128xf32, #tpu.memory_space<hbm>> -> memref<80x128xf32, #tpu.memory_space<hbm>>
      %dma_wait3A_337 = arith.constant 0 : i32
      %dma_wait3A_338 = arith.constant 0 : i32
      %dma_wait3A_339 = tpu.memref_slice %arg2[%dma_wait3A_337, %dma_wait3A_338] : memref<10000x128xf32, #tpu.memory_space<hbm>> -> memref<80x128xf32, #tpu.memory_space<hbm>>
      tpu.wait_dma2 semaphore(%arg32 : memref<!tpu.dma_semaphore, #tpu.memory_space<semaphore_mem>>) src(%dma_wait3A_339 : memref<80x128xf32, #tpu.memory_space<hbm>>) dst(%arg15 : memref<80x128xf32, #tpu.memory_space<vmem>>)
      %add3A_340 = arith.constant 2 : i32
      %add3A_341 = arith.addi %add3A_320, %add3A_340 : i32
      %eq3A_342 = arith.constant 0 : i32
      %eq3A_343 = arith.cmpi eq, %arg0, %eq3A_342 : i32
      %convert_element_type3A_344 = arith.extui %eq3A_343 : i1 to i32
      %cond3A_345 = arith.constant 0 : i32
      %cond3A_346 = arith.cmpi ne, %convert_element_type3A_344, %cond3A_345 : i32
      scf.if %cond3A_346 {
        %mul3A_568 = arith.constant 80 : i32
        %mul3A_569 = arith.muli %add3A_341, %mul3A_568 : i32
        %add3A_570 = arith.addi %add3A_3, %mul3A_569 : i32
        %dma_start3A_571 = tpu.memref_slice %arg4[%add3A_570] : memref<320000xi32, #tpu.memory_space<hbm>> -> memref<80xi32, #tpu.memory_space<hbm>>
        %dma_start3A_572 = tpu.memref_slice %arg4[%add3A_570] : memref<320000xi32, #tpu.memory_space<hbm>> -> memref<80xi32, #tpu.memory_space<hbm>>
        tpu.enqueue_dma source(%dma_start3A_572 : memref<80xi32, #tpu.memory_space<hbm>>) target(%arg11 : memref<80xi32, #tpu.memory_space<vmem>>) target_semaphore(%arg24 : memref<!tpu.dma_semaphore, #tpu.memory_space<semaphore_mem>>)
      } else {
      }
      %eq3A_347 = arith.constant 1 : i32
      %eq3A_348 = arith.cmpi eq, %arg0, %eq3A_347 : i32
      %convert_element_type3A_349 = arith.extui %eq3A_348 : i1 to i32
      %cond3A_350 = arith.constant 0 : i32
      %cond3A_351 = arith.cmpi ne, %convert_element_type3A_349, %cond3A_350 : i32
      scf.if %cond3A_351 {
        %mul3A_568 = arith.constant 80 : i32
        %mul3A_569 = arith.muli %add3A_341, %mul3A_568 : i32
        %add3A_570 = arith.addi %add3A_3, %mul3A_569 : i32
        %dma_start3A_571 = tpu.memref_slice %arg5[%add3A_570] : memref<320000xi32, #tpu.memory_space<hbm>> -> memref<80xi32, #tpu.memory_space<hbm>>
        %dma_start3A_572 = tpu.memref_slice %arg5[%add3A_570] : memref<320000xi32, #tpu.memory_space<hbm>> -> memref<80xi32, #tpu.memory_space<hbm>>
        tpu.enqueue_dma source(%dma_start3A_572 : memref<80xi32, #tpu.memory_space<hbm>>) target(%arg11 : memref<80xi32, #tpu.memory_space<vmem>>) target_semaphore(%arg24 : memref<!tpu.dma_semaphore, #tpu.memory_space<semaphore_mem>>)
      } else {
      }
      %dma_wait3A_352 = arith.constant 0 : i32
      %dma_wait3A_353 = tpu.memref_slice %arg4[%dma_wait3A_352] : memref<320000xi32, #tpu.memory_space<hbm>> -> memref<80xi32, #tpu.memory_space<hbm>>
      %dma_wait3A_354 = arith.constant 0 : i32
      %dma_wait3A_355 = tpu.memref_slice %arg4[%dma_wait3A_354] : memref<320000xi32, #tpu.memory_space<hbm>> -> memref<80xi32, #tpu.memory_space<hbm>>
      tpu.wait_dma2 semaphore(%arg20 : memref<!tpu.dma_semaphore, #tpu.memory_space<semaphore_mem>>) src(%dma_wait3A_355 : memref<80xi32, #tpu.memory_space<hbm>>) dst(%arg7 : memref<80xi32, #tpu.memory_space<vmem>>)
      %eq3A_356 = arith.constant 0 : i32
      %eq3A_357 = arith.cmpi eq, %arg0, %eq3A_356 : i32
      %convert_element_type3A_358 = arith.extui %eq3A_357 : i1 to i32
      %cond3A_359 = arith.constant 0 : i32
      %cond3A_360 = arith.cmpi ne, %convert_element_type3A_358, %cond3A_359 : i32
      scf.if %cond3A_360 {
        %dma_start3A_568 = arith.constant 0 : i32
        %dma_start3A_569 = arith.constant 0 : i32
        %dma_start3A_570 = tpu.memref_slice %arg2[%dma_start3A_568, %dma_start3A_569] : memref<10000x128xf32, #tpu.memory_space<hbm>> -> memref<10000x128xf32, #tpu.memory_space<hbm>>
        tpu.enqueue_indirect_dma source(%dma_start3A_570 : memref<10000x128xf32, #tpu.memory_space<hbm>>) target(%arg15 : memref<80x128xf32, #tpu.memory_space<vmem>>) offsets(%arg7 : memref<80xi32, #tpu.memory_space<vmem>>) semaphore(%arg28 : memref<!tpu.dma_semaphore, #tpu.memory_space<semaphore_mem>>)
      } else {
      }
      %eq3A_361 = arith.constant 1 : i32
      %eq3A_362 = arith.cmpi eq, %arg0, %eq3A_361 : i32
      %convert_element_type3A_363 = arith.extui %eq3A_362 : i1 to i32
      %cond3A_364 = arith.constant 0 : i32
      %cond3A_365 = arith.cmpi ne, %convert_element_type3A_363, %cond3A_364 : i32
      scf.if %cond3A_365 {
        %dma_start3A_568 = arith.constant 0 : i32
        %dma_start3A_569 = arith.constant 0 : i32
        %dma_start3A_570 = tpu.memref_slice %arg3[%dma_start3A_568, %dma_start3A_569] : memref<10000x128xf32, #tpu.memory_space<hbm>> -> memref<10000x128xf32, #tpu.memory_space<hbm>>
        tpu.enqueue_indirect_dma source(%dma_start3A_570 : memref<10000x128xf32, #tpu.memory_space<hbm>>) target(%arg15 : memref<80x128xf32, #tpu.memory_space<vmem>>) offsets(%arg7 : memref<80xi32, #tpu.memory_space<vmem>>) semaphore(%arg28 : memref<!tpu.dma_semaphore, #tpu.memory_space<semaphore_mem>>)
      } else {
      }
      %add3A_366 = arith.constant 3 : i32
      %add3A_367 = arith.addi %add3A_320, %add3A_366 : i32
      %eq3A_368 = arith.constant 0 : i32
      %eq3A_369 = arith.cmpi eq, %arg0, %eq3A_368 : i32
      %convert_element_type3A_370 = arith.extui %eq3A_369 : i1 to i32
      %cond3A_371 = arith.constant 0 : i32
      %cond3A_372 = arith.cmpi ne, %convert_element_type3A_370, %cond3A_371 : i32
      scf.if %cond3A_372 {
        %mul3A_568 = arith.constant 80 : i32
        %mul3A_569 = arith.muli %add3A_367, %mul3A_568 : i32
        %add3A_570 = arith.addi %mul3A_0, %mul3A_569 : i32
        %dma_start3A_571 = tpu.memref_slice %arg4[%add3A_570] : memref<320000xi32, #tpu.memory_space<hbm>> -> memref<80xi32, #tpu.memory_space<hbm>>
        %dma_start3A_572 = tpu.memref_slice %arg4[%add3A_570] : memref<320000xi32, #tpu.memory_space<hbm>> -> memref<80xi32, #tpu.memory_space<hbm>>
        tpu.enqueue_dma source(%dma_start3A_572 : memref<80xi32, #tpu.memory_space<hbm>>) target(%arg8 : memref<80xi32, #tpu.memory_space<vmem>>) target_semaphore(%arg21 : memref<!tpu.dma_semaphore, #tpu.memory_space<semaphore_mem>>)
      } else {
      }
      %eq3A_373 = arith.constant 1 : i32
      %eq3A_374 = arith.cmpi eq, %arg0, %eq3A_373 : i32
      %convert_element_type3A_375 = arith.extui %eq3A_374 : i1 to i32
      %cond3A_376 = arith.constant 0 : i32
      %cond3A_377 = arith.cmpi ne, %convert_element_type3A_375, %cond3A_376 : i32
      scf.if %cond3A_377 {
        %mul3A_568 = arith.constant 80 : i32
        %mul3A_569 = arith.muli %add3A_367, %mul3A_568 : i32
        %add3A_570 = arith.addi %mul3A_0, %mul3A_569 : i32
        %dma_start3A_571 = tpu.memref_slice %arg5[%add3A_570] : memref<320000xi32, #tpu.memory_space<hbm>> -> memref<80xi32, #tpu.memory_space<hbm>>
        %dma_start3A_572 = tpu.memref_slice %arg5[%add3A_570] : memref<320000xi32, #tpu.memory_space<hbm>> -> memref<80xi32, #tpu.memory_space<hbm>>
        tpu.enqueue_dma source(%dma_start3A_572 : memref<80xi32, #tpu.memory_space<hbm>>) target(%arg8 : memref<80xi32, #tpu.memory_space<vmem>>) target_semaphore(%arg21 : memref<!tpu.dma_semaphore, #tpu.memory_space<semaphore_mem>>)
      } else {
      }
      %mul3A_378 = arith.constant 4 : i32
      %mul3A_379 = arith.muli %scan3A_313, %mul3A_378 : i32
      %add3A_380 = arith.constant 2 : i32
      %add3A_381 = arith.addi %add3A_380, %mul3A_379 : i32
      %add3A_382 = arith.constant 1 : i32
      %add3A_383 = arith.addi %add3A_381, %add3A_382 : i32
      %dma_wait3A_384 = arith.constant 0 : i32
      %dma_wait3A_385 = arith.constant 0 : i32
      %dma_wait3A_386 = tpu.memref_slice %arg2[%dma_wait3A_384, %dma_wait3A_385] : memref<10000x128xf32, #tpu.memory_space<hbm>> -> memref<80x128xf32, #tpu.memory_space<hbm>>
      %dma_wait3A_387 = arith.constant 0 : i32
      %dma_wait3A_388 = arith.constant 0 : i32
      %dma_wait3A_389 = tpu.memref_slice %arg2[%dma_wait3A_387, %dma_wait3A_388] : memref<10000x128xf32, #tpu.memory_space<hbm>> -> memref<80x128xf32, #tpu.memory_space<hbm>>
      tpu.wait_dma2 semaphore(%arg31 : memref<!tpu.dma_semaphore, #tpu.memory_space<semaphore_mem>>) src(%dma_wait3A_389 : memref<80x128xf32, #tpu.memory_space<hbm>>) dst(%arg18 : memref<80x128xf32, #tpu.memory_space<vmem>>)
      %dma_wait3A_390 = arith.constant 0 : i32
      %dma_wait3A_391 = tpu.memref_slice %arg4[%dma_wait3A_390] : memref<320000xi32, #tpu.memory_space<hbm>> -> memref<80xi32, #tpu.memory_space<hbm>>
      %dma_wait3A_392 = arith.constant 0 : i32
      %dma_wait3A_393 = tpu.memref_slice %arg4[%dma_wait3A_392] : memref<320000xi32, #tpu.memory_space<hbm>> -> memref<80xi32, #tpu.memory_space<hbm>>
      tpu.wait_dma2 semaphore(%arg27 : memref<!tpu.dma_semaphore, #tpu.memory_space<semaphore_mem>>) src(%dma_wait3A_393 : memref<80xi32, #tpu.memory_space<hbm>>) dst(%arg14 : memref<80xi32, #tpu.memory_space<vmem>>)
      %dma_start3A_394 = arith.constant 0 : i32
      %dma_start3A_395 = arith.constant 0 : i32
      %dma_start3A_396 = tpu.memref_slice %arg19[%dma_start3A_394, %dma_start3A_395] : memref<10000x128xf32, #tpu.memory_space<vmem_shared>> -> memref<10000x128xf32, #tpu.memory_space<vmem_shared>>
      tpu.enqueue_indirect_dma source(%arg18 : memref<80x128xf32, #tpu.memory_space<vmem>>) target(%dma_start3A_396 : memref<10000x128xf32, #tpu.memory_space<vmem_shared>>) offsets(%arg14 : memref<80xi32, #tpu.memory_space<vmem>>) semaphore(%arg35 : memref<!tpu.dma_semaphore, #tpu.memory_space<semaphore_mem>>) {add = true}
      %dma_wait3A_397 = arith.constant 0 : i32
      %dma_wait3A_398 = arith.constant 0 : i32
      %dma_wait3A_399 = tpu.memref_slice %arg2[%dma_wait3A_397, %dma_wait3A_398] : memref<10000x128xf32, #tpu.memory_space<hbm>> -> memref<80x128xf32, #tpu.memory_space<hbm>>
      %dma_wait3A_400 = arith.constant 0 : i32
      %dma_wait3A_401 = arith.constant 0 : i32
      %dma_wait3A_402 = tpu.memref_slice %arg2[%dma_wait3A_400, %dma_wait3A_401] : memref<10000x128xf32, #tpu.memory_space<hbm>> -> memref<80x128xf32, #tpu.memory_space<hbm>>
      tpu.wait_dma2 semaphore(%arg33 : memref<!tpu.dma_semaphore, #tpu.memory_space<semaphore_mem>>) src(%dma_wait3A_402 : memref<80x128xf32, #tpu.memory_space<hbm>>) dst(%arg16 : memref<80x128xf32, #tpu.memory_space<vmem>>)
      %add3A_403 = arith.constant 2 : i32
      %add3A_404 = arith.addi %add3A_383, %add3A_403 : i32
      %eq3A_405 = arith.constant 0 : i32
      %eq3A_406 = arith.cmpi eq, %arg0, %eq3A_405 : i32
      %convert_element_type3A_407 = arith.extui %eq3A_406 : i1 to i32
      %cond3A_408 = arith.constant 0 : i32
      %cond3A_409 = arith.cmpi ne, %convert_element_type3A_407, %cond3A_408 : i32
      scf.if %cond3A_409 {
        %mul3A_568 = arith.constant 80 : i32
        %mul3A_569 = arith.muli %add3A_404, %mul3A_568 : i32
        %add3A_570 = arith.addi %add3A_3, %mul3A_569 : i32
        %dma_start3A_571 = tpu.memref_slice %arg4[%add3A_570] : memref<320000xi32, #tpu.memory_space<hbm>> -> memref<80xi32, #tpu.memory_space<hbm>>
        %dma_start3A_572 = tpu.memref_slice %arg4[%add3A_570] : memref<320000xi32, #tpu.memory_space<hbm>> -> memref<80xi32, #tpu.memory_space<hbm>>
        tpu.enqueue_dma source(%dma_start3A_572 : memref<80xi32, #tpu.memory_space<hbm>>) target(%arg12 : memref<80xi32, #tpu.memory_space<vmem>>) target_semaphore(%arg25 : memref<!tpu.dma_semaphore, #tpu.memory_space<semaphore_mem>>)
      } else {
      }
      %eq3A_410 = arith.constant 1 : i32
      %eq3A_411 = arith.cmpi eq, %arg0, %eq3A_410 : i32
      %convert_element_type3A_412 = arith.extui %eq3A_411 : i1 to i32
      %cond3A_413 = arith.constant 0 : i32
      %cond3A_414 = arith.cmpi ne, %convert_element_type3A_412, %cond3A_413 : i32
      scf.if %cond3A_414 {
        %mul3A_568 = arith.constant 80 : i32
        %mul3A_569 = arith.muli %add3A_404, %mul3A_568 : i32
        %add3A_570 = arith.addi %add3A_3, %mul3A_569 : i32
        %dma_start3A_571 = tpu.memref_slice %arg5[%add3A_570] : memref<320000xi32, #tpu.memory_space<hbm>> -> memref<80xi32, #tpu.memory_space<hbm>>
        %dma_start3A_572 = tpu.memref_slice %arg5[%add3A_570] : memref<320000xi32, #tpu.memory_space<hbm>> -> memref<80xi32, #tpu.memory_space<hbm>>
        tpu.enqueue_dma source(%dma_start3A_572 : memref<80xi32, #tpu.memory_space<hbm>>) target(%arg12 : memref<80xi32, #tpu.memory_space<vmem>>) target_semaphore(%arg25 : memref<!tpu.dma_semaphore, #tpu.memory_space<semaphore_mem>>)
      } else {
      }
      %dma_wait3A_415 = arith.constant 0 : i32
      %dma_wait3A_416 = tpu.memref_slice %arg4[%dma_wait3A_415] : memref<320000xi32, #tpu.memory_space<hbm>> -> memref<80xi32, #tpu.memory_space<hbm>>
      %dma_wait3A_417 = arith.constant 0 : i32
      %dma_wait3A_418 = tpu.memref_slice %arg4[%dma_wait3A_417] : memref<320000xi32, #tpu.memory_space<hbm>> -> memref<80xi32, #tpu.memory_space<hbm>>
      tpu.wait_dma2 semaphore(%arg21 : memref<!tpu.dma_semaphore, #tpu.memory_space<semaphore_mem>>) src(%dma_wait3A_418 : memref<80xi32, #tpu.memory_space<hbm>>) dst(%arg8 : memref<80xi32, #tpu.memory_space<vmem>>)
      %eq3A_419 = arith.constant 0 : i32
      %eq3A_420 = arith.cmpi eq, %arg0, %eq3A_419 : i32
      %convert_element_type3A_421 = arith.extui %eq3A_420 : i1 to i32
      %cond3A_422 = arith.constant 0 : i32
      %cond3A_423 = arith.cmpi ne, %convert_element_type3A_421, %cond3A_422 : i32
      scf.if %cond3A_423 {
        %dma_start3A_568 = arith.constant 0 : i32
        %dma_start3A_569 = arith.constant 0 : i32
        %dma_start3A_570 = tpu.memref_slice %arg2[%dma_start3A_568, %dma_start3A_569] : memref<10000x128xf32, #tpu.memory_space<hbm>> -> memref<10000x128xf32, #tpu.memory_space<hbm>>
        tpu.enqueue_indirect_dma source(%dma_start3A_570 : memref<10000x128xf32, #tpu.memory_space<hbm>>) target(%arg16 : memref<80x128xf32, #tpu.memory_space<vmem>>) offsets(%arg8 : memref<80xi32, #tpu.memory_space<vmem>>) semaphore(%arg29 : memref<!tpu.dma_semaphore, #tpu.memory_space<semaphore_mem>>)
      } else {
      }
      %eq3A_424 = arith.constant 1 : i32
      %eq3A_425 = arith.cmpi eq, %arg0, %eq3A_424 : i32
      %convert_element_type3A_426 = arith.extui %eq3A_425 : i1 to i32
      %cond3A_427 = arith.constant 0 : i32
      %cond3A_428 = arith.cmpi ne, %convert_element_type3A_426, %cond3A_427 : i32
      scf.if %cond3A_428 {
        %dma_start3A_568 = arith.constant 0 : i32
        %dma_start3A_569 = arith.constant 0 : i32
        %dma_start3A_570 = tpu.memref_slice %arg3[%dma_start3A_568, %dma_start3A_569] : memref<10000x128xf32, #tpu.memory_space<hbm>> -> memref<10000x128xf32, #tpu.memory_space<hbm>>
        tpu.enqueue_indirect_dma source(%dma_start3A_570 : memref<10000x128xf32, #tpu.memory_space<hbm>>) target(%arg16 : memref<80x128xf32, #tpu.memory_space<vmem>>) offsets(%arg8 : memref<80xi32, #tpu.memory_space<vmem>>) semaphore(%arg29 : memref<!tpu.dma_semaphore, #tpu.memory_space<semaphore_mem>>)
      } else {
      }
      %add3A_429 = arith.constant 3 : i32
      %add3A_430 = arith.addi %add3A_383, %add3A_429 : i32
      %eq3A_431 = arith.constant 0 : i32
      %eq3A_432 = arith.cmpi eq, %arg0, %eq3A_431 : i32
      %convert_element_type3A_433 = arith.extui %eq3A_432 : i1 to i32
      %cond3A_434 = arith.constant 0 : i32
      %cond3A_435 = arith.cmpi ne, %convert_element_type3A_433, %cond3A_434 : i32
      scf.if %cond3A_435 {
        %mul3A_568 = arith.constant 80 : i32
        %mul3A_569 = arith.muli %add3A_430, %mul3A_568 : i32
        %add3A_570 = arith.addi %mul3A_0, %mul3A_569 : i32
        %dma_start3A_571 = tpu.memref_slice %arg4[%add3A_570] : memref<320000xi32, #tpu.memory_space<hbm>> -> memref<80xi32, #tpu.memory_space<hbm>>
        %dma_start3A_572 = tpu.memref_slice %arg4[%add3A_570] : memref<320000xi32, #tpu.memory_space<hbm>> -> memref<80xi32, #tpu.memory_space<hbm>>
        tpu.enqueue_dma source(%dma_start3A_572 : memref<80xi32, #tpu.memory_space<hbm>>) target(%arg9 : memref<80xi32, #tpu.memory_space<vmem>>) target_semaphore(%arg22 : memref<!tpu.dma_semaphore, #tpu.memory_space<semaphore_mem>>)
      } else {
      }
      %eq3A_436 = arith.constant 1 : i32
      %eq3A_437 = arith.cmpi eq, %arg0, %eq3A_436 : i32
      %convert_element_type3A_438 = arith.extui %eq3A_437 : i1 to i32
      %cond3A_439 = arith.constant 0 : i32
      %cond3A_440 = arith.cmpi ne, %convert_element_type3A_438, %cond3A_439 : i32
      scf.if %cond3A_440 {
        %mul3A_568 = arith.constant 80 : i32
        %mul3A_569 = arith.muli %add3A_430, %mul3A_568 : i32
        %add3A_570 = arith.addi %mul3A_0, %mul3A_569 : i32
        %dma_start3A_571 = tpu.memref_slice %arg5[%add3A_570] : memref<320000xi32, #tpu.memory_space<hbm>> -> memref<80xi32, #tpu.memory_space<hbm>>
        %dma_start3A_572 = tpu.memref_slice %arg5[%add3A_570] : memref<320000xi32, #tpu.memory_space<hbm>> -> memref<80xi32, #tpu.memory_space<hbm>>
        tpu.enqueue_dma source(%dma_start3A_572 : memref<80xi32, #tpu.memory_space<hbm>>) target(%arg9 : memref<80xi32, #tpu.memory_space<vmem>>) target_semaphore(%arg22 : memref<!tpu.dma_semaphore, #tpu.memory_space<semaphore_mem>>)
      } else {
      }
      %mul3A_441 = arith.constant 4 : i32
      %mul3A_442 = arith.muli %scan3A_313, %mul3A_441 : i32
      %add3A_443 = arith.constant 2 : i32
      %add3A_444 = arith.addi %add3A_443, %mul3A_442 : i32
      %add3A_445 = arith.constant 2 : i32
      %add3A_446 = arith.addi %add3A_444, %add3A_445 : i32
      %dma_wait3A_447 = arith.constant 0 : i32
      %dma_wait3A_448 = arith.constant 0 : i32
      %dma_wait3A_449 = tpu.memref_slice %arg2[%dma_wait3A_447, %dma_wait3A_448] : memref<10000x128xf32, #tpu.memory_space<hbm>> -> memref<80x128xf32, #tpu.memory_space<hbm>>
      %dma_wait3A_450 = arith.constant 0 : i32
      %dma_wait3A_451 = arith.constant 0 : i32
      %dma_wait3A_452 = tpu.memref_slice %arg2[%dma_wait3A_450, %dma_wait3A_451] : memref<10000x128xf32, #tpu.memory_space<hbm>> -> memref<80x128xf32, #tpu.memory_space<hbm>>
      tpu.wait_dma2 semaphore(%arg28 : memref<!tpu.dma_semaphore, #tpu.memory_space<semaphore_mem>>) src(%dma_wait3A_452 : memref<80x128xf32, #tpu.memory_space<hbm>>) dst(%arg15 : memref<80x128xf32, #tpu.memory_space<vmem>>)
      %dma_wait3A_453 = arith.constant 0 : i32
      %dma_wait3A_454 = tpu.memref_slice %arg4[%dma_wait3A_453] : memref<320000xi32, #tpu.memory_space<hbm>> -> memref<80xi32, #tpu.memory_space<hbm>>
      %dma_wait3A_455 = arith.constant 0 : i32
      %dma_wait3A_456 = tpu.memref_slice %arg4[%dma_wait3A_455] : memref<320000xi32, #tpu.memory_space<hbm>> -> memref<80xi32, #tpu.memory_space<hbm>>
      tpu.wait_dma2 semaphore(%arg24 : memref<!tpu.dma_semaphore, #tpu.memory_space<semaphore_mem>>) src(%dma_wait3A_456 : memref<80xi32, #tpu.memory_space<hbm>>) dst(%arg11 : memref<80xi32, #tpu.memory_space<vmem>>)
      %dma_start3A_457 = arith.constant 0 : i32
      %dma_start3A_458 = arith.constant 0 : i32
      %dma_start3A_459 = tpu.memref_slice %arg19[%dma_start3A_457, %dma_start3A_458] : memref<10000x128xf32, #tpu.memory_space<vmem_shared>> -> memref<10000x128xf32, #tpu.memory_space<vmem_shared>>
      tpu.enqueue_indirect_dma source(%arg15 : memref<80x128xf32, #tpu.memory_space<vmem>>) target(%dma_start3A_459 : memref<10000x128xf32, #tpu.memory_space<vmem_shared>>) offsets(%arg11 : memref<80xi32, #tpu.memory_space<vmem>>) semaphore(%arg32 : memref<!tpu.dma_semaphore, #tpu.memory_space<semaphore_mem>>) {add = true}
      %dma_wait3A_460 = arith.constant 0 : i32
      %dma_wait3A_461 = arith.constant 0 : i32
      %dma_wait3A_462 = tpu.memref_slice %arg2[%dma_wait3A_460, %dma_wait3A_461] : memref<10000x128xf32, #tpu.memory_space<hbm>> -> memref<80x128xf32, #tpu.memory_space<hbm>>
      %dma_wait3A_463 = arith.constant 0 : i32
      %dma_wait3A_464 = arith.constant 0 : i32
      %dma_wait3A_465 = tpu.memref_slice %arg2[%dma_wait3A_463, %dma_wait3A_464] : memref<10000x128xf32, #tpu.memory_space<hbm>> -> memref<80x128xf32, #tpu.memory_space<hbm>>
      tpu.wait_dma2 semaphore(%arg34 : memref<!tpu.dma_semaphore, #tpu.memory_space<semaphore_mem>>) src(%dma_wait3A_465 : memref<80x128xf32, #tpu.memory_space<hbm>>) dst(%arg17 : memref<80x128xf32, #tpu.memory_space<vmem>>)
      %add3A_466 = arith.constant 2 : i32
      %add3A_467 = arith.addi %add3A_446, %add3A_466 : i32
      %eq3A_468 = arith.constant 0 : i32
      %eq3A_469 = arith.cmpi eq, %arg0, %eq3A_468 : i32
      %convert_element_type3A_470 = arith.extui %eq3A_469 : i1 to i32
      %cond3A_471 = arith.constant 0 : i32
      %cond3A_472 = arith.cmpi ne, %convert_element_type3A_470, %cond3A_471 : i32
      scf.if %cond3A_472 {
        %mul3A_568 = arith.constant 80 : i32
        %mul3A_569 = arith.muli %add3A_467, %mul3A_568 : i32
        %add3A_570 = arith.addi %add3A_3, %mul3A_569 : i32
        %dma_start3A_571 = tpu.memref_slice %arg4[%add3A_570] : memref<320000xi32, #tpu.memory_space<hbm>> -> memref<80xi32, #tpu.memory_space<hbm>>
        %dma_start3A_572 = tpu.memref_slice %arg4[%add3A_570] : memref<320000xi32, #tpu.memory_space<hbm>> -> memref<80xi32, #tpu.memory_space<hbm>>
        tpu.enqueue_dma source(%dma_start3A_572 : memref<80xi32, #tpu.memory_space<hbm>>) target(%arg13 : memref<80xi32, #tpu.memory_space<vmem>>) target_semaphore(%arg26 : memref<!tpu.dma_semaphore, #tpu.memory_space<semaphore_mem>>)
      } else {
      }
      %eq3A_473 = arith.constant 1 : i32
      %eq3A_474 = arith.cmpi eq, %arg0, %eq3A_473 : i32
      %convert_element_type3A_475 = arith.extui %eq3A_474 : i1 to i32
      %cond3A_476 = arith.constant 0 : i32
      %cond3A_477 = arith.cmpi ne, %convert_element_type3A_475, %cond3A_476 : i32
      scf.if %cond3A_477 {
        %mul3A_568 = arith.constant 80 : i32
        %mul3A_569 = arith.muli %add3A_467, %mul3A_568 : i32
        %add3A_570 = arith.addi %add3A_3, %mul3A_569 : i32
        %dma_start3A_571 = tpu.memref_slice %arg5[%add3A_570] : memref<320000xi32, #tpu.memory_space<hbm>> -> memref<80xi32, #tpu.memory_space<hbm>>
        %dma_start3A_572 = tpu.memref_slice %arg5[%add3A_570] : memref<320000xi32, #tpu.memory_space<hbm>> -> memref<80xi32, #tpu.memory_space<hbm>>
        tpu.enqueue_dma source(%dma_start3A_572 : memref<80xi32, #tpu.memory_space<hbm>>) target(%arg13 : memref<80xi32, #tpu.memory_space<vmem>>) target_semaphore(%arg26 : memref<!tpu.dma_semaphore, #tpu.memory_space<semaphore_mem>>)
      } else {
      }
      %dma_wait3A_478 = arith.constant 0 : i32
      %dma_wait3A_479 = tpu.memref_slice %arg4[%dma_wait3A_478] : memref<320000xi32, #tpu.memory_space<hbm>> -> memref<80xi32, #tpu.memory_space<hbm>>
      %dma_wait3A_480 = arith.constant 0 : i32
      %dma_wait3A_481 = tpu.memref_slice %arg4[%dma_wait3A_480] : memref<320000xi32, #tpu.memory_space<hbm>> -> memref<80xi32, #tpu.memory_space<hbm>>
      tpu.wait_dma2 semaphore(%arg22 : memref<!tpu.dma_semaphore, #tpu.memory_space<semaphore_mem>>) src(%dma_wait3A_481 : memref<80xi32, #tpu.memory_space<hbm>>) dst(%arg9 : memref<80xi32, #tpu.memory_space<vmem>>)
      %eq3A_482 = arith.constant 0 : i32
      %eq3A_483 = arith.cmpi eq, %arg0, %eq3A_482 : i32
      %convert_element_type3A_484 = arith.extui %eq3A_483 : i1 to i32
      %cond3A_485 = arith.constant 0 : i32
      %cond3A_486 = arith.cmpi ne, %convert_element_type3A_484, %cond3A_485 : i32
      scf.if %cond3A_486 {
        %dma_start3A_568 = arith.constant 0 : i32
        %dma_start3A_569 = arith.constant 0 : i32
        %dma_start3A_570 = tpu.memref_slice %arg2[%dma_start3A_568, %dma_start3A_569] : memref<10000x128xf32, #tpu.memory_space<hbm>> -> memref<10000x128xf32, #tpu.memory_space<hbm>>
        tpu.enqueue_indirect_dma source(%dma_start3A_570 : memref<10000x128xf32, #tpu.memory_space<hbm>>) target(%arg17 : memref<80x128xf32, #tpu.memory_space<vmem>>) offsets(%arg9 : memref<80xi32, #tpu.memory_space<vmem>>) semaphore(%arg30 : memref<!tpu.dma_semaphore, #tpu.memory_space<semaphore_mem>>)
      } else {
      }
      %eq3A_487 = arith.constant 1 : i32
      %eq3A_488 = arith.cmpi eq, %arg0, %eq3A_487 : i32
      %convert_element_type3A_489 = arith.extui %eq3A_488 : i1 to i32
      %cond3A_490 = arith.constant 0 : i32
      %cond3A_491 = arith.cmpi ne, %convert_element_type3A_489, %cond3A_490 : i32
      scf.if %cond3A_491 {
        %dma_start3A_568 = arith.constant 0 : i32
        %dma_start3A_569 = arith.constant 0 : i32
        %dma_start3A_570 = tpu.memref_slice %arg3[%dma_start3A_568, %dma_start3A_569] : memref<10000x128xf32, #tpu.memory_space<hbm>> -> memref<10000x128xf32, #tpu.memory_space<hbm>>
        tpu.enqueue_indirect_dma source(%dma_start3A_570 : memref<10000x128xf32, #tpu.memory_space<hbm>>) target(%arg17 : memref<80x128xf32, #tpu.memory_space<vmem>>) offsets(%arg9 : memref<80xi32, #tpu.memory_space<vmem>>) semaphore(%arg30 : memref<!tpu.dma_semaphore, #tpu.memory_space<semaphore_mem>>)
      } else {
      }
      %add3A_492 = arith.constant 3 : i32
      %add3A_493 = arith.addi %add3A_446, %add3A_492 : i32
      %eq3A_494 = arith.constant 0 : i32
      %eq3A_495 = arith.cmpi eq, %arg0, %eq3A_494 : i32
      %convert_element_type3A_496 = arith.extui %eq3A_495 : i1 to i32
      %cond3A_497 = arith.constant 0 : i32
      %cond3A_498 = arith.cmpi ne, %convert_element_type3A_496, %cond3A_497 : i32
      scf.if %cond3A_498 {
        %mul3A_568 = arith.constant 80 : i32
        %mul3A_569 = arith.muli %add3A_493, %mul3A_568 : i32
        %add3A_570 = arith.addi %mul3A_0, %mul3A_569 : i32
        %dma_start3A_571 = tpu.memref_slice %arg4[%add3A_570] : memref<320000xi32, #tpu.memory_space<hbm>> -> memref<80xi32, #tpu.memory_space<hbm>>
        %dma_start3A_572 = tpu.memref_slice %arg4[%add3A_570] : memref<320000xi32, #tpu.memory_space<hbm>> -> memref<80xi32, #tpu.memory_space<hbm>>
        tpu.enqueue_dma source(%dma_start3A_572 : memref<80xi32, #tpu.memory_space<hbm>>) target(%arg10 : memref<80xi32, #tpu.memory_space<vmem>>) target_semaphore(%arg23 : memref<!tpu.dma_semaphore, #tpu.memory_space<semaphore_mem>>)
      } else {
      }
      %eq3A_499 = arith.constant 1 : i32
      %eq3A_500 = arith.cmpi eq, %arg0, %eq3A_499 : i32
      %convert_element_type3A_501 = arith.extui %eq3A_500 : i1 to i32
      %cond3A_502 = arith.constant 0 : i32
      %cond3A_503 = arith.cmpi ne, %convert_element_type3A_501, %cond3A_502 : i32
      scf.if %cond3A_503 {
        %mul3A_568 = arith.constant 80 : i32
        %mul3A_569 = arith.muli %add3A_493, %mul3A_568 : i32
        %add3A_570 = arith.addi %mul3A_0, %mul3A_569 : i32
        %dma_start3A_571 = tpu.memref_slice %arg5[%add3A_570] : memref<320000xi32, #tpu.memory_space<hbm>> -> memref<80xi32, #tpu.memory_space<hbm>>
        %dma_start3A_572 = tpu.memref_slice %arg5[%add3A_570] : memref<320000xi32, #tpu.memory_space<hbm>> -> memref<80xi32, #tpu.memory_space<hbm>>
        tpu.enqueue_dma source(%dma_start3A_572 : memref<80xi32, #tpu.memory_space<hbm>>) target(%arg10 : memref<80xi32, #tpu.memory_space<vmem>>) target_semaphore(%arg23 : memref<!tpu.dma_semaphore, #tpu.memory_space<semaphore_mem>>)
      } else {
      }
      %mul3A_504 = arith.constant 4 : i32
      %mul3A_505 = arith.muli %scan3A_313, %mul3A_504 : i32
      %add3A_506 = arith.constant 2 : i32
      %add3A_507 = arith.addi %add3A_506, %mul3A_505 : i32
      %add3A_508 = arith.constant 3 : i32
      %add3A_509 = arith.addi %add3A_507, %add3A_508 : i32
      %dma_wait3A_510 = arith.constant 0 : i32
      %dma_wait3A_511 = arith.constant 0 : i32
      %dma_wait3A_512 = tpu.memref_slice %arg2[%dma_wait3A_510, %dma_wait3A_511] : memref<10000x128xf32, #tpu.memory_space<hbm>> -> memref<80x128xf32, #tpu.memory_space<hbm>>
      %dma_wait3A_513 = arith.constant 0 : i32
      %dma_wait3A_514 = arith.constant 0 : i32
      %dma_wait3A_515 = tpu.memref_slice %arg2[%dma_wait3A_513, %dma_wait3A_514] : memref<10000x128xf32, #tpu.memory_space<hbm>> -> memref<80x128xf32, #tpu.memory_space<hbm>>
      tpu.wait_dma2 semaphore(%arg29 : memref<!tpu.dma_semaphore, #tpu.memory_space<semaphore_mem>>) src(%dma_wait3A_515 : memref<80x128xf32, #tpu.memory_space<hbm>>) dst(%arg16 : memref<80x128xf32, #tpu.memory_space<vmem>>)
      %dma_wait3A_516 = arith.constant 0 : i32
      %dma_wait3A_517 = tpu.memref_slice %arg4[%dma_wait3A_516] : memref<320000xi32, #tpu.memory_space<hbm>> -> memref<80xi32, #tpu.memory_space<hbm>>
      %dma_wait3A_518 = arith.constant 0 : i32
      %dma_wait3A_519 = tpu.memref_slice %arg4[%dma_wait3A_518] : memref<320000xi32, #tpu.memory_space<hbm>> -> memref<80xi32, #tpu.memory_space<hbm>>
      tpu.wait_dma2 semaphore(%arg25 : memref<!tpu.dma_semaphore, #tpu.memory_space<semaphore_mem>>) src(%dma_wait3A_519 : memref<80xi32, #tpu.memory_space<hbm>>) dst(%arg12 : memref<80xi32, #tpu.memory_space<vmem>>)
      %dma_start3A_520 = arith.constant 0 : i32
      %dma_start3A_521 = arith.constant 0 : i32
      %dma_start3A_522 = tpu.memref_slice %arg19[%dma_start3A_520, %dma_start3A_521] : memref<10000x128xf32, #tpu.memory_space<vmem_shared>> -> memref<10000x128xf32, #tpu.memory_space<vmem_shared>>
      tpu.enqueue_indirect_dma source(%arg16 : memref<80x128xf32, #tpu.memory_space<vmem>>) target(%dma_start3A_522 : memref<10000x128xf32, #tpu.memory_space<vmem_shared>>) offsets(%arg12 : memref<80xi32, #tpu.memory_space<vmem>>) semaphore(%arg33 : memref<!tpu.dma_semaphore, #tpu.memory_space<semaphore_mem>>) {add = true}
      %dma_wait3A_523 = arith.constant 0 : i32
      %dma_wait3A_524 = arith.constant 0 : i32
      %dma_wait3A_525 = tpu.memref_slice %arg2[%dma_wait3A_523, %dma_wait3A_524] : memref<10000x128xf32, #tpu.memory_space<hbm>> -> memref<80x128xf32, #tpu.memory_space<hbm>>
      %dma_wait3A_526 = arith.constant 0 : i32
      %dma_wait3A_527 = arith.constant 0 : i32
      %dma_wait3A_528 = tpu.memref_slice %arg2[%dma_wait3A_526, %dma_wait3A_527] : memref<10000x128xf32, #tpu.memory_space<hbm>> -> memref<80x128xf32, #tpu.memory_space<hbm>>
      tpu.wait_dma2 semaphore(%arg35 : memref<!tpu.dma_semaphore, #tpu.memory_space<semaphore_mem>>) src(%dma_wait3A_528 : memref<80x128xf32, #tpu.memory_space<hbm>>) dst(%arg18 : memref<80x128xf32, #tpu.memory_space<vmem>>)
      %add3A_529 = arith.constant 2 : i32
      %add3A_530 = arith.addi %add3A_509, %add3A_529 : i32
      %eq3A_531 = arith.constant 0 : i32
      %eq3A_532 = arith.cmpi eq, %arg0, %eq3A_531 : i32
      %convert_element_type3A_533 = arith.extui %eq3A_532 : i1 to i32
      %cond3A_534 = arith.constant 0 : i32
      %cond3A_535 = arith.cmpi ne, %convert_element_type3A_533, %cond3A_534 : i32
      scf.if %cond3A_535 {
        %mul3A_568 = arith.constant 80 : i32
        %mul3A_569 = arith.muli %add3A_530, %mul3A_568 : i32
        %add3A_570 = arith.addi %add3A_3, %mul3A_569 : i32
        %dma_start3A_571 = tpu.memref_slice %arg4[%add3A_570] : memref<320000xi32, #tpu.memory_space<hbm>> -> memref<80xi32, #tpu.memory_space<hbm>>
        %dma_start3A_572 = tpu.memref_slice %arg4[%add3A_570] : memref<320000xi32, #tpu.memory_space<hbm>> -> memref<80xi32, #tpu.memory_space<hbm>>
        tpu.enqueue_dma source(%dma_start3A_572 : memref<80xi32, #tpu.memory_space<hbm>>) target(%arg14 : memref<80xi32, #tpu.memory_space<vmem>>) target_semaphore(%arg27 : memref<!tpu.dma_semaphore, #tpu.memory_space<semaphore_mem>>)
      } else {
      }
      %eq3A_536 = arith.constant 1 : i32
      %eq3A_537 = arith.cmpi eq, %arg0, %eq3A_536 : i32
      %convert_element_type3A_538 = arith.extui %eq3A_537 : i1 to i32
      %cond3A_539 = arith.constant 0 : i32
      %cond3A_540 = arith.cmpi ne, %convert_element_type3A_538, %cond3A_539 : i32
      scf.if %cond3A_540 {
        %mul3A_568 = arith.constant 80 : i32
        %mul3A_569 = arith.muli %add3A_530, %mul3A_568 : i32
        %add3A_570 = arith.addi %add3A_3, %mul3A_569 : i32
        %dma_start3A_571 = tpu.memref_slice %arg5[%add3A_570] : memref<320000xi32, #tpu.memory_space<hbm>> -> memref<80xi32, #tpu.memory_space<hbm>>
        %dma_start3A_572 = tpu.memref_slice %arg5[%add3A_570] : memref<320000xi32, #tpu.memory_space<hbm>> -> memref<80xi32, #tpu.memory_space<hbm>>
        tpu.enqueue_dma source(%dma_start3A_572 : memref<80xi32, #tpu.memory_space<hbm>>) target(%arg14 : memref<80xi32, #tpu.memory_space<vmem>>) target_semaphore(%arg27 : memref<!tpu.dma_semaphore, #tpu.memory_space<semaphore_mem>>)
      } else {
      }
      %dma_wait3A_541 = arith.constant 0 : i32
      %dma_wait3A_542 = tpu.memref_slice %arg4[%dma_wait3A_541] : memref<320000xi32, #tpu.memory_space<hbm>> -> memref<80xi32, #tpu.memory_space<hbm>>
      %dma_wait3A_543 = arith.constant 0 : i32
      %dma_wait3A_544 = tpu.memref_slice %arg4[%dma_wait3A_543] : memref<320000xi32, #tpu.memory_space<hbm>> -> memref<80xi32, #tpu.memory_space<hbm>>
      tpu.wait_dma2 semaphore(%arg23 : memref<!tpu.dma_semaphore, #tpu.memory_space<semaphore_mem>>) src(%dma_wait3A_544 : memref<80xi32, #tpu.memory_space<hbm>>) dst(%arg10 : memref<80xi32, #tpu.memory_space<vmem>>)
      %eq3A_545 = arith.constant 0 : i32
      %eq3A_546 = arith.cmpi eq, %arg0, %eq3A_545 : i32
      %convert_element_type3A_547 = arith.extui %eq3A_546 : i1 to i32
      %cond3A_548 = arith.constant 0 : i32
      %cond3A_549 = arith.cmpi ne, %convert_element_type3A_547, %cond3A_548 : i32
      scf.if %cond3A_549 {
        %dma_start3A_568 = arith.constant 0 : i32
        %dma_start3A_569 = arith.constant 0 : i32
        %dma_start3A_570 = tpu.memref_slice %arg2[%dma_start3A_568, %dma_start3A_569] : memref<10000x128xf32, #tpu.memory_space<hbm>> -> memref<10000x128xf32, #tpu.memory_space<hbm>>
        tpu.enqueue_indirect_dma source(%dma_start3A_570 : memref<10000x128xf32, #tpu.memory_space<hbm>>) target(%arg18 : memref<80x128xf32, #tpu.memory_space<vmem>>) offsets(%arg10 : memref<80xi32, #tpu.memory_space<vmem>>) semaphore(%arg31 : memref<!tpu.dma_semaphore, #tpu.memory_space<semaphore_mem>>)
      } else {
      }
      %eq3A_550 = arith.constant 1 : i32
      %eq3A_551 = arith.cmpi eq, %arg0, %eq3A_550 : i32
      %convert_element_type3A_552 = arith.extui %eq3A_551 : i1 to i32
      %cond3A_553 = arith.constant 0 : i32
      %cond3A_554 = arith.cmpi ne, %convert_element_type3A_552, %cond3A_553 : i32
      scf.if %cond3A_554 {
        %dma_start3A_568 = arith.constant 0 : i32
        %dma_start3A_569 = arith.constant 0 : i32
        %dma_start3A_570 = tpu.memref_slice %arg3[%dma_start3A_568, %dma_start3A_569] : memref<10000x128xf32, #tpu.memory_space<hbm>> -> memref<10000x128xf32, #tpu.memory_space<hbm>>
        tpu.enqueue_indirect_dma source(%dma_start3A_570 : memref<10000x128xf32, #tpu.memory_space<hbm>>) target(%arg18 : memref<80x128xf32, #tpu.memory_space<vmem>>) offsets(%arg10 : memref<80xi32, #tpu.memory_space<vmem>>) semaphore(%arg31 : memref<!tpu.dma_semaphore, #tpu.memory_space<semaphore_mem>>)
      } else {
      }
      %add3A_555 = arith.constant 3 : i32
      %add3A_556 = arith.addi %add3A_509, %add3A_555 : i32
      %eq3A_557 = arith.constant 0 : i32
      %eq3A_558 = arith.cmpi eq, %arg0, %eq3A_557 : i32
      %convert_element_type3A_559 = arith.extui %eq3A_558 : i1 to i32
      %cond3A_560 = arith.constant 0 : i32
      %cond3A_561 = arith.cmpi ne, %convert_element_type3A_559, %cond3A_560 : i32
      scf.if %cond3A_561 {
        %mul3A_568 = arith.constant 80 : i32
        %mul3A_569 = arith.muli %add3A_556, %mul3A_568 : i32
        %add3A_570 = arith.addi %mul3A_0, %mul3A_569 : i32
        %dma_start3A_571 = tpu.memref_slice %arg4[%add3A_570] : memref<320000xi32, #tpu.memory_space<hbm>> -> memref<80xi32, #tpu.memory_space<hbm>>
        %dma_start3A_572 = tpu.memref_slice %arg4[%add3A_570] : memref<320000xi32, #tpu.memory_space<hbm>> -> memref<80xi32, #tpu.memory_space<hbm>>
        tpu.enqueue_dma source(%dma_start3A_572 : memref<80xi32, #tpu.memory_space<hbm>>) target(%arg7 : memref<80xi32, #tpu.memory_space<vmem>>) target_semaphore(%arg20 : memref<!tpu.dma_semaphore, #tpu.memory_space<semaphore_mem>>)
      } else {
      }
      %eq3A_562 = arith.constant 1 : i32
      %eq3A_563 = arith.cmpi eq, %arg0, %eq3A_562 : i32
      %convert_element_type3A_564 = arith.extui %eq3A_563 : i1 to i32
      %cond3A_565 = arith.constant 0 : i32
      %cond3A_566 = arith.cmpi ne, %convert_element_type3A_564, %cond3A_565 : i32
      scf.if %cond3A_566 {
        %mul3A_568 = arith.constant 80 : i32
        %mul3A_569 = arith.muli %add3A_556, %mul3A_568 : i32
        %add3A_570 = arith.addi %mul3A_0, %mul3A_569 : i32
        %dma_start3A_571 = tpu.memref_slice %arg5[%add3A_570] : memref<320000xi32, #tpu.memory_space<hbm>> -> memref<80xi32, #tpu.memory_space<hbm>>
        %dma_start3A_572 = tpu.memref_slice %arg5[%add3A_570] : memref<320000xi32, #tpu.memory_space<hbm>> -> memref<80xi32, #tpu.memory_space<hbm>>
        tpu.enqueue_dma source(%dma_start3A_572 : memref<80xi32, #tpu.memory_space<hbm>>) target(%arg7 : memref<80xi32, #tpu.memory_space<vmem>>) target_semaphore(%arg20 : memref<!tpu.dma_semaphore, #tpu.memory_space<semaphore_mem>>)
      } else {
      }
      %scan3A_567 = arith.constant 0 : i32
      scf.yield %scan3A_567 : i32
    }
    %scan3A_199 = arith.constant 30 : i32
    %dma_wait3A_200 = arith.constant 0 : i32
    %dma_wait3A_201 = arith.constant 0 : i32
    %dma_wait3A_202 = tpu.memref_slice %arg2[%dma_wait3A_200, %dma_wait3A_201] : memref<10000x128xf32, #tpu.memory_space<hbm>> -> memref<80x128xf32, #tpu.memory_space<hbm>>
    %dma_wait3A_203 = arith.constant 0 : i32
    %dma_wait3A_204 = arith.constant 0 : i32
    %dma_wait3A_205 = tpu.memref_slice %arg2[%dma_wait3A_203, %dma_wait3A_204] : memref<10000x128xf32, #tpu.memory_space<hbm>> -> memref<80x128xf32, #tpu.memory_space<hbm>>
    tpu.wait_dma2 semaphore(%arg30 : memref<!tpu.dma_semaphore, #tpu.memory_space<semaphore_mem>>) src(%dma_wait3A_205 : memref<80x128xf32, #tpu.memory_space<hbm>>) dst(%arg17 : memref<80x128xf32, #tpu.memory_space<vmem>>)
    %dma_wait3A_206 = arith.constant 0 : i32
    %dma_wait3A_207 = tpu.memref_slice %arg4[%dma_wait3A_206] : memref<320000xi32, #tpu.memory_space<hbm>> -> memref<80xi32, #tpu.memory_space<hbm>>
    %dma_wait3A_208 = arith.constant 0 : i32
    %dma_wait3A_209 = tpu.memref_slice %arg4[%dma_wait3A_208] : memref<320000xi32, #tpu.memory_space<hbm>> -> memref<80xi32, #tpu.memory_space<hbm>>
    tpu.wait_dma2 semaphore(%arg26 : memref<!tpu.dma_semaphore, #tpu.memory_space<semaphore_mem>>) src(%dma_wait3A_209 : memref<80xi32, #tpu.memory_space<hbm>>) dst(%arg13 : memref<80xi32, #tpu.memory_space<vmem>>)
    %dma_start3A_210 = arith.constant 0 : i32
    %dma_start3A_211 = arith.constant 0 : i32
    %dma_start3A_212 = tpu.memref_slice %arg19[%dma_start3A_210, %dma_start3A_211] : memref<10000x128xf32, #tpu.memory_space<vmem_shared>> -> memref<10000x128xf32, #tpu.memory_space<vmem_shared>>
    tpu.enqueue_indirect_dma source(%arg17 : memref<80x128xf32, #tpu.memory_space<vmem>>) target(%dma_start3A_212 : memref<10000x128xf32, #tpu.memory_space<vmem_shared>>) offsets(%arg13 : memref<80xi32, #tpu.memory_space<vmem>>) semaphore(%arg34 : memref<!tpu.dma_semaphore, #tpu.memory_space<semaphore_mem>>) {add = true}
    %dma_wait3A_213 = arith.constant 0 : i32
    %dma_wait3A_214 = arith.constant 0 : i32
    %dma_wait3A_215 = tpu.memref_slice %arg2[%dma_wait3A_213, %dma_wait3A_214] : memref<10000x128xf32, #tpu.memory_space<hbm>> -> memref<80x128xf32, #tpu.memory_space<hbm>>
    %dma_wait3A_216 = arith.constant 0 : i32
    %dma_wait3A_217 = arith.constant 0 : i32
    %dma_wait3A_218 = tpu.memref_slice %arg2[%dma_wait3A_216, %dma_wait3A_217] : memref<10000x128xf32, #tpu.memory_space<hbm>> -> memref<80x128xf32, #tpu.memory_space<hbm>>
    tpu.wait_dma2 semaphore(%arg32 : memref<!tpu.dma_semaphore, #tpu.memory_space<semaphore_mem>>) src(%dma_wait3A_218 : memref<80x128xf32, #tpu.memory_space<hbm>>) dst(%arg15 : memref<80x128xf32, #tpu.memory_space<vmem>>)
    %eq3A_219 = arith.constant 0 : i32
    %eq3A_220 = arith.cmpi eq, %arg0, %eq3A_219 : i32
    %convert_element_type3A_221 = arith.extui %eq3A_220 : i1 to i32
    %cond3A_222 = arith.constant 0 : i32
    %cond3A_223 = arith.cmpi ne, %convert_element_type3A_221, %cond3A_222 : i32
    scf.if %cond3A_223 {
      %add3A_313 = arith.constant 9920 : i32
      %add3A_314 = arith.addi %add3A_3, %add3A_313 : i32
      %dma_start3A_315 = tpu.memref_slice %arg4[%add3A_314] : memref<320000xi32, #tpu.memory_space<hbm>> -> memref<80xi32, #tpu.memory_space<hbm>>
      %dma_start3A_316 = tpu.memref_slice %arg4[%add3A_314] : memref<320000xi32, #tpu.memory_space<hbm>> -> memref<80xi32, #tpu.memory_space<hbm>>
      tpu.enqueue_dma source(%dma_start3A_316 : memref<80xi32, #tpu.memory_space<hbm>>) target(%arg11 : memref<80xi32, #tpu.memory_space<vmem>>) target_semaphore(%arg24 : memref<!tpu.dma_semaphore, #tpu.memory_space<semaphore_mem>>)
    } else {
    }
    %eq3A_224 = arith.constant 1 : i32
    %eq3A_225 = arith.cmpi eq, %arg0, %eq3A_224 : i32
    %convert_element_type3A_226 = arith.extui %eq3A_225 : i1 to i32
    %cond3A_227 = arith.constant 0 : i32
    %cond3A_228 = arith.cmpi ne, %convert_element_type3A_226, %cond3A_227 : i32
    scf.if %cond3A_228 {
      %add3A_313 = arith.constant 9920 : i32
      %add3A_314 = arith.addi %add3A_3, %add3A_313 : i32
      %dma_start3A_315 = tpu.memref_slice %arg5[%add3A_314] : memref<320000xi32, #tpu.memory_space<hbm>> -> memref<80xi32, #tpu.memory_space<hbm>>
      %dma_start3A_316 = tpu.memref_slice %arg5[%add3A_314] : memref<320000xi32, #tpu.memory_space<hbm>> -> memref<80xi32, #tpu.memory_space<hbm>>
      tpu.enqueue_dma source(%dma_start3A_316 : memref<80xi32, #tpu.memory_space<hbm>>) target(%arg11 : memref<80xi32, #tpu.memory_space<vmem>>) target_semaphore(%arg24 : memref<!tpu.dma_semaphore, #tpu.memory_space<semaphore_mem>>)
    } else {
    }
    %dma_wait3A_229 = arith.constant 0 : i32
    %dma_wait3A_230 = tpu.memref_slice %arg4[%dma_wait3A_229] : memref<320000xi32, #tpu.memory_space<hbm>> -> memref<80xi32, #tpu.memory_space<hbm>>
    %dma_wait3A_231 = arith.constant 0 : i32
    %dma_wait3A_232 = tpu.memref_slice %arg4[%dma_wait3A_231] : memref<320000xi32, #tpu.memory_space<hbm>> -> memref<80xi32, #tpu.memory_space<hbm>>
    tpu.wait_dma2 semaphore(%arg20 : memref<!tpu.dma_semaphore, #tpu.memory_space<semaphore_mem>>) src(%dma_wait3A_232 : memref<80xi32, #tpu.memory_space<hbm>>) dst(%arg7 : memref<80xi32, #tpu.memory_space<vmem>>)
    %eq3A_233 = arith.constant 0 : i32
    %eq3A_234 = arith.cmpi eq, %arg0, %eq3A_233 : i32
    %convert_element_type3A_235 = arith.extui %eq3A_234 : i1 to i32
    %cond3A_236 = arith.constant 0 : i32
    %cond3A_237 = arith.cmpi ne, %convert_element_type3A_235, %cond3A_236 : i32
    scf.if %cond3A_237 {
      %dma_start3A_313 = arith.constant 0 : i32
      %dma_start3A_314 = arith.constant 0 : i32
      %dma_start3A_315 = tpu.memref_slice %arg2[%dma_start3A_313, %dma_start3A_314] : memref<10000x128xf32, #tpu.memory_space<hbm>> -> memref<10000x128xf32, #tpu.memory_space<hbm>>
      tpu.enqueue_indirect_dma source(%dma_start3A_315 : memref<10000x128xf32, #tpu.memory_space<hbm>>) target(%arg15 : memref<80x128xf32, #tpu.memory_space<vmem>>) offsets(%arg7 : memref<80xi32, #tpu.memory_space<vmem>>) semaphore(%arg28 : memref<!tpu.dma_semaphore, #tpu.memory_space<semaphore_mem>>)
    } else {
    }
    %eq3A_238 = arith.constant 1 : i32
    %eq3A_239 = arith.cmpi eq, %arg0, %eq3A_238 : i32
    %convert_element_type3A_240 = arith.extui %eq3A_239 : i1 to i32
    %cond3A_241 = arith.constant 0 : i32
    %cond3A_242 = arith.cmpi ne, %convert_element_type3A_240, %cond3A_241 : i32
    scf.if %cond3A_242 {
      %dma_start3A_313 = arith.constant 0 : i32
      %dma_start3A_314 = arith.constant 0 : i32
      %dma_start3A_315 = tpu.memref_slice %arg3[%dma_start3A_313, %dma_start3A_314] : memref<10000x128xf32, #tpu.memory_space<hbm>> -> memref<10000x128xf32, #tpu.memory_space<hbm>>
      tpu.enqueue_indirect_dma source(%dma_start3A_315 : memref<10000x128xf32, #tpu.memory_space<hbm>>) target(%arg15 : memref<80x128xf32, #tpu.memory_space<vmem>>) offsets(%arg7 : memref<80xi32, #tpu.memory_space<vmem>>) semaphore(%arg28 : memref<!tpu.dma_semaphore, #tpu.memory_space<semaphore_mem>>)
    } else {
    }
    %dma_wait3A_243 = arith.constant 0 : i32
    %dma_wait3A_244 = arith.constant 0 : i32
    %dma_wait3A_245 = tpu.memref_slice %arg2[%dma_wait3A_243, %dma_wait3A_244] : memref<10000x128xf32, #tpu.memory_space<hbm>> -> memref<80x128xf32, #tpu.memory_space<hbm>>
    %dma_wait3A_246 = arith.constant 0 : i32
    %dma_wait3A_247 = arith.constant 0 : i32
    %dma_wait3A_248 = tpu.memref_slice %arg2[%dma_wait3A_246, %dma_wait3A_247] : memref<10000x128xf32, #tpu.memory_space<hbm>> -> memref<80x128xf32, #tpu.memory_space<hbm>>
    tpu.wait_dma2 semaphore(%arg31 : memref<!tpu.dma_semaphore, #tpu.memory_space<semaphore_mem>>) src(%dma_wait3A_248 : memref<80x128xf32, #tpu.memory_space<hbm>>) dst(%arg18 : memref<80x128xf32, #tpu.memory_space<vmem>>)
    %dma_wait3A_249 = arith.constant 0 : i32
    %dma_wait3A_250 = tpu.memref_slice %arg4[%dma_wait3A_249] : memref<320000xi32, #tpu.memory_space<hbm>> -> memref<80xi32, #tpu.memory_space<hbm>>
    %dma_wait3A_251 = arith.constant 0 : i32
    %dma_wait3A_252 = tpu.memref_slice %arg4[%dma_wait3A_251] : memref<320000xi32, #tpu.memory_space<hbm>> -> memref<80xi32, #tpu.memory_space<hbm>>
    tpu.wait_dma2 semaphore(%arg27 : memref<!tpu.dma_semaphore, #tpu.memory_space<semaphore_mem>>) src(%dma_wait3A_252 : memref<80xi32, #tpu.memory_space<hbm>>) dst(%arg14 : memref<80xi32, #tpu.memory_space<vmem>>)
    %dma_start3A_253 = arith.constant 0 : i32
    %dma_start3A_254 = arith.constant 0 : i32
    %dma_start3A_255 = tpu.memref_slice %arg19[%dma_start3A_253, %dma_start3A_254] : memref<10000x128xf32, #tpu.memory_space<vmem_shared>> -> memref<10000x128xf32, #tpu.memory_space<vmem_shared>>
    tpu.enqueue_indirect_dma source(%arg18 : memref<80x128xf32, #tpu.memory_space<vmem>>) target(%dma_start3A_255 : memref<10000x128xf32, #tpu.memory_space<vmem_shared>>) offsets(%arg14 : memref<80xi32, #tpu.memory_space<vmem>>) semaphore(%arg35 : memref<!tpu.dma_semaphore, #tpu.memory_space<semaphore_mem>>) {add = true}
    %dma_wait3A_256 = arith.constant 0 : i32
    %dma_wait3A_257 = arith.constant 0 : i32
    %dma_wait3A_258 = tpu.memref_slice %arg2[%dma_wait3A_256, %dma_wait3A_257] : memref<10000x128xf32, #tpu.memory_space<hbm>> -> memref<80x128xf32, #tpu.memory_space<hbm>>
    %dma_wait3A_259 = arith.constant 0 : i32
    %dma_wait3A_260 = arith.constant 0 : i32
    %dma_wait3A_261 = tpu.memref_slice %arg2[%dma_wait3A_259, %dma_wait3A_260] : memref<10000x128xf32, #tpu.memory_space<hbm>> -> memref<80x128xf32, #tpu.memory_space<hbm>>
    tpu.wait_dma2 semaphore(%arg33 : memref<!tpu.dma_semaphore, #tpu.memory_space<semaphore_mem>>) src(%dma_wait3A_261 : memref<80x128xf32, #tpu.memory_space<hbm>>) dst(%arg16 : memref<80x128xf32, #tpu.memory_space<vmem>>)
    %dma_wait3A_262 = arith.constant 0 : i32
    %dma_wait3A_263 = arith.constant 0 : i32
    %dma_wait3A_264 = tpu.memref_slice %arg2[%dma_wait3A_262, %dma_wait3A_263] : memref<10000x128xf32, #tpu.memory_space<hbm>> -> memref<80x128xf32, #tpu.memory_space<hbm>>
    %dma_wait3A_265 = arith.constant 0 : i32
    %dma_wait3A_266 = arith.constant 0 : i32
    %dma_wait3A_267 = tpu.memref_slice %arg2[%dma_wait3A_265, %dma_wait3A_266] : memref<10000x128xf32, #tpu.memory_space<hbm>> -> memref<80x128xf32, #tpu.memory_space<hbm>>
    tpu.wait_dma2 semaphore(%arg28 : memref<!tpu.dma_semaphore, #tpu.memory_space<semaphore_mem>>) src(%dma_wait3A_267 : memref<80x128xf32, #tpu.memory_space<hbm>>) dst(%arg15 : memref<80x128xf32, #tpu.memory_space<vmem>>)
    %dma_wait3A_268 = arith.constant 0 : i32
    %dma_wait3A_269 = tpu.memref_slice %arg4[%dma_wait3A_268] : memref<320000xi32, #tpu.memory_space<hbm>> -> memref<80xi32, #tpu.memory_space<hbm>>
    %dma_wait3A_270 = arith.constant 0 : i32
    %dma_wait3A_271 = tpu.memref_slice %arg4[%dma_wait3A_270] : memref<320000xi32, #tpu.memory_space<hbm>> -> memref<80xi32, #tpu.memory_space<hbm>>
    tpu.wait_dma2 semaphore(%arg24 : memref<!tpu.dma_semaphore, #tpu.memory_space<semaphore_mem>>) src(%dma_wait3A_271 : memref<80xi32, #tpu.memory_space<hbm>>) dst(%arg11 : memref<80xi32, #tpu.memory_space<vmem>>)
    %dma_start3A_272 = arith.constant 0 : i32
    %dma_start3A_273 = arith.constant 0 : i32
    %dma_start3A_274 = tpu.memref_slice %arg19[%dma_start3A_272, %dma_start3A_273] : memref<10000x128xf32, #tpu.memory_space<vmem_shared>> -> memref<10000x128xf32, #tpu.memory_space<vmem_shared>>
    tpu.enqueue_indirect_dma source(%arg15 : memref<80x128xf32, #tpu.memory_space<vmem>>) target(%dma_start3A_274 : memref<10000x128xf32, #tpu.memory_space<vmem_shared>>) offsets(%arg11 : memref<80xi32, #tpu.memory_space<vmem>>) semaphore(%arg32 : memref<!tpu.dma_semaphore, #tpu.memory_space<semaphore_mem>>) {add = true}
    %dma_wait3A_275 = arith.constant 0 : i32
    %dma_wait3A_276 = arith.constant 0 : i32
    %dma_wait3A_277 = tpu.memref_slice %arg2[%dma_wait3A_275, %dma_wait3A_276] : memref<10000x128xf32, #tpu.memory_space<hbm>> -> memref<80x128xf32, #tpu.memory_space<hbm>>
    %dma_wait3A_278 = arith.constant 0 : i32
    %dma_wait3A_279 = arith.constant 0 : i32
    %dma_wait3A_280 = tpu.memref_slice %arg2[%dma_wait3A_278, %dma_wait3A_279] : memref<10000x128xf32, #tpu.memory_space<hbm>> -> memref<80x128xf32, #tpu.memory_space<hbm>>
    tpu.wait_dma2 semaphore(%arg34 : memref<!tpu.dma_semaphore, #tpu.memory_space<semaphore_mem>>) src(%dma_wait3A_280 : memref<80x128xf32, #tpu.memory_space<hbm>>) dst(%arg17 : memref<80x128xf32, #tpu.memory_space<vmem>>)
    %dma_wait3A_281 = arith.constant 0 : i32
    %dma_wait3A_282 = arith.constant 0 : i32
    %dma_wait3A_283 = tpu.memref_slice %arg2[%dma_wait3A_281, %dma_wait3A_282] : memref<10000x128xf32, #tpu.memory_space<hbm>> -> memref<80x128xf32, #tpu.memory_space<hbm>>
    %dma_wait3A_284 = arith.constant 0 : i32
    %dma_wait3A_285 = arith.constant 0 : i32
    %dma_wait3A_286 = tpu.memref_slice %arg2[%dma_wait3A_284, %dma_wait3A_285] : memref<10000x128xf32, #tpu.memory_space<hbm>> -> memref<80x128xf32, #tpu.memory_space<hbm>>
    tpu.wait_dma2 semaphore(%arg35 : memref<!tpu.dma_semaphore, #tpu.memory_space<semaphore_mem>>) src(%dma_wait3A_286 : memref<80x128xf32, #tpu.memory_space<hbm>>) dst(%arg18 : memref<80x128xf32, #tpu.memory_space<vmem>>)
    %dma_wait3A_287 = arith.constant 0 : i32
    %dma_wait3A_288 = arith.constant 0 : i32
    %dma_wait3A_289 = tpu.memref_slice %arg2[%dma_wait3A_287, %dma_wait3A_288] : memref<10000x128xf32, #tpu.memory_space<hbm>> -> memref<80x128xf32, #tpu.memory_space<hbm>>
    %dma_wait3A_290 = arith.constant 0 : i32
    %dma_wait3A_291 = arith.constant 0 : i32
    %dma_wait3A_292 = tpu.memref_slice %arg2[%dma_wait3A_290, %dma_wait3A_291] : memref<10000x128xf32, #tpu.memory_space<hbm>> -> memref<80x128xf32, #tpu.memory_space<hbm>>
    tpu.wait_dma2 semaphore(%arg32 : memref<!tpu.dma_semaphore, #tpu.memory_space<semaphore_mem>>) src(%dma_wait3A_292 : memref<80x128xf32, #tpu.memory_space<hbm>>) dst(%arg15 : memref<80x128xf32, #tpu.memory_space<vmem>>)
    %barrier3A_293 = arith.constant 0 : index
    tpu.barrier barrier_id(%barrier3A_293)
    %mul3A_294 = arith.constant 10000 : i32
    %mul3A_295 = arith.muli %arg0, %mul3A_294 : i32
    %add3A_296 = arith.addi %mul3A_295, %mul3A_58 : i32
    %scan3A_297 = arith.constant 0 : i32
    %scan3A_298 = arith.constant 0 : i32
    %scan3A_299 = arith.constant 7 : i32
    %scan3A_300 = arith.addi %scan3A_298, %scan3A_299 : i32
    %scan3A_301 = arith.constant 1 : i32
    %scan3A_302 = scf.for %scan3A_313 = %scan3A_298 to %scan3A_300 step %scan3A_301 iter_args(%scan3A_314 = %scan3A_297) -> (i32)  : i32 {
      %mul3A_315 = arith.constant 80 : i32
      %mul3A_316 = arith.muli %scan3A_313, %mul3A_315 : i32
      %add3A_317 = arith.addi %mul3A_58, %mul3A_316 : i32
      "tpu.region"() ({
        %run_scoped3A = tpu.sem_alloc : memref<!tpu.dma_semaphore, #tpu.memory_space<semaphore_mem>>
        %dma_start3A_322 = arith.constant 0 : i32
        %dma_start3A_323 = tpu.memref_slice %arg19[%add3A_317, %dma_start3A_322] : memref<10000x128xf32, #tpu.memory_space<vmem_shared>> -> memref<80x128xf32, #tpu.memory_space<vmem_shared>>
        %dma_start3A_324 = arith.constant 0 : i32
        %dma_start3A_325 = tpu.memref_slice %arg19[%add3A_317, %dma_start3A_324] : memref<10000x128xf32, #tpu.memory_space<vmem_shared>> -> memref<80x128xf32, #tpu.memory_space<vmem_shared>>
        tpu.enqueue_dma source(%dma_start3A_325 : memref<80x128xf32, #tpu.memory_space<vmem_shared>>) target(%arg15 : memref<80x128xf32, #tpu.memory_space<vmem>>) target_semaphore(%run_scoped3A : memref<!tpu.dma_semaphore, #tpu.memory_space<semaphore_mem>>)
        %dma_wait3A_326 = arith.constant 0 : i32
        %dma_wait3A_327 = tpu.memref_slice %arg19[%add3A_317, %dma_wait3A_326] : memref<10000x128xf32, #tpu.memory_space<vmem_shared>> -> memref<80x128xf32, #tpu.memory_space<vmem_shared>>
        %dma_wait3A_328 = arith.constant 0 : i32
        %dma_wait3A_329 = tpu.memref_slice %arg19[%add3A_317, %dma_wait3A_328] : memref<10000x128xf32, #tpu.memory_space<vmem_shared>> -> memref<80x128xf32, #tpu.memory_space<vmem_shared>>
        tpu.wait_dma2 semaphore(%run_scoped3A : memref<!tpu.dma_semaphore, #tpu.memory_space<semaphore_mem>>) src(%dma_wait3A_329 : memref<80x128xf32, #tpu.memory_space<vmem_shared>>) dst(%arg15 : memref<80x128xf32, #tpu.memory_space<vmem>>)
        tpu.yield
      }) : () -> ()
      %mul3A_318 = arith.constant 80 : i32
      %mul3A_319 = arith.muli %scan3A_313, %mul3A_318 : i32
      %add3A_320 = arith.addi %add3A_296, %mul3A_319 : i32
      "tpu.region"() ({
        %run_scoped3A = tpu.sem_alloc : memref<!tpu.dma_semaphore, #tpu.memory_space<semaphore_mem>>
        %dma_start3A_322 = arith.constant 0 : i32
        %dma_start3A_323 = tpu.memref_slice %arg6[%add3A_320, %dma_start3A_322] : memref<20000x128xf32, #tpu.memory_space<hbm>> -> memref<80x128xf32, #tpu.memory_space<hbm>>
        %dma_start3A_324 = arith.constant 0 : i32
        %dma_start3A_325 = tpu.memref_slice %arg6[%add3A_320, %dma_start3A_324] : memref<20000x128xf32, #tpu.memory_space<hbm>> -> memref<80x128xf32, #tpu.memory_space<hbm>>
        tpu.enqueue_dma source(%arg15 : memref<80x128xf32, #tpu.memory_space<vmem>>) target(%dma_start3A_325 : memref<80x128xf32, #tpu.memory_space<hbm>>) target_semaphore(%run_scoped3A : memref<!tpu.dma_semaphore, #tpu.memory_space<semaphore_mem>>)
        %dma_wait3A_326 = arith.constant 0 : i32
        %dma_wait3A_327 = tpu.memref_slice %arg6[%add3A_320, %dma_wait3A_326] : memref<20000x128xf32, #tpu.memory_space<hbm>> -> memref<80x128xf32, #tpu.memory_space<hbm>>
        %dma_wait3A_328 = arith.constant 0 : i32
        %dma_wait3A_329 = tpu.memref_slice %arg6[%add3A_320, %dma_wait3A_328] : memref<20000x128xf32, #tpu.memory_space<hbm>> -> memref<80x128xf32, #tpu.memory_space<hbm>>
        tpu.wait_dma2 semaphore(%run_scoped3A : memref<!tpu.dma_semaphore, #tpu.memory_space<semaphore_mem>>) src(%arg15 : memref<80x128xf32, #tpu.memory_space<vmem>>) dst(%dma_wait3A_329 : memref<80x128xf32, #tpu.memory_space<hbm>>)
        tpu.yield
      }) : () -> ()
      %scan3A_321 = arith.constant 0 : i32
      scf.yield %scan3A_321 : i32
    }
    %scan3A_303 = arith.constant 7 : i32
    %add3A_304 = arith.constant 560 : i32
    %add3A_305 = arith.addi %mul3A_58, %add3A_304 : i32
    "tpu.region"() ({
      %run_scoped3A = tpu.sem_alloc : memref<!tpu.dma_semaphore, #tpu.memory_space<semaphore_mem>>
      %dma_start3A_313 = arith.constant 0 : i32
      %dma_start3A_314 = arith.constant 0 : i32
      %dma_start3A_315 = tpu.memref_slice %arg16[%dma_start3A_313, %dma_start3A_314] : memref<80x128xf32, #tpu.memory_space<vmem>> -> memref<64x128xf32, #tpu.memory_space<vmem>>
      %dma_start3A_316 = arith.constant 0 : i32
      %dma_start3A_317 = tpu.memref_slice %arg19[%add3A_305, %dma_start3A_316] : memref<10000x128xf32, #tpu.memory_space<vmem_shared>> -> memref<64x128xf32, #tpu.memory_space<vmem_shared>>
      %dma_start3A_318 = arith.constant 0 : i32
      %dma_start3A_319 = arith.constant 0 : i32
      %dma_start3A_320 = tpu.memref_slice %arg16[%dma_start3A_318, %dma_start3A_319] : memref<80x128xf32, #tpu.memory_space<vmem>> -> memref<64x128xf32, #tpu.memory_space<vmem>>
      %dma_start3A_321 = arith.constant 0 : i32
      %dma_start3A_322 = tpu.memref_slice %arg19[%add3A_305, %dma_start3A_321] : memref<10000x128xf32, #tpu.memory_space<vmem_shared>> -> memref<64x128xf32, #tpu.memory_space<vmem_shared>>
      tpu.enqueue_dma source(%dma_start3A_322 : memref<64x128xf32, #tpu.memory_space<vmem_shared>>) target(%dma_start3A_320 : memref<64x128xf32, #tpu.memory_space<vmem>>) target_semaphore(%run_scoped3A : memref<!tpu.dma_semaphore, #tpu.memory_space<semaphore_mem>>)
      %dma_wait3A_323 = arith.constant 0 : i32
      %dma_wait3A_324 = arith.constant 0 : i32
      %dma_wait3A_325 = tpu.memref_slice %arg16[%dma_wait3A_323, %dma_wait3A_324] : memref<80x128xf32, #tpu.memory_space<vmem>> -> memref<64x128xf32, #tpu.memory_space<vmem>>
      %dma_wait3A_326 = arith.constant 0 : i32
      %dma_wait3A_327 = tpu.memref_slice %arg19[%add3A_305, %dma_wait3A_326] : memref<10000x128xf32, #tpu.memory_space<vmem_shared>> -> memref<64x128xf32, #tpu.memory_space<vmem_shared>>
      %dma_wait3A_328 = arith.constant 0 : i32
      %dma_wait3A_329 = arith.constant 0 : i32
      %dma_wait3A_330 = tpu.memref_slice %arg16[%dma_wait3A_328, %dma_wait3A_329] : memref<80x128xf32, #tpu.memory_space<vmem>> -> memref<64x128xf32, #tpu.memory_space<vmem>>
      %dma_wait3A_331 = arith.constant 0 : i32
      %dma_wait3A_332 = tpu.memref_slice %arg19[%add3A_305, %dma_wait3A_331] : memref<10000x128xf32, #tpu.memory_space<vmem_shared>> -> memref<64x128xf32, #tpu.memory_space<vmem_shared>>
      tpu.wait_dma2 semaphore(%run_scoped3A : memref<!tpu.dma_semaphore, #tpu.memory_space<semaphore_mem>>) src(%dma_wait3A_332 : memref<64x128xf32, #tpu.memory_space<vmem_shared>>) dst(%dma_wait3A_330 : memref<64x128xf32, #tpu.memory_space<vmem>>)
      tpu.yield
    }) : () -> ()
    %add3A_306 = arith.constant 560 : i32
    %add3A_307 = arith.addi %add3A_296, %add3A_306 : i32
    "tpu.region"() ({
      %run_scoped3A = tpu.sem_alloc : memref<!tpu.dma_semaphore, #tpu.memory_space<semaphore_mem>>
      %dma_start3A_313 = arith.constant 0 : i32
      %dma_start3A_314 = arith.constant 0 : i32
      %dma_start3A_315 = tpu.memref_slice %arg16[%dma_start3A_313, %dma_start3A_314] : memref<80x128xf32, #tpu.memory_space<vmem>> -> memref<64x128xf32, #tpu.memory_space<vmem>>
      %dma_start3A_316 = arith.constant 0 : i32
      %dma_start3A_317 = tpu.memref_slice %arg6[%add3A_307, %dma_start3A_316] : memref<20000x128xf32, #tpu.memory_space<hbm>> -> memref<64x128xf32, #tpu.memory_space<hbm>>
      %dma_start3A_318 = arith.constant 0 : i32
      %dma_start3A_319 = tpu.memref_slice %arg6[%add3A_307, %dma_start3A_318] : memref<20000x128xf32, #tpu.memory_space<hbm>> -> memref<64x128xf32, #tpu.memory_space<hbm>>
      %dma_start3A_320 = arith.constant 0 : i32
      %dma_start3A_321 = arith.constant 0 : i32
      %dma_start3A_322 = tpu.memref_slice %arg16[%dma_start3A_320, %dma_start3A_321] : memref<80x128xf32, #tpu.memory_space<vmem>> -> memref<64x128xf32, #tpu.memory_space<vmem>>
      tpu.enqueue_dma source(%dma_start3A_322 : memref<64x128xf32, #tpu.memory_space<vmem>>) target(%dma_start3A_319 : memref<64x128xf32, #tpu.memory_space<hbm>>) target_semaphore(%run_scoped3A : memref<!tpu.dma_semaphore, #tpu.memory_space<semaphore_mem>>)
      %dma_wait3A_323 = arith.constant 0 : i32
      %dma_wait3A_324 = arith.constant 0 : i32
      %dma_wait3A_325 = tpu.memref_slice %arg16[%dma_wait3A_323, %dma_wait3A_324] : memref<80x128xf32, #tpu.memory_space<vmem>> -> memref<64x128xf32, #tpu.memory_space<vmem>>
      %dma_wait3A_326 = arith.constant 0 : i32
      %dma_wait3A_327 = tpu.memref_slice %arg6[%add3A_307, %dma_wait3A_326] : memref<20000x128xf32, #tpu.memory_space<hbm>> -> memref<64x128xf32, #tpu.memory_space<hbm>>
      %dma_wait3A_328 = arith.constant 0 : i32
      %dma_wait3A_329 = tpu.memref_slice %arg6[%add3A_307, %dma_wait3A_328] : memref<20000x128xf32, #tpu.memory_space<hbm>> -> memref<64x128xf32, #tpu.memory_space<hbm>>
      %dma_wait3A_330 = arith.constant 0 : i32
      %dma_wait3A_331 = arith.constant 0 : i32
      %dma_wait3A_332 = tpu.memref_slice %arg16[%dma_wait3A_330, %dma_wait3A_331] : memref<80x128xf32, #tpu.memory_space<vmem>> -> memref<64x128xf32, #tpu.memory_space<vmem>>
      tpu.wait_dma2 semaphore(%run_scoped3A : memref<!tpu.dma_semaphore, #tpu.memory_space<semaphore_mem>>) src(%dma_wait3A_332 : memref<64x128xf32, #tpu.memory_space<vmem>>) dst(%dma_wait3A_329 : memref<64x128xf32, #tpu.memory_space<hbm>>)
      tpu.yield
    }) : () -> ()
    %eq3A_308 = arith.constant 15 : i32
    %eq3A_309 = arith.cmpi eq, %arg1, %eq3A_308 : i32
    %convert_element_type3A_310 = arith.extui %eq3A_309 : i1 to i32
    %cond3A_311 = arith.constant 0 : i32
    %cond3A_312 = arith.cmpi ne, %convert_element_type3A_310, %cond3A_311 : i32
    scf.if %cond3A_312 {
      "tpu.region"() ({
        %run_scoped3A = tpu.sem_alloc : memref<!tpu.dma_semaphore, #tpu.memory_space<semaphore_mem>>
        %dma_start3A_317 = arith.constant 0 : i32
        %dma_start3A_318 = arith.constant 0 : i32
        %dma_start3A_319 = tpu.memref_slice %arg17[%dma_start3A_317, %dma_start3A_318] : memref<80x128xf32, #tpu.memory_space<vmem>> -> memref<16x128xf32, #tpu.memory_space<vmem>>
        %dma_start3A_320 = arith.constant 9984 : i32
        %dma_start3A_321 = arith.constant 0 : i32
        %dma_start3A_322 = tpu.memref_slice %arg19[%dma_start3A_320, %dma_start3A_321] : memref<10000x128xf32, #tpu.memory_space<vmem_shared>> -> memref<16x128xf32, #tpu.memory_space<vmem_shared>>
        %dma_start3A_323 = arith.constant 0 : i32
        %dma_start3A_324 = arith.constant 0 : i32
        %dma_start3A_325 = tpu.memref_slice %arg17[%dma_start3A_323, %dma_start3A_324] : memref<80x128xf32, #tpu.memory_space<vmem>> -> memref<16x128xf32, #tpu.memory_space<vmem>>
        %dma_start3A_326 = arith.constant 9984 : i32
        %dma_start3A_327 = arith.constant 0 : i32
        %dma_start3A_328 = tpu.memref_slice %arg19[%dma_start3A_326, %dma_start3A_327] : memref<10000x128xf32, #tpu.memory_space<vmem_shared>> -> memref<16x128xf32, #tpu.memory_space<vmem_shared>>
        tpu.enqueue_dma source(%dma_start3A_328 : memref<16x128xf32, #tpu.memory_space<vmem_shared>>) target(%dma_start3A_325 : memref<16x128xf32, #tpu.memory_space<vmem>>) target_semaphore(%run_scoped3A : memref<!tpu.dma_semaphore, #tpu.memory_space<semaphore_mem>>)
        %dma_wait3A_329 = arith.constant 0 : i32
        %dma_wait3A_330 = arith.constant 0 : i32
        %dma_wait3A_331 = tpu.memref_slice %arg17[%dma_wait3A_329, %dma_wait3A_330] : memref<80x128xf32, #tpu.memory_space<vmem>> -> memref<16x128xf32, #tpu.memory_space<vmem>>
        %dma_wait3A_332 = arith.constant 9984 : i32
        %dma_wait3A_333 = arith.constant 0 : i32
        %dma_wait3A_334 = tpu.memref_slice %arg19[%dma_wait3A_332, %dma_wait3A_333] : memref<10000x128xf32, #tpu.memory_space<vmem_shared>> -> memref<16x128xf32, #tpu.memory_space<vmem_shared>>
        %dma_wait3A_335 = arith.constant 0 : i32
        %dma_wait3A_336 = arith.constant 0 : i32
        %dma_wait3A_337 = tpu.memref_slice %arg17[%dma_wait3A_335, %dma_wait3A_336] : memref<80x128xf32, #tpu.memory_space<vmem>> -> memref<16x128xf32, #tpu.memory_space<vmem>>
        %dma_wait3A_338 = arith.constant 9984 : i32
        %dma_wait3A_339 = arith.constant 0 : i32
        %dma_wait3A_340 = tpu.memref_slice %arg19[%dma_wait3A_338, %dma_wait3A_339] : memref<10000x128xf32, #tpu.memory_space<vmem_shared>> -> memref<16x128xf32, #tpu.memory_space<vmem_shared>>
        tpu.wait_dma2 semaphore(%run_scoped3A : memref<!tpu.dma_semaphore, #tpu.memory_space<semaphore_mem>>) src(%dma_wait3A_340 : memref<16x128xf32, #tpu.memory_space<vmem_shared>>) dst(%dma_wait3A_337 : memref<16x128xf32, #tpu.memory_space<vmem>>)
        tpu.yield
      }) : () -> ()
      %mul3A_313 = arith.constant 10000 : i32
      %mul3A_314 = arith.muli %arg0, %mul3A_313 : i32
      %add3A_315 = arith.constant 9984 : i32
      %add3A_316 = arith.addi %mul3A_314, %add3A_315 : i32
      "tpu.region"() ({
        %run_scoped3A = tpu.sem_alloc : memref<!tpu.dma_semaphore, #tpu.memory_space<semaphore_mem>>
        %dma_start3A_317 = arith.constant 0 : i32
        %dma_start3A_318 = arith.constant 0 : i32
        %dma_start3A_319 = tpu.memref_slice %arg17[%dma_start3A_317, %dma_start3A_318] : memref<80x128xf32, #tpu.memory_space<vmem>> -> memref<16x128xf32, #tpu.memory_space<vmem>>
        %dma_start3A_320 = arith.constant 0 : i32
        %dma_start3A_321 = tpu.memref_slice %arg6[%add3A_316, %dma_start3A_320] : memref<20000x128xf32, #tpu.memory_space<hbm>> -> memref<16x128xf32, #tpu.memory_space<hbm>>
        %dma_start3A_322 = arith.constant 0 : i32
        %dma_start3A_323 = tpu.memref_slice %arg6[%add3A_316, %dma_start3A_322] : memref<20000x128xf32, #tpu.memory_space<hbm>> -> memref<16x128xf32, #tpu.memory_space<hbm>>
        %dma_start3A_324 = arith.constant 0 : i32
        %dma_start3A_325 = arith.constant 0 : i32
        %dma_start3A_326 = tpu.memref_slice %arg17[%dma_start3A_324, %dma_start3A_325] : memref<80x128xf32, #tpu.memory_space<vmem>> -> memref<16x128xf32, #tpu.memory_space<vmem>>
        tpu.enqueue_dma source(%dma_start3A_326 : memref<16x128xf32, #tpu.memory_space<vmem>>) target(%dma_start3A_323 : memref<16x128xf32, #tpu.memory_space<hbm>>) target_semaphore(%run_scoped3A : memref<!tpu.dma_semaphore, #tpu.memory_space<semaphore_mem>>)
        %dma_wait3A_327 = arith.constant 0 : i32
        %dma_wait3A_328 = arith.constant 0 : i32
        %dma_wait3A_329 = tpu.memref_slice %arg17[%dma_wait3A_327, %dma_wait3A_328] : memref<80x128xf32, #tpu.memory_space<vmem>> -> memref<16x128xf32, #tpu.memory_space<vmem>>
        %dma_wait3A_330 = arith.constant 0 : i32
        %dma_wait3A_331 = tpu.memref_slice %arg6[%add3A_316, %dma_wait3A_330] : memref<20000x128xf32, #tpu.memory_space<hbm>> -> memref<16x128xf32, #tpu.memory_space<hbm>>
        %dma_wait3A_332 = arith.constant 0 : i32
        %dma_wait3A_333 = tpu.memref_slice %arg6[%add3A_316, %dma_wait3A_332] : memref<20000x128xf32, #tpu.memory_space<hbm>> -> memref<16x128xf32, #tpu.memory_space<hbm>>
        %dma_wait3A_334 = arith.constant 0 : i32
        %dma_wait3A_335 = arith.constant 0 : i32
        %dma_wait3A_336 = tpu.memref_slice %arg17[%dma_wait3A_334, %dma_wait3A_335] : memref<80x128xf32, #tpu.memory_space<vmem>> -> memref<16x128xf32, #tpu.memory_space<vmem>>
        tpu.wait_dma2 semaphore(%run_scoped3A : memref<!tpu.dma_semaphore, #tpu.memory_space<semaphore_mem>>) src(%dma_wait3A_336 : memref<16x128xf32, #tpu.memory_space<vmem>>) dst(%dma_wait3A_333 : memref<16x128xf32, #tpu.memory_space<hbm>>)
        tpu.yield
      }) : () -> ()
    } else {
    }
    return
  }
}

#map = affine_map<(d0, d1) -> (0)>
module attributes {stable_mosaic.version = 14 : i64} {
  func.func @_deg_body(%arg0: i32, %arg1: i32, %arg2: memref<320000xi32, #tpu.memory_space<hbm>>, %arg3: memref<320000xi32, #tpu.memory_space<hbm>>, %arg4: memref<20000xf32, #tpu.memory_space<hbm>>, %arg5: memref<640xf32, #tpu.memory_space<vmem>>, %arg6: memref<10000xi32, #tpu.memory_space<vmem>>, %arg7: memref<!tpu.dma_semaphore, #tpu.memory_space<semaphore_mem>>, %arg8: memref<!tpu.dma_semaphore, #tpu.memory_space<semaphore_mem>>, %arg9: memref<10000xf32, #tpu.memory_space<vmem_shared>>) attributes {dimension_semantics = [#tpu.dimension_semantics<core_parallel>, #tpu.dimension_semantics<subcore_parallel>], iteration_bounds = array<i64: 2, 16>, scalar_prefetch = 0 : i64, scratch_operands = 5 : i64, tpu.core_type = #tpu.core_type<sc_vector_subcore>, window_params = [{transform_indices = #map}, {transform_indices = #map}, {transform_indices = #map}]} {
    %mul3A = arith.constant 10000 : i32
    %mul3A_0 = arith.muli %arg1, %mul3A : i32
    %add3A = arith.constant 160000 : i32
    %add3A_1 = arith.addi %add3A, %mul3A_0 : i32
    %eq3A = arith.constant 0 : i32
    %eq3A_2 = arith.cmpi eq, %arg0, %eq3A : i32
    %convert_element_type3A = arith.extui %eq3A_2 : i1 to i32
    %cond3A = arith.constant 0 : i32
    %cond3A_3 = arith.cmpi ne, %convert_element_type3A, %cond3A : i32
    scf.if %cond3A_3 {
      %dma_start3A = tpu.memref_slice %arg2[%add3A_1] : memref<320000xi32, #tpu.memory_space<hbm>> -> memref<10000xi32, #tpu.memory_space<hbm>>
      %dma_start3A_53 = tpu.memref_slice %arg2[%add3A_1] : memref<320000xi32, #tpu.memory_space<hbm>> -> memref<10000xi32, #tpu.memory_space<hbm>>
      tpu.enqueue_dma source(%dma_start3A_53 : memref<10000xi32, #tpu.memory_space<hbm>>) target(%arg6 : memref<10000xi32, #tpu.memory_space<vmem>>) target_semaphore(%arg7 : memref<!tpu.dma_semaphore, #tpu.memory_space<semaphore_mem>>)
    } else {
    }
    %eq3A_4 = arith.constant 1 : i32
    %eq3A_5 = arith.cmpi eq, %arg0, %eq3A_4 : i32
    %convert_element_type3A_6 = arith.extui %eq3A_5 : i1 to i32
    %cond3A_7 = arith.constant 0 : i32
    %cond3A_8 = arith.cmpi ne, %convert_element_type3A_6, %cond3A_7 : i32
    scf.if %cond3A_8 {
      %dma_start3A = tpu.memref_slice %arg3[%add3A_1] : memref<320000xi32, #tpu.memory_space<hbm>> -> memref<10000xi32, #tpu.memory_space<hbm>>
      %dma_start3A_53 = tpu.memref_slice %arg3[%add3A_1] : memref<320000xi32, #tpu.memory_space<hbm>> -> memref<10000xi32, #tpu.memory_space<hbm>>
      tpu.enqueue_dma source(%dma_start3A_53 : memref<10000xi32, #tpu.memory_space<hbm>>) target(%arg6 : memref<10000xi32, #tpu.memory_space<vmem>>) target_semaphore(%arg7 : memref<!tpu.dma_semaphore, #tpu.memory_space<semaphore_mem>>)
    } else {
    }
    %scan3A = arith.constant 0 : i32
    %scan3A_9 = arith.constant 0 : i32
    %scan3A_10 = arith.constant 40 : i32
    %scan3A_11 = arith.addi %scan3A_9, %scan3A_10 : i32
    %scan3A_12 = arith.constant 1 : i32
    %scan3A_13 = scf.for %scan3A_53 = %scan3A_9 to %scan3A_11 step %scan3A_12 iter_args(%scan3A_54 = %scan3A) -> (i32)  : i32 {
      %broadcast_in_dim3A = arith.constant 1.000000e+00 : f32
      %broadcast_in_dim3A_55 = vector.broadcast %broadcast_in_dim3A : f32 to vector<16xf32>
      %mul3A_56 = arith.constant 16 : i32
      %mul3A_57 = arith.muli %scan3A_53, %mul3A_56 : i32
      %swap3A = arith.index_cast %mul3A_57 : i32 to index
      %swap3A_58 = tpu.vector_load %arg5[%swap3A] {strides = array<i32>} : memref<640xf32, #tpu.memory_space<vmem>>, vector<16xf32>,
      %swap3A_59 = vector.shape_cast %swap3A_58 : vector<16xf32> to vector<16xf32>
      %swap3A_60 = vector.shape_cast %broadcast_in_dim3A_55 : vector<16xf32> to vector<16xf32>
      tpu.vector_store %arg5[%swap3A], %swap3A_60 {strides = array<i32>} : memref<640xf32, #tpu.memory_space<vmem>>, vector<16xf32>,
      %scan3A_61 = arith.constant 0 : i32
      scf.yield %scan3A_61 : i32
    }
    %scan3A_14 = arith.constant 40 : i32
    %mul3A_15 = arith.constant 624 : i32
    %mul3A_16 = arith.muli %arg1, %mul3A_15 : i32
    "tpu.region"() ({
      %run_scoped3A = tpu.sem_alloc : memref<!tpu.dma_semaphore, #tpu.memory_space<semaphore_mem>>
      %dma_start3A = arith.constant 0 : i32
      %dma_start3A_53 = tpu.memref_slice %arg5[%dma_start3A] : memref<640xf32, #tpu.memory_space<vmem>> -> memref<624xf32, #tpu.memory_space<vmem>>
      %dma_start3A_54 = tpu.memref_slice %arg9[%mul3A_16] : memref<10000xf32, #tpu.memory_space<vmem_shared>> -> memref<624xf32, #tpu.memory_space<vmem_shared>>
      %dma_start3A_55 = tpu.memref_slice %arg9[%mul3A_16] : memref<10000xf32, #tpu.memory_space<vmem_shared>> -> memref<624xf32, #tpu.memory_space<vmem_shared>>
      %dma_start3A_56 = arith.constant 0 : i32
      %dma_start3A_57 = tpu.memref_slice %arg5[%dma_start3A_56] : memref<640xf32, #tpu.memory_space<vmem>> -> memref<624xf32, #tpu.memory_space<vmem>>
      tpu.enqueue_dma source(%dma_start3A_57 : memref<624xf32, #tpu.memory_space<vmem>>) target(%dma_start3A_55 : memref<624xf32, #tpu.memory_space<vmem_shared>>) target_semaphore(%run_scoped3A : memref<!tpu.dma_semaphore, #tpu.memory_space<semaphore_mem>>)
      %dma_wait3A_58 = arith.constant 0 : i32
      %dma_wait3A_59 = tpu.memref_slice %arg5[%dma_wait3A_58] : memref<640xf32, #tpu.memory_space<vmem>> -> memref<624xf32, #tpu.memory_space<vmem>>
      %dma_wait3A_60 = tpu.memref_slice %arg9[%mul3A_16] : memref<10000xf32, #tpu.memory_space<vmem_shared>> -> memref<624xf32, #tpu.memory_space<vmem_shared>>
      %dma_wait3A_61 = tpu.memref_slice %arg9[%mul3A_16] : memref<10000xf32, #tpu.memory_space<vmem_shared>> -> memref<624xf32, #tpu.memory_space<vmem_shared>>
      %dma_wait3A_62 = arith.constant 0 : i32
      %dma_wait3A_63 = tpu.memref_slice %arg5[%dma_wait3A_62] : memref<640xf32, #tpu.memory_space<vmem>> -> memref<624xf32, #tpu.memory_space<vmem>>
      tpu.wait_dma2 semaphore(%run_scoped3A : memref<!tpu.dma_semaphore, #tpu.memory_space<semaphore_mem>>) src(%dma_wait3A_63 : memref<624xf32, #tpu.memory_space<vmem>>) dst(%dma_wait3A_61 : memref<624xf32, #tpu.memory_space<vmem_shared>>)
      tpu.yield
    }) : () -> ()
    %eq3A_17 = arith.constant 15 : i32
    %eq3A_18 = arith.cmpi eq, %arg1, %eq3A_17 : i32
    %convert_element_type3A_19 = arith.extui %eq3A_18 : i1 to i32
    %cond3A_20 = arith.constant 0 : i32
    %cond3A_21 = arith.cmpi ne, %convert_element_type3A_19, %cond3A_20 : i32
    scf.if %cond3A_21 {
      "tpu.region"() ({
        %run_scoped3A = tpu.sem_alloc : memref<!tpu.dma_semaphore, #tpu.memory_space<semaphore_mem>>
        %dma_start3A = arith.constant 0 : i32
        %dma_start3A_53 = tpu.memref_slice %arg5[%dma_start3A] : memref<640xf32, #tpu.memory_space<vmem>> -> memref<16xf32, #tpu.memory_space<vmem>>
        %dma_start3A_54 = arith.constant 9984 : i32
        %dma_start3A_55 = tpu.memref_slice %arg9[%dma_start3A_54] : memref<10000xf32, #tpu.memory_space<vmem_shared>> -> memref<16xf32, #tpu.memory_space<vmem_shared>>
        %dma_start3A_56 = arith.constant 9984 : i32
        %dma_start3A_57 = tpu.memref_slice %arg9[%dma_start3A_56] : memref<10000xf32, #tpu.memory_space<vmem_shared>> -> memref<16xf32, #tpu.memory_space<vmem_shared>>
        %dma_start3A_58 = arith.constant 0 : i32
        %dma_start3A_59 = tpu.memref_slice %arg5[%dma_start3A_58] : memref<640xf32, #tpu.memory_space<vmem>> -> memref<16xf32, #tpu.memory_space<vmem>>
        tpu.enqueue_dma source(%dma_start3A_59 : memref<16xf32, #tpu.memory_space<vmem>>) target(%dma_start3A_57 : memref<16xf32, #tpu.memory_space<vmem_shared>>) target_semaphore(%run_scoped3A : memref<!tpu.dma_semaphore, #tpu.memory_space<semaphore_mem>>)
        %dma_wait3A_60 = arith.constant 0 : i32
        %dma_wait3A_61 = tpu.memref_slice %arg5[%dma_wait3A_60] : memref<640xf32, #tpu.memory_space<vmem>> -> memref<16xf32, #tpu.memory_space<vmem>>
        %dma_wait3A_62 = arith.constant 9984 : i32
        %dma_wait3A_63 = tpu.memref_slice %arg9[%dma_wait3A_62] : memref<10000xf32, #tpu.memory_space<vmem_shared>> -> memref<16xf32, #tpu.memory_space<vmem_shared>>
        %dma_wait3A_64 = arith.constant 9984 : i32
        %dma_wait3A_65 = tpu.memref_slice %arg9[%dma_wait3A_64] : memref<10000xf32, #tpu.memory_space<vmem_shared>> -> memref<16xf32, #tpu.memory_space<vmem_shared>>
        %dma_wait3A_66 = arith.constant 0 : i32
        %dma_wait3A_67 = tpu.memref_slice %arg5[%dma_wait3A_66] : memref<640xf32, #tpu.memory_space<vmem>> -> memref<16xf32, #tpu.memory_space<vmem>>
        tpu.wait_dma2 semaphore(%run_scoped3A : memref<!tpu.dma_semaphore, #tpu.memory_space<semaphore_mem>>) src(%dma_wait3A_67 : memref<16xf32, #tpu.memory_space<vmem>>) dst(%dma_wait3A_65 : memref<16xf32, #tpu.memory_space<vmem_shared>>)
        tpu.yield
      }) : () -> ()
    } else {
    }
    %dma_wait3A = arith.constant 0 : i32
    %dma_wait3A_22 = tpu.memref_slice %arg2[%dma_wait3A] : memref<320000xi32, #tpu.memory_space<hbm>> -> memref<10000xi32, #tpu.memory_space<hbm>>
    %dma_wait3A_23 = arith.constant 0 : i32
    %dma_wait3A_24 = tpu.memref_slice %arg2[%dma_wait3A_23] : memref<320000xi32, #tpu.memory_space<hbm>> -> memref<10000xi32, #tpu.memory_space<hbm>>
    tpu.wait_dma2 semaphore(%arg7 : memref<!tpu.dma_semaphore, #tpu.memory_space<semaphore_mem>>) src(%dma_wait3A_24 : memref<10000xi32, #tpu.memory_space<hbm>>) dst(%arg6 : memref<10000xi32, #tpu.memory_space<vmem>>)
    %barrier3A = arith.constant 0 : index
    tpu.barrier barrier_id(%barrier3A)
    %scan3A_25 = arith.constant 0 : i32
    %scan3A_26 = arith.constant 0 : i32
    %scan3A_27 = arith.constant 25 : i32
    %scan3A_28 = arith.addi %scan3A_26, %scan3A_27 : i32
    %scan3A_29 = arith.constant 1 : i32
    %scan3A_30 = scf.for %scan3A_53 = %scan3A_26 to %scan3A_28 step %scan3A_29 iter_args(%scan3A_54 = %scan3A_25) -> (i32)  : i32 {
      %mul3A_55 = arith.constant 25 : i32
      %mul3A_56 = arith.muli %scan3A_53, %mul3A_55 : i32
      %add3A_57 = arith.constant 0 : i32
      %add3A_58 = arith.addi %mul3A_56, %add3A_57 : i32
      %mul3A_59 = arith.constant 16 : i32
      %mul3A_60 = arith.muli %add3A_58, %mul3A_59 : i32
      %get3A = arith.index_cast %mul3A_60 : i32 to index
      %get3A_61 = tpu.vector_load %arg6[%get3A] {strides = array<i32>} : memref<10000xi32, #tpu.memory_space<vmem>>, vector<16xi32>,
      %get3A_62 = vector.shape_cast %get3A_61 : vector<16xi32> to vector<16xi32>
      %dma_start3A = arith.constant 0 : i32
      %dma_start3A_63 = tpu.memref_slice %arg5[%dma_start3A] : memref<640xf32, #tpu.memory_space<vmem>> -> memref<16xf32, #tpu.memory_space<vmem>>
      %dma_start3A_64 = arith.constant 0 : i32
      %dma_start3A_65 = tpu.memref_slice %arg9[%dma_start3A_64] : memref<10000xf32, #tpu.memory_space<vmem_shared>> -> memref<10000xf32, #tpu.memory_space<vmem_shared>>
      tpu.enqueue_indirect_dma source(%dma_start3A_63 : memref<16xf32, #tpu.memory_space<vmem>>) target(%dma_start3A_65 : memref<10000xf32, #tpu.memory_space<vmem_shared>>) offsets(%get3A_62 : vector<16xi32>) semaphore(%arg8 : memref<!tpu.dma_semaphore, #tpu.memory_space<semaphore_mem>>) {add = true}
      %mul3A_66 = arith.constant 25 : i32
      %mul3A_67 = arith.muli %scan3A_53, %mul3A_66 : i32
      %add3A_68 = arith.constant 1 : i32
      %add3A_69 = arith.addi %mul3A_67, %add3A_68 : i32
      %mul3A_70 = arith.constant 16 : i32
      %mul3A_71 = arith.muli %add3A_69, %mul3A_70 : i32
      %get3A_72 = arith.index_cast %mul3A_71 : i32 to index
      %get3A_73 = tpu.vector_load %arg6[%get3A_72] {strides = array<i32>} : memref<10000xi32, #tpu.memory_space<vmem>>, vector<16xi32>,
      %get3A_74 = vector.shape_cast %get3A_73 : vector<16xi32> to vector<16xi32>
      %dma_start3A_75 = arith.constant 0 : i32
      %dma_start3A_76 = tpu.memref_slice %arg5[%dma_start3A_75] : memref<640xf32, #tpu.memory_space<vmem>> -> memref<16xf32, #tpu.memory_space<vmem>>
      %dma_start3A_77 = arith.constant 0 : i32
      %dma_start3A_78 = tpu.memref_slice %arg9[%dma_start3A_77] : memref<10000xf32, #tpu.memory_space<vmem_shared>> -> memref<10000xf32, #tpu.memory_space<vmem_shared>>
      tpu.enqueue_indirect_dma source(%dma_start3A_76 : memref<16xf32, #tpu.memory_space<vmem>>) target(%dma_start3A_78 : memref<10000xf32, #tpu.memory_space<vmem_shared>>) offsets(%get3A_74 : vector<16xi32>) semaphore(%arg8 : memref<!tpu.dma_semaphore, #tpu.memory_space<semaphore_mem>>) {add = true}
      %mul3A_79 = arith.constant 25 : i32
      %mul3A_80 = arith.muli %scan3A_53, %mul3A_79 : i32
      %add3A_81 = arith.constant 2 : i32
      %add3A_82 = arith.addi %mul3A_80, %add3A_81 : i32
      %mul3A_83 = arith.constant 16 : i32
      %mul3A_84 = arith.muli %add3A_82, %mul3A_83 : i32
      %get3A_85 = arith.index_cast %mul3A_84 : i32 to index
      %get3A_86 = tpu.vector_load %arg6[%get3A_85] {strides = array<i32>} : memref<10000xi32, #tpu.memory_space<vmem>>, vector<16xi32>,
      %get3A_87 = vector.shape_cast %get3A_86 : vector<16xi32> to vector<16xi32>
      %dma_start3A_88 = arith.constant 0 : i32
      %dma_start3A_89 = tpu.memref_slice %arg5[%dma_start3A_88] : memref<640xf32, #tpu.memory_space<vmem>> -> memref<16xf32, #tpu.memory_space<vmem>>
      %dma_start3A_90 = arith.constant 0 : i32
      %dma_start3A_91 = tpu.memref_slice %arg9[%dma_start3A_90] : memref<10000xf32, #tpu.memory_space<vmem_shared>> -> memref<10000xf32, #tpu.memory_space<vmem_shared>>
      tpu.enqueue_indirect_dma source(%dma_start3A_89 : memref<16xf32, #tpu.memory_space<vmem>>) target(%dma_start3A_91 : memref<10000xf32, #tpu.memory_space<vmem_shared>>) offsets(%get3A_87 : vector<16xi32>) semaphore(%arg8 : memref<!tpu.dma_semaphore, #tpu.memory_space<semaphore_mem>>) {add = true}
      %mul3A_92 = arith.constant 25 : i32
      %mul3A_93 = arith.muli %scan3A_53, %mul3A_92 : i32
      %add3A_94 = arith.constant 3 : i32
      %add3A_95 = arith.addi %mul3A_93, %add3A_94 : i32
      %mul3A_96 = arith.constant 16 : i32
      %mul3A_97 = arith.muli %add3A_95, %mul3A_96 : i32
      %get3A_98 = arith.index_cast %mul3A_97 : i32 to index
      %get3A_99 = tpu.vector_load %arg6[%get3A_98] {strides = array<i32>} : memref<10000xi32, #tpu.memory_space<vmem>>, vector<16xi32>,
      %get3A_100 = vector.shape_cast %get3A_99 : vector<16xi32> to vector<16xi32>
      %dma_start3A_101 = arith.constant 0 : i32
      %dma_start3A_102 = tpu.memref_slice %arg5[%dma_start3A_101] : memref<640xf32, #tpu.memory_space<vmem>> -> memref<16xf32, #tpu.memory_space<vmem>>
      %dma_start3A_103 = arith.constant 0 : i32
      %dma_start3A_104 = tpu.memref_slice %arg9[%dma_start3A_103] : memref<10000xf32, #tpu.memory_space<vmem_shared>> -> memref<10000xf32, #tpu.memory_space<vmem_shared>>
      tpu.enqueue_indirect_dma source(%dma_start3A_102 : memref<16xf32, #tpu.memory_space<vmem>>) target(%dma_start3A_104 : memref<10000xf32, #tpu.memory_space<vmem_shared>>) offsets(%get3A_100 : vector<16xi32>) semaphore(%arg8 : memref<!tpu.dma_semaphore, #tpu.memory_space<semaphore_mem>>) {add = true}
      %mul3A_105 = arith.constant 25 : i32
      %mul3A_106 = arith.muli %scan3A_53, %mul3A_105 : i32
      %add3A_107 = arith.constant 4 : i32
      %add3A_108 = arith.addi %mul3A_106, %add3A_107 : i32
      %mul3A_109 = arith.constant 16 : i32
      %mul3A_110 = arith.muli %add3A_108, %mul3A_109 : i32
      %get3A_111 = arith.index_cast %mul3A_110 : i32 to index
      %get3A_112 = tpu.vector_load %arg6[%get3A_111] {strides = array<i32>} : memref<10000xi32, #tpu.memory_space<vmem>>, vector<16xi32>,
      %get3A_113 = vector.shape_cast %get3A_112 : vector<16xi32> to vector<16xi32>
      %dma_start3A_114 = arith.constant 0 : i32
      %dma_start3A_115 = tpu.memref_slice %arg5[%dma_start3A_114] : memref<640xf32, #tpu.memory_space<vmem>> -> memref<16xf32, #tpu.memory_space<vmem>>
      %dma_start3A_116 = arith.constant 0 : i32
      %dma_start3A_117 = tpu.memref_slice %arg9[%dma_start3A_116] : memref<10000xf32, #tpu.memory_space<vmem_shared>> -> memref<10000xf32, #tpu.memory_space<vmem_shared>>
      tpu.enqueue_indirect_dma source(%dma_start3A_115 : memref<16xf32, #tpu.memory_space<vmem>>) target(%dma_start3A_117 : memref<10000xf32, #tpu.memory_space<vmem_shared>>) offsets(%get3A_113 : vector<16xi32>) semaphore(%arg8 : memref<!tpu.dma_semaphore, #tpu.memory_space<semaphore_mem>>) {add = true}
      %mul3A_118 = arith.constant 25 : i32
      %mul3A_119 = arith.muli %scan3A_53, %mul3A_118 : i32
      %add3A_120 = arith.constant 5 : i32
      %add3A_121 = arith.addi %mul3A_119, %add3A_120 : i32
      %mul3A_122 = arith.constant 16 : i32
      %mul3A_123 = arith.muli %add3A_121, %mul3A_122 : i32
      %get3A_124 = arith.index_cast %mul3A_123 : i32 to index
      %get3A_125 = tpu.vector_load %arg6[%get3A_124] {strides = array<i32>} : memref<10000xi32, #tpu.memory_space<vmem>>, vector<16xi32>,
      %get3A_126 = vector.shape_cast %get3A_125 : vector<16xi32> to vector<16xi32>
      %dma_start3A_127 = arith.constant 0 : i32
      %dma_start3A_128 = tpu.memref_slice %arg5[%dma_start3A_127] : memref<640xf32, #tpu.memory_space<vmem>> -> memref<16xf32, #tpu.memory_space<vmem>>
      %dma_start3A_129 = arith.constant 0 : i32
      %dma_start3A_130 = tpu.memref_slice %arg9[%dma_start3A_129] : memref<10000xf32, #tpu.memory_space<vmem_shared>> -> memref<10000xf32, #tpu.memory_space<vmem_shared>>
      tpu.enqueue_indirect_dma source(%dma_start3A_128 : memref<16xf32, #tpu.memory_space<vmem>>) target(%dma_start3A_130 : memref<10000xf32, #tpu.memory_space<vmem_shared>>) offsets(%get3A_126 : vector<16xi32>) semaphore(%arg8 : memref<!tpu.dma_semaphore, #tpu.memory_space<semaphore_mem>>) {add = true}
      %mul3A_131 = arith.constant 25 : i32
      %mul3A_132 = arith.muli %scan3A_53, %mul3A_131 : i32
      %add3A_133 = arith.constant 6 : i32
      %add3A_134 = arith.addi %mul3A_132, %add3A_133 : i32
      %mul3A_135 = arith.constant 16 : i32
      %mul3A_136 = arith.muli %add3A_134, %mul3A_135 : i32
      %get3A_137 = arith.index_cast %mul3A_136 : i32 to index
      %get3A_138 = tpu.vector_load %arg6[%get3A_137] {strides = array<i32>} : memref<10000xi32, #tpu.memory_space<vmem>>, vector<16xi32>,
      %get3A_139 = vector.shape_cast %get3A_138 : vector<16xi32> to vector<16xi32>
      %dma_start3A_140 = arith.constant 0 : i32
      %dma_start3A_141 = tpu.memref_slice %arg5[%dma_start3A_140] : memref<640xf32, #tpu.memory_space<vmem>> -> memref<16xf32, #tpu.memory_space<vmem>>
      %dma_start3A_142 = arith.constant 0 : i32
      %dma_start3A_143 = tpu.memref_slice %arg9[%dma_start3A_142] : memref<10000xf32, #tpu.memory_space<vmem_shared>> -> memref<10000xf32, #tpu.memory_space<vmem_shared>>
      tpu.enqueue_indirect_dma source(%dma_start3A_141 : memref<16xf32, #tpu.memory_space<vmem>>) target(%dma_start3A_143 : memref<10000xf32, #tpu.memory_space<vmem_shared>>) offsets(%get3A_139 : vector<16xi32>) semaphore(%arg8 : memref<!tpu.dma_semaphore, #tpu.memory_space<semaphore_mem>>) {add = true}
      %mul3A_144 = arith.constant 25 : i32
      %mul3A_145 = arith.muli %scan3A_53, %mul3A_144 : i32
      %add3A_146 = arith.constant 7 : i32
      %add3A_147 = arith.addi %mul3A_145, %add3A_146 : i32
      %mul3A_148 = arith.constant 16 : i32
      %mul3A_149 = arith.muli %add3A_147, %mul3A_148 : i32
      %get3A_150 = arith.index_cast %mul3A_149 : i32 to index
      %get3A_151 = tpu.vector_load %arg6[%get3A_150] {strides = array<i32>} : memref<10000xi32, #tpu.memory_space<vmem>>, vector<16xi32>,
      %get3A_152 = vector.shape_cast %get3A_151 : vector<16xi32> to vector<16xi32>
      %dma_start3A_153 = arith.constant 0 : i32
      %dma_start3A_154 = tpu.memref_slice %arg5[%dma_start3A_153] : memref<640xf32, #tpu.memory_space<vmem>> -> memref<16xf32, #tpu.memory_space<vmem>>
      %dma_start3A_155 = arith.constant 0 : i32
      %dma_start3A_156 = tpu.memref_slice %arg9[%dma_start3A_155] : memref<10000xf32, #tpu.memory_space<vmem_shared>> -> memref<10000xf32, #tpu.memory_space<vmem_shared>>
      tpu.enqueue_indirect_dma source(%dma_start3A_154 : memref<16xf32, #tpu.memory_space<vmem>>) target(%dma_start3A_156 : memref<10000xf32, #tpu.memory_space<vmem_shared>>) offsets(%get3A_152 : vector<16xi32>) semaphore(%arg8 : memref<!tpu.dma_semaphore, #tpu.memory_space<semaphore_mem>>) {add = true}
      %mul3A_157 = arith.constant 25 : i32
      %mul3A_158 = arith.muli %scan3A_53, %mul3A_157 : i32
      %add3A_159 = arith.constant 8 : i32
      %add3A_160 = arith.addi %mul3A_158, %add3A_159 : i32
      %mul3A_161 = arith.constant 16 : i32
      %mul3A_162 = arith.muli %add3A_160, %mul3A_161 : i32
      %get3A_163 = arith.index_cast %mul3A_162 : i32 to index
      %get3A_164 = tpu.vector_load %arg6[%get3A_163] {strides = array<i32>} : memref<10000xi32, #tpu.memory_space<vmem>>, vector<16xi32>,
      %get3A_165 = vector.shape_cast %get3A_164 : vector<16xi32> to vector<16xi32>
      %dma_start3A_166 = arith.constant 0 : i32
      %dma_start3A_167 = tpu.memref_slice %arg5[%dma_start3A_166] : memref<640xf32, #tpu.memory_space<vmem>> -> memref<16xf32, #tpu.memory_space<vmem>>
      %dma_start3A_168 = arith.constant 0 : i32
      %dma_start3A_169 = tpu.memref_slice %arg9[%dma_start3A_168] : memref<10000xf32, #tpu.memory_space<vmem_shared>> -> memref<10000xf32, #tpu.memory_space<vmem_shared>>
      tpu.enqueue_indirect_dma source(%dma_start3A_167 : memref<16xf32, #tpu.memory_space<vmem>>) target(%dma_start3A_169 : memref<10000xf32, #tpu.memory_space<vmem_shared>>) offsets(%get3A_165 : vector<16xi32>) semaphore(%arg8 : memref<!tpu.dma_semaphore, #tpu.memory_space<semaphore_mem>>) {add = true}
      %mul3A_170 = arith.constant 25 : i32
      %mul3A_171 = arith.muli %scan3A_53, %mul3A_170 : i32
      %add3A_172 = arith.constant 9 : i32
      %add3A_173 = arith.addi %mul3A_171, %add3A_172 : i32
      %mul3A_174 = arith.constant 16 : i32
      %mul3A_175 = arith.muli %add3A_173, %mul3A_174 : i32
      %get3A_176 = arith.index_cast %mul3A_175 : i32 to index
      %get3A_177 = tpu.vector_load %arg6[%get3A_176] {strides = array<i32>} : memref<10000xi32, #tpu.memory_space<vmem>>, vector<16xi32>,
      %get3A_178 = vector.shape_cast %get3A_177 : vector<16xi32> to vector<16xi32>
      %dma_start3A_179 = arith.constant 0 : i32
      %dma_start3A_180 = tpu.memref_slice %arg5[%dma_start3A_179] : memref<640xf32, #tpu.memory_space<vmem>> -> memref<16xf32, #tpu.memory_space<vmem>>
      %dma_start3A_181 = arith.constant 0 : i32
      %dma_start3A_182 = tpu.memref_slice %arg9[%dma_start3A_181] : memref<10000xf32, #tpu.memory_space<vmem_shared>> -> memref<10000xf32, #tpu.memory_space<vmem_shared>>
      tpu.enqueue_indirect_dma source(%dma_start3A_180 : memref<16xf32, #tpu.memory_space<vmem>>) target(%dma_start3A_182 : memref<10000xf32, #tpu.memory_space<vmem_shared>>) offsets(%get3A_178 : vector<16xi32>) semaphore(%arg8 : memref<!tpu.dma_semaphore, #tpu.memory_space<semaphore_mem>>) {add = true}
      %mul3A_183 = arith.constant 25 : i32
      %mul3A_184 = arith.muli %scan3A_53, %mul3A_183 : i32
      %add3A_185 = arith.constant 10 : i32
      %add3A_186 = arith.addi %mul3A_184, %add3A_185 : i32
      %mul3A_187 = arith.constant 16 : i32
      %mul3A_188 = arith.muli %add3A_186, %mul3A_187 : i32
      %get3A_189 = arith.index_cast %mul3A_188 : i32 to index
      %get3A_190 = tpu.vector_load %arg6[%get3A_189] {strides = array<i32>} : memref<10000xi32, #tpu.memory_space<vmem>>, vector<16xi32>,
      %get3A_191 = vector.shape_cast %get3A_190 : vector<16xi32> to vector<16xi32>
      %dma_start3A_192 = arith.constant 0 : i32
      %dma_start3A_193 = tpu.memref_slice %arg5[%dma_start3A_192] : memref<640xf32, #tpu.memory_space<vmem>> -> memref<16xf32, #tpu.memory_space<vmem>>
      %dma_start3A_194 = arith.constant 0 : i32
      %dma_start3A_195 = tpu.memref_slice %arg9[%dma_start3A_194] : memref<10000xf32, #tpu.memory_space<vmem_shared>> -> memref<10000xf32, #tpu.memory_space<vmem_shared>>
      tpu.enqueue_indirect_dma source(%dma_start3A_193 : memref<16xf32, #tpu.memory_space<vmem>>) target(%dma_start3A_195 : memref<10000xf32, #tpu.memory_space<vmem_shared>>) offsets(%get3A_191 : vector<16xi32>) semaphore(%arg8 : memref<!tpu.dma_semaphore, #tpu.memory_space<semaphore_mem>>) {add = true}
      %mul3A_196 = arith.constant 25 : i32
      %mul3A_197 = arith.muli %scan3A_53, %mul3A_196 : i32
      %add3A_198 = arith.constant 11 : i32
      %add3A_199 = arith.addi %mul3A_197, %add3A_198 : i32
      %mul3A_200 = arith.constant 16 : i32
      %mul3A_201 = arith.muli %add3A_199, %mul3A_200 : i32
      %get3A_202 = arith.index_cast %mul3A_201 : i32 to index
      %get3A_203 = tpu.vector_load %arg6[%get3A_202] {strides = array<i32>} : memref<10000xi32, #tpu.memory_space<vmem>>, vector<16xi32>,
      %get3A_204 = vector.shape_cast %get3A_203 : vector<16xi32> to vector<16xi32>
      %dma_start3A_205 = arith.constant 0 : i32
      %dma_start3A_206 = tpu.memref_slice %arg5[%dma_start3A_205] : memref<640xf32, #tpu.memory_space<vmem>> -> memref<16xf32, #tpu.memory_space<vmem>>
      %dma_start3A_207 = arith.constant 0 : i32
      %dma_start3A_208 = tpu.memref_slice %arg9[%dma_start3A_207] : memref<10000xf32, #tpu.memory_space<vmem_shared>> -> memref<10000xf32, #tpu.memory_space<vmem_shared>>
      tpu.enqueue_indirect_dma source(%dma_start3A_206 : memref<16xf32, #tpu.memory_space<vmem>>) target(%dma_start3A_208 : memref<10000xf32, #tpu.memory_space<vmem_shared>>) offsets(%get3A_204 : vector<16xi32>) semaphore(%arg8 : memref<!tpu.dma_semaphore, #tpu.memory_space<semaphore_mem>>) {add = true}
      %mul3A_209 = arith.constant 25 : i32
      %mul3A_210 = arith.muli %scan3A_53, %mul3A_209 : i32
      %add3A_211 = arith.constant 12 : i32
      %add3A_212 = arith.addi %mul3A_210, %add3A_211 : i32
      %mul3A_213 = arith.constant 16 : i32
      %mul3A_214 = arith.muli %add3A_212, %mul3A_213 : i32
      %get3A_215 = arith.index_cast %mul3A_214 : i32 to index
      %get3A_216 = tpu.vector_load %arg6[%get3A_215] {strides = array<i32>} : memref<10000xi32, #tpu.memory_space<vmem>>, vector<16xi32>,
      %get3A_217 = vector.shape_cast %get3A_216 : vector<16xi32> to vector<16xi32>
      %dma_start3A_218 = arith.constant 0 : i32
      %dma_start3A_219 = tpu.memref_slice %arg5[%dma_start3A_218] : memref<640xf32, #tpu.memory_space<vmem>> -> memref<16xf32, #tpu.memory_space<vmem>>
      %dma_start3A_220 = arith.constant 0 : i32
      %dma_start3A_221 = tpu.memref_slice %arg9[%dma_start3A_220] : memref<10000xf32, #tpu.memory_space<vmem_shared>> -> memref<10000xf32, #tpu.memory_space<vmem_shared>>
      tpu.enqueue_indirect_dma source(%dma_start3A_219 : memref<16xf32, #tpu.memory_space<vmem>>) target(%dma_start3A_221 : memref<10000xf32, #tpu.memory_space<vmem_shared>>) offsets(%get3A_217 : vector<16xi32>) semaphore(%arg8 : memref<!tpu.dma_semaphore, #tpu.memory_space<semaphore_mem>>) {add = true}
      %mul3A_222 = arith.constant 25 : i32
      %mul3A_223 = arith.muli %scan3A_53, %mul3A_222 : i32
      %add3A_224 = arith.constant 13 : i32
      %add3A_225 = arith.addi %mul3A_223, %add3A_224 : i32
      %mul3A_226 = arith.constant 16 : i32
      %mul3A_227 = arith.muli %add3A_225, %mul3A_226 : i32
      %get3A_228 = arith.index_cast %mul3A_227 : i32 to index
      %get3A_229 = tpu.vector_load %arg6[%get3A_228] {strides = array<i32>} : memref<10000xi32, #tpu.memory_space<vmem>>, vector<16xi32>,
      %get3A_230 = vector.shape_cast %get3A_229 : vector<16xi32> to vector<16xi32>
      %dma_start3A_231 = arith.constant 0 : i32
      %dma_start3A_232 = tpu.memref_slice %arg5[%dma_start3A_231] : memref<640xf32, #tpu.memory_space<vmem>> -> memref<16xf32, #tpu.memory_space<vmem>>
      %dma_start3A_233 = arith.constant 0 : i32
      %dma_start3A_234 = tpu.memref_slice %arg9[%dma_start3A_233] : memref<10000xf32, #tpu.memory_space<vmem_shared>> -> memref<10000xf32, #tpu.memory_space<vmem_shared>>
      tpu.enqueue_indirect_dma source(%dma_start3A_232 : memref<16xf32, #tpu.memory_space<vmem>>) target(%dma_start3A_234 : memref<10000xf32, #tpu.memory_space<vmem_shared>>) offsets(%get3A_230 : vector<16xi32>) semaphore(%arg8 : memref<!tpu.dma_semaphore, #tpu.memory_space<semaphore_mem>>) {add = true}
      %mul3A_235 = arith.constant 25 : i32
      %mul3A_236 = arith.muli %scan3A_53, %mul3A_235 : i32
      %add3A_237 = arith.constant 14 : i32
      %add3A_238 = arith.addi %mul3A_236, %add3A_237 : i32
      %mul3A_239 = arith.constant 16 : i32
      %mul3A_240 = arith.muli %add3A_238, %mul3A_239 : i32
      %get3A_241 = arith.index_cast %mul3A_240 : i32 to index
      %get3A_242 = tpu.vector_load %arg6[%get3A_241] {strides = array<i32>} : memref<10000xi32, #tpu.memory_space<vmem>>, vector<16xi32>,
      %get3A_243 = vector.shape_cast %get3A_242 : vector<16xi32> to vector<16xi32>
      %dma_start3A_244 = arith.constant 0 : i32
      %dma_start3A_245 = tpu.memref_slice %arg5[%dma_start3A_244] : memref<640xf32, #tpu.memory_space<vmem>> -> memref<16xf32, #tpu.memory_space<vmem>>
      %dma_start3A_246 = arith.constant 0 : i32
      %dma_start3A_247 = tpu.memref_slice %arg9[%dma_start3A_246] : memref<10000xf32, #tpu.memory_space<vmem_shared>> -> memref<10000xf32, #tpu.memory_space<vmem_shared>>
      tpu.enqueue_indirect_dma source(%dma_start3A_245 : memref<16xf32, #tpu.memory_space<vmem>>) target(%dma_start3A_247 : memref<10000xf32, #tpu.memory_space<vmem_shared>>) offsets(%get3A_243 : vector<16xi32>) semaphore(%arg8 : memref<!tpu.dma_semaphore, #tpu.memory_space<semaphore_mem>>) {add = true}
      %mul3A_248 = arith.constant 25 : i32
      %mul3A_249 = arith.muli %scan3A_53, %mul3A_248 : i32
      %add3A_250 = arith.constant 15 : i32
      %add3A_251 = arith.addi %mul3A_249, %add3A_250 : i32
      %mul3A_252 = arith.constant 16 : i32
      %mul3A_253 = arith.muli %add3A_251, %mul3A_252 : i32
      %get3A_254 = arith.index_cast %mul3A_253 : i32 to index
      %get3A_255 = tpu.vector_load %arg6[%get3A_254] {strides = array<i32>} : memref<10000xi32, #tpu.memory_space<vmem>>, vector<16xi32>,
      %get3A_256 = vector.shape_cast %get3A_255 : vector<16xi32> to vector<16xi32>
      %dma_start3A_257 = arith.constant 0 : i32
      %dma_start3A_258 = tpu.memref_slice %arg5[%dma_start3A_257] : memref<640xf32, #tpu.memory_space<vmem>> -> memref<16xf32, #tpu.memory_space<vmem>>
      %dma_start3A_259 = arith.constant 0 : i32
      %dma_start3A_260 = tpu.memref_slice %arg9[%dma_start3A_259] : memref<10000xf32, #tpu.memory_space<vmem_shared>> -> memref<10000xf32, #tpu.memory_space<vmem_shared>>
      tpu.enqueue_indirect_dma source(%dma_start3A_258 : memref<16xf32, #tpu.memory_space<vmem>>) target(%dma_start3A_260 : memref<10000xf32, #tpu.memory_space<vmem_shared>>) offsets(%get3A_256 : vector<16xi32>) semaphore(%arg8 : memref<!tpu.dma_semaphore, #tpu.memory_space<semaphore_mem>>) {add = true}
      %mul3A_261 = arith.constant 25 : i32
      %mul3A_262 = arith.muli %scan3A_53, %mul3A_261 : i32
      %add3A_263 = arith.constant 16 : i32
      %add3A_264 = arith.addi %mul3A_262, %add3A_263 : i32
      %mul3A_265 = arith.constant 16 : i32
      %mul3A_266 = arith.muli %add3A_264, %mul3A_265 : i32
      %get3A_267 = arith.index_cast %mul3A_266 : i32 to index
      %get3A_268 = tpu.vector_load %arg6[%get3A_267] {strides = array<i32>} : memref<10000xi32, #tpu.memory_space<vmem>>, vector<16xi32>,
      %get3A_269 = vector.shape_cast %get3A_268 : vector<16xi32> to vector<16xi32>
      %dma_start3A_270 = arith.constant 0 : i32
      %dma_start3A_271 = tpu.memref_slice %arg5[%dma_start3A_270] : memref<640xf32, #tpu.memory_space<vmem>> -> memref<16xf32, #tpu.memory_space<vmem>>
      %dma_start3A_272 = arith.constant 0 : i32
      %dma_start3A_273 = tpu.memref_slice %arg9[%dma_start3A_272] : memref<10000xf32, #tpu.memory_space<vmem_shared>> -> memref<10000xf32, #tpu.memory_space<vmem_shared>>
      tpu.enqueue_indirect_dma source(%dma_start3A_271 : memref<16xf32, #tpu.memory_space<vmem>>) target(%dma_start3A_273 : memref<10000xf32, #tpu.memory_space<vmem_shared>>) offsets(%get3A_269 : vector<16xi32>) semaphore(%arg8 : memref<!tpu.dma_semaphore, #tpu.memory_space<semaphore_mem>>) {add = true}
      %mul3A_274 = arith.constant 25 : i32
      %mul3A_275 = arith.muli %scan3A_53, %mul3A_274 : i32
      %add3A_276 = arith.constant 17 : i32
      %add3A_277 = arith.addi %mul3A_275, %add3A_276 : i32
      %mul3A_278 = arith.constant 16 : i32
      %mul3A_279 = arith.muli %add3A_277, %mul3A_278 : i32
      %get3A_280 = arith.index_cast %mul3A_279 : i32 to index
      %get3A_281 = tpu.vector_load %arg6[%get3A_280] {strides = array<i32>} : memref<10000xi32, #tpu.memory_space<vmem>>, vector<16xi32>,
      %get3A_282 = vector.shape_cast %get3A_281 : vector<16xi32> to vector<16xi32>
      %dma_start3A_283 = arith.constant 0 : i32
      %dma_start3A_284 = tpu.memref_slice %arg5[%dma_start3A_283] : memref<640xf32, #tpu.memory_space<vmem>> -> memref<16xf32, #tpu.memory_space<vmem>>
      %dma_start3A_285 = arith.constant 0 : i32
      %dma_start3A_286 = tpu.memref_slice %arg9[%dma_start3A_285] : memref<10000xf32, #tpu.memory_space<vmem_shared>> -> memref<10000xf32, #tpu.memory_space<vmem_shared>>
      tpu.enqueue_indirect_dma source(%dma_start3A_284 : memref<16xf32, #tpu.memory_space<vmem>>) target(%dma_start3A_286 : memref<10000xf32, #tpu.memory_space<vmem_shared>>) offsets(%get3A_282 : vector<16xi32>) semaphore(%arg8 : memref<!tpu.dma_semaphore, #tpu.memory_space<semaphore_mem>>) {add = true}
      %mul3A_287 = arith.constant 25 : i32
      %mul3A_288 = arith.muli %scan3A_53, %mul3A_287 : i32
      %add3A_289 = arith.constant 18 : i32
      %add3A_290 = arith.addi %mul3A_288, %add3A_289 : i32
      %mul3A_291 = arith.constant 16 : i32
      %mul3A_292 = arith.muli %add3A_290, %mul3A_291 : i32
      %get3A_293 = arith.index_cast %mul3A_292 : i32 to index
      %get3A_294 = tpu.vector_load %arg6[%get3A_293] {strides = array<i32>} : memref<10000xi32, #tpu.memory_space<vmem>>, vector<16xi32>,
      %get3A_295 = vector.shape_cast %get3A_294 : vector<16xi32> to vector<16xi32>
      %dma_start3A_296 = arith.constant 0 : i32
      %dma_start3A_297 = tpu.memref_slice %arg5[%dma_start3A_296] : memref<640xf32, #tpu.memory_space<vmem>> -> memref<16xf32, #tpu.memory_space<vmem>>
      %dma_start3A_298 = arith.constant 0 : i32
      %dma_start3A_299 = tpu.memref_slice %arg9[%dma_start3A_298] : memref<10000xf32, #tpu.memory_space<vmem_shared>> -> memref<10000xf32, #tpu.memory_space<vmem_shared>>
      tpu.enqueue_indirect_dma source(%dma_start3A_297 : memref<16xf32, #tpu.memory_space<vmem>>) target(%dma_start3A_299 : memref<10000xf32, #tpu.memory_space<vmem_shared>>) offsets(%get3A_295 : vector<16xi32>) semaphore(%arg8 : memref<!tpu.dma_semaphore, #tpu.memory_space<semaphore_mem>>) {add = true}
      %mul3A_300 = arith.constant 25 : i32
      %mul3A_301 = arith.muli %scan3A_53, %mul3A_300 : i32
      %add3A_302 = arith.constant 19 : i32
      %add3A_303 = arith.addi %mul3A_301, %add3A_302 : i32
      %mul3A_304 = arith.constant 16 : i32
      %mul3A_305 = arith.muli %add3A_303, %mul3A_304 : i32
      %get3A_306 = arith.index_cast %mul3A_305 : i32 to index
      %get3A_307 = tpu.vector_load %arg6[%get3A_306] {strides = array<i32>} : memref<10000xi32, #tpu.memory_space<vmem>>, vector<16xi32>,
      %get3A_308 = vector.shape_cast %get3A_307 : vector<16xi32> to vector<16xi32>
      %dma_start3A_309 = arith.constant 0 : i32
      %dma_start3A_310 = tpu.memref_slice %arg5[%dma_start3A_309] : memref<640xf32, #tpu.memory_space<vmem>> -> memref<16xf32, #tpu.memory_space<vmem>>
      %dma_start3A_311 = arith.constant 0 : i32
      %dma_start3A_312 = tpu.memref_slice %arg9[%dma_start3A_311] : memref<10000xf32, #tpu.memory_space<vmem_shared>> -> memref<10000xf32, #tpu.memory_space<vmem_shared>>
      tpu.enqueue_indirect_dma source(%dma_start3A_310 : memref<16xf32, #tpu.memory_space<vmem>>) target(%dma_start3A_312 : memref<10000xf32, #tpu.memory_space<vmem_shared>>) offsets(%get3A_308 : vector<16xi32>) semaphore(%arg8 : memref<!tpu.dma_semaphore, #tpu.memory_space<semaphore_mem>>) {add = true}
      %mul3A_313 = arith.constant 25 : i32
      %mul3A_314 = arith.muli %scan3A_53, %mul3A_313 : i32
      %add3A_315 = arith.constant 20 : i32
      %add3A_316 = arith.addi %mul3A_314, %add3A_315 : i32
      %mul3A_317 = arith.constant 16 : i32
      %mul3A_318 = arith.muli %add3A_316, %mul3A_317 : i32
      %get3A_319 = arith.index_cast %mul3A_318 : i32 to index
      %get3A_320 = tpu.vector_load %arg6[%get3A_319] {strides = array<i32>} : memref<10000xi32, #tpu.memory_space<vmem>>, vector<16xi32>,
      %get3A_321 = vector.shape_cast %get3A_320 : vector<16xi32> to vector<16xi32>
      %dma_start3A_322 = arith.constant 0 : i32
      %dma_start3A_323 = tpu.memref_slice %arg5[%dma_start3A_322] : memref<640xf32, #tpu.memory_space<vmem>> -> memref<16xf32, #tpu.memory_space<vmem>>
      %dma_start3A_324 = arith.constant 0 : i32
      %dma_start3A_325 = tpu.memref_slice %arg9[%dma_start3A_324] : memref<10000xf32, #tpu.memory_space<vmem_shared>> -> memref<10000xf32, #tpu.memory_space<vmem_shared>>
      tpu.enqueue_indirect_dma source(%dma_start3A_323 : memref<16xf32, #tpu.memory_space<vmem>>) target(%dma_start3A_325 : memref<10000xf32, #tpu.memory_space<vmem_shared>>) offsets(%get3A_321 : vector<16xi32>) semaphore(%arg8 : memref<!tpu.dma_semaphore, #tpu.memory_space<semaphore_mem>>) {add = true}
      %mul3A_326 = arith.constant 25 : i32
      %mul3A_327 = arith.muli %scan3A_53, %mul3A_326 : i32
      %add3A_328 = arith.constant 21 : i32
      %add3A_329 = arith.addi %mul3A_327, %add3A_328 : i32
      %mul3A_330 = arith.constant 16 : i32
      %mul3A_331 = arith.muli %add3A_329, %mul3A_330 : i32
      %get3A_332 = arith.index_cast %mul3A_331 : i32 to index
      %get3A_333 = tpu.vector_load %arg6[%get3A_332] {strides = array<i32>} : memref<10000xi32, #tpu.memory_space<vmem>>, vector<16xi32>,
      %get3A_334 = vector.shape_cast %get3A_333 : vector<16xi32> to vector<16xi32>
      %dma_start3A_335 = arith.constant 0 : i32
      %dma_start3A_336 = tpu.memref_slice %arg5[%dma_start3A_335] : memref<640xf32, #tpu.memory_space<vmem>> -> memref<16xf32, #tpu.memory_space<vmem>>
      %dma_start3A_337 = arith.constant 0 : i32
      %dma_start3A_338 = tpu.memref_slice %arg9[%dma_start3A_337] : memref<10000xf32, #tpu.memory_space<vmem_shared>> -> memref<10000xf32, #tpu.memory_space<vmem_shared>>
      tpu.enqueue_indirect_dma source(%dma_start3A_336 : memref<16xf32, #tpu.memory_space<vmem>>) target(%dma_start3A_338 : memref<10000xf32, #tpu.memory_space<vmem_shared>>) offsets(%get3A_334 : vector<16xi32>) semaphore(%arg8 : memref<!tpu.dma_semaphore, #tpu.memory_space<semaphore_mem>>) {add = true}
      %mul3A_339 = arith.constant 25 : i32
      %mul3A_340 = arith.muli %scan3A_53, %mul3A_339 : i32
      %add3A_341 = arith.constant 22 : i32
      %add3A_342 = arith.addi %mul3A_340, %add3A_341 : i32
      %mul3A_343 = arith.constant 16 : i32
      %mul3A_344 = arith.muli %add3A_342, %mul3A_343 : i32
      %get3A_345 = arith.index_cast %mul3A_344 : i32 to index
      %get3A_346 = tpu.vector_load %arg6[%get3A_345] {strides = array<i32>} : memref<10000xi32, #tpu.memory_space<vmem>>, vector<16xi32>,
      %get3A_347 = vector.shape_cast %get3A_346 : vector<16xi32> to vector<16xi32>
      %dma_start3A_348 = arith.constant 0 : i32
      %dma_start3A_349 = tpu.memref_slice %arg5[%dma_start3A_348] : memref<640xf32, #tpu.memory_space<vmem>> -> memref<16xf32, #tpu.memory_space<vmem>>
      %dma_start3A_350 = arith.constant 0 : i32
      %dma_start3A_351 = tpu.memref_slice %arg9[%dma_start3A_350] : memref<10000xf32, #tpu.memory_space<vmem_shared>> -> memref<10000xf32, #tpu.memory_space<vmem_shared>>
      tpu.enqueue_indirect_dma source(%dma_start3A_349 : memref<16xf32, #tpu.memory_space<vmem>>) target(%dma_start3A_351 : memref<10000xf32, #tpu.memory_space<vmem_shared>>) offsets(%get3A_347 : vector<16xi32>) semaphore(%arg8 : memref<!tpu.dma_semaphore, #tpu.memory_space<semaphore_mem>>) {add = true}
      %mul3A_352 = arith.constant 25 : i32
      %mul3A_353 = arith.muli %scan3A_53, %mul3A_352 : i32
      %add3A_354 = arith.constant 23 : i32
      %add3A_355 = arith.addi %mul3A_353, %add3A_354 : i32
      %mul3A_356 = arith.constant 16 : i32
      %mul3A_357 = arith.muli %add3A_355, %mul3A_356 : i32
      %get3A_358 = arith.index_cast %mul3A_357 : i32 to index
      %get3A_359 = tpu.vector_load %arg6[%get3A_358] {strides = array<i32>} : memref<10000xi32, #tpu.memory_space<vmem>>, vector<16xi32>,
      %get3A_360 = vector.shape_cast %get3A_359 : vector<16xi32> to vector<16xi32>
      %dma_start3A_361 = arith.constant 0 : i32
      %dma_start3A_362 = tpu.memref_slice %arg5[%dma_start3A_361] : memref<640xf32, #tpu.memory_space<vmem>> -> memref<16xf32, #tpu.memory_space<vmem>>
      %dma_start3A_363 = arith.constant 0 : i32
      %dma_start3A_364 = tpu.memref_slice %arg9[%dma_start3A_363] : memref<10000xf32, #tpu.memory_space<vmem_shared>> -> memref<10000xf32, #tpu.memory_space<vmem_shared>>
      tpu.enqueue_indirect_dma source(%dma_start3A_362 : memref<16xf32, #tpu.memory_space<vmem>>) target(%dma_start3A_364 : memref<10000xf32, #tpu.memory_space<vmem_shared>>) offsets(%get3A_360 : vector<16xi32>) semaphore(%arg8 : memref<!tpu.dma_semaphore, #tpu.memory_space<semaphore_mem>>) {add = true}
      %mul3A_365 = arith.constant 25 : i32
      %mul3A_366 = arith.muli %scan3A_53, %mul3A_365 : i32
      %add3A_367 = arith.constant 24 : i32
      %add3A_368 = arith.addi %mul3A_366, %add3A_367 : i32
      %mul3A_369 = arith.constant 16 : i32
      %mul3A_370 = arith.muli %add3A_368, %mul3A_369 : i32
      %get3A_371 = arith.index_cast %mul3A_370 : i32 to index
      %get3A_372 = tpu.vector_load %arg6[%get3A_371] {strides = array<i32>} : memref<10000xi32, #tpu.memory_space<vmem>>, vector<16xi32>,
      %get3A_373 = vector.shape_cast %get3A_372 : vector<16xi32> to vector<16xi32>
      %dma_start3A_374 = arith.constant 0 : i32
      %dma_start3A_375 = tpu.memref_slice %arg5[%dma_start3A_374] : memref<640xf32, #tpu.memory_space<vmem>> -> memref<16xf32, #tpu.memory_space<vmem>>
      %dma_start3A_376 = arith.constant 0 : i32
      %dma_start3A_377 = tpu.memref_slice %arg9[%dma_start3A_376] : memref<10000xf32, #tpu.memory_space<vmem_shared>> -> memref<10000xf32, #tpu.memory_space<vmem_shared>>
      tpu.enqueue_indirect_dma source(%dma_start3A_375 : memref<16xf32, #tpu.memory_space<vmem>>) target(%dma_start3A_377 : memref<10000xf32, #tpu.memory_space<vmem_shared>>) offsets(%get3A_373 : vector<16xi32>) semaphore(%arg8 : memref<!tpu.dma_semaphore, #tpu.memory_space<semaphore_mem>>) {add = true}
      %gt3A = arith.constant 0 : i32
      %gt3A_378 = arith.cmpi sgt, %scan3A_53, %gt3A : i32
      %convert_element_type3A_379 = arith.extui %gt3A_378 : i1 to i32
      %cond3A_380 = arith.constant 0 : i32
      %cond3A_381 = arith.cmpi ne, %convert_element_type3A_379, %cond3A_380 : i32
      scf.if %cond3A_381 {
        %dma_wait3A_383 = arith.constant 0 : i32
        %dma_wait3A_384 = tpu.memref_slice %arg6[%dma_wait3A_383] : memref<10000xi32, #tpu.memory_space<vmem>> -> memref<400xi32, #tpu.memory_space<vmem>>
        %dma_wait3A_385 = arith.constant 0 : i32
        %dma_wait3A_386 = tpu.memref_slice %arg2[%dma_wait3A_385] : memref<320000xi32, #tpu.memory_space<hbm>> -> memref<400xi32, #tpu.memory_space<hbm>>
        %dma_wait3A_387 = arith.constant 0 : i32
        %dma_wait3A_388 = tpu.memref_slice %arg6[%dma_wait3A_387] : memref<10000xi32, #tpu.memory_space<vmem>> -> memref<400xi32, #tpu.memory_space<vmem>>
        %dma_wait3A_389 = arith.constant 0 : i32
        %dma_wait3A_390 = tpu.memref_slice %arg2[%dma_wait3A_389] : memref<320000xi32, #tpu.memory_space<hbm>> -> memref<400xi32, #tpu.memory_space<hbm>>
        tpu.wait_dma2 semaphore(%arg8 : memref<!tpu.dma_semaphore, #tpu.memory_space<semaphore_mem>>) src(%dma_wait3A_390 : memref<400xi32, #tpu.memory_space<hbm>>) dst(%dma_wait3A_388 : memref<400xi32, #tpu.memory_space<vmem>>)
      } else {
      }
      %scan3A_382 = arith.constant 0 : i32
      scf.yield %scan3A_382 : i32
    }
    %scan3A_31 = arith.constant 25 : i32
    %dma_wait3A_32 = arith.constant 0 : i32
    %dma_wait3A_33 = tpu.memref_slice %arg6[%dma_wait3A_32] : memref<10000xi32, #tpu.memory_space<vmem>> -> memref<400xi32, #tpu.memory_space<vmem>>
    %dma_wait3A_34 = arith.constant 0 : i32
    %dma_wait3A_35 = tpu.memref_slice %arg2[%dma_wait3A_34] : memref<320000xi32, #tpu.memory_space<hbm>> -> memref<400xi32, #tpu.memory_space<hbm>>
    %dma_wait3A_36 = arith.constant 0 : i32
    %dma_wait3A_37 = tpu.memref_slice %arg6[%dma_wait3A_36] : memref<10000xi32, #tpu.memory_space<vmem>> -> memref<400xi32, #tpu.memory_space<vmem>>
    %dma_wait3A_38 = arith.constant 0 : i32
    %dma_wait3A_39 = tpu.memref_slice %arg2[%dma_wait3A_38] : memref<320000xi32, #tpu.memory_space<hbm>> -> memref<400xi32, #tpu.memory_space<hbm>>
    tpu.wait_dma2 semaphore(%arg8 : memref<!tpu.dma_semaphore, #tpu.memory_space<semaphore_mem>>) src(%dma_wait3A_39 : memref<400xi32, #tpu.memory_space<hbm>>) dst(%dma_wait3A_37 : memref<400xi32, #tpu.memory_space<vmem>>)
    %barrier3A_40 = arith.constant 0 : index
    tpu.barrier barrier_id(%barrier3A_40)
    %mul3A_41 = arith.constant 10000 : i32
    %mul3A_42 = arith.muli %arg0, %mul3A_41 : i32
    %mul3A_43 = arith.constant 624 : i32
    %mul3A_44 = arith.muli %arg1, %mul3A_43 : i32
    "tpu.region"() ({
      %run_scoped3A = tpu.sem_alloc : memref<!tpu.dma_semaphore, #tpu.memory_space<semaphore_mem>>
      %dma_start3A = arith.constant 0 : i32
      %dma_start3A_53 = tpu.memref_slice %arg5[%dma_start3A] : memref<640xf32, #tpu.memory_space<vmem>> -> memref<624xf32, #tpu.memory_space<vmem>>
      %dma_start3A_54 = tpu.memref_slice %arg9[%mul3A_44] : memref<10000xf32, #tpu.memory_space<vmem_shared>> -> memref<624xf32, #tpu.memory_space<vmem_shared>>
      %dma_start3A_55 = arith.constant 0 : i32
      %dma_start3A_56 = tpu.memref_slice %arg5[%dma_start3A_55] : memref<640xf32, #tpu.memory_space<vmem>> -> memref<624xf32, #tpu.memory_space<vmem>>
      %dma_start3A_57 = tpu.memref_slice %arg9[%mul3A_44] : memref<10000xf32, #tpu.memory_space<vmem_shared>> -> memref<624xf32, #tpu.memory_space<vmem_shared>>
      tpu.enqueue_dma source(%dma_start3A_57 : memref<624xf32, #tpu.memory_space<vmem_shared>>) target(%dma_start3A_56 : memref<624xf32, #tpu.memory_space<vmem>>) target_semaphore(%run_scoped3A : memref<!tpu.dma_semaphore, #tpu.memory_space<semaphore_mem>>)
      %dma_wait3A_58 = arith.constant 0 : i32
      %dma_wait3A_59 = tpu.memref_slice %arg5[%dma_wait3A_58] : memref<640xf32, #tpu.memory_space<vmem>> -> memref<624xf32, #tpu.memory_space<vmem>>
      %dma_wait3A_60 = tpu.memref_slice %arg9[%mul3A_44] : memref<10000xf32, #tpu.memory_space<vmem_shared>> -> memref<624xf32, #tpu.memory_space<vmem_shared>>
      %dma_wait3A_61 = arith.constant 0 : i32
      %dma_wait3A_62 = tpu.memref_slice %arg5[%dma_wait3A_61] : memref<640xf32, #tpu.memory_space<vmem>> -> memref<624xf32, #tpu.memory_space<vmem>>
      %dma_wait3A_63 = tpu.memref_slice %arg9[%mul3A_44] : memref<10000xf32, #tpu.memory_space<vmem_shared>> -> memref<624xf32, #tpu.memory_space<vmem_shared>>
      tpu.wait_dma2 semaphore(%run_scoped3A : memref<!tpu.dma_semaphore, #tpu.memory_space<semaphore_mem>>) src(%dma_wait3A_63 : memref<624xf32, #tpu.memory_space<vmem_shared>>) dst(%dma_wait3A_62 : memref<624xf32, #tpu.memory_space<vmem>>)
      tpu.yield
    }) : () -> ()
    %mul3A_45 = arith.constant 624 : i32
    %mul3A_46 = arith.muli %arg1, %mul3A_45 : i32
    %add3A_47 = arith.addi %mul3A_42, %mul3A_46 : i32
    "tpu.region"() ({
      %run_scoped3A = tpu.sem_alloc : memref<!tpu.dma_semaphore, #tpu.memory_space<semaphore_mem>>
      %dma_start3A = arith.constant 0 : i32
      %dma_start3A_53 = tpu.memref_slice %arg5[%dma_start3A] : memref<640xf32, #tpu.memory_space<vmem>> -> memref<624xf32, #tpu.memory_space<vmem>>
      %dma_start3A_54 = tpu.memref_slice %arg4[%add3A_47] : memref<20000xf32, #tpu.memory_space<hbm>> -> memref<624xf32, #tpu.memory_space<hbm>>
      %dma_start3A_55 = tpu.memref_slice %arg4[%add3A_47] : memref<20000xf32, #tpu.memory_space<hbm>> -> memref<624xf32, #tpu.memory_space<hbm>>
      %dma_start3A_56 = arith.constant 0 : i32
      %dma_start3A_57 = tpu.memref_slice %arg5[%dma_start3A_56] : memref<640xf32, #tpu.memory_space<vmem>> -> memref<624xf32, #tpu.memory_space<vmem>>
      tpu.enqueue_dma source(%dma_start3A_57 : memref<624xf32, #tpu.memory_space<vmem>>) target(%dma_start3A_55 : memref<624xf32, #tpu.memory_space<hbm>>) target_semaphore(%run_scoped3A : memref<!tpu.dma_semaphore, #tpu.memory_space<semaphore_mem>>)
      %dma_wait3A_58 = arith.constant 0 : i32
      %dma_wait3A_59 = tpu.memref_slice %arg5[%dma_wait3A_58] : memref<640xf32, #tpu.memory_space<vmem>> -> memref<624xf32, #tpu.memory_space<vmem>>
      %dma_wait3A_60 = tpu.memref_slice %arg4[%add3A_47] : memref<20000xf32, #tpu.memory_space<hbm>> -> memref<624xf32, #tpu.memory_space<hbm>>
      %dma_wait3A_61 = tpu.memref_slice %arg4[%add3A_47] : memref<20000xf32, #tpu.memory_space<hbm>> -> memref<624xf32, #tpu.memory_space<hbm>>
      %dma_wait3A_62 = arith.constant 0 : i32
      %dma_wait3A_63 = tpu.memref_slice %arg5[%dma_wait3A_62] : memref<640xf32, #tpu.memory_space<vmem>> -> memref<624xf32, #tpu.memory_space<vmem>>
      tpu.wait_dma2 semaphore(%run_scoped3A : memref<!tpu.dma_semaphore, #tpu.memory_space<semaphore_mem>>) src(%dma_wait3A_63 : memref<624xf32, #tpu.memory_space<vmem>>) dst(%dma_wait3A_61 : memref<624xf32, #tpu.memory_space<hbm>>)
      tpu.yield
    }) : () -> ()
    %eq3A_48 = arith.constant 15 : i32
    %eq3A_49 = arith.cmpi eq, %arg1, %eq3A_48 : i32
    %convert_element_type3A_50 = arith.extui %eq3A_49 : i1 to i32
    %cond3A_51 = arith.constant 0 : i32
    %cond3A_52 = arith.cmpi ne, %convert_element_type3A_50, %cond3A_51 : i32
    scf.if %cond3A_52 {
      "tpu.region"() ({
        %run_scoped3A = tpu.sem_alloc : memref<!tpu.dma_semaphore, #tpu.memory_space<semaphore_mem>>
        %dma_start3A = arith.constant 624 : i32
        %dma_start3A_55 = tpu.memref_slice %arg5[%dma_start3A] : memref<640xf32, #tpu.memory_space<vmem>> -> memref<16xf32, #tpu.memory_space<vmem>>
        %dma_start3A_56 = arith.constant 9984 : i32
        %dma_start3A_57 = tpu.memref_slice %arg9[%dma_start3A_56] : memref<10000xf32, #tpu.memory_space<vmem_shared>> -> memref<16xf32, #tpu.memory_space<vmem_shared>>
        %dma_start3A_58 = arith.constant 624 : i32
        %dma_start3A_59 = tpu.memref_slice %arg5[%dma_start3A_58] : memref<640xf32, #tpu.memory_space<vmem>> -> memref<16xf32, #tpu.memory_space<vmem>>
        %dma_start3A_60 = arith.constant 9984 : i32
        %dma_start3A_61 = tpu.memref_slice %arg9[%dma_start3A_60] : memref<10000xf32, #tpu.memory_space<vmem_shared>> -> memref<16xf32, #tpu.memory_space<vmem_shared>>
        tpu.enqueue_dma source(%dma_start3A_61 : memref<16xf32, #tpu.memory_space<vmem_shared>>) target(%dma_start3A_59 : memref<16xf32, #tpu.memory_space<vmem>>) target_semaphore(%run_scoped3A : memref<!tpu.dma_semaphore, #tpu.memory_space<semaphore_mem>>)
        %dma_wait3A_62 = arith.constant 624 : i32
        %dma_wait3A_63 = tpu.memref_slice %arg5[%dma_wait3A_62] : memref<640xf32, #tpu.memory_space<vmem>> -> memref<16xf32, #tpu.memory_space<vmem>>
        %dma_wait3A_64 = arith.constant 9984 : i32
        %dma_wait3A_65 = tpu.memref_slice %arg9[%dma_wait3A_64] : memref<10000xf32, #tpu.memory_space<vmem_shared>> -> memref<16xf32, #tpu.memory_space<vmem_shared>>
        %dma_wait3A_66 = arith.constant 624 : i32
        %dma_wait3A_67 = tpu.memref_slice %arg5[%dma_wait3A_66] : memref<640xf32, #tpu.memory_space<vmem>> -> memref<16xf32, #tpu.memory_space<vmem>>
        %dma_wait3A_68 = arith.constant 9984 : i32
        %dma_wait3A_69 = tpu.memref_slice %arg9[%dma_wait3A_68] : memref<10000xf32, #tpu.memory_space<vmem_shared>> -> memref<16xf32, #tpu.memory_space<vmem_shared>>
        tpu.wait_dma2 semaphore(%run_scoped3A : memref<!tpu.dma_semaphore, #tpu.memory_space<semaphore_mem>>) src(%dma_wait3A_69 : memref<16xf32, #tpu.memory_space<vmem_shared>>) dst(%dma_wait3A_67 : memref<16xf32, #tpu.memory_space<vmem>>)
        tpu.yield
      }) : () -> ()
      %add3A_53 = arith.constant 9984 : i32
      %add3A_54 = arith.addi %mul3A_42, %add3A_53 : i32
      "tpu.region"() ({
        %run_scoped3A = tpu.sem_alloc : memref<!tpu.dma_semaphore, #tpu.memory_space<semaphore_mem>>
        %dma_start3A = arith.constant 624 : i32
        %dma_start3A_55 = tpu.memref_slice %arg5[%dma_start3A] : memref<640xf32, #tpu.memory_space<vmem>> -> memref<16xf32, #tpu.memory_space<vmem>>
        %dma_start3A_56 = tpu.memref_slice %arg4[%add3A_54] : memref<20000xf32, #tpu.memory_space<hbm>> -> memref<16xf32, #tpu.memory_space<hbm>>
        %dma_start3A_57 = tpu.memref_slice %arg4[%add3A_54] : memref<20000xf32, #tpu.memory_space<hbm>> -> memref<16xf32, #tpu.memory_space<hbm>>
        %dma_start3A_58 = arith.constant 624 : i32
        %dma_start3A_59 = tpu.memref_slice %arg5[%dma_start3A_58] : memref<640xf32, #tpu.memory_space<vmem>> -> memref<16xf32, #tpu.memory_space<vmem>>
        tpu.enqueue_dma source(%dma_start3A_59 : memref<16xf32, #tpu.memory_space<vmem>>) target(%dma_start3A_57 : memref<16xf32, #tpu.memory_space<hbm>>) target_semaphore(%run_scoped3A : memref<!tpu.dma_semaphore, #tpu.memory_space<semaphore_mem>>)
        %dma_wait3A_60 = arith.constant 624 : i32
        %dma_wait3A_61 = tpu.memref_slice %arg5[%dma_wait3A_60] : memref<640xf32, #tpu.memory_space<vmem>> -> memref<16xf32, #tpu.memory_space<vmem>>
        %dma_wait3A_62 = tpu.memref_slice %arg4[%add3A_54] : memref<20000xf32, #tpu.memory_space<hbm>> -> memref<16xf32, #tpu.memory_space<hbm>>
        %dma_wait3A_63 = tpu.memref_slice %arg4[%add3A_54] : memref<20000xf32, #tpu.memory_space<hbm>> -> memref<16xf32, #tpu.memory_space<hbm>>
        %dma_wait3A_64 = arith.constant 624 : i32
        %dma_wait3A_65 = tpu.memref_slice %arg5[%dma_wait3A_64] : memref<640xf32, #tpu.memory_space<vmem>> -> memref<16xf32, #tpu.memory_space<vmem>>
        tpu.wait_dma2 semaphore(%run_scoped3A : memref<!tpu.dma_semaphore, #tpu.memory_space<semaphore_mem>>) src(%dma_wait3A_65 : memref<16xf32, #tpu.memory_space<vmem>>) dst(%dma_wait3A_63 : memref<16xf32, #tpu.memory_space<hbm>>)
        tpu.yield
      }) : () -> ()
    } else {
    }
    return
  }
}

module attributes {stable_mosaic.version = 14 : i64} {
  func.func @_prep_a_body(%arg0: i32, %arg1: memref<2000x128xf32, #tpu.memory_space<vmem>>, %arg2: memref<128x128xf32, #tpu.memory_space<vmem>>, %arg3: memref<1x128xf32, #tpu.memory_space<vmem>>, %arg4: memref<128x128xf32, #tpu.memory_space<vmem>>, %arg5: memref<128x128xf32, #tpu.memory_space<vmem>>, %arg6: memref<2x2000x128xf32, #tpu.memory_space<vmem>>) attributes {dimension_semantics = [#tpu.dimension_semantics<arbitrary>], iteration_bounds = array<i64: 5>, scalar_prefetch = 0 : i64, scratch_operands = 0 : i64, tpu.core_type = #tpu.core_type<tc>, window_params = [{transform_indices = @transform_0, window_bounds = array<i64: 2000, 128>}, {pipeline_mode = #tpu.pipeline_mode<synchronous>, transform_indices = @transform_1, window_bounds = array<i64: 128, 128>}, {pipeline_mode = #tpu.pipeline_mode<synchronous>, transform_indices = @transform_2, window_bounds = array<i64: 1, 128>}, {pipeline_mode = #tpu.pipeline_mode<synchronous>, transform_indices = @transform_3, window_bounds = array<i64: 128, 128>}, {pipeline_mode = #tpu.pipeline_mode<synchronous>, transform_indices = @transform_4, window_bounds = array<i64: 128, 128>}, {transform_indices = @transform_5, window_bounds = array<i64: 2, 2000, 128>}]} {
    %get3A = arith.constant 0 : index
    %get3A_0 = arith.constant 0 : index
    %get3A_1 = vector.load %arg1[%get3A, %get3A_0] : memref<2000x128xf32, #tpu.memory_space<vmem>>, vector<2000x128xf32>
    %get3A_2 = arith.constant 0 : index
    %get3A_3 = arith.constant 0 : index
    %get3A_4 = vector.load %arg2[%get3A_2, %get3A_3] : memref<128x128xf32, #tpu.memory_space<vmem>>, vector<128x128xf32>
    %dot_general3A = arith.constant dense<0.000000e+00> : vector<2000x128xf32>
    %dot_general3A_5 = tpu.matmul %get3A_1, %get3A_4, %dot_general3A {dimension_numbers = #tpu.dot_dimension_numbers<[1], [0], [0], [1], [0, 0, 1, 1], [], []>, transpose_lhs_hint = false} : vector<2000x128xf32>, vector<128x128xf32>, vector<2000x128xf32> -> vector<2000x128xf32>
    %get3A_6 = arith.constant 0 : index
    %get3A_7 = arith.constant 0 : index
    %get3A_8 = vector.load %arg3[%get3A_6, %get3A_7] : memref<1x128xf32, #tpu.memory_space<vmem>>, vector<1x128xf32>
    %add3A = vector.broadcast %get3A_8 : vector<1x128xf32> to vector<2000x128xf32>
    %add3A_9 = arith.addf %dot_general3A_5, %add3A : vector<2000x128xf32>
    %max3A = arith.constant 0.000000e+00 : f32
    %max3A_10 = vector.broadcast %max3A : f32 to vector<2000x128xf32>
    %max3A_11 = arith.maximumf %add3A_9, %max3A_10 : vector<2000x128xf32>
    %get3A_12 = arith.constant 0 : index
    %get3A_13 = arith.constant 0 : index
    %get3A_14 = vector.load %arg4[%get3A_12, %get3A_13] : memref<128x128xf32, #tpu.memory_space<vmem>>, vector<128x128xf32>
    %dot_general3A_15 = arith.constant dense<0.000000e+00> : vector<2000x128xf32>
    %dot_general3A_16 = tpu.matmul %max3A_11, %get3A_14, %dot_general3A_15 {dimension_numbers = #tpu.dot_dimension_numbers<[1], [0], [0], [1], [0, 0, 1, 1], [], []>, transpose_lhs_hint = false} : vector<2000x128xf32>, vector<128x128xf32>, vector<2000x128xf32> -> vector<2000x128xf32>
    %swap3A = arith.constant 0 : index
    %swap3A_17 = arith.constant 0 : index
    %swap3A_18 = arith.constant 0 : index
    %swap3A_19 = vector.load %arg6[%swap3A, %swap3A_17, %swap3A_18] : memref<2x2000x128xf32, #tpu.memory_space<vmem>>, vector<1x2000x128xf32>
    %swap3A_20 = vector.shape_cast %swap3A_19 : vector<1x2000x128xf32> to vector<2000x128xf32>
    %swap3A_21 = vector.shape_cast %dot_general3A_16 : vector<2000x128xf32> to vector<1x2000x128xf32>
    tpu.vector_store %arg6[%swap3A, %swap3A_17, %swap3A_18], %swap3A_21 {strides = array<i32>} : memref<2x2000x128xf32, #tpu.memory_space<vmem>>, vector<1x2000x128xf32>,
    %get3A_22 = arith.constant 0 : index
    %get3A_23 = arith.constant 0 : index
    %get3A_24 = vector.load %arg5[%get3A_22, %get3A_23] : memref<128x128xf32, #tpu.memory_space<vmem>>, vector<128x128xf32>
    %dot_general3A_25 = arith.constant dense<0.000000e+00> : vector<2000x128xf32>
    %dot_general3A_26 = tpu.matmul %max3A_11, %get3A_24, %dot_general3A_25 {dimension_numbers = #tpu.dot_dimension_numbers<[1], [0], [0], [1], [0, 0, 1, 1], [], []>, transpose_lhs_hint = false} : vector<2000x128xf32>, vector<128x128xf32>, vector<2000x128xf32> -> vector<2000x128xf32>
    %swap3A_27 = arith.constant 1 : index
    %swap3A_28 = arith.constant 0 : index
    %swap3A_29 = arith.constant 0 : index
    %swap3A_30 = vector.load %arg6[%swap3A_27, %swap3A_28, %swap3A_29] : memref<2x2000x128xf32, #tpu.memory_space<vmem>>, vector<1x2000x128xf32>
    %swap3A_31 = vector.shape_cast %swap3A_30 : vector<1x2000x128xf32> to vector<2000x128xf32>
    %swap3A_32 = vector.shape_cast %dot_general3A_26 : vector<2000x128xf32> to vector<1x2000x128xf32>
    tpu.vector_store %arg6[%swap3A_27, %swap3A_28, %swap3A_29], %swap3A_32 {strides = array<i32>} : memref<2x2000x128xf32, #tpu.memory_space<vmem>>, vector<1x2000x128xf32>,
    return
  }
  func.func @transform_0(%arg0: i32) -> (i32, i32) {
    %c0_i32 = arith.constant 0 : i32
    %c0_i32_0 = arith.constant 0 : i32
    return %arg0, %c0_i32 : i32, i32
  }
  func.func @transform_1(%arg0: i32) -> (i32, i32) {
    %c0_i32 = arith.constant 0 : i32
    %c0_i32_0 = arith.constant 0 : i32
    %c0_i32_1 = arith.constant 0 : i32
    return %c0_i32, %c0_i32_0 : i32, i32
  }
  func.func @transform_2(%arg0: i32) -> (i32, i32) {
    %c0_i32 = arith.constant 0 : i32
    %c0_i32_0 = arith.constant 0 : i32
    %c0_i32_1 = arith.constant 0 : i32
    return %c0_i32, %c0_i32_0 : i32, i32
  }
  func.func @transform_3(%arg0: i32) -> (i32, i32) {
    %c0_i32 = arith.constant 0 : i32
    %c0_i32_0 = arith.constant 0 : i32
    %c0_i32_1 = arith.constant 0 : i32
    return %c0_i32, %c0_i32_0 : i32, i32
  }
  func.func @transform_4(%arg0: i32) -> (i32, i32) {
    %c0_i32 = arith.constant 0 : i32
    %c0_i32_0 = arith.constant 0 : i32
    %c0_i32_1 = arith.constant 0 : i32
    return %c0_i32, %c0_i32_0 : i32, i32
  }
  func.func @transform_5(%arg0: i32) -> (i32, i32, i32) {
    %c0_i32 = arith.constant 0 : i32
    %c0_i32_0 = arith.constant 0 : i32
    %c0_i32_1 = arith.constant 0 : i32
    return %c0_i32, %arg0, %c0_i32_0 : i32, i32, i32
  }
}

module attributes {stable_mosaic.version = 14 : i64} {
  func.func @_prep_b_body(%arg0: i32, %arg1: memref<2x2000x128xf32, #tpu.memory_space<vmem>>, %arg2: memref<1x128xf32, #tpu.memory_space<vmem>>, %arg3: memref<1x128xf32, #tpu.memory_space<vmem>>, %arg4: memref<2000x1xbf16, #tpu.memory_space<vmem>>, %arg5: memref<2000x1xbf16, #tpu.memory_space<vmem>>, %arg6: memref<2000x128xf32, #tpu.memory_space<vmem>>, %arg7: memref<2000x128xf32, #tpu.memory_space<vmem>>, %arg8: memref<2000x128xf32, #tpu.memory_space<vmem>>) attributes {dimension_semantics = [#tpu.dimension_semantics<arbitrary>], iteration_bounds = array<i64: 5>, scalar_prefetch = 0 : i64, scratch_operands = 0 : i64, tpu.core_type = #tpu.core_type<tc>, window_params = [{transform_indices = @transform_0, window_bounds = array<i64: 2, 2000, 128>}, {pipeline_mode = #tpu.pipeline_mode<synchronous>, transform_indices = @transform_1, window_bounds = array<i64: 1, 128>}, {pipeline_mode = #tpu.pipeline_mode<synchronous>, transform_indices = @transform_2, window_bounds = array<i64: 1, 128>}, {transform_indices = @transform_3, window_bounds = array<i64: 2000, 1>}, {transform_indices = @transform_4, window_bounds = array<i64: 2000, 1>}, {transform_indices = @transform_5, window_bounds = array<i64: 2000, 128>}, {transform_indices = @transform_6, window_bounds = array<i64: 2000, 128>}, {transform_indices = @transform_7, window_bounds = array<i64: 2000, 128>}]} {
    %get3A = arith.constant 0 : index
    %get3A_0 = arith.constant 0 : index
    %get3A_1 = arith.constant 0 : index
    %get3A_2 = vector.load %arg1[%get3A, %get3A_0, %get3A_1] : memref<2x2000x128xf32, #tpu.memory_space<vmem>>, vector<1x2000x128xf32>
    %get3A_3 = vector.shape_cast %get3A_2 : vector<1x2000x128xf32> to vector<2000x128xf32>
    %get3A_4 = arith.constant 1 : index
    %get3A_5 = arith.constant 0 : index
    %get3A_6 = arith.constant 0 : index
    %get3A_7 = vector.load %arg1[%get3A_4, %get3A_5, %get3A_6] : memref<2x2000x128xf32, #tpu.memory_space<vmem>>, vector<1x2000x128xf32>
    %get3A_8 = vector.shape_cast %get3A_7 : vector<1x2000x128xf32> to vector<2000x128xf32>
    %get3A_9 = arith.constant 0 : index
    %get3A_10 = arith.constant 0 : index
    %get3A_11 = vector.load %arg4[%get3A_9, %get3A_10] : memref<2000x1xbf16, #tpu.memory_space<vmem>>, vector<2000x1xbf16>
    %convert_element_type3A = arith.extf %get3A_11 : vector<2000x1xbf16> to vector<2000x1xf32>
    %rsqrt3A = math.rsqrt %convert_element_type3A : vector<2000x1xf32>
    %get3A_12 = arith.constant 0 : index
    %get3A_13 = arith.constant 0 : index
    %get3A_14 = vector.load %arg5[%get3A_12, %get3A_13] : memref<2000x1xbf16, #tpu.memory_space<vmem>>, vector<2000x1xbf16>
    %convert_element_type3A_15 = arith.extf %get3A_14 : vector<2000x1xbf16> to vector<2000x1xf32>
    %rsqrt3A_16 = math.rsqrt %convert_element_type3A_15 : vector<2000x1xf32>
    %mul3A = vector.broadcast %rsqrt3A : vector<2000x1xf32> to vector<2000x128xf32>
    %mul3A_17 = arith.mulf %get3A_3, %mul3A : vector<2000x128xf32>
    %swap3A = arith.constant 0 : index
    %swap3A_18 = arith.constant 0 : index
    %swap3A_19 = vector.load %arg6[%swap3A, %swap3A_18] : memref<2000x128xf32, #tpu.memory_space<vmem>>, vector<2000x128xf32>
    tpu.vector_store %arg6[%swap3A, %swap3A_18], %mul3A_17 {strides = array<i32>} : memref<2000x128xf32, #tpu.memory_space<vmem>>, vector<2000x128xf32>,
    %mul3A_20 = vector.broadcast %rsqrt3A_16 : vector<2000x1xf32> to vector<2000x128xf32>
    %mul3A_21 = arith.mulf %get3A_8, %mul3A_20 : vector<2000x128xf32>
    %swap3A_22 = arith.constant 0 : index
    %swap3A_23 = arith.constant 0 : index
    %swap3A_24 = vector.load %arg7[%swap3A_22, %swap3A_23] : memref<2000x128xf32, #tpu.memory_space<vmem>>, vector<2000x128xf32>
    tpu.vector_store %arg7[%swap3A_22, %swap3A_23], %mul3A_21 {strides = array<i32>} : memref<2000x128xf32, #tpu.memory_space<vmem>>, vector<2000x128xf32>,
    %mul3A_25 = arith.mulf %rsqrt3A, %rsqrt3A : vector<2000x1xf32>
    %mul3A_26 = vector.broadcast %mul3A_25 : vector<2000x1xf32> to vector<2000x128xf32>
    %mul3A_27 = arith.mulf %get3A_3, %mul3A_26 : vector<2000x128xf32>
    %mul3A_28 = arith.mulf %rsqrt3A_16, %rsqrt3A_16 : vector<2000x1xf32>
    %mul3A_29 = vector.broadcast %mul3A_28 : vector<2000x1xf32> to vector<2000x128xf32>
    %mul3A_30 = arith.mulf %get3A_8, %mul3A_29 : vector<2000x128xf32>
    %add3A = arith.addf %mul3A_27, %mul3A_30 : vector<2000x128xf32>
    %get3A_31 = arith.constant 0 : index
    %get3A_32 = arith.constant 0 : index
    %get3A_33 = vector.load %arg2[%get3A_31, %get3A_32] : memref<1x128xf32, #tpu.memory_space<vmem>>, vector<1x128xf32>
    %add3A_34 = vector.broadcast %get3A_33 : vector<1x128xf32> to vector<2000x128xf32>
    %add3A_35 = arith.addf %add3A, %add3A_34 : vector<2000x128xf32>
    %get3A_36 = arith.constant 0 : index
    %get3A_37 = arith.constant 0 : index
    %get3A_38 = vector.load %arg3[%get3A_36, %get3A_37] : memref<1x128xf32, #tpu.memory_space<vmem>>, vector<1x128xf32>
    %add3A_39 = vector.broadcast %get3A_38 : vector<1x128xf32> to vector<2000x128xf32>
    %add3A_40 = arith.addf %add3A_35, %add3A_39 : vector<2000x128xf32>
    %swap3A_41 = arith.constant 0 : index
    %swap3A_42 = arith.constant 0 : index
    %swap3A_43 = vector.load %arg8[%swap3A_41, %swap3A_42] : memref<2000x128xf32, #tpu.memory_space<vmem>>, vector<2000x128xf32>
    tpu.vector_store %arg8[%swap3A_41, %swap3A_42], %add3A_40 {strides = array<i32>} : memref<2000x128xf32, #tpu.memory_space<vmem>>, vector<2000x128xf32>,
    return
  }
  func.func @transform_0(%arg0: i32) -> (i32, i32, i32) {
    %c0_i32 = arith.constant 0 : i32
    %c0_i32_0 = arith.constant 0 : i32
    %c0_i32_1 = arith.constant 0 : i32
    return %c0_i32, %arg0, %c0_i32_0 : i32, i32, i32
  }
  func.func @transform_1(%arg0: i32) -> (i32, i32) {
    %c0_i32 = arith.constant 0 : i32
    %c0_i32_0 = arith.constant 0 : i32
    %c0_i32_1 = arith.constant 0 : i32
    return %c0_i32, %c0_i32_0 : i32, i32
  }
  func.func @transform_2(%arg0: i32) -> (i32, i32) {
    %c0_i32 = arith.constant 0 : i32
    %c0_i32_0 = arith.constant 0 : i32
    %c0_i32_1 = arith.constant 0 : i32
    return %c0_i32, %c0_i32_0 : i32, i32
  }
  func.func @transform_3(%arg0: i32) -> (i32, i32) {
    %c0_i32 = arith.constant 0 : i32
    %c0_i32_0 = arith.constant 0 : i32
    return %arg0, %c0_i32 : i32, i32
  }
  func.func @transform_4(%arg0: i32) -> (i32, i32) {
    %add3A = arith.constant 5 : i32
    %add3A_0 = arith.addi %arg0, %add3A : i32
    %c0_i32 = arith.constant 0 : i32
    %c0_i32_1 = arith.constant 0 : i32
    return %add3A_0, %c0_i32 : i32, i32
  }
  func.func @transform_5(%arg0: i32) -> (i32, i32) {
    %c0_i32 = arith.constant 0 : i32
    %c0_i32_0 = arith.constant 0 : i32
    return %arg0, %c0_i32 : i32, i32
  }
  func.func @transform_6(%arg0: i32) -> (i32, i32) {
    %c0_i32 = arith.constant 0 : i32
    %c0_i32_0 = arith.constant 0 : i32
    return %arg0, %c0_i32 : i32, i32
  }
  func.func @transform_7(%arg0: i32) -> (i32, i32) {
    %c0_i32 = arith.constant 0 : i32
    %c0_i32_0 = arith.constant 0 : i32
    return %arg0, %c0_i32 : i32, i32
  }
}

module attributes {stable_mosaic.version = 14 : i64} {
  func.func @_mid_body(%arg0: i32, %arg1: memref<2x2000x128xf32, #tpu.memory_space<vmem>>, %arg2: memref<2000x128xf32, #tpu.memory_space<vmem>>, %arg3: memref<2000x1xbf16, #tpu.memory_space<vmem>>, %arg4: memref<2000x1xbf16, #tpu.memory_space<vmem>>, %arg5: memref<128x128xf32, #tpu.memory_space<vmem>>, %arg6: memref<1x128xf32, #tpu.memory_space<vmem>>, %arg7: memref<128x128xf32, #tpu.memory_space<vmem>>, %arg8: memref<1x128xf32, #tpu.memory_space<vmem>>, %arg9: memref<2000x128xf32, #tpu.memory_space<vmem>>, %arg10: memref<2000x128xf32, #tpu.memory_space<vmem>>, %arg11: memref<2000x128xf32, #tpu.memory_space<vmem>>) attributes {dimension_semantics = [#tpu.dimension_semantics<arbitrary>], iteration_bounds = array<i64: 5>, scalar_prefetch = 0 : i64, scratch_operands = 0 : i64, tpu.core_type = #tpu.core_type<tc>, window_params = [{transform_indices = @transform_0, window_bounds = array<i64: 2, 2000, 128>}, {transform_indices = @transform_1, window_bounds = array<i64: 2000, 128>}, {transform_indices = @transform_2, window_bounds = array<i64: 2000, 1>}, {transform_indices = @transform_3, window_bounds = array<i64: 2000, 1>}, {pipeline_mode = #tpu.pipeline_mode<synchronous>, transform_indices = @transform_4, window_bounds = array<i64: 128, 128>}, {pipeline_mode = #tpu.pipeline_mode<synchronous>, transform_indices = @transform_5, window_bounds = array<i64: 1, 128>}, {pipeline_mode = #tpu.pipeline_mode<synchronous>, transform_indices = @transform_6, window_bounds = array<i64: 128, 128>}, {pipeline_mode = #tpu.pipeline_mode<synchronous>, transform_indices = @transform_7, window_bounds = array<i64: 1, 128>}, {transform_indices = @transform_8, window_bounds = array<i64: 2000, 128>}, {transform_indices = @transform_9, window_bounds = array<i64: 2000, 128>}, {transform_indices = @transform_10, window_bounds = array<i64: 2000, 128>}]} {
    %get3A = arith.constant 0 : index
    %get3A_0 = arith.constant 0 : index
    %get3A_1 = vector.load %arg3[%get3A, %get3A_0] : memref<2000x1xbf16, #tpu.memory_space<vmem>>, vector<2000x1xbf16>
    %convert_element_type3A = arith.extf %get3A_1 : vector<2000x1xbf16> to vector<2000x1xf32>
    %rsqrt3A = math.rsqrt %convert_element_type3A : vector<2000x1xf32>
    %get3A_2 = arith.constant 0 : index
    %get3A_3 = arith.constant 0 : index
    %get3A_4 = vector.load %arg4[%get3A_2, %get3A_3] : memref<2000x1xbf16, #tpu.memory_space<vmem>>, vector<2000x1xbf16>
    %convert_element_type3A_5 = arith.extf %get3A_4 : vector<2000x1xbf16> to vector<2000x1xf32>
    %rsqrt3A_6 = math.rsqrt %convert_element_type3A_5 : vector<2000x1xf32>
    %get3A_7 = arith.constant 0 : index
    %get3A_8 = arith.constant 0 : index
    %get3A_9 = arith.constant 0 : index
    %get3A_10 = vector.load %arg1[%get3A_7, %get3A_8, %get3A_9] : memref<2x2000x128xf32, #tpu.memory_space<vmem>>, vector<1x2000x128xf32>
    %get3A_11 = vector.shape_cast %get3A_10 : vector<1x2000x128xf32> to vector<2000x128xf32>
    %mul3A = vector.broadcast %rsqrt3A : vector<2000x1xf32> to vector<2000x128xf32>
    %mul3A_12 = arith.mulf %get3A_11, %mul3A : vector<2000x128xf32>
    %get3A_13 = arith.constant 1 : index
    %get3A_14 = arith.constant 0 : index
    %get3A_15 = arith.constant 0 : index
    %get3A_16 = vector.load %arg1[%get3A_13, %get3A_14, %get3A_15] : memref<2x2000x128xf32, #tpu.memory_space<vmem>>, vector<1x2000x128xf32>
    %get3A_17 = vector.shape_cast %get3A_16 : vector<1x2000x128xf32> to vector<2000x128xf32>
    %mul3A_18 = vector.broadcast %rsqrt3A_6 : vector<2000x1xf32> to vector<2000x128xf32>
    %mul3A_19 = arith.mulf %get3A_17, %mul3A_18 : vector<2000x128xf32>
    %add3A = arith.addf %mul3A_12, %mul3A_19 : vector<2000x128xf32>
    %get3A_20 = arith.constant 0 : index
    %get3A_21 = arith.constant 0 : index
    %get3A_22 = vector.load %arg2[%get3A_20, %get3A_21] : memref<2000x128xf32, #tpu.memory_space<vmem>>, vector<2000x128xf32>
    %add3A_23 = arith.addf %add3A, %get3A_22 : vector<2000x128xf32>
    %max3A = arith.constant 0.000000e+00 : f32
    %max3A_24 = vector.broadcast %max3A : f32 to vector<2000x128xf32>
    %max3A_25 = arith.maximumf %add3A_23, %max3A_24 : vector<2000x128xf32>
    %get3A_26 = arith.constant 0 : index
    %get3A_27 = arith.constant 0 : index
    %get3A_28 = vector.load %arg5[%get3A_26, %get3A_27] : memref<128x128xf32, #tpu.memory_space<vmem>>, vector<128x128xf32>
    %dot_general3A = arith.constant dense<0.000000e+00> : vector<2000x128xf32>
    %dot_general3A_29 = tpu.matmul %max3A_25, %get3A_28, %dot_general3A {dimension_numbers = #tpu.dot_dimension_numbers<[1], [0], [0], [1], [0, 0, 1, 1], [], []>, transpose_lhs_hint = false} : vector<2000x128xf32>, vector<128x128xf32>, vector<2000x128xf32> -> vector<2000x128xf32>
    %get3A_30 = arith.constant 0 : index
    %get3A_31 = arith.constant 0 : index
    %get3A_32 = vector.load %arg7[%get3A_30, %get3A_31] : memref<128x128xf32, #tpu.memory_space<vmem>>, vector<128x128xf32>
    %dot_general3A_33 = arith.constant dense<0.000000e+00> : vector<2000x128xf32>
    %dot_general3A_34 = tpu.matmul %max3A_25, %get3A_32, %dot_general3A_33 {dimension_numbers = #tpu.dot_dimension_numbers<[1], [0], [0], [1], [0, 0, 1, 1], [], []>, transpose_lhs_hint = false} : vector<2000x128xf32>, vector<128x128xf32>, vector<2000x128xf32> -> vector<2000x128xf32>
    %mul3A_35 = vector.broadcast %rsqrt3A : vector<2000x1xf32> to vector<2000x128xf32>
    %mul3A_36 = arith.mulf %dot_general3A_29, %mul3A_35 : vector<2000x128xf32>
    %swap3A = arith.constant 0 : index
    %swap3A_37 = arith.constant 0 : index
    %swap3A_38 = vector.load %arg9[%swap3A, %swap3A_37] : memref<2000x128xf32, #tpu.memory_space<vmem>>, vector<2000x128xf32>
    tpu.vector_store %arg9[%swap3A, %swap3A_37], %mul3A_36 {strides = array<i32>} : memref<2000x128xf32, #tpu.memory_space<vmem>>, vector<2000x128xf32>,
    %mul3A_39 = vector.broadcast %rsqrt3A_6 : vector<2000x1xf32> to vector<2000x128xf32>
    %mul3A_40 = arith.mulf %dot_general3A_34, %mul3A_39 : vector<2000x128xf32>
    %swap3A_41 = arith.constant 0 : index
    %swap3A_42 = arith.constant 0 : index
    %swap3A_43 = vector.load %arg10[%swap3A_41, %swap3A_42] : memref<2000x128xf32, #tpu.memory_space<vmem>>, vector<2000x128xf32>
    tpu.vector_store %arg10[%swap3A_41, %swap3A_42], %mul3A_40 {strides = array<i32>} : memref<2000x128xf32, #tpu.memory_space<vmem>>, vector<2000x128xf32>,
    %mul3A_44 = arith.mulf %rsqrt3A, %rsqrt3A : vector<2000x1xf32>
    %mul3A_45 = vector.broadcast %mul3A_44 : vector<2000x1xf32> to vector<2000x128xf32>
    %mul3A_46 = arith.mulf %dot_general3A_29, %mul3A_45 : vector<2000x128xf32>
    %mul3A_47 = arith.mulf %rsqrt3A_6, %rsqrt3A_6 : vector<2000x1xf32>
    %mul3A_48 = vector.broadcast %mul3A_47 : vector<2000x1xf32> to vector<2000x128xf32>
    %mul3A_49 = arith.mulf %dot_general3A_34, %mul3A_48 : vector<2000x128xf32>
    %add3A_50 = arith.addf %mul3A_46, %mul3A_49 : vector<2000x128xf32>
    %get3A_51 = arith.constant 0 : index
    %get3A_52 = arith.constant 0 : index
    %get3A_53 = vector.load %arg6[%get3A_51, %get3A_52] : memref<1x128xf32, #tpu.memory_space<vmem>>, vector<1x128xf32>
    %add3A_54 = vector.broadcast %get3A_53 : vector<1x128xf32> to vector<2000x128xf32>
    %add3A_55 = arith.addf %add3A_50, %add3A_54 : vector<2000x128xf32>
    %get3A_56 = arith.constant 0 : index
    %get3A_57 = arith.constant 0 : index
    %get3A_58 = vector.load %arg8[%get3A_56, %get3A_57] : memref<1x128xf32, #tpu.memory_space<vmem>>, vector<1x128xf32>
    %add3A_59 = vector.broadcast %get3A_58 : vector<1x128xf32> to vector<2000x128xf32>
    %add3A_60 = arith.addf %add3A_55, %add3A_59 : vector<2000x128xf32>
    %swap3A_61 = arith.constant 0 : index
    %swap3A_62 = arith.constant 0 : index
    %swap3A_63 = vector.load %arg11[%swap3A_61, %swap3A_62] : memref<2000x128xf32, #tpu.memory_space<vmem>>, vector<2000x128xf32>
    tpu.vector_store %arg11[%swap3A_61, %swap3A_62], %add3A_60 {strides = array<i32>} : memref<2000x128xf32, #tpu.memory_space<vmem>>, vector<2000x128xf32>,
    return
  }
  func.func @transform_0(%arg0: i32) -> (i32, i32, i32) {
    %c0_i32 = arith.constant 0 : i32
    %c0_i32_0 = arith.constant 0 : i32
    %c0_i32_1 = arith.constant 0 : i32
    return %c0_i32, %arg0, %c0_i32_0 : i32, i32, i32
  }
  func.func @transform_1(%arg0: i32) -> (i32, i32) {
    %c0_i32 = arith.constant 0 : i32
    %c0_i32_0 = arith.constant 0 : i32
    return %arg0, %c0_i32 : i32, i32
  }
  func.func @transform_2(%arg0: i32) -> (i32, i32) {
    %c0_i32 = arith.constant 0 : i32
    %c0_i32_0 = arith.constant 0 : i32
    return %arg0, %c0_i32 : i32, i32
  }
  func.func @transform_3(%arg0: i32) -> (i32, i32) {
    %add3A = arith.constant 5 : i32
    %add3A_0 = arith.addi %arg0, %add3A : i32
    %c0_i32 = arith.constant 0 : i32
    %c0_i32_1 = arith.constant 0 : i32
    return %add3A_0, %c0_i32 : i32, i32
  }
  func.func @transform_4(%arg0: i32) -> (i32, i32) {
    %c0_i32 = arith.constant 0 : i32
    %c0_i32_0 = arith.constant 0 : i32
    %c0_i32_1 = arith.constant 0 : i32
    return %c0_i32, %c0_i32_0 : i32, i32
  }
  func.func @transform_5(%arg0: i32) -> (i32, i32) {
    %c0_i32 = arith.constant 0 : i32
    %c0_i32_0 = arith.constant 0 : i32
    %c0_i32_1 = arith.constant 0 : i32
    return %c0_i32, %c0_i32_0 : i32, i32
  }
  func.func @transform_6(%arg0: i32) -> (i32, i32) {
    %c0_i32 = arith.constant 0 : i32
    %c0_i32_0 = arith.constant 0 : i32
    %c0_i32_1 = arith.constant 0 : i32
    return %c0_i32, %c0_i32_0 : i32, i32
  }
  func.func @transform_7(%arg0: i32) -> (i32, i32) {
    %c0_i32 = arith.constant 0 : i32
    %c0_i32_0 = arith.constant 0 : i32
    %c0_i32_1 = arith.constant 0 : i32
    return %c0_i32, %c0_i32_0 : i32, i32
  }
  func.func @transform_8(%arg0: i32) -> (i32, i32) {
    %c0_i32 = arith.constant 0 : i32
    %c0_i32_0 = arith.constant 0 : i32
    return %arg0, %c0_i32 : i32, i32
  }
  func.func @transform_9(%arg0: i32) -> (i32, i32) {
    %c0_i32 = arith.constant 0 : i32
    %c0_i32_0 = arith.constant 0 : i32
    return %arg0, %c0_i32 : i32, i32
  }
  func.func @transform_10(%arg0: i32) -> (i32, i32) {
    %c0_i32 = arith.constant 0 : i32
    %c0_i32_0 = arith.constant 0 : i32
    return %arg0, %c0_i32 : i32, i32
  }
}

module attributes {stable_mosaic.version = 14 : i64} {
  func.func @_final_body(%arg0: i32, %arg1: memref<2x2000x128xf32, #tpu.memory_space<vmem>>, %arg2: memref<2000x128xf32, #tpu.memory_space<vmem>>, %arg3: memref<2000x1xbf16, #tpu.memory_space<vmem>>, %arg4: memref<2000x1xbf16, #tpu.memory_space<vmem>>, %arg5: memref<128x128xf32, #tpu.memory_space<vmem>>, %arg6: memref<1x128xf32, #tpu.memory_space<vmem>>, %arg7: memref<2000x128xf32, #tpu.memory_space<vmem>>) attributes {dimension_semantics = [#tpu.dimension_semantics<arbitrary>], iteration_bounds = array<i64: 5>, scalar_prefetch = 0 : i64, scratch_operands = 0 : i64, tpu.core_type = #tpu.core_type<tc>, window_params = [{transform_indices = @transform_0, window_bounds = array<i64: 2, 2000, 128>}, {transform_indices = @transform_1, window_bounds = array<i64: 2000, 128>}, {transform_indices = @transform_2, window_bounds = array<i64: 2000, 1>}, {transform_indices = @transform_3, window_bounds = array<i64: 2000, 1>}, {pipeline_mode = #tpu.pipeline_mode<synchronous>, transform_indices = @transform_4, window_bounds = array<i64: 128, 128>}, {pipeline_mode = #tpu.pipeline_mode<synchronous>, transform_indices = @transform_5, window_bounds = array<i64: 1, 128>}, {transform_indices = @transform_6, window_bounds = array<i64: 2000, 128>}]} {
    %get3A = arith.constant 0 : index
    %get3A_0 = arith.constant 0 : index
    %get3A_1 = vector.load %arg3[%get3A, %get3A_0] : memref<2000x1xbf16, #tpu.memory_space<vmem>>, vector<2000x1xbf16>
    %convert_element_type3A = arith.extf %get3A_1 : vector<2000x1xbf16> to vector<2000x1xf32>
    %rsqrt3A = math.rsqrt %convert_element_type3A : vector<2000x1xf32>
    %get3A_2 = arith.constant 0 : index
    %get3A_3 = arith.constant 0 : index
    %get3A_4 = vector.load %arg4[%get3A_2, %get3A_3] : memref<2000x1xbf16, #tpu.memory_space<vmem>>, vector<2000x1xbf16>
    %convert_element_type3A_5 = arith.extf %get3A_4 : vector<2000x1xbf16> to vector<2000x1xf32>
    %rsqrt3A_6 = math.rsqrt %convert_element_type3A_5 : vector<2000x1xf32>
    %get3A_7 = arith.constant 0 : index
    %get3A_8 = arith.constant 0 : index
    %get3A_9 = arith.constant 0 : index
    %get3A_10 = vector.load %arg1[%get3A_7, %get3A_8, %get3A_9] : memref<2x2000x128xf32, #tpu.memory_space<vmem>>, vector<1x2000x128xf32>
    %get3A_11 = vector.shape_cast %get3A_10 : vector<1x2000x128xf32> to vector<2000x128xf32>
    %mul3A = vector.broadcast %rsqrt3A : vector<2000x1xf32> to vector<2000x128xf32>
    %mul3A_12 = arith.mulf %get3A_11, %mul3A : vector<2000x128xf32>
    %get3A_13 = arith.constant 1 : index
    %get3A_14 = arith.constant 0 : index
    %get3A_15 = arith.constant 0 : index
    %get3A_16 = vector.load %arg1[%get3A_13, %get3A_14, %get3A_15] : memref<2x2000x128xf32, #tpu.memory_space<vmem>>, vector<1x2000x128xf32>
    %get3A_17 = vector.shape_cast %get3A_16 : vector<1x2000x128xf32> to vector<2000x128xf32>
    %mul3A_18 = vector.broadcast %rsqrt3A_6 : vector<2000x1xf32> to vector<2000x128xf32>
    %mul3A_19 = arith.mulf %get3A_17, %mul3A_18 : vector<2000x128xf32>
    %add3A = arith.addf %mul3A_12, %mul3A_19 : vector<2000x128xf32>
    %get3A_20 = arith.constant 0 : index
    %get3A_21 = arith.constant 0 : index
    %get3A_22 = vector.load %arg2[%get3A_20, %get3A_21] : memref<2000x128xf32, #tpu.memory_space<vmem>>, vector<2000x128xf32>
    %add3A_23 = arith.addf %add3A, %get3A_22 : vector<2000x128xf32>
    %max3A = arith.constant 0.000000e+00 : f32
    %max3A_24 = vector.broadcast %max3A : f32 to vector<2000x128xf32>
    %max3A_25 = arith.maximumf %add3A_23, %max3A_24 : vector<2000x128xf32>
    %get3A_26 = arith.constant 0 : index
    %get3A_27 = arith.constant 0 : index
    %get3A_28 = vector.load %arg5[%get3A_26, %get3A_27] : memref<128x128xf32, #tpu.memory_space<vmem>>, vector<128x128xf32>
    %dot_general3A = arith.constant dense<0.000000e+00> : vector<2000x128xf32>
    %dot_general3A_29 = tpu.matmul %max3A_25, %get3A_28, %dot_general3A {dimension_numbers = #tpu.dot_dimension_numbers<[1], [0], [0], [1], [0, 0, 1, 1], [], []>, transpose_lhs_hint = false} : vector<2000x128xf32>, vector<128x128xf32>, vector<2000x128xf32> -> vector<2000x128xf32>
    %get3A_30 = arith.constant 0 : index
    %get3A_31 = arith.constant 0 : index
    %get3A_32 = vector.load %arg6[%get3A_30, %get3A_31] : memref<1x128xf32, #tpu.memory_space<vmem>>, vector<1x128xf32>
    %add3A_33 = vector.broadcast %get3A_32 : vector<1x128xf32> to vector<2000x128xf32>
    %add3A_34 = arith.addf %dot_general3A_29, %add3A_33 : vector<2000x128xf32>
    %swap3A = arith.constant 0 : index
    %swap3A_35 = arith.constant 0 : index
    %swap3A_36 = vector.load %arg7[%swap3A, %swap3A_35] : memref<2000x128xf32, #tpu.memory_space<vmem>>, vector<2000x128xf32>
    tpu.vector_store %arg7[%swap3A, %swap3A_35], %add3A_34 {strides = array<i32>} : memref<2000x128xf32, #tpu.memory_space<vmem>>, vector<2000x128xf32>,
    return
  }
  func.func @transform_0(%arg0: i32) -> (i32, i32, i32) {
    %c0_i32 = arith.constant 0 : i32
    %c0_i32_0 = arith.constant 0 : i32
    %c0_i32_1 = arith.constant 0 : i32
    return %c0_i32, %arg0, %c0_i32_0 : i32, i32, i32
  }
  func.func @transform_1(%arg0: i32) -> (i32, i32) {
    %c0_i32 = arith.constant 0 : i32
    %c0_i32_0 = arith.constant 0 : i32
    return %arg0, %c0_i32 : i32, i32
  }
  func.func @transform_2(%arg0: i32) -> (i32, i32) {
    %c0_i32 = arith.constant 0 : i32
    %c0_i32_0 = arith.constant 0 : i32
    return %arg0, %c0_i32 : i32, i32
  }
  func.func @transform_3(%arg0: i32) -> (i32, i32) {
    %add3A = arith.constant 5 : i32
    %add3A_0 = arith.addi %arg0, %add3A : i32
    %c0_i32 = arith.constant 0 : i32
    %c0_i32_1 = arith.constant 0 : i32
    return %add3A_0, %c0_i32 : i32, i32
  }
  func.func @transform_4(%arg0: i32) -> (i32, i32) {
    %c0_i32 = arith.constant 0 : i32
    %c0_i32_0 = arith.constant 0 : i32
    %c0_i32_1 = arith.constant 0 : i32
    return %c0_i32, %c0_i32_0 : i32, i32
  }
  func.func @transform_5(%arg0: i32) -> (i32, i32) {
    %c0_i32 = arith.constant 0 : i32
    %c0_i32_0 = arith.constant 0 : i32
    %c0_i32_1 = arith.constant 0 : i32
    return %c0_i32, %c0_i32_0 : i32, i32
  }
  func.func @transform_6(%arg0: i32) -> (i32, i32) {
    %c0_i32 = arith.constant 0 : i32
    %c0_i32_0 = arith.constant 0 : i32
    return %arg0, %c0_i32 : i32, i32
  }
}

</mosaic_0001>

<sc_bundles>
// kernel: kernel.12.cloned.1.call-start
scs
__scs_entry_jumppad:
0x0: {  	(pc) =	sbr.rel $0x88, $3  }
0x1: {  	(tag) =	ssettag $0x0;
	lr =	simm.s32 $0x1  }
0x2: {  	[smem:$0x3F92] =	sst lr;
	_ =	strace $0xD0000000  }
0x3: {  	_ = 	snop  }
0x4: {  	_ = 	snop  }
0x5: {  	_ = 	snop  }
0x6: {  	_ = 	snop  }
0x7: {  	_ = 	snop  }
__scs_overlays_trampoline_lowered:
0x8: {  	[smem:$0x3FA1] =	sst s0  }
0x9: {  	[smem:$0x3FA2] =	sst s1  }
0xa: {  	[smem:$0x3FA3] =	sst s2  }
0xb: {  	[smem:$0x3FA4] =	sst s3  }
0xc: {  	[smem:$0x3FA5] =	sst s4  }
0xd: {  	[smem:$0x3FA6] =	sst s5  }
0xe: {  	[smem:$0x3FA7] =	sst s6  }
0xf: {  	[smem:$0x3FA8] =	sst s7  }
0x10: {  	[smem:$0x3FA9] =	sst s8  }
0x11: {  	[smem:$0x3FAA] =	sst s9;
	s0 =	simm.s32 @!p0 $0x0  }
0x12: {  	s1 =	sld [smem:$0x3F90];
	s0 =	simm.s32 @p0 $0x1  }
0x13: {  	[smem:$0x3FAB] =	sst s0;
	s0 =	simm.s32 @!p1 $0x0  }
0x14: {  	s2 =	sld [smem:$0x3F8F];
	s0 =	simm.s32 @p1 $0x1  }
0x15: {  	[smem:$0x3FAC] =	sst s0;
	s0 =	simm.s32 @!p2 $0x0  }
0x16: {  	s3 =	sld [smem:$0x3FDB];
	s0 =	simm.s32 @p2 $0x1  }
0x17: {  	s4 =	simm.s32 $0x1BF5;
	[smem:$0x3FAE] =	sst s0  }
0x18: {  	s0 =	sld [smem:$0x3F91];
	_ =	swait.ge [sflag:s4], $0x0  }
0x19: {  	s7 =	sld [smem:$0x3F92]  }
0x1a: {  	s8 =	sadd.s32 $0xFFFFE003, lr  }
0x1b: {  	s9 =	sadd.s32 $0xFFFFFEF7, lr;
	s5 =	simm.s32 $0xFFFFFFFF;
	p2 =	slt.u32 s8, $0xFFFFF086  }
0x1c: {  	p1 =	slt.u32 s9, $0xF7A;
	s5 =	simm.s32 @!p2 $0x0  }
0x1d: {  	s5 =	simm.s32 @p1 $0x1;
	p0 =	seq.s32 s7, s2  }
0x1e: {  	s7 =	smul.u32 @!p0 $0xF7A, s2;
	p2 =	seq.s32 @!p0 s5, $0x0  }
0x1f: {  	s9 =	smul.u32 $0xF7A, s1;
	s8 =	simm.s32 @!p0 $0x1BF5;
	p2 =	por !p2, p0  }
0x20: {  	[sflag:s8] =	ssyncset.s32 @!p0 $0xFFFFF086;
	s6 =	sadd.s32 @!p0 s3, s7;
	s7 =	simm.s32 @!p0 $0x108  }
0x21: {  	s3 =	sadd.s32 s3, s9;
	s6 =	sadd.s32 @!p0 $0x88, s6;
	s7 =	simm.s32 @p2 $0x1082  }
0x22: {  	[simem:s7], [sflag:s8] =	dma.local @!p0 [hbm:s6], $0xF7A  }
0x23: {  	s9 =	sor.u32 $0xD0000000, s2;
	s6 =	simm.s32 $0x108;
	_ =	swait.ge @!p0 [sflag:s8], $0x0  }
0x24: {  	s3 =	sadd.s32 $0x88, s3;
	s6 =	simm.s32 @!p1 $0x1082;
	[sflag:s4] =	ssyncset.s32 $0xFFFFF086  }
0x25: {  	[simem:s6], [sflag:s4] =	dma.local [hbm:s3], $0xF7A  }
0x26: {  	[smem:$0x3F92] =	sst s1;
	(tag) =	ssettag s2;
	_ =	strace s9  }
0x27: {  	s1 =	sld [smem:$0x3FA2]  }
0x28: {  	s2 =	sld [smem:$0x3FA3]  }
0x29: {  	s4 =	sld [smem:$0x3FA5]  }
0x2a: {  	p0 =	seq.s32 s5, $0x0;
	s5 =	sld [smem:$0x3FA6]  }
0x2b: {  	s6 =	sld [smem:$0x3FA7]  }
0x2c: {  	s7 =	sld [smem:$0x3FA8]  }
0x2d: {  	s3 =	simm.s32 $0x108;
	s8 =	sld [smem:$0x3FA9]  }
0x2e: {  	s3 =	simm.s32 @!p0 $0x1082;
	s9 =	sld [smem:$0x3FAA]  }
0x2f: {  	lr =	sadd.s32 s0, s3;
	s0 =	sld [smem:$0x3FA1]  }
0x30: {  	s3 =	sld [smem:$0x3FA4]  }
0x31: {  	[smem:$0x3FAD] =	sst s10  }
0x32: {  	s10 =	sld [smem:$0x3FAB];
	_ =	sdelay $0x3  }
0x33: {  	p0 =	seq.s32 s10, $0x1;
	s10 =	sld [smem:$0x3FAD];
	_ =	sdelay $0x3  }
0x34: {  	[smem:$0x3FAD] =	sst s10  }
0x35: {  	s10 =	sld [smem:$0x3FAC];
	_ =	sdelay $0x3  }
0x36: {  	p1 =	seq.s32 s10, $0x1;
	s10 =	sld [smem:$0x3FAD];
	_ =	sdelay $0x3  }
0x37: {  	[smem:$0x3FAD] =	sst s10  }
0x38: {  	s10 =	sld [smem:$0x3FAE]  }
0x39: {  	_ = 	snop;
	(pc) =	sbr.ind lr, $3  }
0x3a: {  	_ = 	snop  }
0x3b: {  	_ = 	snop  }
0x3c: {  	p2 =	seq.s32 s10, $0x1;
	s10 =	sld [smem:$0x3FAD]  }
0x3d: {  	_ =	shalt  }
0x3e: {  	_ =	shalt  }
0x3f: {  	_ =	shalt  }
0x40: {  	_ =	shalt  }
0x41: {  	_ =	shalt  }
0x42: {  	_ =	shalt  }
0x43: {  	_ =	shalt  }
0x44: {  	_ =	shalt  }
0x45: {  	_ =	shalt  }
0x46: {  	_ =	shalt  }
0x47: {  	_ =	shalt  }
0x48: {  	_ =	shalt  }
0x49: {  	_ =	shalt  }
0x4a: {  	_ =	shalt  }
0x4b: {  	_ =	shalt  }
0x4c: {  	_ =	shalt  }
0x4d: {  	_ =	shalt  }
0x4e: {  	_ =	shalt  }
0x4f: {  	_ =	shalt  }
0x50: {  	_ =	shalt  }
0x51: {  	_ =	shalt  }
0x52: {  	_ =	shalt  }
0x53: {  	_ =	shalt  }
0x54: {  	_ =	shalt  }
0x55: {  	_ =	shalt  }
0x56: {  	_ =	shalt  }
0x57: {  	_ =	shalt  }
0x58: {  	_ =	shalt  }
0x59: {  	_ =	shalt  }
0x5a: {  	_ =	shalt  }
0x5b: {  	_ =	shalt  }
0x5c: {  	_ =	shalt  }
0x5d: {  	_ =	shalt  }
0x5e: {  	_ =	shalt  }
0x5f: {  	_ =	shalt  }
0x60: {  	_ =	shalt  }
0x61: {  	_ =	shalt  }
0x62: {  	_ =	shalt  }
0x63: {  	_ =	shalt  }
0x64: {  	_ =	shalt  }
0x65: {  	_ =	shalt  }
0x66: {  	_ =	shalt  }
0x67: {  	_ =	shalt  }
0x68: {  	_ =	shalt  }
0x69: {  	_ =	shalt  }
0x6a: {  	_ =	shalt  }
0x6b: {  	_ =	shalt  }
0x6c: {  	_ =	shalt  }
0x6d: {  	_ =	shalt  }
0x6e: {  	_ =	shalt  }
0x6f: {  	_ =	shalt  }
0x70: {  	_ =	shalt  }
0x71: {  	_ =	shalt  }
0x72: {  	_ =	shalt  }
0x73: {  	_ =	shalt  }
0x74: {  	_ =	shalt  }
0x75: {  	_ =	shalt  }
0x76: {  	_ =	shalt  }
0x77: {  	_ =	shalt  }
0x78: {  	_ =	shalt  }
0x79: {  	_ =	shalt  }
0x7a: {  	_ =	shalt  }
0x7b: {  	_ =	shalt  }
0x7c: {  	_ =	shalt  }
0x7d: {  	_ =	shalt  }
0x7e: {  	_ =	shalt  }
0x7f: {  	_ =	shalt  }
0x80: {  	_ =	shalt  }
0x81: {  	_ =	shalt  }
0x82: {  	_ =	shalt  }
0x83: {  	_ =	shalt  }
0x84: {  	_ =	shalt  }
0x85: {  	_ =	shalt  }
0x86: {  	_ =	shalt  }
0x87: {  	_ =	shalt  }
.Lfunc_end0:
.L_simem_size_0:
called_computation.1_lowered:
.L_overlay_start_0:
0x88: {  	s2 =	sld [smem:$0x3FD9]  }
0x89: {  	s3 =	sld [smem:$0x3FFE];
	_ =	sdelay $0x1  }
0x8a: {  	s1 =	srdreg.scid  }
0x8b: {  	s0 =	sand.u32 $0x1, s1  }
0x8c: {  	s17 =	sshll.u32 s0, $0xA;
	s2 =	sadd.s32 s3, s2  }
0x8d: {  	s2 =	sadd.s32 s2, s17  }
0x8e: {  	[smem:$0x3FB9] =	sst s2  }
0x8f: {  	_ = 	snop  }
0x90: {  	s2 =	sld [smem:$0x3FD0];
	(tm) =	ssettm $0x1  }
0x91: {  	s18 =	sld [smem:$0x3FFB];
	_ =	sdelay $0x3  }
0x92: {  	_ =	strace s18  }
0x93: {  	s3 =	sld [smem:$0x3FFC];
	_ =	sdelay $0x3  }
0x94: {  	_ =	strace s3  }
0x95: {  	s3 =	sld [smem:$0x3FFD];
	_ =	sdelay $0x3  }
0x96: {  	_ =	strace s3  }
0x97: {  	_ =	strace $0x8FFFFFFF  }
0x98: {  	s19 =	sld [smem:$0x3FDB];
	_ =	sdelay $0x1  }
0x99: {  	s4 =	simm.s32 $_scs_section_size  }
0x9a: {  	s5 =	simm.s32 $_size__tile_overlayer_lowered;
	s6 =	simm.s32 $_tile_overlayer_lowered  }
0x9b: {  	s22 =	simm.s32 $0x1BFF;
	s21 =	sshll.u32 s6, $0x1;
	s3 =	sadd.s32 s4, s19  }
0x9c: {  	s7 =	simm.s32 $0x0;
	s20 =	sshll.u32 s5, $0x1;
	s5 =	sadd.s32 s21, s3  }
0x9d: {  	[timem:s7], [sflag:s22] =	dma.local [hbm:s5], s20  }
0x9e: {  	_ =	swait.ge [sflag:s22], s20  }
0x9f: {  	s4 =	ssub.s32 $0x0, s20;
	[sflag:s22] =	ssyncset.done $0x0  }
0xa0: {  	[sflag:s22] =	ssyncadd.s32 s4;
	_ =	sdelay $0x1  }
0xa1: {  	s23 =	simm.s32 $0x1B8B  }
0xa2: {  	_ =	swait.ge [sflag:s23], $0x1  }
0xa3: {  	[sflag:s23] =	ssyncset.done $0x0  }
0xa4: {  	s25 =	simm.s32 $0x1B8E;
	s24 =	sld [smem:$0x3FFE];
	[sflag:s23] =	ssyncadd.s32 $0xFFFFFFFF  }
0xa5: {  	s26 =	simm.s32 $execute0_lowered;
	[smem:$0x3FD2] =	sst s25  }
0xa6: {  	s5 =	sshll.u32 s26, $0x1;
	_ =	strace $0x80000049;
	[dreg:$0x1] =	wrdreg $0xFFFFFFFF  }
0xa7: {  	s28 =	simm.s32 $_size_execute0_lowered;
	s3 =	sadd.s32 s3, s5;
	[dreg:$0x0] =	wrdreg $0x0  }
0xa8: {  	s5 =	sshll.u32 s28, $0x1;
	[dreg:$0x2] =	wrdreg s3  }
0xa9: {  	[dreg:$0x3] =	wrdreg s5  }
0xaa: {  	[dreg:$0x4] =	wrdreg $0xC0  }
0xab: {  	_ =	task [dreg:s7], $0x5FFFF  }
0xac: {  	[dreg:$0x1] =	wrdreg $0xFFFFFFFF  }
0xad: {  	[dreg:$0x0] =	wrdreg $0x60  }
0xae: {  	[dreg:$0x2] =	wrdreg s2  }
0xaf: {  	[dreg:$0x3] =	wrdreg s24  }
0xb0: {  	[dreg:$0x4] =	wrdreg $0xA4000  }
0xb1: {  	[dreg:$0x5] =	wrdreg $0x9  }
0xb2: {  	_ =	task.clear_ibuf [dreg:s7], $0x6FFFF;
	_ =	strace $0x90000049  }
0xb3: {  	s29 =	simm.s32 $0x9;
	_ =	strace $0x8000004B  }
0xb4: {  	_ =	swait.ge [sflag:s29], $0x1  }
0xb5: {  	[sflag:s29] =	ssyncadd.s32 $0xFFFFFFFF  }
0xb6: {  	_ =	strace $0x9000004B  }
0xb7: {  	_ =	sfence  }
0xb8: {  	s30 =	sld [smem:$0x0];
	_ =	sdelay $0x2  }
0xb9: {  	s31 =	sshll.u32 s1, $0xD;
	s1 =	sshrl.u32 s1, $0x2  }
0xba: {  	s3 =	sand.u32 $0x4000, s31;
	s1 =	sadd.s32 s1, s30  }
0xbb: {  	s0 =	sor.u32 s3, s0;
	s1 =	sshll.u32 s1, $0x11  }
0xbc: {  	s0 =	sor.u32 s1, s0  }
0xbd: {  	s0 =	sadd.s32 $0x8F2B, s0  }
0xbe: {  	[sflag:s0] =	ssyncadd.remote.s32 $0x1  }
0xbf: {  	_ =	sfence.sel $0xFFFF  }
0xc0: {  	[dreg:$0x0] =	wrdreg $0xFFFFFFFF;
	(pc) =	sbr.abs _section_cstart, $3  }
0xc1: {  	[dreg:$0x1] =	wrdreg $0xFFFFFFFF  }
0xc2: {  	_ =	task.clear_ibuf [dreg:s7], $0x2FFFF;
	_ =	strace $0x9FFFFFFF  }
0xc3: {  	(tm) =	ssettm $0x7FFFFFFF  }
tec
execute0_lowered:
.L_overlay_start_1:
0x0: {  	(tag) =	ssettag $0x1  }
0x1: {  	s0 =	rddreg [dreg:$0x0]  }
0x2: {  	s3 =	rddreg [dreg:$0x1]  }
0x3: {  	s1 =	rddreg [dreg:$0x2];
	s2 =	simm.s32 $0x0  }
0x4: {  	s5 =	srdreg.scid;
	s13 =	stileid.u32;
	s30 =	simm.s32 $0x11  }
0x5: {  	s28 =	simm.s32 $0x9;
	s29 =	simm.s32 $0x5;
	s31 =	simm.s32 $0x3  }
0x6: {  	[smem:$0x7FF] =	sst s2;
	s4 =	sadd.s32 $0x18200, s3;
	s7 =	smul.u32 $0x270, s13  }
0x7: {  	s6 =	sadd.s32 $0x4600, s3;
	s5 =	sand.u32 $0x1, s5;
	s10 =	smul.u32 $0x4E000, s13  }
0x8: {  	s8 =	sadd.s32 $0xE400, s3;
	s3 =	sadd.s32 $0x8D600, s3;
	s15 =	sadd.s32 $0x138000, s1  }
0x9: {  	_ =	strace $0x8000004A;
	s9 =	ssub.s32 $0x2, s5;
	s10 =	sshrl.u32 s10, $0x2  }
0xa: {  	[dreg:$0x8] =	wrdreg s15;
	s11 =	sshrl.u32 s9, $0x1;
	s18 =	sadd.s32 s10, s1  }
0xb: {  	s9 =	ssub.s32 s9, s11;
	s10 =	sadd.s32 $0x11800, s18;
	[dreg:$0x5] =	wrdreg s18  }
0xc: {  	s14 =	smul.u32 $0x2710, s13;
	s17 =	smax.u32 s9, $0x1;
	[dreg:$0x6] =	wrdreg s10  }
0xd: {  	s12 =	smul.u32 $0x2710, s5;
	s19 =	sadd.s32 $0x2800, s18;
	[dreg:$0xb] =	wrdreg s17  }
0xe: {  	p0 =	seq.s32 s5, $0x0;
	s20 =	sadd.s32 $0x5000, s18;
	[dreg:$0xc] =	wrdreg s19  }
0xf: {  	s5 =	smul.u32 $0x138800, s5;
	s21 =	sadd.s32 $0x7800, s18;
	[dreg:$0xd] =	wrdreg s20  }
0x10: {  	s8 =	smov.u32 @p0 s6;
	s22 =	sadd.s32 $0xA000, s18;
	[dreg:$0xe] =	wrdreg s21  }
0x11: {  	s7 =	sadd.s32 s7, s12;
	s23 =	sadd.s32 $0xC800, s18;
	[dreg:$0xf] =	wrdreg s22  }
0x12: {  	s11 =	sshrl.u32 s14, $0x3;
	s24 =	sadd.s32 $0xF000, s18;
	[dreg:$0x10] =	wrdreg s23  }
0x13: {  	s7 =	sshll.u32 s7, $0x4;
	s14 =	sadd.s32 s8, s11;
	[dreg:$0x11] =	wrdreg s24  }
0x14: {  	s4 =	smov.u32 @p0 s0;
	s7 =	sadd.s32 s3, s7;
	[dreg:$0x17] =	wrdreg s14  }
0x15: {  	p0 =	sne.s32 s13, $0xF;
	s17 =	sadd.s32 $0xA, s14;
	[dreg:$0x7] =	wrdreg s7  }
0x16: {  	s0 =	simm.s32 $0x400;
	s19 =	sadd.s32 $0x14, s14;
	[dreg:$0x19] =	wrdreg s17  }
0x17: {  	s6 =	simm.s32 $0x4;
	s20 =	sadd.s32 $0x4E20, s14;
	[dreg:$0x1a] =	wrdreg s19  }
0x18: {  	s5 =	sshrl.u32 s5, $0x3;
	s21 =	sadd.s32 $0x4E2A, s14;
	[dreg:$0x1b] =	wrdreg s20  }
0x19: {  	s9 =	smul.u32 $0x4E2, s13;
	s22 =	sadd.s32 $0x4E34, s14;
	[dreg:$0x1c] =	wrdreg s21  }
0x1a: {  	s11 =	simm.s32 $0x80;
	s23 =	sadd.s32 $0x1E, s14;
	[dreg:$0x1d] =	wrdreg s22  }
0x1b: {  	s13 =	simm.s32 $0x7;
	s24 =	sadd.s32 $0x4E3E, s14;
	[dreg:$0x1e] =	wrdreg s23  }
0x1c: {  	s3 =	sadd.s32 s3, s5;
	s16 =	sadd.s32 $0x2300, s7;
	[dreg:$0x1f] =	wrdreg s24  }
0x1d: {  	s3 =	sadd.s32 $0x27000, s3;
	s25 =	sadd.s32 $0x500, s7;
	[dreg:$0x9] =	wrdreg s16  }
0x1e: {  	s26 =	sadd.s32 $0xA00, s7;
	s5 =	sadd.s32 $0xF00, s7;
	[dreg:$0xa] =	wrdreg s3  }
0x1f: {  	s10 =	sadd.s32 $0x1400, s7;
	s12 =	sadd.s32 $0x1900, s7;
	[dreg:$0x12] =	wrdreg s25  }
0x20: {  	s15 =	sadd.s32 s9, s8;
	s19 =	simm.s32 $0x100;
	[dreg:$0x13] =	wrdreg s26  }
0x21: {  	s20 =	simm.s32 $0x200;
	s22 =	simm.s32 $0x1;
	[dreg:$0x14] =	wrdreg s5  }
0x22: {  	s24 =	simm.s32 $0x50;
	s23 =	simm.s32 $0x5400;
	[dreg:$0x15] =	wrdreg s10  }
0x23: {  	s9 =	simm.s32 $0xA;
	s21 =	simm.s32 $0x10;
	[dreg:$0x16] =	wrdreg s12  }
0x24: {  	s17 =	simm.s32 $0x8;
	s16 =	sadd.s32 $0x1E00, s7;
	[dreg:$0x4] =	wrdreg s15  }
0x25: {  	s25 =	sadd.s32 $0x28, s14;
	s26 =	sadd.s32 $0x52F8, s14;
	[dreg:$0x18] =	wrdreg s16  }
0x26: {  	s7 =	simm.s32 $0x6;
	s12 =	simm.s32 $0xB;
	[smem:$0x7FC] =	sst s25  }
0x27: {  	s14 =	simm.s32 $0xD;
	s3 =	simm.s32 $0x0;
	[smem:$0x7FD] =	sst s26  }
0x28: {  	v0 =	vimm.f32 $0.0e+00;
	s26 =	simm.s32 $0x280;
	s25 =	simm.s32 $0x2;
	s16 =	simm.s32 $0xC  }
.LBB2_1:
0x29: {  	s10 =	rddreg [dreg:$0x17]  }
0x2a: {  	[tilespmem:s2], [sflag:$0x1] =	stream.linear.gather [hbm4b:s10+s2], $0x50, $0x38;
	[tilespmem:$0x1DC80] =	vst v63  }
0x2b: {  	s8 =	rddreg [dreg:$0x19]  }
0x2c: {  	[tilespmem:s11], [sflag:$0x2] =	stream.linear.gather [hbm4b:s8+s2], $0x50, $0x38;
	[tilespmem:$0x1DC80] =	vst v63  }
0x2d: {  	s11 =	rddreg [dreg:$0x1a]  }
0x2e: {  	[tilespmem:s19], [sflag:$0x3] =	stream.linear.gather [hbm4b:s11+s2], $0x50, $0x38;
	[tilespmem:$0x1DC80] =	vst v63  }
0x2f: {  	s15 =	rddreg [dreg:$0x1b]  }
0x30: {  	[tilespmem:s20], [sflag:$0x5] =	stream.linear.gather [hbm4b:s15+s2], $0x50, $0x38;
	[tilespmem:$0x1DC80] =	vst v63  }
0x31: {  	s18 =	rddreg [dreg:$0x1c];
	s19 =	sand.u32 $0xFE00, s2  }
0x32: {  	[tilespmem:s26], [sflag:$0x6] =	stream.linear.gather [hbm4b:s18+s2], $0x50, $0x38;
	[tilespmem:$0x1DC80] =	vst v63  }
0x33: {  	[smem:$0x7FB] =	sst s3;
	s26 =	sand.u32 $0x70, s2;
	s18 =	sshrl.u32 s19, $0x2  }
0x34: {  	s10 =	simm.s32 $0x40;
	s11 =	simm.s32 $0x0;
	s18 =	sor.u32 s26, s18  }
.LBB2_2:
0x35: {  	p1 =	sne.s32 s10, $0x9FC0  }
0x36: {  	[tilespmem:s18+$0x400] =	vst v0;
	s11 =	sadd.s32 $0x10, s11;
	s18 =	smov.u32 s10;
	s10 =	sadd.s32 $0x40, s10  }
.Ltmp0:
0x37: {  	(pc) =	sbr.rel @p1 .LBB2_2-.Ltmp0, $4  }
0x38: {  	_ = 	snop  }
0x39: {  	s18 =	sand.u32 $0xFE00, s18  }
0x3a: {  	s19 =	sand.u32 $0x70, s11;
	s18 =	sshrl.u32 s18, $0x2  }
0x3b: {  	s18 =	sor.u32 s19, s18  }
0x3c: {  	[tilespmem:s18+$0x400] =	vst v0;
	s3 =	rddreg [dreg:$0x5]  }
0x3d: {  	[spmem:s3] =	stream.linear.scatter [tilespmem:s0], [sflag:$0x11], $0x2800, $0x38;
	[tilespmem:$0x1DC80] =	vst v63  }
0x3e: {  	_ =	swait.ge [sflag:s30], $0x2800  }
0x3f: {  	[sflag:s30] =	ssyncset.done $0x0  }
0x40: {  	s10 =	rddreg [dreg:$0xc];
	[sflag:s30] =	ssyncadd.s32 $0xFFFFD800  }
0x41: {  	[spmem:s10] =	stream.linear.scatter [tilespmem:s0], [sflag:$0x11], $0x2800, $0x38;
	[tilespmem:$0x1DC80] =	vst v63  }
0x42: {  	_ =	swait.ge [sflag:s30], $0x2800  }
0x43: {  	[sflag:s30] =	ssyncset.done $0x0  }
0x44: {  	s8 =	rddreg [dreg:$0xd];
	[sflag:s30] =	ssyncadd.s32 $0xFFFFD800  }
0x45: {  	[spmem:s8] =	stream.linear.scatter [tilespmem:s0], [sflag:$0x11], $0x2800, $0x38;
	[tilespmem:$0x1DC80] =	vst v63  }
0x46: {  	_ =	swait.ge [sflag:s30], $0x2800  }
0x47: {  	[sflag:s30] =	ssyncset.done $0x0  }
0x48: {  	s11 =	rddreg [dreg:$0xe];
	[sflag:s30] =	ssyncadd.s32 $0xFFFFD800  }
0x49: {  	[spmem:s11] =	stream.linear.scatter [tilespmem:s0], [sflag:$0x11], $0x2800, $0x38;
	[tilespmem:$0x1DC80] =	vst v63  }
0x4a: {  	_ =	swait.ge [sflag:s30], $0x2800  }
0x4b: {  	[sflag:s30] =	ssyncset.done $0x0  }
0x4c: {  	s15 =	rddreg [dreg:$0xf];
	[sflag:s30] =	ssyncadd.s32 $0xFFFFD800  }
0x4d: {  	[spmem:s15] =	stream.linear.scatter [tilespmem:s0], [sflag:$0x11], $0x2800, $0x38;
	[tilespmem:$0x1DC80] =	vst v63  }
0x4e: {  	_ =	swait.ge [sflag:s30], $0x2800  }
0x4f: {  	[sflag:s30] =	ssyncset.done $0x0  }
0x50: {  	s18 =	rddreg [dreg:$0x10];
	[sflag:s30] =	ssyncadd.s32 $0xFFFFD800  }
0x51: {  	[spmem:s18] =	stream.linear.scatter [tilespmem:s0], [sflag:$0x11], $0x2800, $0x38;
	[tilespmem:$0x1DC80] =	vst v63  }
0x52: {  	_ =	swait.ge [sflag:s30], $0x2800  }
0x53: {  	[sflag:s30] =	ssyncset.done $0x0  }
0x54: {  	s19 =	rddreg [dreg:$0x11];
	[sflag:s30] =	ssyncadd.s32 $0xFFFFD800  }
0x55: {  	[spmem:s19] =	stream.linear.scatter [tilespmem:s0], [sflag:$0x11], $0x2800, $0x38;
	[tilespmem:$0x1DC80] =	vst v63  }
0x56: {  	_ =	swait.ge [sflag:s30], $0x2800  }
0x57: {  	[sflag:s30] =	ssyncset.done $0x0  }
0x58: {  	s26 =	rddreg [dreg:$0x6];
	[sflag:s30] =	ssyncadd.s32 $0xFFFFD800  }
0x59: {  	[spmem:s26] =	stream.linear.scatter [tilespmem:s0], [sflag:$0x11], $0x2000, $0x38;
	[tilespmem:$0x1DC80] =	vst v63  }
0x5a: {  	_ =	swait.ge [sflag:s30], $0x2000  }
0x5b: {  	[sflag:s30] =	ssyncset.done $0x0  }
0x5c: {  	s10 =	simm.s32 @!p0 $0x400;
	s11 =	rddreg [dreg:$0x8];
	[sflag:s30] =	ssyncadd.s32 $0xFFFFE000  }
0x5d: {  	[spmem:s11] =	stream.linear.scatter @!p0 [tilespmem:s10], [sflag:$0x11], $0x800, $0x38;
	[tilespmem:$0x1DC80] =	vst v63  }
0x5e: {  	s10 =	simm.s32 @!p0 $0x11  }
0x5f: {  	_ =	swait.ge @!p0 [sflag:s10], $0x800  }
0x60: {  	[sflag:s10] =	ssyncset.done @!p0 $0x0  }
0x61: {  	[sflag:s10] =	ssyncadd.s32 @!p0 $0xFFFFF800  }
0x62: {  	_ =	swait.ge [sflag:s22], $0x50  }
0x63: {  	[sflag:s22] =	ssyncset.done $0x0  }
0x64: {  	s10 =	simm.s32 $0x0;
	[sflag:s22] =	ssyncadd.s32 $0xFFFFFFB0  }
0x65: {  	[tilespmem:s0], [sflag:$0x9] =	stream.indirect.gather [hbm4b:s4+s24], $0x80, s10, s24, $0xb8;
	[tilespmem:$0x1DC80] =	vst v63  }
0x66: {  	_ =	swait.ge [sflag:s25], $0x50  }
0x67: {  	[sflag:s25] =	ssyncset.done $0x0  }
0x68: {  	s15 =	simm.s32 $0x2C00;
	s19 =	simm.s32 $0x80;
	[sflag:s25] =	ssyncadd.s32 $0xFFFFFFB0  }
0x69: {  	[tilespmem:s15], [sflag:$0xA] =	stream.indirect.gather [hbm4b:s4+s24], $0x80, s19, s24, $0xb8;
	[tilespmem:$0x1DC80] =	vst v63  }
0x6a: {  	[bflag:$0x0] =	sbarrier.arrive $0xFFFF  }
0x6b: {  	_ =	swait.ge [sflag:s28], $0x2800  }
0x6c: {  	[sflag:s28] =	ssyncset.done $0x0  }
0x6d: {  	[sflag:s28] =	ssyncadd.s32 $0xFFFFD800  }
0x6e: {  	_ =	swait.ge [sflag:s29], $0x50  }
0x6f: {  	[sflag:s29] =	ssyncset.done $0x0  }
0x70: {  	[sflag:s29] =	ssyncadd.s32 $0xFFFFFFB0  }
0x71: {  	[spmem:s1] =	stream.indirect.scatter.add.f32 [tilespmem:s0], [sflag:$0xD], $0x80, s20, s24, $0xb8;
	[tilespmem:$0x1DC80] =	vst v63  }
0x72: {  	s18 =	simm.s32 $0x300;
	s3 =	rddreg [dreg:$0x1d]  }
0x73: {  	[tilespmem:s18], [sflag:$0x7] =	stream.linear.gather [hbm4b:s3+s10], $0x50, $0x38;
	[tilespmem:$0x1DC80] =	vst v63  }
0x74: {  	_ =	swait.ge [sflag:s31], $0x50  }
0x75: {  	[sflag:s31] =	ssyncset.done $0x0  }
0x76: {  	s26 =	simm.s32 $0x100;
	[sflag:s31] =	ssyncadd.s32 $0xFFFFFFB0  }
0x77: {  	[tilespmem:s23], [sflag:$0xB] =	stream.indirect.gather [hbm4b:s4+s24], $0x80, s26, s24, $0xb8;
	[tilespmem:$0x1DC80] =	vst v63  }
0x78: {  	s8 =	simm.s32 $0x180;
	s5 =	rddreg [dreg:$0x1e]  }
0x79: {  	[tilespmem:s8], [sflag:$0x4] =	stream.linear.gather [hbm4b:s5+s10], $0x50, $0x38;
	[tilespmem:$0x1DC80] =	vst v63  }
0x7a: {  	_ =	swait.ge [sflag:s9], $0x2800  }
0x7b: {  	[sflag:s9] =	ssyncset.done $0x0  }
0x7c: {  	[sflag:s9] =	ssyncadd.s32 $0xFFFFD800  }
0x7d: {  	_ =	swait.ge [sflag:s7], $0x50  }
0x7e: {  	[sflag:s7] =	ssyncset.done $0x0  }
0x7f: {  	s30 =	simm.s32 $0x280;
	[sflag:s7] =	ssyncadd.s32 $0xFFFFFFB0  }
0x80: {  	[spmem:s1] =	stream.indirect.scatter.add.f32 [tilespmem:s15], [sflag:$0xE], $0x80, s30, s24, $0xb8;
	[tilespmem:$0x1DC80] =	vst v63  }
0x81: {  	s3 =	simm.s32 $0x380;
	s0 =	rddreg [dreg:$0x1f]  }
0x82: {  	[tilespmem:s3], [sflag:$0x8] =	stream.linear.gather [hbm4b:s0+s10], $0x50, $0x38;
	[tilespmem:$0x1DC80] =	vst v63  }
0x83: {  	_ =	swait.ge [sflag:s6], $0x50  }
0x84: {  	[sflag:s6] =	ssyncset.done $0x0  }
0x85: {  	s0 =	simm.s32 $0x7C00;
	s11 =	sld [smem:$0x7FC];
	[sflag:s6] =	ssyncadd.s32 $0xFFFFFFB0  }
0x86: {  	[tilespmem:s0], [sflag:$0xC] =	stream.indirect.gather [hbm4b:s4+s24], $0x80, s8, s24, $0xb8;
	[tilespmem:$0x1DC80] =	vst v63  }
0x87: {  	_ = 	snop  }
0x88: {  	[tilespmem:s10], [sflag:$0x1] =	stream.linear.gather [hbm4b:s11+s10], $0x50, $0x38;
	[tilespmem:$0x1DC80] =	vst v63  }
0x89: {  	_ =	swait.ge [sflag:s12], $0x2800  }
0x8a: {  	[sflag:s12] =	ssyncset.done $0x0  }
0x8b: {  	[sflag:s12] =	ssyncadd.s32 $0xFFFFD800  }
0x8c: {  	_ =	swait.ge [sflag:s13], $0x50  }
0x8d: {  	[sflag:s13] =	ssyncset.done $0x0  }
0x8e: {  	[sflag:s13] =	ssyncadd.s32 $0xFFFFFFB0  }
0x8f: {  	[spmem:s1] =	stream.indirect.scatter.add.f32 [tilespmem:s23], [sflag:$0xF], $0x80, s18, s24, $0xb8;
	[tilespmem:$0x1DC80] =	vst v63  }
0x90: {  	_ =	swait.ge [sflag:s14], $0x2800  }
0x91: {  	s12 =	rddreg [dreg:$0x4]  }
0x92: {  	[sflag:s14] =	ssyncset.done $0x0;
	s11 =	sadd.s32 $0x0, s12  }
0x93: {  	s20 =	simm.s32 $0x200;
	[sflag:s14] =	ssyncadd.s32 $0xFFFFD800;
	s10 =	sadd.s32 $0x4E48, s11  }
0x94: {  	[tilespmem:s20], [sflag:$0x5] =	stream.linear.gather [hbm4b:s10+s2], $0x50, $0x38;
	[tilespmem:$0x1DC80] =	vst v63  }
0x95: {  	_ =	swait.ge [sflag:s22], $0x50  }
0x96: {  	[sflag:s22] =	ssyncset.done $0x0  }
0x97: {  	s5 =	simm.s32 $0x400;
	[sflag:s22] =	ssyncadd.s32 $0xFFFFFFB0  }
0x98: {  	[tilespmem:s5], [sflag:$0x9] =	stream.indirect.gather [hbm4b:s4+s24], $0x80, s2, s24, $0xb8;
	[tilespmem:$0x1DC80] =	vst v63  }
0x99: {  	s13 =	sadd.s32 $0x32, s11  }
0x9a: {  	[tilespmem:s19], [sflag:$0x2] =	stream.linear.gather [hbm4b:s13+s2], $0x50, $0x38;
	[tilespmem:$0x1DC80] =	vst v63  }
0x9b: {  	_ =	swait.ge [sflag:s16], $0x2800  }
0x9c: {  	[sflag:s16] =	ssyncset.done $0x0  }
0x9d: {  	[sflag:s16] =	ssyncadd.s32 $0xFFFFD800  }
0x9e: {  	_ =	swait.ge [sflag:s17], $0x50  }
0x9f: {  	[sflag:s17] =	ssyncset.done $0x0  }
0xa0: {  	s5 =	simm.s32 $0xE;
	[sflag:s17] =	ssyncadd.s32 $0xFFFFFFB0  }
0xa1: {  	[spmem:s1] =	stream.indirect.scatter.add.f32 [tilespmem:s0], [sflag:$0x10], $0x80, s3, s24, $0xb8;
	[tilespmem:$0x1DC80] =	vst v63  }
0xa2: {  	_ =	swait.ge [sflag:s5], $0x2800  }
0xa3: {  	[sflag:s5] =	ssyncset.done $0x0  }
0xa4: {  	s14 =	sadd.s32 $0x4E52, s11;
	[sflag:s5] =	ssyncadd.s32 $0xFFFFD800  }
0xa5: {  	[tilespmem:s30], [sflag:$0x6] =	stream.linear.gather [hbm4b:s14+s2], $0x50, $0x38;
	[tilespmem:$0x1DC80] =	vst v63  }
0xa6: {  	_ =	swait.ge [sflag:s25], $0x50  }
0xa7: {  	[sflag:s25] =	ssyncset.done $0x0  }
0xa8: {  	[sflag:s25] =	ssyncadd.s32 $0xFFFFFFB0  }
0xa9: {  	[tilespmem:s15], [sflag:$0xA] =	stream.indirect.gather [hbm4b:s4+s24], $0x80, s19, s24, $0xb8;
	[tilespmem:$0x1DC80] =	vst v63  }
0xaa: {  	s25 =	sadd.s32 $0x3C, s11  }
0xab: {  	[tilespmem:s26], [sflag:$0x3] =	stream.linear.gather [hbm4b:s25+s2], $0x50, $0x38;
	[tilespmem:$0x1DC80] =	vst v63  }
0xac: {  	_ =	swait.ge [sflag:s28], $0x2800  }
0xad: {  	[sflag:s28] =	ssyncset.done $0x0  }
0xae: {  	[sflag:s28] =	ssyncadd.s32 $0xFFFFD800  }
0xaf: {  	_ =	swait.ge [sflag:s29], $0x50  }
0xb0: {  	[sflag:s29] =	ssyncset.done $0x0  }
0xb1: {  	s12 =	simm.s32 $0x400;
	[sflag:s29] =	ssyncadd.s32 $0xFFFFFFB0  }
0xb2: {  	[spmem:s1] =	stream.indirect.scatter.add.f32 [tilespmem:s12], [sflag:$0xD], $0x80, s20, s24, $0xb8;
	[tilespmem:$0x1DC80] =	vst v63  }
0xb3: {  	s12 =	simm.s32 $0xF  }
0xb4: {  	_ =	swait.ge [sflag:s12], $0x2800  }
0xb5: {  	[sflag:s12] =	ssyncset.done $0x0  }
0xb6: {  	s13 =	sadd.s32 $0x4E5C, s11;
	[sflag:s12] =	ssyncadd.s32 $0xFFFFD800  }
0xb7: {  	[tilespmem:s18], [sflag:$0x7] =	stream.linear.gather [hbm4b:s13+s2], $0x50, $0x38;
	[tilespmem:$0x1DC80] =	vst v63  }
0xb8: {  	_ =	swait.ge [sflag:s31], $0x50  }
0xb9: {  	[sflag:s31] =	ssyncset.done $0x0  }
0xba: {  	[sflag:s31] =	ssyncadd.s32 $0xFFFFFFB0  }
0xbb: {  	[tilespmem:s23], [sflag:$0xB] =	stream.indirect.gather [hbm4b:s4+s24], $0x80, s26, s24, $0xb8;
	[tilespmem:$0x1DC80] =	vst v63  }
0xbc: {  	s14 =	sadd.s32 $0x46, s11  }
0xbd: {  	[tilespmem:s8], [sflag:$0x4] =	stream.linear.gather [hbm4b:s14+s2], $0x50, $0x38;
	[tilespmem:$0x1DC80] =	vst v63  }
0xbe: {  	_ =	swait.ge [sflag:s9], $0x2800  }
0xbf: {  	[sflag:s9] =	ssyncset.done $0x0  }
0xc0: {  	[sflag:s9] =	ssyncadd.s32 $0xFFFFD800  }
0xc1: {  	_ =	swait.ge [sflag:s7], $0x50  }
0xc2: {  	[sflag:s7] =	ssyncset.done $0x0  }
0xc3: {  	s10 =	simm.s32 $0x28;
	[sflag:s7] =	ssyncadd.s32 $0xFFFFFFB0  }
0xc4: {  	[spmem:s1] =	stream.indirect.scatter.add.f32 [tilespmem:s15], [sflag:$0xE], $0x80, s30, s24, $0xb8;
	[tilespmem:$0x1DC80] =	vst v63  }
0xc5: {  	s25 =	sadd.s32 $0x4E66, s11;
	s11 =	sadd.s32 $0x50, s11;
	_ =	swait.ge [sflag:s21], $0x2800  }
0xc6: {  	s28 =	simm.s32 $0x2;
	s29 =	simm.s32 $0x9;
	[sflag:s21] =	ssyncset.done $0x0  }
0xc7: {  	s12 =	simm.s32 $0x4;
	s13 =	simm.s32 $0xB;
	[sflag:s21] =	ssyncadd.s32 $0xFFFFD800  }
0xc8: {  	[tilespmem:s3], [sflag:$0x8] =	stream.linear.gather [hbm4b:s25+s2], $0x50, $0x38;
	[tilespmem:$0x1DC80] =	vst v63  }
0xc9: {  	s31 =	simm.s32 $0x5;
	s14 =	simm.s32 $0x7;
	_ =	swait.ge [sflag:s6], $0x50  }
0xca: {  	s9 =	simm.s32 $0x3;
	s7 =	simm.s32 $0xA;
	[sflag:s6] =	ssyncset.done $0x0  }
0xcb: {  	s15 =	simm.s32 $0xD;
	[sflag:s6] =	ssyncadd.s32 $0xFFFFFFB0;
	s6 =	simm.s32 $0x6  }
0xcc: {  	[tilespmem:s0], [sflag:$0xC] =	stream.indirect.gather [hbm4b:s4+s24], $0x80, s8, s24, $0xb8;
	[tilespmem:$0x1DC80] =	vst v63  }
.LBB2_4:
0xcd: {  	[tilespmem:s2], [sflag:$0x1] =	stream.linear.gather [hbm4b:s11+s2], $0x50, $0x38;
	[tilespmem:$0x1DC80] =	vst v63  }
0xce: {  	_ =	swait.ge [sflag:s13], $0x2800  }
0xcf: {  	[sflag:s13] =	ssyncset.done $0x0  }
0xd0: {  	[sflag:s13] =	ssyncadd.s32 $0xFFFFD800  }
0xd1: {  	_ =	swait.ge [sflag:s14], $0x50  }
0xd2: {  	[sflag:s14] =	ssyncset.done $0x0  }
0xd3: {  	[sflag:s14] =	ssyncadd.s32 $0xFFFFFFB0  }
0xd4: {  	[spmem:s1] =	stream.indirect.scatter.add.f32 [tilespmem:s23], [sflag:$0xF], $0x80, s18, s24, $0xb8;
	[tilespmem:$0x1DC80] =	vst v63  }
0xd5: {  	_ =	swait.ge [sflag:s15], $0x2800  }
0xd6: {  	s11 =	smov.u32 s10;
	s25 =	rddreg [dreg:$0x4]  }
0xd7: {  	[sflag:s15] =	ssyncset.done $0x0;
	s11 =	sadd.s32 s11, s25  }
0xd8: {  	[sflag:s15] =	ssyncadd.s32 $0xFFFFD800;
	s18 =	sadd.s32 $0x4E48, s11  }
0xd9: {  	[tilespmem:s20], [sflag:$0x5] =	stream.linear.gather [hbm4b:s18+s2], $0x50, $0x38;
	[tilespmem:$0x1DC80] =	vst v63  }
0xda: {  	_ =	swait.ge [sflag:s22], $0x50  }
0xdb: {  	[sflag:s22] =	ssyncset.done $0x0  }
0xdc: {  	s25 =	simm.s32 $0x400;
	[sflag:s22] =	ssyncadd.s32 $0xFFFFFFB0  }
0xdd: {  	[tilespmem:s25], [sflag:$0x9] =	stream.indirect.gather [hbm4b:s4+s24], $0x80, s2, s24, $0xb8;
	[tilespmem:$0x1DC80] =	vst v63  }
0xde: {  	s22 =	sadd.s32 $0x32, s11  }
0xdf: {  	[tilespmem:s19], [sflag:$0x2] =	stream.linear.gather [hbm4b:s22+s2], $0x50, $0x38;
	[tilespmem:$0x1DC80] =	vst v63  }
0xe0: {  	_ =	swait.ge [sflag:s16], $0x2800  }
0xe1: {  	[sflag:s16] =	ssyncset.done $0x0  }
0xe2: {  	[sflag:s16] =	ssyncadd.s32 $0xFFFFD800  }
0xe3: {  	_ =	swait.ge [sflag:s17], $0x50  }
0xe4: {  	[sflag:s17] =	ssyncset.done $0x0  }
0xe5: {  	[sflag:s17] =	ssyncadd.s32 $0xFFFFFFB0  }
0xe6: {  	[spmem:s1] =	stream.indirect.scatter.add.f32 [tilespmem:s0], [sflag:$0x10], $0x80, s3, s24, $0xb8;
	[tilespmem:$0x1DC80] =	vst v63  }
0xe7: {  	_ =	swait.ge [sflag:s5], $0x2800  }
0xe8: {  	[sflag:s5] =	ssyncset.done $0x0  }
0xe9: {  	s22 =	sadd.s32 $0x4E52, s11;
	[sflag:s5] =	ssyncadd.s32 $0xFFFFD800  }
0xea: {  	[tilespmem:s30], [sflag:$0x6] =	stream.linear.gather [hbm4b:s22+s2], $0x50, $0x38;
	[tilespmem:$0x1DC80] =	vst v63  }
0xeb: {  	_ =	swait.ge [sflag:s28], $0x50  }
0xec: {  	[sflag:s28] =	ssyncset.done $0x0  }
0xed: {  	s22 =	simm.s32 $0x2C00;
	[sflag:s28] =	ssyncadd.s32 $0xFFFFFFB0  }
0xee: {  	[tilespmem:s22], [sflag:$0xA] =	stream.indirect.gather [hbm4b:s4+s24], $0x80, s19, s24, $0xb8;
	[tilespmem:$0x1DC80] =	vst v63  }
0xef: {  	s18 =	sadd.s32 $0x3C, s11  }
0xf0: {  	[tilespmem:s26], [sflag:$0x3] =	stream.linear.gather [hbm4b:s18+s2], $0x50, $0x38;
	[tilespmem:$0x1DC80] =	vst v63  }
0xf1: {  	_ =	swait.ge [sflag:s29], $0x2800  }
0xf2: {  	[sflag:s29] =	ssyncset.done $0x0  }
0xf3: {  	[sflag:s29] =	ssyncadd.s32 $0xFFFFD800  }
0xf4: {  	_ =	swait.ge [sflag:s31], $0x50  }
0xf5: {  	[sflag:s31] =	ssyncset.done $0x0  }
0xf6: {  	[sflag:s31] =	ssyncadd.s32 $0xFFFFFFB0  }
0xf7: {  	[spmem:s1] =	stream.indirect.scatter.add.f32 [tilespmem:s25], [sflag:$0xD], $0x80, s20, s24, $0xb8;
	[tilespmem:$0x1DC80] =	vst v63  }
0xf8: {  	s25 =	simm.s32 $0xF  }
0xf9: {  	_ =	swait.ge [sflag:s25], $0x2800  }
0xfa: {  	[sflag:s25] =	ssyncset.done $0x0  }
0xfb: {  	s23 =	simm.s32 $0x300;
	s18 =	sadd.s32 $0x4E5C, s11;
	[sflag:s25] =	ssyncadd.s32 $0xFFFFD800  }
0xfc: {  	[tilespmem:s23], [sflag:$0x7] =	stream.linear.gather [hbm4b:s18+s2], $0x50, $0x38;
	[tilespmem:$0x1DC80] =	vst v63  }
0xfd: {  	_ =	swait.ge [sflag:s9], $0x50  }
0xfe: {  	[sflag:s9] =	ssyncset.done $0x0  }
0xff: {  	s23 =	simm.s32 $0x5400;
	[sflag:s9] =	ssyncadd.s32 $0xFFFFFFB0  }
0x100: {  	[tilespmem:s23], [sflag:$0xB] =	stream.indirect.gather [hbm4b:s4+s24], $0x80, s26, s24, $0xb8;
	[tilespmem:$0x1DC80] =	vst v63  }
0x101: {  	s18 =	sadd.s32 $0x46, s11  }
0x102: {  	[tilespmem:s8], [sflag:$0x4] =	stream.linear.gather [hbm4b:s18+s2], $0x50, $0x38;
	[tilespmem:$0x1DC80] =	vst v63  }
0x103: {  	_ =	swait.ge [sflag:s7], $0x2800  }
0x104: {  	[sflag:s7] =	ssyncset.done $0x0  }
0x105: {  	[sflag:s7] =	ssyncadd.s32 $0xFFFFD800  }
0x106: {  	_ =	swait.ge [sflag:s6], $0x50  }
0x107: {  	[sflag:s6] =	ssyncset.done $0x0  }
0x108: {  	[sflag:s6] =	ssyncadd.s32 $0xFFFFFFB0  }
0x109: {  	[spmem:s1] =	stream.indirect.scatter.add.f32 [tilespmem:s22], [sflag:$0xE], $0x80, s30, s24, $0xb8;
	[tilespmem:$0x1DC80] =	vst v63  }
0x10a: {  	_ =	swait.ge [sflag:s21], $0x2800  }
0x10b: {  	[sflag:s21] =	ssyncset.done $0x0  }
0x10c: {  	p1 =	sne.s32 s10, $0x488;
	s18 =	sadd.s32 $0x4E66, s11;
	[sflag:s21] =	ssyncadd.s32 $0xFFFFD800  }
0x10d: {  	[tilespmem:s3], [sflag:$0x8] =	stream.linear.gather [hbm4b:s18+s2], $0x50, $0x38;
	[tilespmem:$0x1DC80] =	vst v63  }
.Ltmp1:
0x10e: {  	_ = 	snop;
	(pc) =	sbr.rel @p1 .LBB2_4-.Ltmp1, $4  }
0x10f: {  	_ =	swait.ge [sflag:s12], $0x50  }
0x110: {  	s10 =	sadd.s32 $0x28, s10;
	s11 =	sadd.s32 $0x50, s11;
	[sflag:s12] =	ssyncset.done $0x0  }
0x111: {  	s22 =	simm.s32 $0x1;
	s18 =	simm.s32 $0x300;
	[sflag:s12] =	ssyncadd.s32 $0xFFFFFFB0  }
0x112: {  	[tilespmem:s0], [sflag:$0xC] =	stream.indirect.gather [hbm4b:s4+s24], $0x80, s8, s24, $0xb8;
	[tilespmem:$0x1DC80] =	vst v63  }
0x113: {  	[tilespmem:s2], [sflag:$0x1] =	stream.linear.gather [hbm4b:s11+s2], $0x50, $0x38;
	[tilespmem:$0x1DC80] =	vst v63  }
0x114: {  	_ =	swait.ge [sflag:s13], $0x2800  }
0x115: {  	[sflag:s13] =	ssyncset.done $0x0  }
0x116: {  	[sflag:s13] =	ssyncadd.s32 $0xFFFFD800  }
0x117: {  	_ =	swait.ge [sflag:s14], $0x50  }
0x118: {  	[sflag:s14] =	ssyncset.done $0x0  }
0x119: {  	[sflag:s14] =	ssyncadd.s32 $0xFFFFFFB0  }
0x11a: {  	[spmem:s1] =	stream.indirect.scatter.add.f32 [tilespmem:s23], [sflag:$0xF], $0x80, s18, s24, $0xb8;
	[tilespmem:$0x1DC80] =	vst v63  }
0x11b: {  	_ =	swait.ge [sflag:s15], $0x2800  }
0x11c: {  	s10 =	sld [smem:$0x7FD]  }
0x11d: {  	[sflag:s15] =	ssyncset.done $0x0  }
0x11e: {  	[sflag:s15] =	ssyncadd.s32 $0xFFFFD800  }
0x11f: {  	[tilespmem:s20], [sflag:$0x5] =	stream.linear.gather [hbm4b:s10+s2], $0x50, $0x38;
	[tilespmem:$0x1DC80] =	vst v63  }
0x120: {  	_ =	swait.ge [sflag:s22], $0x50  }
0x121: {  	[sflag:s22] =	ssyncset.done $0x0  }
0x122: {  	s8 =	simm.s32 $0x400;
	[sflag:s22] =	ssyncadd.s32 $0xFFFFFFB0  }
0x123: {  	[tilespmem:s8], [sflag:$0x9] =	stream.indirect.gather [hbm4b:s4+s24], $0x80, s2, s24, $0xb8;
	[tilespmem:$0x1DC80] =	vst v63  }
0x124: {  	_ =	swait.ge [sflag:s16], $0x2800  }
0x125: {  	[sflag:s16] =	ssyncset.done $0x0  }
0x126: {  	[sflag:s16] =	ssyncadd.s32 $0xFFFFD800  }
0x127: {  	_ =	swait.ge [sflag:s17], $0x50  }
0x128: {  	[sflag:s17] =	ssyncset.done $0x0  }
0x129: {  	[sflag:s17] =	ssyncadd.s32 $0xFFFFFFB0  }
0x12a: {  	[spmem:s1] =	stream.indirect.scatter.add.f32 [tilespmem:s0], [sflag:$0x10], $0x80, s3, s24, $0xb8;
	[tilespmem:$0x1DC80] =	vst v63  }
0x12b: {  	_ =	swait.ge [sflag:s5], $0x2800  }
0x12c: {  	[sflag:s5] =	ssyncset.done $0x0  }
0x12d: {  	[sflag:s5] =	ssyncadd.s32 $0xFFFFD800  }
0x12e: {  	_ =	swait.ge [sflag:s29], $0x2800  }
0x12f: {  	[sflag:s29] =	ssyncset.done $0x0  }
0x130: {  	[sflag:s29] =	ssyncadd.s32 $0xFFFFD800  }
0x131: {  	_ =	swait.ge [sflag:s31], $0x50  }
0x132: {  	[sflag:s31] =	ssyncset.done $0x0  }
0x133: {  	[sflag:s31] =	ssyncadd.s32 $0xFFFFFFB0  }
0x134: {  	[spmem:s1] =	stream.indirect.scatter.add.f32 [tilespmem:s8], [sflag:$0xD], $0x80, s20, s24, $0xb8;
	[tilespmem:$0x1DC80] =	vst v63  }
0x135: {  	_ =	swait.ge [sflag:s25], $0x2800  }
0x136: {  	[sflag:s25] =	ssyncset.done $0x0  }
0x137: {  	[sflag:s25] =	ssyncadd.s32 $0xFFFFD800  }
0x138: {  	_ =	swait.ge [sflag:s21], $0x2800  }
0x139: {  	[sflag:s21] =	ssyncset.done $0x0  }
0x13a: {  	[sflag:s21] =	ssyncadd.s32 $0xFFFFD800  }
0x13b: {  	_ =	swait.ge [sflag:s15], $0x2800  }
0x13c: {  	[sflag:s15] =	ssyncset.done $0x0  }
0x13d: {  	[sflag:s15] =	ssyncadd.s32 $0xFFFFD800  }
0x13e: {  	[bflag:$0x0] =	sbarrier.arrive $0xFFFF  }
0x13f: {  	s30 =	simm.s32 $0x11;
	s20 =	rddreg [dreg:$0x5]  }
0x140: {  	[tilespmem:s8], [sflag:$0x11] =	stream.linear.gather [spmem:s20], $0x2800, $0x38;
	[tilespmem:$0x1DC80] =	vst v63  }
0x141: {  	_ =	swait.ge [sflag:s30], $0x2800  }
0x142: {  	[sflag:s30] =	ssyncset.done $0x0  }
0x143: {  	s25 =	rddreg [dreg:$0x7];
	[sflag:s30] =	ssyncadd.s32 $0xFFFFD800  }
0x144: {  	[hbm4b:s25+s2] =	stream.linear.scatter [tilespmem:s8], [sflag:$0x11], $0x2800, $0x38;
	[tilespmem:$0x1DC80] =	vst v63  }
0x145: {  	_ =	swait.ge [sflag:s30], $0x2800  }
0x146: {  	[sflag:s30] =	ssyncset.done $0x0  }
0x147: {  	s26 =	rddreg [dreg:$0xc];
	[sflag:s30] =	ssyncadd.s32 $0xFFFFD800  }
0x148: {  	[tilespmem:s8], [sflag:$0x11] =	stream.linear.gather [spmem:s26], $0x2800, $0x38;
	[tilespmem:$0x1DC80] =	vst v63  }
0x149: {  	_ =	swait.ge [sflag:s30], $0x2800  }
0x14a: {  	[sflag:s30] =	ssyncset.done $0x0  }
0x14b: {  	s0 =	rddreg [dreg:$0x12];
	[sflag:s30] =	ssyncadd.s32 $0xFFFFD800  }
0x14c: {  	[hbm4b:s0+s2] =	stream.linear.scatter [tilespmem:s8], [sflag:$0x11], $0x2800, $0x38;
	[tilespmem:$0x1DC80] =	vst v63  }
0x14d: {  	_ =	swait.ge [sflag:s30], $0x2800  }
0x14e: {  	[sflag:s30] =	ssyncset.done $0x0  }
0x14f: {  	s3 =	rddreg [dreg:$0xd];
	[sflag:s30] =	ssyncadd.s32 $0xFFFFD800  }
0x150: {  	[tilespmem:s8], [sflag:$0x11] =	stream.linear.gather [spmem:s3], $0x2800, $0x38;
	[tilespmem:$0x1DC80] =	vst v63  }
0x151: {  	_ =	swait.ge [sflag:s30], $0x2800  }
0x152: {  	[sflag:s30] =	ssyncset.done $0x0  }
0x153: {  	s5 =	rddreg [dreg:$0x13];
	[sflag:s30] =	ssyncadd.s32 $0xFFFFD800  }
0x154: {  	[hbm4b:s5+s2] =	stream.linear.scatter [tilespmem:s8], [sflag:$0x11], $0x2800, $0x38;
	[tilespmem:$0x1DC80] =	vst v63  }
0x155: {  	_ =	swait.ge [sflag:s30], $0x2800  }
0x156: {  	[sflag:s30] =	ssyncset.done $0x0  }
0x157: {  	s6 =	rddreg [dreg:$0xe];
	[sflag:s30] =	ssyncadd.s32 $0xFFFFD800  }
0x158: {  	[tilespmem:s8], [sflag:$0x11] =	stream.linear.gather [spmem:s6], $0x2800, $0x38;
	[tilespmem:$0x1DC80] =	vst v63  }
0x159: {  	_ =	swait.ge [sflag:s30], $0x2800  }
0x15a: {  	[sflag:s30] =	ssyncset.done $0x0  }
0x15b: {  	s7 =	rddreg [dreg:$0x14];
	[sflag:s30] =	ssyncadd.s32 $0xFFFFD800  }
0x15c: {  	[hbm4b:s7+s2] =	stream.linear.scatter [tilespmem:s8], [sflag:$0x11], $0x2800, $0x38;
	[tilespmem:$0x1DC80] =	vst v63  }
0x15d: {  	_ =	swait.ge [sflag:s30], $0x2800  }
0x15e: {  	[sflag:s30] =	ssyncset.done $0x0  }
0x15f: {  	s9 =	rddreg [dreg:$0xf];
	[sflag:s30] =	ssyncadd.s32 $0xFFFFD800  }
0x160: {  	[tilespmem:s8], [sflag:$0x11] =	stream.linear.gather [spmem:s9], $0x2800, $0x38;
	[tilespmem:$0x1DC80] =	vst v63  }
0x161: {  	_ =	swait.ge [sflag:s30], $0x2800  }
0x162: {  	[sflag:s30] =	ssyncset.done $0x0  }
0x163: {  	s11 =	rddreg [dreg:$0x15];
	[sflag:s30] =	ssyncadd.s32 $0xFFFFD800  }
0x164: {  	[hbm4b:s11+s2] =	stream.linear.scatter [tilespmem:s8], [sflag:$0x11], $0x2800, $0x38;
	[tilespmem:$0x1DC80] =	vst v63  }
0x165: {  	_ =	swait.ge [sflag:s30], $0x2800  }
0x166: {  	[sflag:s30] =	ssyncset.done $0x0  }
0x167: {  	s12 =	rddreg [dreg:$0x10];
	[sflag:s30] =	ssyncadd.s32 $0xFFFFD800  }
0x168: {  	[tilespmem:s8], [sflag:$0x11] =	stream.linear.gather [spmem:s12], $0x2800, $0x38;
	[tilespmem:$0x1DC80] =	vst v63  }
0x169: {  	_ =	swait.ge [sflag:s30], $0x2800  }
0x16a: {  	[sflag:s30] =	ssyncset.done $0x0  }
0x16b: {  	s13 =	rddreg [dreg:$0x16];
	[sflag:s30] =	ssyncadd.s32 $0xFFFFD800  }
0x16c: {  	[hbm4b:s13+s2] =	stream.linear.scatter [tilespmem:s8], [sflag:$0x11], $0x2800, $0x38;
	[tilespmem:$0x1DC80] =	vst v63  }
0x16d: {  	_ =	swait.ge [sflag:s30], $0x2800  }
0x16e: {  	[sflag:s30] =	ssyncset.done $0x0  }
0x16f: {  	s14 =	rddreg [dreg:$0x11];
	[sflag:s30] =	ssyncadd.s32 $0xFFFFD800  }
0x170: {  	[tilespmem:s8], [sflag:$0x11] =	stream.linear.gather [spmem:s14], $0x2800, $0x38;
	[tilespmem:$0x1DC80] =	vst v63  }
0x171: {  	_ =	swait.ge [sflag:s30], $0x2800  }
0x172: {  	[sflag:s30] =	ssyncset.done $0x0  }
0x173: {  	s15 =	rddreg [dreg:$0x18];
	[sflag:s30] =	ssyncadd.s32 $0xFFFFD800  }
0x174: {  	[hbm4b:s15+s2] =	stream.linear.scatter [tilespmem:s8], [sflag:$0x11], $0x2800, $0x38;
	[tilespmem:$0x1DC80] =	vst v63  }
0x175: {  	_ =	swait.ge [sflag:s30], $0x2800  }
0x176: {  	[sflag:s30] =	ssyncset.done $0x0  }
0x177: {  	s19 =	simm.s32 $0x2C00;
	s18 =	rddreg [dreg:$0x6];
	[sflag:s30] =	ssyncadd.s32 $0xFFFFD800  }
0x178: {  	[tilespmem:s19], [sflag:$0x11] =	stream.linear.gather [spmem:s18], $0x2000, $0x38;
	[tilespmem:$0x1DC80] =	vst v63  }
0x179: {  	_ =	swait.ge [sflag:s30], $0x2000  }
0x17a: {  	[sflag:s30] =	ssyncset.done $0x0  }
0x17b: {  	s20 =	rddreg [dreg:$0x9];
	[sflag:s30] =	ssyncadd.s32 $0xFFFFE000  }
0x17c: {  	[hbm4b:s20+s2] =	stream.linear.scatter [tilespmem:s19], [sflag:$0x11], $0x2000, $0x38;
	[tilespmem:$0x1DC80] =	vst v63  }
0x17d: {  	_ =	swait.ge [sflag:s30], $0x2000  }
0x17e: {  	[sflag:s30] =	ssyncset.done $0x0  }
0x17f: {  	s3 =	simm.s32 @!p0 $0x5400;
	s11 =	rddreg [dreg:$0x8];
	[sflag:s30] =	ssyncadd.s32 $0xFFFFE000  }
0x180: {  	[tilespmem:s3], [sflag:$0x11] =	stream.linear.gather @!p0 [spmem:s11], $0x800, $0x38;
	[tilespmem:$0x1DC80] =	vst v63  }
0x181: {  	s11 =	simm.s32 @!p0 $0x11  }
0x182: {  	_ =	swait.ge @!p0 [sflag:s11], $0x800  }
0x183: {  	[sflag:s11] =	ssyncset.done @!p0 $0x0  }
0x184: {  	s18 =	simm.s32 @!p0 $0x0;
	s19 =	rddreg [dreg:$0xa];
	[sflag:s11] =	ssyncadd.s32 @!p0 $0xFFFFF800  }
0x185: {  	[hbm4b:s19+s18] =	stream.linear.scatter @!p0 [tilespmem:s3], [sflag:$0x11], $0x800, $0x38;
	[tilespmem:$0x1DC80] =	vst v63  }
0x186: {  	_ =	swait.ge @!p0 [sflag:s11], $0x800  }
0x187: {  	s25 =	sld [smem:$0x7FB];
	_ =	sdelay $0x2  }
0x188: {  	s28 =	simm.s32 $0x9;
	s26 =	rddreg [dreg:$0xb];
	s3 =	sadd.s32 $0x1, s25  }
0x189: {  	s29 =	simm.s32 $0x5;
	s31 =	simm.s32 $0x3;
	p1 =	sne.s32 s3, s26  }
.Ltmp2:
0x18a: {  	s0 =	simm.s32 $0x400;
	s6 =	simm.s32 $0x4;
	(pc) =	sbr.rel @p1 .LBB2_1-.Ltmp2, $4  }
0x18b: {  	s7 =	simm.s32 $0x6;
	s9 =	simm.s32 $0xA;
	s12 =	simm.s32 $0xB  }
0x18c: {  	s13 =	simm.s32 $0x7;
	s14 =	simm.s32 $0xD;
	[sflag:s11] =	ssyncset.done @!p0 $0x0  }
0x18d: {  	s20 =	simm.s32 $0x200;
	s19 =	simm.s32 $0x100;
	[sflag:s11] =	ssyncadd.s32 @!p0 $0xFFFFF800  }
0x18e: {  	s11 =	simm.s32 $0x80;
	s25 =	simm.s32 $0x2;
	s26 =	simm.s32 $0x280  }
0x18f: {  	_ =	sfence.sel $0x180000  }
0x190: {  	[bflag:$0x0] =	sbarrier.arrive $0xFFFF  }
0x191: {  	_ =	strace $0x9000004A  }
0x192: {  	s0 =	stileid.u32;
	[bflag:$0x2] =	sbarrier.arrive $0xFFFF  }
0x193: {  	p0 =	sne.s32 s0, $0x0;
	s0 =	rddreg [dreg:$0x3]  }
0x194: {  	s0 =	sadd.s32 @!p0 $0x100000, s0  }
0x195: {  	[sflag:s0] =	ssyncadd.tile.s32 @!p0 $0x1;
	_ =	shalt  }
.Lfunc_end2:
_tile_overlayer_lowered:
.L_overlay_start_2:
0x196: {  	(tag) =	ssettag $0x2  }
0x197: {  	s0 =	rddreg [dreg:$0x0];
	s2 =	stileid.u32  }
0x198: {  	s1 =	rddreg [dreg:$0x1];
	p0 =	sne.s32 s2, $0x0  }
0x199: {  	s3 =	rddreg [dreg:$0x2];
	[bflag:$0x3] =	sbarrier.arrive $0xFFFF;
	s2 =	simm.s32 @!p0 $0x1C11  }
0x19a: {  	[timem:s3], [sflag:s2] =	dma.local @!p0 [hbm:s0], s1  }
0x19b: {  	s0 =	simm.s32 @!p0 $0x11  }
0x19c: {  	_ =	swait.ge @!p0 [sflag:s0], s1  }
0x19d: {  	s1 =	ssub.s32 @!p0 $0x0, s1;
	[sflag:s0] =	ssyncset.done @!p0 $0x0  }
0x19e: {  	[sflag:s0] =	ssyncadd.s32 @!p0 s1  }
0x19f: {  	[bflag:$0x3] =	sbarrier.arrive $0xFFFF  }
0x1a0: {  	_ =	shalt  }

// kernel: kernel.15.cloned.1.call-start
scs
__scs_entry_jumppad:
0x0: {  	(pc) =	sbr.rel $0x88, $3  }
0x1: {  	(tag) =	ssettag $0x0;
	lr =	simm.s32 $0x1  }
0x2: {  	[smem:$0x3F92] =	sst lr;
	_ =	strace $0xD0000000  }
0x3: {  	_ = 	snop  }
0x4: {  	_ = 	snop  }
0x5: {  	_ = 	snop  }
0x6: {  	_ = 	snop  }
0x7: {  	_ = 	snop  }
__scs_overlays_trampoline_lowered:
0x8: {  	[smem:$0x3FA1] =	sst s0  }
0x9: {  	[smem:$0x3FA2] =	sst s1  }
0xa: {  	[smem:$0x3FA3] =	sst s2  }
0xb: {  	[smem:$0x3FA4] =	sst s3  }
0xc: {  	[smem:$0x3FA5] =	sst s4  }
0xd: {  	[smem:$0x3FA6] =	sst s5  }
0xe: {  	[smem:$0x3FA7] =	sst s6  }
0xf: {  	[smem:$0x3FA8] =	sst s7  }
0x10: {  	[smem:$0x3FA9] =	sst s8  }
0x11: {  	[smem:$0x3FAA] =	sst s9;
	s0 =	simm.s32 @!p0 $0x0  }
0x12: {  	s1 =	sld [smem:$0x3F90];
	s0 =	simm.s32 @p0 $0x1  }
0x13: {  	[smem:$0x3FAB] =	sst s0;
	s0 =	simm.s32 @!p1 $0x0  }
0x14: {  	s2 =	sld [smem:$0x3F8F];
	s0 =	simm.s32 @p1 $0x1  }
0x15: {  	[smem:$0x3FAC] =	sst s0;
	s0 =	simm.s32 @!p2 $0x0  }
0x16: {  	s3 =	sld [smem:$0x3FDB];
	s0 =	simm.s32 @p2 $0x1  }
0x17: {  	s4 =	simm.s32 $0x1BF5;
	[smem:$0x3FAE] =	sst s0  }
0x18: {  	s0 =	sld [smem:$0x3F91];
	_ =	swait.ge [sflag:s4], $0x0  }
0x19: {  	s7 =	sld [smem:$0x3F92]  }
0x1a: {  	s8 =	sadd.s32 $0xFFFFE003, lr  }
0x1b: {  	s9 =	sadd.s32 $0xFFFFFEF7, lr;
	s5 =	simm.s32 $0xFFFFFFFF;
	p2 =	slt.u32 s8, $0xFFFFF086  }
0x1c: {  	p1 =	slt.u32 s9, $0xF7A;
	s5 =	simm.s32 @!p2 $0x0  }
0x1d: {  	s5 =	simm.s32 @p1 $0x1;
	p0 =	seq.s32 s7, s2  }
0x1e: {  	s7 =	smul.u32 @!p0 $0xF7A, s2;
	p2 =	seq.s32 @!p0 s5, $0x0  }
0x1f: {  	s9 =	smul.u32 $0xF7A, s1;
	s8 =	simm.s32 @!p0 $0x1BF5;
	p2 =	por !p2, p0  }
0x20: {  	[sflag:s8] =	ssyncset.s32 @!p0 $0xFFFFF086;
	s6 =	sadd.s32 @!p0 s3, s7;
	s7 =	simm.s32 @!p0 $0x108  }
0x21: {  	s3 =	sadd.s32 s3, s9;
	s6 =	sadd.s32 @!p0 $0x88, s6;
	s7 =	simm.s32 @p2 $0x1082  }
0x22: {  	[simem:s7], [sflag:s8] =	dma.local @!p0 [hbm:s6], $0xF7A  }
0x23: {  	s9 =	sor.u32 $0xD0000000, s2;
	s6 =	simm.s32 $0x108;
	_ =	swait.ge @!p0 [sflag:s8], $0x0  }
0x24: {  	s3 =	sadd.s32 $0x88, s3;
	s6 =	simm.s32 @!p1 $0x1082;
	[sflag:s4] =	ssyncset.s32 $0xFFFFF086  }
0x25: {  	[simem:s6], [sflag:s4] =	dma.local [hbm:s3], $0xF7A  }
0x26: {  	[smem:$0x3F92] =	sst s1;
	(tag) =	ssettag s2;
	_ =	strace s9  }
0x27: {  	s1 =	sld [smem:$0x3FA2]  }
0x28: {  	s2 =	sld [smem:$0x3FA3]  }
0x29: {  	s4 =	sld [smem:$0x3FA5]  }
0x2a: {  	p0 =	seq.s32 s5, $0x0;
	s5 =	sld [smem:$0x3FA6]  }
0x2b: {  	s6 =	sld [smem:$0x3FA7]  }
0x2c: {  	s7 =	sld [smem:$0x3FA8]  }
0x2d: {  	s3 =	simm.s32 $0x108;
	s8 =	sld [smem:$0x3FA9]  }
0x2e: {  	s3 =	simm.s32 @!p0 $0x1082;
	s9 =	sld [smem:$0x3FAA]  }
0x2f: {  	lr =	sadd.s32 s0, s3;
	s0 =	sld [smem:$0x3FA1]  }
0x30: {  	s3 =	sld [smem:$0x3FA4]  }
0x31: {  	[smem:$0x3FAD] =	sst s10  }
0x32: {  	s10 =	sld [smem:$0x3FAB];
	_ =	sdelay $0x3  }
0x33: {  	p0 =	seq.s32 s10, $0x1;
	s10 =	sld [smem:$0x3FAD];
	_ =	sdelay $0x3  }
0x34: {  	[smem:$0x3FAD] =	sst s10  }
0x35: {  	s10 =	sld [smem:$0x3FAC];
	_ =	sdelay $0x3  }
0x36: {  	p1 =	seq.s32 s10, $0x1;
	s10 =	sld [smem:$0x3FAD];
	_ =	sdelay $0x3  }
0x37: {  	[smem:$0x3FAD] =	sst s10  }
0x38: {  	s10 =	sld [smem:$0x3FAE]  }
0x39: {  	_ = 	snop;
	(pc) =	sbr.ind lr, $3  }
0x3a: {  	_ = 	snop  }
0x3b: {  	_ = 	snop  }
0x3c: {  	p2 =	seq.s32 s10, $0x1;
	s10 =	sld [smem:$0x3FAD]  }
0x3d: {  	_ =	shalt  }
0x3e: {  	_ =	shalt  }
0x3f: {  	_ =	shalt  }
0x40: {  	_ =	shalt  }
0x41: {  	_ =	shalt  }
0x42: {  	_ =	shalt  }
0x43: {  	_ =	shalt  }
0x44: {  	_ =	shalt  }
0x45: {  	_ =	shalt  }
0x46: {  	_ =	shalt  }
0x47: {  	_ =	shalt  }
0x48: {  	_ =	shalt  }
0x49: {  	_ =	shalt  }
0x4a: {  	_ =	shalt  }
0x4b: {  	_ =	shalt  }
0x4c: {  	_ =	shalt  }
0x4d: {  	_ =	shalt  }
0x4e: {  	_ =	shalt  }
0x4f: {  	_ =	shalt  }
0x50: {  	_ =	shalt  }
0x51: {  	_ =	shalt  }
0x52: {  	_ =	shalt  }
0x53: {  	_ =	shalt  }
0x54: {  	_ =	shalt  }
0x55: {  	_ =	shalt  }
0x56: {  	_ =	shalt  }
0x57: {  	_ =	shalt  }
0x58: {  	_ =	shalt  }
0x59: {  	_ =	shalt  }
0x5a: {  	_ =	shalt  }
0x5b: {  	_ =	shalt  }
0x5c: {  	_ =	shalt  }
0x5d: {  	_ =	shalt  }
0x5e: {  	_ =	shalt  }
0x5f: {  	_ =	shalt  }
0x60: {  	_ =	shalt  }
0x61: {  	_ =	shalt  }
0x62: {  	_ =	shalt  }
0x63: {  	_ =	shalt  }
0x64: {  	_ =	shalt  }
0x65: {  	_ =	shalt  }
0x66: {  	_ =	shalt  }
0x67: {  	_ =	shalt  }
0x68: {  	_ =	shalt  }
0x69: {  	_ =	shalt  }
0x6a: {  	_ =	shalt  }
0x6b: {  	_ =	shalt  }
0x6c: {  	_ =	shalt  }
0x6d: {  	_ =	shalt  }
0x6e: {  	_ =	shalt  }
0x6f: {  	_ =	shalt  }
0x70: {  	_ =	shalt  }
0x71: {  	_ =	shalt  }
0x72: {  	_ =	shalt  }
0x73: {  	_ =	shalt  }
0x74: {  	_ =	shalt  }
0x75: {  	_ =	shalt  }
0x76: {  	_ =	shalt  }
0x77: {  	_ =	shalt  }
0x78: {  	_ =	shalt  }
0x79: {  	_ =	shalt  }
0x7a: {  	_ =	shalt  }
0x7b: {  	_ =	shalt  }
0x7c: {  	_ =	shalt  }
0x7d: {  	_ =	shalt  }
0x7e: {  	_ =	shalt  }
0x7f: {  	_ =	shalt  }
0x80: {  	_ =	shalt  }
0x81: {  	_ =	shalt  }
0x82: {  	_ =	shalt  }
0x83: {  	_ =	shalt  }
0x84: {  	_ =	shalt  }
0x85: {  	_ =	shalt  }
0x86: {  	_ =	shalt  }
0x87: {  	_ =	shalt  }
.Lfunc_end0:
.L_simem_size_0:
called_computation.2_lowered:
.L_overlay_start_0:
0x88: {  	s2 =	sld [smem:$0x3FD9]  }
0x89: {  	s3 =	sld [smem:$0x3FFE];
	_ =	sdelay $0x1  }
0x8a: {  	s1 =	srdreg.scid  }
0x8b: {  	s0 =	sand.u32 $0x1, s1  }
0x8c: {  	s17 =	sshll.u32 s0, $0xA;
	s2 =	sadd.s32 s3, s2  }
0x8d: {  	s2 =	sadd.s32 s2, s17  }
0x8e: {  	[smem:$0x3FB9] =	sst s2  }
0x8f: {  	_ = 	snop  }
0x90: {  	s2 =	sld [smem:$0x3FD0];
	(tm) =	ssettm $0x1  }
0x91: {  	s18 =	sld [smem:$0x3FFB];
	_ =	sdelay $0x3  }
0x92: {  	_ =	strace s18  }
0x93: {  	s3 =	sld [smem:$0x3FFC];
	_ =	sdelay $0x3  }
0x94: {  	_ =	strace s3  }
0x95: {  	s3 =	sld [smem:$0x3FFD];
	_ =	sdelay $0x3  }
0x96: {  	_ =	strace s3  }
0x97: {  	_ =	strace $0x8FFFFFFF  }
0x98: {  	s19 =	sld [smem:$0x3FDB];
	_ =	sdelay $0x1  }
0x99: {  	s4 =	simm.s32 $_scs_section_size  }
0x9a: {  	s5 =	simm.s32 $_size__tile_overlayer_lowered;
	s6 =	simm.s32 $_tile_overlayer_lowered  }
0x9b: {  	s22 =	simm.s32 $0x1BFF;
	s21 =	sshll.u32 s6, $0x1;
	s3 =	sadd.s32 s4, s19  }
0x9c: {  	s7 =	simm.s32 $0x0;
	s20 =	sshll.u32 s5, $0x1;
	s5 =	sadd.s32 s21, s3  }
0x9d: {  	[timem:s7], [sflag:s22] =	dma.local [hbm:s5], s20  }
0x9e: {  	_ =	swait.ge [sflag:s22], s20  }
0x9f: {  	s4 =	ssub.s32 $0x0, s20;
	[sflag:s22] =	ssyncset.done $0x0  }
0xa0: {  	[sflag:s22] =	ssyncadd.s32 s4;
	_ =	sdelay $0x1  }
0xa1: {  	s23 =	simm.s32 $0x1B8B  }
0xa2: {  	_ =	swait.ge [sflag:s23], $0x1  }
0xa3: {  	[sflag:s23] =	ssyncset.done $0x0  }
0xa4: {  	s25 =	simm.s32 $0x1B8E;
	s24 =	sld [smem:$0x3FFE];
	[sflag:s23] =	ssyncadd.s32 $0xFFFFFFFF  }
0xa5: {  	s26 =	simm.s32 $execute0_lowered;
	[smem:$0x3FD2] =	sst s25  }
0xa6: {  	s5 =	sshll.u32 s26, $0x1;
	_ =	strace $0x8000004C;
	[dreg:$0x1] =	wrdreg $0xFFFFFFFF  }
0xa7: {  	s28 =	simm.s32 $_size_execute0_lowered;
	s3 =	sadd.s32 s3, s5;
	[dreg:$0x0] =	wrdreg $0x0  }
0xa8: {  	s5 =	sshll.u32 s28, $0x1;
	[dreg:$0x2] =	wrdreg s3  }
0xa9: {  	[dreg:$0x3] =	wrdreg s5  }
0xaa: {  	[dreg:$0x4] =	wrdreg $0xC0  }
0xab: {  	_ =	task [dreg:s7], $0x5FFFF  }
0xac: {  	[dreg:$0x1] =	wrdreg $0xFFFFFFFF  }
0xad: {  	[dreg:$0x0] =	wrdreg $0x60  }
0xae: {  	[dreg:$0x2] =	wrdreg s2  }
0xaf: {  	[dreg:$0x3] =	wrdreg s24  }
0xb0: {  	[dreg:$0x4] =	wrdreg $0xA4000  }
0xb1: {  	[dreg:$0x5] =	wrdreg $0x9  }
0xb2: {  	_ =	task.clear_ibuf [dreg:s7], $0x6FFFF;
	_ =	strace $0x9000004C  }
0xb3: {  	s29 =	simm.s32 $0x9;
	_ =	strace $0x8000004E  }
0xb4: {  	_ =	swait.ge [sflag:s29], $0x1  }
0xb5: {  	[sflag:s29] =	ssyncadd.s32 $0xFFFFFFFF  }
0xb6: {  	_ =	strace $0x9000004E  }
0xb7: {  	_ =	sfence  }
0xb8: {  	s30 =	sld [smem:$0x0];
	_ =	sdelay $0x2  }
0xb9: {  	s31 =	sshll.u32 s1, $0xD;
	s1 =	sshrl.u32 s1, $0x2  }
0xba: {  	s3 =	sand.u32 $0x4000, s31;
	s1 =	sadd.s32 s1, s30  }
0xbb: {  	s0 =	sor.u32 s3, s0;
	s1 =	sshll.u32 s1, $0x11  }
0xbc: {  	s0 =	sor.u32 s1, s0  }
0xbd: {  	s0 =	sadd.s32 $0x8F2B, s0  }
0xbe: {  	[sflag:s0] =	ssyncadd.remote.s32 $0x1  }
0xbf: {  	_ =	sfence.sel $0xFFFF  }
0xc0: {  	[dreg:$0x0] =	wrdreg $0xFFFFFFFF;
	(pc) =	sbr.abs _section_cstart, $3  }
0xc1: {  	[dreg:$0x1] =	wrdreg $0xFFFFFFFF  }
0xc2: {  	_ =	task.clear_ibuf [dreg:s7], $0x2FFFF;
	_ =	strace $0x9FFFFFFF  }
0xc3: {  	(tm) =	ssettm $0x7FFFFFFF  }
tec
execute0_lowered:
.L_overlay_start_1:
0x0: {  	(tag) =	ssettag $0x1  }
0x1: {  	s0 =	rddreg [dreg:$0x0]  }
0x2: {  	s3 =	rddreg [dreg:$0x1]  }
0x3: {  	s1 =	rddreg [dreg:$0x2];
	s2 =	simm.s32 $0x0  }
0x4: {  	s5 =	srdreg.scid;
	s13 =	stileid.u32;
	s30 =	simm.s32 $0x11  }
0x5: {  	s28 =	simm.s32 $0x9;
	s29 =	simm.s32 $0x5;
	s31 =	simm.s32 $0x3  }
0x6: {  	[smem:$0x7FF] =	sst s2;
	s4 =	sadd.s32 $0x18200, s3;
	s7 =	smul.u32 $0x270, s13  }
0x7: {  	s6 =	sadd.s32 $0x4600, s3;
	s5 =	sand.u32 $0x1, s5;
	s10 =	smul.u32 $0x4E000, s13  }
0x8: {  	s8 =	sadd.s32 $0xE400, s3;
	s3 =	sadd.s32 $0x8D600, s3;
	s15 =	sadd.s32 $0x138000, s1  }
0x9: {  	_ =	strace $0x8000004D;
	s9 =	ssub.s32 $0x2, s5;
	s10 =	sshrl.u32 s10, $0x2  }
0xa: {  	[dreg:$0x8] =	wrdreg s15;
	s11 =	sshrl.u32 s9, $0x1;
	s18 =	sadd.s32 s10, s1  }
0xb: {  	s9 =	ssub.s32 s9, s11;
	s10 =	sadd.s32 $0x11800, s18;
	[dreg:$0x5] =	wrdreg s18  }
0xc: {  	s14 =	smul.u32 $0x2710, s13;
	s17 =	smax.u32 s9, $0x1;
	[dreg:$0x6] =	wrdreg s10  }
0xd: {  	s12 =	smul.u32 $0x2710, s5;
	s19 =	sadd.s32 $0x2800, s18;
	[dreg:$0xb] =	wrdreg s17  }
0xe: {  	p0 =	seq.s32 s5, $0x0;
	s20 =	sadd.s32 $0x5000, s18;
	[dreg:$0xc] =	wrdreg s19  }
0xf: {  	s5 =	smul.u32 $0x138800, s5;
	s21 =	sadd.s32 $0x7800, s18;
	[dreg:$0xd] =	wrdreg s20  }
0x10: {  	s8 =	smov.u32 @p0 s6;
	s22 =	sadd.s32 $0xA000, s18;
	[dreg:$0xe] =	wrdreg s21  }
0x11: {  	s7 =	sadd.s32 s7, s12;
	s23 =	sadd.s32 $0xC800, s18;
	[dreg:$0xf] =	wrdreg s22  }
0x12: {  	s11 =	sshrl.u32 s14, $0x3;
	s24 =	sadd.s32 $0xF000, s18;
	[dreg:$0x10] =	wrdreg s23  }
0x13: {  	s7 =	sshll.u32 s7, $0x4;
	s14 =	sadd.s32 s8, s11;
	[dreg:$0x11] =	wrdreg s24  }
0x14: {  	s4 =	smov.u32 @p0 s0;
	s7 =	sadd.s32 s3, s7;
	[dreg:$0x17] =	wrdreg s14  }
0x15: {  	p0 =	sne.s32 s13, $0xF;
	s17 =	sadd.s32 $0xA, s14;
	[dreg:$0x7] =	wrdreg s7  }
0x16: {  	s0 =	simm.s32 $0x400;
	s19 =	sadd.s32 $0x14, s14;
	[dreg:$0x19] =	wrdreg s17  }
0x17: {  	s6 =	simm.s32 $0x4;
	s20 =	sadd.s32 $0x4E20, s14;
	[dreg:$0x1a] =	wrdreg s19  }
0x18: {  	s5 =	sshrl.u32 s5, $0x3;
	s21 =	sadd.s32 $0x4E2A, s14;
	[dreg:$0x1b] =	wrdreg s20  }
0x19: {  	s9 =	smul.u32 $0x4E2, s13;
	s22 =	sadd.s32 $0x4E34, s14;
	[dreg:$0x1c] =	wrdreg s21  }
0x1a: {  	s11 =	simm.s32 $0x80;
	s23 =	sadd.s32 $0x1E, s14;
	[dreg:$0x1d] =	wrdreg s22  }
0x1b: {  	s13 =	simm.s32 $0x7;
	s24 =	sadd.s32 $0x4E3E, s14;
	[dreg:$0x1e] =	wrdreg s23  }
0x1c: {  	s3 =	sadd.s32 s3, s5;
	s16 =	sadd.s32 $0x2300, s7;
	[dreg:$0x1f] =	wrdreg s24  }
0x1d: {  	s3 =	sadd.s32 $0x27000, s3;
	s25 =	sadd.s32 $0x500, s7;
	[dreg:$0x9] =	wrdreg s16  }
0x1e: {  	s26 =	sadd.s32 $0xA00, s7;
	s5 =	sadd.s32 $0xF00, s7;
	[dreg:$0xa] =	wrdreg s3  }
0x1f: {  	s10 =	sadd.s32 $0x1400, s7;
	s12 =	sadd.s32 $0x1900, s7;
	[dreg:$0x12] =	wrdreg s25  }
0x20: {  	s15 =	sadd.s32 s9, s8;
	s19 =	simm.s32 $0x100;
	[dreg:$0x13] =	wrdreg s26  }
0x21: {  	s20 =	simm.s32 $0x200;
	s22 =	simm.s32 $0x1;
	[dreg:$0x14] =	wrdreg s5  }
0x22: {  	s24 =	simm.s32 $0x50;
	s23 =	simm.s32 $0x5400;
	[dreg:$0x15] =	wrdreg s10  }
0x23: {  	s9 =	simm.s32 $0xA;
	s21 =	simm.s32 $0x10;
	[dreg:$0x16] =	wrdreg s12  }
0x24: {  	s17 =	simm.s32 $0x8;
	s16 =	sadd.s32 $0x1E00, s7;
	[dreg:$0x4] =	wrdreg s15  }
0x25: {  	s25 =	sadd.s32 $0x28, s14;
	s26 =	sadd.s32 $0x52F8, s14;
	[dreg:$0x18] =	wrdreg s16  }
0x26: {  	s7 =	simm.s32 $0x6;
	s12 =	simm.s32 $0xB;
	[smem:$0x7FC] =	sst s25  }
0x27: {  	s14 =	simm.s32 $0xD;
	s3 =	simm.s32 $0x0;
	[smem:$0x7FD] =	sst s26  }
0x28: {  	v0 =	vimm.f32 $0.0e+00;
	s26 =	simm.s32 $0x280;
	s25 =	simm.s32 $0x2;
	s16 =	simm.s32 $0xC  }
.LBB2_1:
0x29: {  	s10 =	rddreg [dreg:$0x17]  }
0x2a: {  	[tilespmem:s2], [sflag:$0x1] =	stream.linear.gather [hbm4b:s10+s2], $0x50, $0x38;
	[tilespmem:$0x1DC80] =	vst v63  }
0x2b: {  	s8 =	rddreg [dreg:$0x19]  }
0x2c: {  	[tilespmem:s11], [sflag:$0x2] =	stream.linear.gather [hbm4b:s8+s2], $0x50, $0x38;
	[tilespmem:$0x1DC80] =	vst v63  }
0x2d: {  	s11 =	rddreg [dreg:$0x1a]  }
0x2e: {  	[tilespmem:s19], [sflag:$0x3] =	stream.linear.gather [hbm4b:s11+s2], $0x50, $0x38;
	[tilespmem:$0x1DC80] =	vst v63  }
0x2f: {  	s15 =	rddreg [dreg:$0x1b]  }
0x30: {  	[tilespmem:s20], [sflag:$0x5] =	stream.linear.gather [hbm4b:s15+s2], $0x50, $0x38;
	[tilespmem:$0x1DC80] =	vst v63  }
0x31: {  	s18 =	rddreg [dreg:$0x1c];
	s19 =	sand.u32 $0xFE00, s2  }
0x32: {  	[tilespmem:s26], [sflag:$0x6] =	stream.linear.gather [hbm4b:s18+s2], $0x50, $0x38;
	[tilespmem:$0x1DC80] =	vst v63  }
0x33: {  	[smem:$0x7FB] =	sst s3;
	s26 =	sand.u32 $0x70, s2;
	s18 =	sshrl.u32 s19, $0x2  }
0x34: {  	s10 =	simm.s32 $0x40;
	s11 =	simm.s32 $0x0;
	s18 =	sor.u32 s26, s18  }
.LBB2_2:
0x35: {  	p1 =	sne.s32 s10, $0x9FC0  }
0x36: {  	[tilespmem:s18+$0x400] =	vst v0;
	s11 =	sadd.s32 $0x10, s11;
	s18 =	smov.u32 s10;
	s10 =	sadd.s32 $0x40, s10  }
.Ltmp0:
0x37: {  	(pc) =	sbr.rel @p1 .LBB2_2-.Ltmp0, $4  }
0x38: {  	_ = 	snop  }
0x39: {  	s18 =	sand.u32 $0xFE00, s18  }
0x3a: {  	s19 =	sand.u32 $0x70, s11;
	s18 =	sshrl.u32 s18, $0x2  }
0x3b: {  	s18 =	sor.u32 s19, s18  }
0x3c: {  	[tilespmem:s18+$0x400] =	vst v0;
	s3 =	rddreg [dreg:$0x5]  }
0x3d: {  	[spmem:s3] =	stream.linear.scatter [tilespmem:s0], [sflag:$0x11], $0x2800, $0x38;
	[tilespmem:$0x1DC80] =	vst v63  }
0x3e: {  	_ =	swait.ge [sflag:s30], $0x2800  }
0x3f: {  	[sflag:s30] =	ssyncset.done $0x0  }
0x40: {  	s10 =	rddreg [dreg:$0xc];
	[sflag:s30] =	ssyncadd.s32 $0xFFFFD800  }
0x41: {  	[spmem:s10] =	stream.linear.scatter [tilespmem:s0], [sflag:$0x11], $0x2800, $0x38;
	[tilespmem:$0x1DC80] =	vst v63  }
0x42: {  	_ =	swait.ge [sflag:s30], $0x2800  }
0x43: {  	[sflag:s30] =	ssyncset.done $0x0  }
0x44: {  	s8 =	rddreg [dreg:$0xd];
	[sflag:s30] =	ssyncadd.s32 $0xFFFFD800  }
0x45: {  	[spmem:s8] =	stream.linear.scatter [tilespmem:s0], [sflag:$0x11], $0x2800, $0x38;
	[tilespmem:$0x1DC80] =	vst v63  }
0x46: {  	_ =	swait.ge [sflag:s30], $0x2800  }
0x47: {  	[sflag:s30] =	ssyncset.done $0x0  }
0x48: {  	s11 =	rddreg [dreg:$0xe];
	[sflag:s30] =	ssyncadd.s32 $0xFFFFD800  }
0x49: {  	[spmem:s11] =	stream.linear.scatter [tilespmem:s0], [sflag:$0x11], $0x2800, $0x38;
	[tilespmem:$0x1DC80] =	vst v63  }
0x4a: {  	_ =	swait.ge [sflag:s30], $0x2800  }
0x4b: {  	[sflag:s30] =	ssyncset.done $0x0  }
0x4c: {  	s15 =	rddreg [dreg:$0xf];
	[sflag:s30] =	ssyncadd.s32 $0xFFFFD800  }
0x4d: {  	[spmem:s15] =	stream.linear.scatter [tilespmem:s0], [sflag:$0x11], $0x2800, $0x38;
	[tilespmem:$0x1DC80] =	vst v63  }
0x4e: {  	_ =	swait.ge [sflag:s30], $0x2800  }
0x4f: {  	[sflag:s30] =	ssyncset.done $0x0  }
0x50: {  	s18 =	rddreg [dreg:$0x10];
	[sflag:s30] =	ssyncadd.s32 $0xFFFFD800  }
0x51: {  	[spmem:s18] =	stream.linear.scatter [tilespmem:s0], [sflag:$0x11], $0x2800, $0x38;
	[tilespmem:$0x1DC80] =	vst v63  }
0x52: {  	_ =	swait.ge [sflag:s30], $0x2800  }
0x53: {  	[sflag:s30] =	ssyncset.done $0x0  }
0x54: {  	s19 =	rddreg [dreg:$0x11];
	[sflag:s30] =	ssyncadd.s32 $0xFFFFD800  }
0x55: {  	[spmem:s19] =	stream.linear.scatter [tilespmem:s0], [sflag:$0x11], $0x2800, $0x38;
	[tilespmem:$0x1DC80] =	vst v63  }
0x56: {  	_ =	swait.ge [sflag:s30], $0x2800  }
0x57: {  	[sflag:s30] =	ssyncset.done $0x0  }
0x58: {  	s26 =	rddreg [dreg:$0x6];
	[sflag:s30] =	ssyncadd.s32 $0xFFFFD800  }
0x59: {  	[spmem:s26] =	stream.linear.scatter [tilespmem:s0], [sflag:$0x11], $0x2000, $0x38;
	[tilespmem:$0x1DC80] =	vst v63  }
0x5a: {  	_ =	swait.ge [sflag:s30], $0x2000  }
0x5b: {  	[sflag:s30] =	ssyncset.done $0x0  }
0x5c: {  	s10 =	simm.s32 @!p0 $0x400;
	s11 =	rddreg [dreg:$0x8];
	[sflag:s30] =	ssyncadd.s32 $0xFFFFE000  }
0x5d: {  	[spmem:s11] =	stream.linear.scatter @!p0 [tilespmem:s10], [sflag:$0x11], $0x800, $0x38;
	[tilespmem:$0x1DC80] =	vst v63  }
0x5e: {  	s10 =	simm.s32 @!p0 $0x11  }
0x5f: {  	_ =	swait.ge @!p0 [sflag:s10], $0x800  }
0x60: {  	[sflag:s10] =	ssyncset.done @!p0 $0x0  }
0x61: {  	[sflag:s10] =	ssyncadd.s32 @!p0 $0xFFFFF800  }
0x62: {  	_ =	swait.ge [sflag:s22], $0x50  }
0x63: {  	[sflag:s22] =	ssyncset.done $0x0  }
0x64: {  	s10 =	simm.s32 $0x0;
	[sflag:s22] =	ssyncadd.s32 $0xFFFFFFB0  }
0x65: {  	[tilespmem:s0], [sflag:$0x9] =	stream.indirect.gather [hbm4b:s4+s24], $0x80, s10, s24, $0xb8;
	[tilespmem:$0x1DC80] =	vst v63  }
0x66: {  	_ =	swait.ge [sflag:s25], $0x50  }
0x67: {  	[sflag:s25] =	ssyncset.done $0x0  }
0x68: {  	s15 =	simm.s32 $0x2C00;
	s19 =	simm.s32 $0x80;
	[sflag:s25] =	ssyncadd.s32 $0xFFFFFFB0  }
0x69: {  	[tilespmem:s15], [sflag:$0xA] =	stream.indirect.gather [hbm4b:s4+s24], $0x80, s19, s24, $0xb8;
	[tilespmem:$0x1DC80] =	vst v63  }
0x6a: {  	[bflag:$0x0] =	sbarrier.arrive $0xFFFF  }
0x6b: {  	_ =	swait.ge [sflag:s28], $0x2800  }
0x6c: {  	[sflag:s28] =	ssyncset.done $0x0  }
0x6d: {  	[sflag:s28] =	ssyncadd.s32 $0xFFFFD800  }
0x6e: {  	_ =	swait.ge [sflag:s29], $0x50  }
0x6f: {  	[sflag:s29] =	ssyncset.done $0x0  }
0x70: {  	[sflag:s29] =	ssyncadd.s32 $0xFFFFFFB0  }
0x71: {  	[spmem:s1] =	stream.indirect.scatter.add.f32 [tilespmem:s0], [sflag:$0xD], $0x80, s20, s24, $0xb8;
	[tilespmem:$0x1DC80] =	vst v63  }
0x72: {  	s18 =	simm.s32 $0x300;
	s3 =	rddreg [dreg:$0x1d]  }
0x73: {  	[tilespmem:s18], [sflag:$0x7] =	stream.linear.gather [hbm4b:s3+s10], $0x50, $0x38;
	[tilespmem:$0x1DC80] =	vst v63  }
0x74: {  	_ =	swait.ge [sflag:s31], $0x50  }
0x75: {  	[sflag:s31] =	ssyncset.done $0x0  }
0x76: {  	s26 =	simm.s32 $0x100;
	[sflag:s31] =	ssyncadd.s32 $0xFFFFFFB0  }
0x77: {  	[tilespmem:s23], [sflag:$0xB] =	stream.indirect.gather [hbm4b:s4+s24], $0x80, s26, s24, $0xb8;
	[tilespmem:$0x1DC80] =	vst v63  }
0x78: {  	s8 =	simm.s32 $0x180;
	s5 =	rddreg [dreg:$0x1e]  }
0x79: {  	[tilespmem:s8], [sflag:$0x4] =	stream.linear.gather [hbm4b:s5+s10], $0x50, $0x38;
	[tilespmem:$0x1DC80] =	vst v63  }
0x7a: {  	_ =	swait.ge [sflag:s9], $0x2800  }
0x7b: {  	[sflag:s9] =	ssyncset.done $0x0  }
0x7c: {  	[sflag:s9] =	ssyncadd.s32 $0xFFFFD800  }
0x7d: {  	_ =	swait.ge [sflag:s7], $0x50  }
0x7e: {  	[sflag:s7] =	ssyncset.done $0x0  }
0x7f: {  	s30 =	simm.s32 $0x280;
	[sflag:s7] =	ssyncadd.s32 $0xFFFFFFB0  }
0x80: {  	[spmem:s1] =	stream.indirect.scatter.add.f32 [tilespmem:s15], [sflag:$0xE], $0x80, s30, s24, $0xb8;
	[tilespmem:$0x1DC80] =	vst v63  }
0x81: {  	s3 =	simm.s32 $0x380;
	s0 =	rddreg [dreg:$0x1f]  }
0x82: {  	[tilespmem:s3], [sflag:$0x8] =	stream.linear.gather [hbm4b:s0+s10], $0x50, $0x38;
	[tilespmem:$0x1DC80] =	vst v63  }
0x83: {  	_ =	swait.ge [sflag:s6], $0x50  }
0x84: {  	[sflag:s6] =	ssyncset.done $0x0  }
0x85: {  	s0 =	simm.s32 $0x7C00;
	s11 =	sld [smem:$0x7FC];
	[sflag:s6] =	ssyncadd.s32 $0xFFFFFFB0  }
0x86: {  	[tilespmem:s0], [sflag:$0xC] =	stream.indirect.gather [hbm4b:s4+s24], $0x80, s8, s24, $0xb8;
	[tilespmem:$0x1DC80] =	vst v63  }
0x87: {  	_ = 	snop  }
0x88: {  	[tilespmem:s10], [sflag:$0x1] =	stream.linear.gather [hbm4b:s11+s10], $0x50, $0x38;
	[tilespmem:$0x1DC80] =	vst v63  }
0x89: {  	_ =	swait.ge [sflag:s12], $0x2800  }
0x8a: {  	[sflag:s12] =	ssyncset.done $0x0  }
0x8b: {  	[sflag:s12] =	ssyncadd.s32 $0xFFFFD800  }
0x8c: {  	_ =	swait.ge [sflag:s13], $0x50  }
0x8d: {  	[sflag:s13] =	ssyncset.done $0x0  }
0x8e: {  	[sflag:s13] =	ssyncadd.s32 $0xFFFFFFB0  }
0x8f: {  	[spmem:s1] =	stream.indirect.scatter.add.f32 [tilespmem:s23], [sflag:$0xF], $0x80, s18, s24, $0xb8;
	[tilespmem:$0x1DC80] =	vst v63  }
0x90: {  	_ =	swait.ge [sflag:s14], $0x2800  }
0x91: {  	s12 =	rddreg [dreg:$0x4]  }
0x92: {  	[sflag:s14] =	ssyncset.done $0x0;
	s11 =	sadd.s32 $0x0, s12  }
0x93: {  	s20 =	simm.s32 $0x200;
	[sflag:s14] =	ssyncadd.s32 $0xFFFFD800;
	s10 =	sadd.s32 $0x4E48, s11  }
0x94: {  	[tilespmem:s20], [sflag:$0x5] =	stream.linear.gather [hbm4b:s10+s2], $0x50, $0x38;
	[tilespmem:$0x1DC80] =	vst v63  }
0x95: {  	_ =	swait.ge [sflag:s22], $0x50  }
0x96: {  	[sflag:s22] =	ssyncset.done $0x0  }
0x97: {  	s5 =	simm.s32 $0x400;
	[sflag:s22] =	ssyncadd.s32 $0xFFFFFFB0  }
0x98: {  	[tilespmem:s5], [sflag:$0x9] =	stream.indirect.gather [hbm4b:s4+s24], $0x80, s2, s24, $0xb8;
	[tilespmem:$0x1DC80] =	vst v63  }
0x99: {  	s13 =	sadd.s32 $0x32, s11  }
0x9a: {  	[tilespmem:s19], [sflag:$0x2] =	stream.linear.gather [hbm4b:s13+s2], $0x50, $0x38;
	[tilespmem:$0x1DC80] =	vst v63  }
0x9b: {  	_ =	swait.ge [sflag:s16], $0x2800  }
0x9c: {  	[sflag:s16] =	ssyncset.done $0x0  }
0x9d: {  	[sflag:s16] =	ssyncadd.s32 $0xFFFFD800  }
0x9e: {  	_ =	swait.ge [sflag:s17], $0x50  }
0x9f: {  	[sflag:s17] =	ssyncset.done $0x0  }
0xa0: {  	s5 =	simm.s32 $0xE;
	[sflag:s17] =	ssyncadd.s32 $0xFFFFFFB0  }
0xa1: {  	[spmem:s1] =	stream.indirect.scatter.add.f32 [tilespmem:s0], [sflag:$0x10], $0x80, s3, s24, $0xb8;
	[tilespmem:$0x1DC80] =	vst v63  }
0xa2: {  	_ =	swait.ge [sflag:s5], $0x2800  }
0xa3: {  	[sflag:s5] =	ssyncset.done $0x0  }
0xa4: {  	s14 =	sadd.s32 $0x4E52, s11;
	[sflag:s5] =	ssyncadd.s32 $0xFFFFD800  }
0xa5: {  	[tilespmem:s30], [sflag:$0x6] =	stream.linear.gather [hbm4b:s14+s2], $0x50, $0x38;
	[tilespmem:$0x1DC80] =	vst v63  }
0xa6: {  	_ =	swait.ge [sflag:s25], $0x50  }
0xa7: {  	[sflag:s25] =	ssyncset.done $0x0  }
0xa8: {  	[sflag:s25] =	ssyncadd.s32 $0xFFFFFFB0  }
0xa9: {  	[tilespmem:s15], [sflag:$0xA] =	stream.indirect.gather [hbm4b:s4+s24], $0x80, s19, s24, $0xb8;
	[tilespmem:$0x1DC80] =	vst v63  }
0xaa: {  	s25 =	sadd.s32 $0x3C, s11  }
0xab: {  	[tilespmem:s26], [sflag:$0x3] =	stream.linear.gather [hbm4b:s25+s2], $0x50, $0x38;
	[tilespmem:$0x1DC80] =	vst v63  }
0xac: {  	_ =	swait.ge [sflag:s28], $0x2800  }
0xad: {  	[sflag:s28] =	ssyncset.done $0x0  }
0xae: {  	[sflag:s28] =	ssyncadd.s32 $0xFFFFD800  }
0xaf: {  	_ =	swait.ge [sflag:s29], $0x50  }
0xb0: {  	[sflag:s29] =	ssyncset.done $0x0  }
0xb1: {  	s12 =	simm.s32 $0x400;
	[sflag:s29] =	ssyncadd.s32 $0xFFFFFFB0  }
0xb2: {  	[spmem:s1] =	stream.indirect.scatter.add.f32 [tilespmem:s12], [sflag:$0xD], $0x80, s20, s24, $0xb8;
	[tilespmem:$0x1DC80] =	vst v63  }
0xb3: {  	s12 =	simm.s32 $0xF  }
0xb4: {  	_ =	swait.ge [sflag:s12], $0x2800  }
0xb5: {  	[sflag:s12] =	ssyncset.done $0x0  }
0xb6: {  	s13 =	sadd.s32 $0x4E5C, s11;
	[sflag:s12] =	ssyncadd.s32 $0xFFFFD800  }
0xb7: {  	[tilespmem:s18], [sflag:$0x7] =	stream.linear.gather [hbm4b:s13+s2], $0x50, $0x38;
	[tilespmem:$0x1DC80] =	vst v63  }
0xb8: {  	_ =	swait.ge [sflag:s31], $0x50  }
0xb9: {  	[sflag:s31] =	ssyncset.done $0x0  }
0xba: {  	[sflag:s31] =	ssyncadd.s32 $0xFFFFFFB0  }
0xbb: {  	[tilespmem:s23], [sflag:$0xB] =	stream.indirect.gather [hbm4b:s4+s24], $0x80, s26, s24, $0xb8;
	[tilespmem:$0x1DC80] =	vst v63  }
0xbc: {  	s14 =	sadd.s32 $0x46, s11  }
0xbd: {  	[tilespmem:s8], [sflag:$0x4] =	stream.linear.gather [hbm4b:s14+s2], $0x50, $0x38;
	[tilespmem:$0x1DC80] =	vst v63  }
0xbe: {  	_ =	swait.ge [sflag:s9], $0x2800  }
0xbf: {  	[sflag:s9] =	ssyncset.done $0x0  }
0xc0: {  	[sflag:s9] =	ssyncadd.s32 $0xFFFFD800  }
0xc1: {  	_ =	swait.ge [sflag:s7], $0x50  }
0xc2: {  	[sflag:s7] =	ssyncset.done $0x0  }
0xc3: {  	s10 =	simm.s32 $0x28;
	[sflag:s7] =	ssyncadd.s32 $0xFFFFFFB0  }
0xc4: {  	[spmem:s1] =	stream.indirect.scatter.add.f32 [tilespmem:s15], [sflag:$0xE], $0x80, s30, s24, $0xb8;
	[tilespmem:$0x1DC80] =	vst v63  }
0xc5: {  	s25 =	sadd.s32 $0x4E66, s11;
	s11 =	sadd.s32 $0x50, s11;
	_ =	swait.ge [sflag:s21], $0x2800  }
0xc6: {  	s28 =	simm.s32 $0x2;
	s29 =	simm.s32 $0x9;
	[sflag:s21] =	ssyncset.done $0x0  }
0xc7: {  	s12 =	simm.s32 $0x4;
	s13 =	simm.s32 $0xB;
	[sflag:s21] =	ssyncadd.s32 $0xFFFFD800  }
0xc8: {  	[tilespmem:s3], [sflag:$0x8] =	stream.linear.gather [hbm4b:s25+s2], $0x50, $0x38;
	[tilespmem:$0x1DC80] =	vst v63  }
0xc9: {  	s31 =	simm.s32 $0x5;
	s14 =	simm.s32 $0x7;
	_ =	swait.ge [sflag:s6], $0x50  }
0xca: {  	s9 =	simm.s32 $0x3;
	s7 =	simm.s32 $0xA;
	[sflag:s6] =	ssyncset.done $0x0  }
0xcb: {  	s15 =	simm.s32 $0xD;
	[sflag:s6] =	ssyncadd.s32 $0xFFFFFFB0;
	s6 =	simm.s32 $0x6  }
0xcc: {  	[tilespmem:s0], [sflag:$0xC] =	stream.indirect.gather [hbm4b:s4+s24], $0x80, s8, s24, $0xb8;
	[tilespmem:$0x1DC80] =	vst v63  }
.LBB2_4:
0xcd: {  	[tilespmem:s2], [sflag:$0x1] =	stream.linear.gather [hbm4b:s11+s2], $0x50, $0x38;
	[tilespmem:$0x1DC80] =	vst v63  }
0xce: {  	_ =	swait.ge [sflag:s13], $0x2800  }
0xcf: {  	[sflag:s13] =	ssyncset.done $0x0  }
0xd0: {  	[sflag:s13] =	ssyncadd.s32 $0xFFFFD800  }
0xd1: {  	_ =	swait.ge [sflag:s14], $0x50  }
0xd2: {  	[sflag:s14] =	ssyncset.done $0x0  }
0xd3: {  	[sflag:s14] =	ssyncadd.s32 $0xFFFFFFB0  }
0xd4: {  	[spmem:s1] =	stream.indirect.scatter.add.f32 [tilespmem:s23], [sflag:$0xF], $0x80, s18, s24, $0xb8;
	[tilespmem:$0x1DC80] =	vst v63  }
0xd5: {  	_ =	swait.ge [sflag:s15], $0x2800  }
0xd6: {  	s11 =	smov.u32 s10;
	s25 =	rddreg [dreg:$0x4]  }
0xd7: {  	[sflag:s15] =	ssyncset.done $0x0;
	s11 =	sadd.s32 s11, s25  }
0xd8: {  	[sflag:s15] =	ssyncadd.s32 $0xFFFFD800;
	s18 =	sadd.s32 $0x4E48, s11  }
0xd9: {  	[tilespmem:s20], [sflag:$0x5] =	stream.linear.gather [hbm4b:s18+s2], $0x50, $0x38;
	[tilespmem:$0x1DC80] =	vst v63  }
0xda: {  	_ =	swait.ge [sflag:s22], $0x50  }
0xdb: {  	[sflag:s22] =	ssyncset.done $0x0  }
0xdc: {  	s25 =	simm.s32 $0x400;
	[sflag:s22] =	ssyncadd.s32 $0xFFFFFFB0  }
0xdd: {  	[tilespmem:s25], [sflag:$0x9] =	stream.indirect.gather [hbm4b:s4+s24], $0x80, s2, s24, $0xb8;
	[tilespmem:$0x1DC80] =	vst v63  }
0xde: {  	s22 =	sadd.s32 $0x32, s11  }
0xdf: {  	[tilespmem:s19], [sflag:$0x2] =	stream.linear.gather [hbm4b:s22+s2], $0x50, $0x38;
	[tilespmem:$0x1DC80] =	vst v63  }
0xe0: {  	_ =	swait.ge [sflag:s16], $0x2800  }
0xe1: {  	[sflag:s16] =	ssyncset.done $0x0  }
0xe2: {  	[sflag:s16] =	ssyncadd.s32 $0xFFFFD800  }
0xe3: {  	_ =	swait.ge [sflag:s17], $0x50  }
0xe4: {  	[sflag:s17] =	ssyncset.done $0x0  }
0xe5: {  	[sflag:s17] =	ssyncadd.s32 $0xFFFFFFB0  }
0xe6: {  	[spmem:s1] =	stream.indirect.scatter.add.f32 [tilespmem:s0], [sflag:$0x10], $0x80, s3, s24, $0xb8;
	[tilespmem:$0x1DC80] =	vst v63  }
0xe7: {  	_ =	swait.ge [sflag:s5], $0x2800  }
0xe8: {  	[sflag:s5] =	ssyncset.done $0x0  }
0xe9: {  	s22 =	sadd.s32 $0x4E52, s11;
	[sflag:s5] =	ssyncadd.s32 $0xFFFFD800  }
0xea: {  	[tilespmem:s30], [sflag:$0x6] =	stream.linear.gather [hbm4b:s22+s2], $0x50, $0x38;
	[tilespmem:$0x1DC80] =	vst v63  }
0xeb: {  	_ =	swait.ge [sflag:s28], $0x50  }
0xec: {  	[sflag:s28] =	ssyncset.done $0x0  }
0xed: {  	s22 =	simm.s32 $0x2C00;
	[sflag:s28] =	ssyncadd.s32 $0xFFFFFFB0  }
0xee: {  	[tilespmem:s22], [sflag:$0xA] =	stream.indirect.gather [hbm4b:s4+s24], $0x80, s19, s24, $0xb8;
	[tilespmem:$0x1DC80] =	vst v63  }
0xef: {  	s18 =	sadd.s32 $0x3C, s11  }
0xf0: {  	[tilespmem:s26], [sflag:$0x3] =	stream.linear.gather [hbm4b:s18+s2], $0x50, $0x38;
	[tilespmem:$0x1DC80] =	vst v63  }
0xf1: {  	_ =	swait.ge [sflag:s29], $0x2800  }
0xf2: {  	[sflag:s29] =	ssyncset.done $0x0  }
0xf3: {  	[sflag:s29] =	ssyncadd.s32 $0xFFFFD800  }
0xf4: {  	_ =	swait.ge [sflag:s31], $0x50  }
0xf5: {  	[sflag:s31] =	ssyncset.done $0x0  }
0xf6: {  	[sflag:s31] =	ssyncadd.s32 $0xFFFFFFB0  }
0xf7: {  	[spmem:s1] =	stream.indirect.scatter.add.f32 [tilespmem:s25], [sflag:$0xD], $0x80, s20, s24, $0xb8;
	[tilespmem:$0x1DC80] =	vst v63  }
0xf8: {  	s25 =	simm.s32 $0xF  }
0xf9: {  	_ =	swait.ge [sflag:s25], $0x2800  }
0xfa: {  	[sflag:s25] =	ssyncset.done $0x0  }
0xfb: {  	s23 =	simm.s32 $0x300;
	s18 =	sadd.s32 $0x4E5C, s11;
	[sflag:s25] =	ssyncadd.s32 $0xFFFFD800  }
0xfc: {  	[tilespmem:s23], [sflag:$0x7] =	stream.linear.gather [hbm4b:s18+s2], $0x50, $0x38;
	[tilespmem:$0x1DC80] =	vst v63  }
0xfd: {  	_ =	swait.ge [sflag:s9], $0x50  }
0xfe: {  	[sflag:s9] =	ssyncset.done $0x0  }
0xff: {  	s23 =	simm.s32 $0x5400;
	[sflag:s9] =	ssyncadd.s32 $0xFFFFFFB0  }
0x100: {  	[tilespmem:s23], [sflag:$0xB] =	stream.indirect.gather [hbm4b:s4+s24], $0x80, s26, s24, $0xb8;
	[tilespmem:$0x1DC80] =	vst v63  }
0x101: {  	s18 =	sadd.s32 $0x46, s11  }
0x102: {  	[tilespmem:s8], [sflag:$0x4] =	stream.linear.gather [hbm4b:s18+s2], $0x50, $0x38;
	[tilespmem:$0x1DC80] =	vst v63  }
0x103: {  	_ =	swait.ge [sflag:s7], $0x2800  }
0x104: {  	[sflag:s7] =	ssyncset.done $0x0  }
0x105: {  	[sflag:s7] =	ssyncadd.s32 $0xFFFFD800  }
0x106: {  	_ =	swait.ge [sflag:s6], $0x50  }
0x107: {  	[sflag:s6] =	ssyncset.done $0x0  }
0x108: {  	[sflag:s6] =	ssyncadd.s32 $0xFFFFFFB0  }
0x109: {  	[spmem:s1] =	stream.indirect.scatter.add.f32 [tilespmem:s22], [sflag:$0xE], $0x80, s30, s24, $0xb8;
	[tilespmem:$0x1DC80] =	vst v63  }
0x10a: {  	_ =	swait.ge [sflag:s21], $0x2800  }
0x10b: {  	[sflag:s21] =	ssyncset.done $0x0  }
0x10c: {  	p1 =	sne.s32 s10, $0x488;
	s18 =	sadd.s32 $0x4E66, s11;
	[sflag:s21] =	ssyncadd.s32 $0xFFFFD800  }
0x10d: {  	[tilespmem:s3], [sflag:$0x8] =	stream.linear.gather [hbm4b:s18+s2], $0x50, $0x38;
	[tilespmem:$0x1DC80] =	vst v63  }
.Ltmp1:
0x10e: {  	_ = 	snop;
	(pc) =	sbr.rel @p1 .LBB2_4-.Ltmp1, $4  }
0x10f: {  	_ =	swait.ge [sflag:s12], $0x50  }
0x110: {  	s10 =	sadd.s32 $0x28, s10;
	s11 =	sadd.s32 $0x50, s11;
	[sflag:s12] =	ssyncset.done $0x0  }
0x111: {  	s22 =	simm.s32 $0x1;
	s18 =	simm.s32 $0x300;
	[sflag:s12] =	ssyncadd.s32 $0xFFFFFFB0  }
0x112: {  	[tilespmem:s0], [sflag:$0xC] =	stream.indirect.gather [hbm4b:s4+s24], $0x80, s8, s24, $0xb8;
	[tilespmem:$0x1DC80] =	vst v63  }
0x113: {  	[tilespmem:s2], [sflag:$0x1] =	stream.linear.gather [hbm4b:s11+s2], $0x50, $0x38;
	[tilespmem:$0x1DC80] =	vst v63  }
0x114: {  	_ =	swait.ge [sflag:s13], $0x2800  }
0x115: {  	[sflag:s13] =	ssyncset.done $0x0  }
0x116: {  	[sflag:s13] =	ssyncadd.s32 $0xFFFFD800  }
0x117: {  	_ =	swait.ge [sflag:s14], $0x50  }
0x118: {  	[sflag:s14] =	ssyncset.done $0x0  }
0x119: {  	[sflag:s14] =	ssyncadd.s32 $0xFFFFFFB0  }
0x11a: {  	[spmem:s1] =	stream.indirect.scatter.add.f32 [tilespmem:s23], [sflag:$0xF], $0x80, s18, s24, $0xb8;
	[tilespmem:$0x1DC80] =	vst v63  }
0x11b: {  	_ =	swait.ge [sflag:s15], $0x2800  }
0x11c: {  	s10 =	sld [smem:$0x7FD]  }
0x11d: {  	[sflag:s15] =	ssyncset.done $0x0  }
0x11e: {  	[sflag:s15] =	ssyncadd.s32 $0xFFFFD800  }
0x11f: {  	[tilespmem:s20], [sflag:$0x5] =	stream.linear.gather [hbm4b:s10+s2], $0x50, $0x38;
	[tilespmem:$0x1DC80] =	vst v63  }
0x120: {  	_ =	swait.ge [sflag:s22], $0x50  }
0x121: {  	[sflag:s22] =	ssyncset.done $0x0  }
0x122: {  	s8 =	simm.s32 $0x400;
	[sflag:s22] =	ssyncadd.s32 $0xFFFFFFB0  }
0x123: {  	[tilespmem:s8], [sflag:$0x9] =	stream.indirect.gather [hbm4b:s4+s24], $0x80, s2, s24, $0xb8;
	[tilespmem:$0x1DC80] =	vst v63  }
0x124: {  	_ =	swait.ge [sflag:s16], $0x2800  }
0x125: {  	[sflag:s16] =	ssyncset.done $0x0  }
0x126: {  	[sflag:s16] =	ssyncadd.s32 $0xFFFFD800  }
0x127: {  	_ =	swait.ge [sflag:s17], $0x50  }
0x128: {  	[sflag:s17] =	ssyncset.done $0x0  }
0x129: {  	[sflag:s17] =	ssyncadd.s32 $0xFFFFFFB0  }
0x12a: {  	[spmem:s1] =	stream.indirect.scatter.add.f32 [tilespmem:s0], [sflag:$0x10], $0x80, s3, s24, $0xb8;
	[tilespmem:$0x1DC80] =	vst v63  }
0x12b: {  	_ =	swait.ge [sflag:s5], $0x2800  }
0x12c: {  	[sflag:s5] =	ssyncset.done $0x0  }
0x12d: {  	[sflag:s5] =	ssyncadd.s32 $0xFFFFD800  }
0x12e: {  	_ =	swait.ge [sflag:s29], $0x2800  }
0x12f: {  	[sflag:s29] =	ssyncset.done $0x0  }
0x130: {  	[sflag:s29] =	ssyncadd.s32 $0xFFFFD800  }
0x131: {  	_ =	swait.ge [sflag:s31], $0x50  }
0x132: {  	[sflag:s31] =	ssyncset.done $0x0  }
0x133: {  	[sflag:s31] =	ssyncadd.s32 $0xFFFFFFB0  }
0x134: {  	[spmem:s1] =	stream.indirect.scatter.add.f32 [tilespmem:s8], [sflag:$0xD], $0x80, s20, s24, $0xb8;
	[tilespmem:$0x1DC80] =	vst v63  }
0x135: {  	_ =	swait.ge [sflag:s25], $0x2800  }
0x136: {  	[sflag:s25] =	ssyncset.done $0x0  }
0x137: {  	[sflag:s25] =	ssyncadd.s32 $0xFFFFD800  }
0x138: {  	_ =	swait.ge [sflag:s21], $0x2800  }
0x139: {  	[sflag:s21] =	ssyncset.done $0x0  }
0x13a: {  	[sflag:s21] =	ssyncadd.s32 $0xFFFFD800  }
0x13b: {  	_ =	swait.ge [sflag:s15], $0x2800  }
0x13c: {  	[sflag:s15] =	ssyncset.done $0x0  }
0x13d: {  	[sflag:s15] =	ssyncadd.s32 $0xFFFFD800  }
0x13e: {  	[bflag:$0x0] =	sbarrier.arrive $0xFFFF  }
0x13f: {  	s30 =	simm.s32 $0x11;
	s20 =	rddreg [dreg:$0x5]  }
0x140: {  	[tilespmem:s8], [sflag:$0x11] =	stream.linear.gather [spmem:s20], $0x2800, $0x38;
	[tilespmem:$0x1DC80] =	vst v63  }
0x141: {  	_ =	swait.ge [sflag:s30], $0x2800  }
0x142: {  	[sflag:s30] =	ssyncset.done $0x0  }
0x143: {  	s25 =	rddreg [dreg:$0x7];
	[sflag:s30] =	ssyncadd.s32 $0xFFFFD800  }
0x144: {  	[hbm4b:s25+s2] =	stream.linear.scatter [tilespmem:s8], [sflag:$0x11], $0x2800, $0x38;
	[tilespmem:$0x1DC80] =	vst v63  }
0x145: {  	_ =	swait.ge [sflag:s30], $0x2800  }
0x146: {  	[sflag:s30] =	ssyncset.done $0x0  }
0x147: {  	s26 =	rddreg [dreg:$0xc];
	[sflag:s30] =	ssyncadd.s32 $0xFFFFD800  }
0x148: {  	[tilespmem:s8], [sflag:$0x11] =	stream.linear.gather [spmem:s26], $0x2800, $0x38;
	[tilespmem:$0x1DC80] =	vst v63  }
0x149: {  	_ =	swait.ge [sflag:s30], $0x2800  }
0x14a: {  	[sflag:s30] =	ssyncset.done $0x0  }
0x14b: {  	s0 =	rddreg [dreg:$0x12];
	[sflag:s30] =	ssyncadd.s32 $0xFFFFD800  }
0x14c: {  	[hbm4b:s0+s2] =	stream.linear.scatter [tilespmem:s8], [sflag:$0x11], $0x2800, $0x38;
	[tilespmem:$0x1DC80] =	vst v63  }
0x14d: {  	_ =	swait.ge [sflag:s30], $0x2800  }
0x14e: {  	[sflag:s30] =	ssyncset.done $0x0  }
0x14f: {  	s3 =	rddreg [dreg:$0xd];
	[sflag:s30] =	ssyncadd.s32 $0xFFFFD800  }
0x150: {  	[tilespmem:s8], [sflag:$0x11] =	stream.linear.gather [spmem:s3], $0x2800, $0x38;
	[tilespmem:$0x1DC80] =	vst v63  }
0x151: {  	_ =	swait.ge [sflag:s30], $0x2800  }
0x152: {  	[sflag:s30] =	ssyncset.done $0x0  }
0x153: {  	s5 =	rddreg [dreg:$0x13];
	[sflag:s30] =	ssyncadd.s32 $0xFFFFD800  }
0x154: {  	[hbm4b:s5+s2] =	stream.linear.scatter [tilespmem:s8], [sflag:$0x11], $0x2800, $0x38;
	[tilespmem:$0x1DC80] =	vst v63  }
0x155: {  	_ =	swait.ge [sflag:s30], $0x2800  }
0x156: {  	[sflag:s30] =	ssyncset.done $0x0  }
0x157: {  	s6 =	rddreg [dreg:$0xe];
	[sflag:s30] =	ssyncadd.s32 $0xFFFFD800  }
0x158: {  	[tilespmem:s8], [sflag:$0x11] =	stream.linear.gather [spmem:s6], $0x2800, $0x38;
	[tilespmem:$0x1DC80] =	vst v63  }
0x159: {  	_ =	swait.ge [sflag:s30], $0x2800  }
0x15a: {  	[sflag:s30] =	ssyncset.done $0x0  }
0x15b: {  	s7 =	rddreg [dreg:$0x14];
	[sflag:s30] =	ssyncadd.s32 $0xFFFFD800  }
0x15c: {  	[hbm4b:s7+s2] =	stream.linear.scatter [tilespmem:s8], [sflag:$0x11], $0x2800, $0x38;
	[tilespmem:$0x1DC80] =	vst v63  }
0x15d: {  	_ =	swait.ge [sflag:s30], $0x2800  }
0x15e: {  	[sflag:s30] =	ssyncset.done $0x0  }
0x15f: {  	s9 =	rddreg [dreg:$0xf];
	[sflag:s30] =	ssyncadd.s32 $0xFFFFD800  }
0x160: {  	[tilespmem:s8], [sflag:$0x11] =	stream.linear.gather [spmem:s9], $0x2800, $0x38;
	[tilespmem:$0x1DC80] =	vst v63  }
0x161: {  	_ =	swait.ge [sflag:s30], $0x2800  }
0x162: {  	[sflag:s30] =	ssyncset.done $0x0  }
0x163: {  	s11 =	rddreg [dreg:$0x15];
	[sflag:s30] =	ssyncadd.s32 $0xFFFFD800  }
0x164: {  	[hbm4b:s11+s2] =	stream.linear.scatter [tilespmem:s8], [sflag:$0x11], $0x2800, $0x38;
	[tilespmem:$0x1DC80] =	vst v63  }
0x165: {  	_ =	swait.ge [sflag:s30], $0x2800  }
0x166: {  	[sflag:s30] =	ssyncset.done $0x0  }
0x167: {  	s12 =	rddreg [dreg:$0x10];
	[sflag:s30] =	ssyncadd.s32 $0xFFFFD800  }
0x168: {  	[tilespmem:s8], [sflag:$0x11] =	stream.linear.gather [spmem:s12], $0x2800, $0x38;
	[tilespmem:$0x1DC80] =	vst v63  }
0x169: {  	_ =	swait.ge [sflag:s30], $0x2800  }
0x16a: {  	[sflag:s30] =	ssyncset.done $0x0  }
0x16b: {  	s13 =	rddreg [dreg:$0x16];
	[sflag:s30] =	ssyncadd.s32 $0xFFFFD800  }
0x16c: {  	[hbm4b:s13+s2] =	stream.linear.scatter [tilespmem:s8], [sflag:$0x11], $0x2800, $0x38;
	[tilespmem:$0x1DC80] =	vst v63  }
0x16d: {  	_ =	swait.ge [sflag:s30], $0x2800  }
0x16e: {  	[sflag:s30] =	ssyncset.done $0x0  }
0x16f: {  	s14 =	rddreg [dreg:$0x11];
	[sflag:s30] =	ssyncadd.s32 $0xFFFFD800  }
0x170: {  	[tilespmem:s8], [sflag:$0x11] =	stream.linear.gather [spmem:s14], $0x2800, $0x38;
	[tilespmem:$0x1DC80] =	vst v63  }
0x171: {  	_ =	swait.ge [sflag:s30], $0x2800  }
0x172: {  	[sflag:s30] =	ssyncset.done $0x0  }
0x173: {  	s15 =	rddreg [dreg:$0x18];
	[sflag:s30] =	ssyncadd.s32 $0xFFFFD800  }
0x174: {  	[hbm4b:s15+s2] =	stream.linear.scatter [tilespmem:s8], [sflag:$0x11], $0x2800, $0x38;
	[tilespmem:$0x1DC80] =	vst v63  }
0x175: {  	_ =	swait.ge [sflag:s30], $0x2800  }
0x176: {  	[sflag:s30] =	ssyncset.done $0x0  }
0x177: {  	s19 =	simm.s32 $0x2C00;
	s18 =	rddreg [dreg:$0x6];
	[sflag:s30] =	ssyncadd.s32 $0xFFFFD800  }
0x178: {  	[tilespmem:s19], [sflag:$0x11] =	stream.linear.gather [spmem:s18], $0x2000, $0x38;
	[tilespmem:$0x1DC80] =	vst v63  }
0x179: {  	_ =	swait.ge [sflag:s30], $0x2000  }
0x17a: {  	[sflag:s30] =	ssyncset.done $0x0  }
0x17b: {  	s20 =	rddreg [dreg:$0x9];
	[sflag:s30] =	ssyncadd.s32 $0xFFFFE000  }
0x17c: {  	[hbm4b:s20+s2] =	stream.linear.scatter [tilespmem:s19], [sflag:$0x11], $0x2000, $0x38;
	[tilespmem:$0x1DC80] =	vst v63  }
0x17d: {  	_ =	swait.ge [sflag:s30], $0x2000  }
0x17e: {  	[sflag:s30] =	ssyncset.done $0x0  }
0x17f: {  	s3 =	simm.s32 @!p0 $0x5400;
	s11 =	rddreg [dreg:$0x8];
	[sflag:s30] =	ssyncadd.s32 $0xFFFFE000  }
0x180: {  	[tilespmem:s3], [sflag:$0x11] =	stream.linear.gather @!p0 [spmem:s11], $0x800, $0x38;
	[tilespmem:$0x1DC80] =	vst v63  }
0x181: {  	s11 =	simm.s32 @!p0 $0x11  }
0x182: {  	_ =	swait.ge @!p0 [sflag:s11], $0x800  }
0x183: {  	[sflag:s11] =	ssyncset.done @!p0 $0x0  }
0x184: {  	s18 =	simm.s32 @!p0 $0x0;
	s19 =	rddreg [dreg:$0xa];
	[sflag:s11] =	ssyncadd.s32 @!p0 $0xFFFFF800  }
0x185: {  	[hbm4b:s19+s18] =	stream.linear.scatter @!p0 [tilespmem:s3], [sflag:$0x11], $0x800, $0x38;
	[tilespmem:$0x1DC80] =	vst v63  }
0x186: {  	_ =	swait.ge @!p0 [sflag:s11], $0x800  }
0x187: {  	s25 =	sld [smem:$0x7FB];
	_ =	sdelay $0x2  }
0x188: {  	s28 =	simm.s32 $0x9;
	s26 =	rddreg [dreg:$0xb];
	s3 =	sadd.s32 $0x1, s25  }
0x189: {  	s29 =	simm.s32 $0x5;
	s31 =	simm.s32 $0x3;
	p1 =	sne.s32 s3, s26  }
.Ltmp2:
0x18a: {  	s0 =	simm.s32 $0x400;
	s6 =	simm.s32 $0x4;
	(pc) =	sbr.rel @p1 .LBB2_1-.Ltmp2, $4  }
0x18b: {  	s7 =	simm.s32 $0x6;
	s9 =	simm.s32 $0xA;
	s12 =	simm.s32 $0xB  }
0x18c: {  	s13 =	simm.s32 $0x7;
	s14 =	simm.s32 $0xD;
	[sflag:s11] =	ssyncset.done @!p0 $0x0  }
0x18d: {  	s20 =	simm.s32 $0x200;
	s19 =	simm.s32 $0x100;
	[sflag:s11] =	ssyncadd.s32 @!p0 $0xFFFFF800  }
0x18e: {  	s11 =	simm.s32 $0x80;
	s25 =	simm.s32 $0x2;
	s26 =	simm.s32 $0x280  }
0x18f: {  	_ =	sfence.sel $0x180000  }
0x190: {  	[bflag:$0x0] =	sbarrier.arrive $0xFFFF  }
0x191: {  	_ =	strace $0x9000004D  }
0x192: {  	s0 =	stileid.u32;
	[bflag:$0x2] =	sbarrier.arrive $0xFFFF  }
0x193: {  	p0 =	sne.s32 s0, $0x0;
	s0 =	rddreg [dreg:$0x3]  }
0x194: {  	s0 =	sadd.s32 @!p0 $0x100000, s0  }
0x195: {  	[sflag:s0] =	ssyncadd.tile.s32 @!p0 $0x1;
	_ =	shalt  }
.Lfunc_end2:
_tile_overlayer_lowered:
.L_overlay_start_2:
0x196: {  	(tag) =	ssettag $0x2  }
0x197: {  	s0 =	rddreg [dreg:$0x0];
	s2 =	stileid.u32  }
0x198: {  	s1 =	rddreg [dreg:$0x1];
	p0 =	sne.s32 s2, $0x0  }
0x199: {  	s3 =	rddreg [dreg:$0x2];
	[bflag:$0x3] =	sbarrier.arrive $0xFFFF;
	s2 =	simm.s32 @!p0 $0x1C11  }
0x19a: {  	[timem:s3], [sflag:s2] =	dma.local @!p0 [hbm:s0], s1  }
0x19b: {  	s0 =	simm.s32 @!p0 $0x11  }
0x19c: {  	_ =	swait.ge @!p0 [sflag:s0], s1  }
0x19d: {  	s1 =	ssub.s32 @!p0 $0x0, s1;
	[sflag:s0] =	ssyncset.done @!p0 $0x0  }
0x19e: {  	[sflag:s0] =	ssyncadd.s32 @!p0 s1  }
0x19f: {  	[bflag:$0x3] =	sbarrier.arrive $0xFFFF  }
0x1a0: {  	_ =	shalt  }

// kernel: kernel.9.cloned.1.call-start
scs
__scs_entry_jumppad:
0x0: {  	(pc) =	sbr.rel $0x88, $3  }
0x1: {  	(tag) =	ssettag $0x0;
	lr =	simm.s32 $0x1  }
0x2: {  	[smem:$0x3F92] =	sst lr;
	_ =	strace $0xD0000000  }
0x3: {  	_ = 	snop  }
0x4: {  	_ = 	snop  }
0x5: {  	_ = 	snop  }
0x6: {  	_ = 	snop  }
0x7: {  	_ = 	snop  }
__scs_overlays_trampoline_lowered:
0x8: {  	[smem:$0x3FA1] =	sst s0  }
0x9: {  	[smem:$0x3FA2] =	sst s1  }
0xa: {  	[smem:$0x3FA3] =	sst s2  }
0xb: {  	[smem:$0x3FA4] =	sst s3  }
0xc: {  	[smem:$0x3FA5] =	sst s4  }
0xd: {  	[smem:$0x3FA6] =	sst s5  }
0xe: {  	[smem:$0x3FA7] =	sst s6  }
0xf: {  	[smem:$0x3FA8] =	sst s7  }
0x10: {  	[smem:$0x3FA9] =	sst s8  }
0x11: {  	[smem:$0x3FAA] =	sst s9;
	s0 =	simm.s32 @!p0 $0x0  }
0x12: {  	s1 =	sld [smem:$0x3F90];
	s0 =	simm.s32 @p0 $0x1  }
0x13: {  	[smem:$0x3FAB] =	sst s0;
	s0 =	simm.s32 @!p1 $0x0  }
0x14: {  	s2 =	sld [smem:$0x3F8F];
	s0 =	simm.s32 @p1 $0x1  }
0x15: {  	[smem:$0x3FAC] =	sst s0;
	s0 =	simm.s32 @!p2 $0x0  }
0x16: {  	s3 =	sld [smem:$0x3FDB];
	s0 =	simm.s32 @p2 $0x1  }
0x17: {  	s4 =	simm.s32 $0x1BF5;
	[smem:$0x3FAE] =	sst s0  }
0x18: {  	s0 =	sld [smem:$0x3F91];
	_ =	swait.ge [sflag:s4], $0x0  }
0x19: {  	s7 =	sld [smem:$0x3F92]  }
0x1a: {  	s8 =	sadd.s32 $0xFFFFE003, lr  }
0x1b: {  	s9 =	sadd.s32 $0xFFFFFEF7, lr;
	s5 =	simm.s32 $0xFFFFFFFF;
	p2 =	slt.u32 s8, $0xFFFFF086  }
0x1c: {  	p1 =	slt.u32 s9, $0xF7A;
	s5 =	simm.s32 @!p2 $0x0  }
0x1d: {  	s5 =	simm.s32 @p1 $0x1;
	p0 =	seq.s32 s7, s2  }
0x1e: {  	s7 =	smul.u32 @!p0 $0xF7A, s2;
	p2 =	seq.s32 @!p0 s5, $0x0  }
0x1f: {  	s9 =	smul.u32 $0xF7A, s1;
	s8 =	simm.s32 @!p0 $0x1BF5;
	p2 =	por !p2, p0  }
0x20: {  	[sflag:s8] =	ssyncset.s32 @!p0 $0xFFFFF086;
	s6 =	sadd.s32 @!p0 s3, s7;
	s7 =	simm.s32 @!p0 $0x108  }
0x21: {  	s3 =	sadd.s32 s3, s9;
	s6 =	sadd.s32 @!p0 $0x88, s6;
	s7 =	simm.s32 @p2 $0x1082  }
0x22: {  	[simem:s7], [sflag:s8] =	dma.local @!p0 [hbm:s6], $0xF7A  }
0x23: {  	s9 =	sor.u32 $0xD0000000, s2;
	s6 =	simm.s32 $0x108;
	_ =	swait.ge @!p0 [sflag:s8], $0x0  }
0x24: {  	s3 =	sadd.s32 $0x88, s3;
	s6 =	simm.s32 @!p1 $0x1082;
	[sflag:s4] =	ssyncset.s32 $0xFFFFF086  }
0x25: {  	[simem:s6], [sflag:s4] =	dma.local [hbm:s3], $0xF7A  }
0x26: {  	[smem:$0x3F92] =	sst s1;
	(tag) =	ssettag s2;
	_ =	strace s9  }
0x27: {  	s1 =	sld [smem:$0x3FA2]  }
0x28: {  	s2 =	sld [smem:$0x3FA3]  }
0x29: {  	s4 =	sld [smem:$0x3FA5]  }
0x2a: {  	p0 =	seq.s32 s5, $0x0;
	s5 =	sld [smem:$0x3FA6]  }
0x2b: {  	s6 =	sld [smem:$0x3FA7]  }
0x2c: {  	s7 =	sld [smem:$0x3FA8]  }
0x2d: {  	s3 =	simm.s32 $0x108;
	s8 =	sld [smem:$0x3FA9]  }
0x2e: {  	s3 =	simm.s32 @!p0 $0x1082;
	s9 =	sld [smem:$0x3FAA]  }
0x2f: {  	lr =	sadd.s32 s0, s3;
	s0 =	sld [smem:$0x3FA1]  }
0x30: {  	s3 =	sld [smem:$0x3FA4]  }
0x31: {  	[smem:$0x3FAD] =	sst s10  }
0x32: {  	s10 =	sld [smem:$0x3FAB];
	_ =	sdelay $0x3  }
0x33: {  	p0 =	seq.s32 s10, $0x1;
	s10 =	sld [smem:$0x3FAD];
	_ =	sdelay $0x3  }
0x34: {  	[smem:$0x3FAD] =	sst s10  }
0x35: {  	s10 =	sld [smem:$0x3FAC];
	_ =	sdelay $0x3  }
0x36: {  	p1 =	seq.s32 s10, $0x1;
	s10 =	sld [smem:$0x3FAD];
	_ =	sdelay $0x3  }
0x37: {  	[smem:$0x3FAD] =	sst s10  }
0x38: {  	s10 =	sld [smem:$0x3FAE]  }
0x39: {  	_ = 	snop;
	(pc) =	sbr.ind lr, $3  }
0x3a: {  	_ = 	snop  }
0x3b: {  	_ = 	snop  }
0x3c: {  	p2 =	seq.s32 s10, $0x1;
	s10 =	sld [smem:$0x3FAD]  }
0x3d: {  	_ =	shalt  }
0x3e: {  	_ =	shalt  }
0x3f: {  	_ =	shalt  }
0x40: {  	_ =	shalt  }
0x41: {  	_ =	shalt  }
0x42: {  	_ =	shalt  }
0x43: {  	_ =	shalt  }
0x44: {  	_ =	shalt  }
0x45: {  	_ =	shalt  }
0x46: {  	_ =	shalt  }
0x47: {  	_ =	shalt  }
0x48: {  	_ =	shalt  }
0x49: {  	_ =	shalt  }
0x4a: {  	_ =	shalt  }
0x4b: {  	_ =	shalt  }
0x4c: {  	_ =	shalt  }
0x4d: {  	_ =	shalt  }
0x4e: {  	_ =	shalt  }
0x4f: {  	_ =	shalt  }
0x50: {  	_ =	shalt  }
0x51: {  	_ =	shalt  }
0x52: {  	_ =	shalt  }
0x53: {  	_ =	shalt  }
0x54: {  	_ =	shalt  }
0x55: {  	_ =	shalt  }
0x56: {  	_ =	shalt  }
0x57: {  	_ =	shalt  }
0x58: {  	_ =	shalt  }
0x59: {  	_ =	shalt  }
0x5a: {  	_ =	shalt  }
0x5b: {  	_ =	shalt  }
0x5c: {  	_ =	shalt  }
0x5d: {  	_ =	shalt  }
0x5e: {  	_ =	shalt  }
0x5f: {  	_ =	shalt  }
0x60: {  	_ =	shalt  }
0x61: {  	_ =	shalt  }
0x62: {  	_ =	shalt  }
0x63: {  	_ =	shalt  }
0x64: {  	_ =	shalt  }
0x65: {  	_ =	shalt  }
0x66: {  	_ =	shalt  }
0x67: {  	_ =	shalt  }
0x68: {  	_ =	shalt  }
0x69: {  	_ =	shalt  }
0x6a: {  	_ =	shalt  }
0x6b: {  	_ =	shalt  }
0x6c: {  	_ =	shalt  }
0x6d: {  	_ =	shalt  }
0x6e: {  	_ =	shalt  }
0x6f: {  	_ =	shalt  }
0x70: {  	_ =	shalt  }
0x71: {  	_ =	shalt  }
0x72: {  	_ =	shalt  }
0x73: {  	_ =	shalt  }
0x74: {  	_ =	shalt  }
0x75: {  	_ =	shalt  }
0x76: {  	_ =	shalt  }
0x77: {  	_ =	shalt  }
0x78: {  	_ =	shalt  }
0x79: {  	_ =	shalt  }
0x7a: {  	_ =	shalt  }
0x7b: {  	_ =	shalt  }
0x7c: {  	_ =	shalt  }
0x7d: {  	_ =	shalt  }
0x7e: {  	_ =	shalt  }
0x7f: {  	_ =	shalt  }
0x80: {  	_ =	shalt  }
0x81: {  	_ =	shalt  }
0x82: {  	_ =	shalt  }
0x83: {  	_ =	shalt  }
0x84: {  	_ =	shalt  }
0x85: {  	_ =	shalt  }
0x86: {  	_ =	shalt  }
0x87: {  	_ =	shalt  }
.Lfunc_end0:
.L_simem_size_0:
called_computation_lowered:
.L_overlay_start_0:
0x88: {  	s2 =	sld [smem:$0x3FD9]  }
0x89: {  	s3 =	sld [smem:$0x3FFE];
	_ =	sdelay $0x1  }
0x8a: {  	s1 =	srdreg.scid  }
0x8b: {  	s0 =	sand.u32 $0x1, s1  }
0x8c: {  	s17 =	sshll.u32 s0, $0xA;
	s2 =	sadd.s32 s3, s2  }
0x8d: {  	s2 =	sadd.s32 s2, s17  }
0x8e: {  	[smem:$0x3FB9] =	sst s2  }
0x8f: {  	_ = 	snop  }
0x90: {  	s2 =	sld [smem:$0x3FD0];
	(tm) =	ssettm $0x1  }
0x91: {  	s18 =	sld [smem:$0x3FFB];
	_ =	sdelay $0x3  }
0x92: {  	_ =	strace s18  }
0x93: {  	s3 =	sld [smem:$0x3FFC];
	_ =	sdelay $0x3  }
0x94: {  	_ =	strace s3  }
0x95: {  	s3 =	sld [smem:$0x3FFD];
	_ =	sdelay $0x3  }
0x96: {  	_ =	strace s3  }
0x97: {  	_ =	strace $0x8FFFFFFF  }
0x98: {  	s19 =	sld [smem:$0x3FDB];
	_ =	sdelay $0x1  }
0x99: {  	s4 =	simm.s32 $_scs_section_size  }
0x9a: {  	s5 =	simm.s32 $_size__tile_overlayer_lowered;
	s6 =	simm.s32 $_tile_overlayer_lowered  }
0x9b: {  	s22 =	simm.s32 $0x1BFF;
	s21 =	sshll.u32 s6, $0x1;
	s3 =	sadd.s32 s4, s19  }
0x9c: {  	s7 =	simm.s32 $0x0;
	s20 =	sshll.u32 s5, $0x1;
	s5 =	sadd.s32 s21, s3  }
0x9d: {  	[timem:s7], [sflag:s22] =	dma.local [hbm:s5], s20  }
0x9e: {  	_ =	swait.ge [sflag:s22], s20  }
0x9f: {  	s4 =	ssub.s32 $0x0, s20;
	[sflag:s22] =	ssyncset.done $0x0  }
0xa0: {  	[sflag:s22] =	ssyncadd.s32 s4;
	_ =	sdelay $0x1  }
0xa1: {  	s23 =	simm.s32 $0x1B8B  }
0xa2: {  	_ =	swait.ge [sflag:s23], $0x1  }
0xa3: {  	[sflag:s23] =	ssyncset.done $0x0  }
0xa4: {  	s25 =	simm.s32 $0x1B8E;
	s24 =	sld [smem:$0x3FFE];
	[sflag:s23] =	ssyncadd.s32 $0xFFFFFFFF  }
0xa5: {  	s26 =	simm.s32 $execute0_lowered;
	[smem:$0x3FD2] =	sst s25  }
0xa6: {  	s5 =	sshll.u32 s26, $0x1;
	_ =	strace $0x80000046;
	[dreg:$0x1] =	wrdreg $0xFFFFFFFF  }
0xa7: {  	s28 =	simm.s32 $_size_execute0_lowered;
	s3 =	sadd.s32 s3, s5;
	[dreg:$0x0] =	wrdreg $0x0  }
0xa8: {  	s5 =	sshll.u32 s28, $0x1;
	[dreg:$0x2] =	wrdreg s3  }
0xa9: {  	[dreg:$0x3] =	wrdreg s5  }
0xaa: {  	[dreg:$0x4] =	wrdreg $0xC0  }
0xab: {  	_ =	task [dreg:s7], $0x5FFFF  }
0xac: {  	[dreg:$0x1] =	wrdreg $0xFFFFFFFF  }
0xad: {  	[dreg:$0x0] =	wrdreg $0x60  }
0xae: {  	[dreg:$0x2] =	wrdreg s24  }
0xaf: {  	[dreg:$0x3] =	wrdreg s2  }
0xb0: {  	[dreg:$0x4] =	wrdreg $0x2A000  }
0xb1: {  	[dreg:$0x5] =	wrdreg $0x9  }
0xb2: {  	_ =	task.clear_ibuf [dreg:s7], $0x6FFFF;
	_ =	strace $0x90000046  }
0xb3: {  	s29 =	simm.s32 $0x9;
	_ =	strace $0x80000048  }
0xb4: {  	_ =	swait.ge [sflag:s29], $0x1  }
0xb5: {  	[sflag:s29] =	ssyncadd.s32 $0xFFFFFFFF  }
0xb6: {  	_ =	strace $0x90000048  }
0xb7: {  	_ =	sfence  }
0xb8: {  	s30 =	sld [smem:$0x0];
	_ =	sdelay $0x2  }
0xb9: {  	s31 =	sshll.u32 s1, $0xD;
	s1 =	sshrl.u32 s1, $0x2  }
0xba: {  	s3 =	sand.u32 $0x4000, s31;
	s1 =	sadd.s32 s1, s30  }
0xbb: {  	s0 =	sor.u32 s3, s0;
	s1 =	sshll.u32 s1, $0x11  }
0xbc: {  	s0 =	sor.u32 s1, s0  }
0xbd: {  	s0 =	sadd.s32 $0x8F2B, s0  }
0xbe: {  	[sflag:s0] =	ssyncadd.remote.s32 $0x1  }
0xbf: {  	_ =	sfence.sel $0xFFFF  }
0xc0: {  	[dreg:$0x0] =	wrdreg $0xFFFFFFFF;
	(pc) =	sbr.abs _section_cstart, $3  }
0xc1: {  	[dreg:$0x1] =	wrdreg $0xFFFFFFFF  }
0xc2: {  	_ =	task.clear_ibuf [dreg:s7], $0x2FFFF;
	_ =	strace $0x9FFFFFFF  }
0xc3: {  	(tm) =	ssettm $0x7FFFFFFF  }
tec
execute0_lowered:
.L_overlay_start_1:
0x0: {  	(tag) =	ssettag $0x1  }
0x1: {  	s4 =	rddreg [dreg:$0x0]  }
0x2: {  	s7 =	rddreg [dreg:$0x1]  }
0x3: {  	s1 =	rddreg [dreg:$0x2]  }
0x4: {  	s0 =	rddreg [dreg:$0x3];
	s3 =	simm.s32 $0x0  }
0x5: {  	s5 =	srdreg.scid;
	s2 =	stileid.u32;
	s8 =	simm.s32 $0xE400  }
0x6: {  	s12 =	simm.s32 $0x1;
	s13 =	simm.s32 $0x2;
	s14 =	simm.s32 $0x0  }
0x7: {  	[smem:$0x7FF] =	sst s3;
	s5 =	sand.u32 $0x1, s5;
	s6 =	smul.u32 $0x2710, s2  }
0x8: {  	s9 =	smul.u32 $0x270, s2;
	_ =	strace $0x80000047;
	p0 =	seq.s32 s5, $0x1  }
0x9: {  	s10 =	ssub.s32 $0x2, s5;
	s5 =	smul.u32 $0x2710, s5;
	s8 =	simm.s32 @!p0 $0x4600  }
0xa: {  	s11 =	sshrl.u32 s10, $0x1;
	s6 =	sshrl.u32 s6, $0x3;
	p0 =	sne.s32 s2, $0xF  }
0xb: {  	s4 =	sadd.s32 s8, s4;
	s28 =	ssub.s32 s10, s11;
	s30 =	sadd.s32 s9, s5  }
0xc: {  	s31 =	sshrl.u32 s5, $0x3;
	s5 =	sadd.s32 $0x2700, s1;
	s10 =	simm.s32 $0x280  }
0xd: {  	s11 =	simm.s32 $0x3;
	s29 =	sadd.s32 s4, s6;
	s6 =	sshrl.u32 s30, $0x3  }
0xe: {  	s4 =	sadd.s32 s9, s1;
	s6 =	sadd.s32 s7, s6;
	s7 =	sadd.s32 s7, s31  }
0xf: {  	v0 =	vimm.f32 $1.000000000e+00;
	vm0 =	vmmov $0xffff;
	s8 =	smax.u32 s28, $0x1;
	s9 =	sadd.s32 $0x4E20, s29;
	s7 =	sadd.s32 $0x4E0, s7  }
.LBB2_1:
0x10: {  	[tilespmem:s10], [sflag:$0x1] =	stream.linear.gather [hbm4b:s9+s3], $0x2710, $0x38;
	[tilespmem:$0x2C78] =	vst v63  }
0x11: {  	[tilespmem:$0x0] =	vst v0  }
0x12: {  	[tilespmem:$0x10] =	vst v0  }
0x13: {  	[tilespmem:$0x20] =	vst v0  }
0x14: {  	[tilespmem:$0x30] =	vst v0  }
0x15: {  	[tilespmem:$0x40] =	vst v0  }
0x16: {  	[tilespmem:$0x50] =	vst v0  }
0x17: {  	[tilespmem:$0x60] =	vst v0  }
0x18: {  	[tilespmem:$0x70] =	vst v0  }
0x19: {  	[tilespmem:$0x80] =	vst v0  }
0x1a: {  	[tilespmem:$0x90] =	vst v0  }
0x1b: {  	[tilespmem:$0xA0] =	vst v0  }
0x1c: {  	[tilespmem:$0xB0] =	vst v0  }
0x1d: {  	[tilespmem:$0xC0] =	vst v0  }
0x1e: {  	[tilespmem:$0xD0] =	vst v0  }
0x1f: {  	[tilespmem:$0xE0] =	vst v0  }
0x20: {  	[tilespmem:$0xF0] =	vst v0  }
0x21: {  	[tilespmem:$0x100] =	vst v0  }
0x22: {  	[tilespmem:$0x110] =	vst v0  }
0x23: {  	[tilespmem:$0x120] =	vst v0  }
0x24: {  	[tilespmem:$0x130] =	vst v0  }
0x25: {  	[tilespmem:$0x140] =	vst v0  }
0x26: {  	[tilespmem:$0x150] =	vst v0  }
0x27: {  	[tilespmem:$0x160] =	vst v0  }
0x28: {  	[tilespmem:$0x170] =	vst v0  }
0x29: {  	[tilespmem:$0x180] =	vst v0  }
0x2a: {  	[tilespmem:$0x190] =	vst v0  }
0x2b: {  	[tilespmem:$0x1A0] =	vst v0  }
0x2c: {  	[tilespmem:$0x1B0] =	vst v0  }
0x2d: {  	[tilespmem:$0x1C0] =	vst v0  }
0x2e: {  	[tilespmem:$0x1D0] =	vst v0  }
0x2f: {  	[tilespmem:$0x1E0] =	vst v0  }
0x30: {  	[tilespmem:$0x1F0] =	vst v0  }
0x31: {  	[tilespmem:$0x200] =	vst v0  }
0x32: {  	[tilespmem:$0x210] =	vst v0  }
0x33: {  	[tilespmem:$0x220] =	vst v0  }
0x34: {  	[tilespmem:$0x230] =	vst v0  }
0x35: {  	[tilespmem:$0x240] =	vst v0  }
0x36: {  	[tilespmem:$0x250] =	vst v0  }
0x37: {  	[tilespmem:$0x260] =	vst v0  }
0x38: {  	[tilespmem:$0x270] =	vst v0  }
0x39: {  	[spmem:s4] =	stream.linear.scatter [tilespmem:s3], [sflag:$0x3], $0x270, $0x38;
	[tilespmem:$0x2C78] =	vst v63  }
0x3a: {  	_ =	swait.ge [sflag:s11], $0x270  }
0x3b: {  	[sflag:s11] =	ssyncset.done $0x0  }
0x3c: {  	s15 =	simm.s32 @!p0 $0x0;
	[sflag:s11] =	ssyncadd.s32 $0xFFFFFD90  }
0x3d: {  	[spmem:s5] =	stream.linear.scatter @!p0 [tilespmem:s15], [sflag:$0x3], $0x10, $0x38;
	[tilespmem:$0x2C78] =	vst v63  }
0x3e: {  	s15 =	simm.s32 @!p0 $0x3  }
0x3f: {  	_ =	swait.ge @!p0 [sflag:s15], $0x10  }
0x40: {  	[sflag:s15] =	ssyncset.done @!p0 $0x0  }
0x41: {  	[sflag:s15] =	ssyncadd.s32 @!p0 $0xFFFFFFF0  }
0x42: {  	_ =	swait.ge [sflag:s12], $0x2710  }
0x43: {  	[sflag:s12] =	ssyncset.done $0x0  }
0x44: {  	[sflag:s12] =	ssyncadd.s32 $0xFFFFD8F0  }
0x45: {  	[bflag:$0x0] =	sbarrier.arrive $0xFFFF  }
0x46: {  	v1 =	vld [tilespmem:$0x280];
	_ =	sdelay $0x7  }
0x47: {  	[spmem:s1] =	stream.indirect_vreg.scatter.add.f32 [tilespmem:s3], [sflag:$0x2], $0x1, v1, vm0, $0xb8;
	[tilespmem:$0x2C78] =	vst v63  }
0x48: {  	v1 =	vld [tilespmem:$0x290];
	_ =	sdelay $0x7  }
0x49: {  	[spmem:s1] =	stream.indirect_vreg.scatter.add.f32 [tilespmem:s3], [sflag:$0x2], $0x1, v1, vm0, $0xb8;
	[tilespmem:$0x2C78] =	vst v63  }
0x4a: {  	v1 =	vld [tilespmem:$0x2A0];
	_ =	sdelay $0x7  }
0x4b: {  	[spmem:s1] =	stream.indirect_vreg.scatter.add.f32 [tilespmem:s3], [sflag:$0x2], $0x1, v1, vm0, $0xb8;
	[tilespmem:$0x2C78] =	vst v63  }
0x4c: {  	v1 =	vld [tilespmem:$0x2B0];
	_ =	sdelay $0x7  }
0x4d: {  	[spmem:s1] =	stream.indirect_vreg.scatter.add.f32 [tilespmem:s3], [sflag:$0x2], $0x1, v1, vm0, $0xb8;
	[tilespmem:$0x2C78] =	vst v63  }
0x4e: {  	v1 =	vld [tilespmem:$0x2C0];
	_ =	sdelay $0x7  }
0x4f: {  	[spmem:s1] =	stream.indirect_vreg.scatter.add.f32 [tilespmem:s3], [sflag:$0x2], $0x1, v1, vm0, $0xb8;
	[tilespmem:$0x2C78] =	vst v63  }
0x50: {  	v1 =	vld [tilespmem:$0x2D0];
	_ =	sdelay $0x7  }
0x51: {  	[spmem:s1] =	stream.indirect_vreg.scatter.add.f32 [tilespmem:s3], [sflag:$0x2], $0x1, v1, vm0, $0xb8;
	[tilespmem:$0x2C78] =	vst v63  }
0x52: {  	v1 =	vld [tilespmem:$0x2E0];
	_ =	sdelay $0x7  }
0x53: {  	[spmem:s1] =	stream.indirect_vreg.scatter.add.f32 [tilespmem:s3], [sflag:$0x2], $0x1, v1, vm0, $0xb8;
	[tilespmem:$0x2C78] =	vst v63  }
0x54: {  	v1 =	vld [tilespmem:$0x2F0];
	_ =	sdelay $0x7  }
0x55: {  	[spmem:s1] =	stream.indirect_vreg.scatter.add.f32 [tilespmem:s3], [sflag:$0x2], $0x1, v1, vm0, $0xb8;
	[tilespmem:$0x2C78] =	vst v63  }
0x56: {  	v1 =	vld [tilespmem:$0x300];
	_ =	sdelay $0x7  }
0x57: {  	[spmem:s1] =	stream.indirect_vreg.scatter.add.f32 [tilespmem:s3], [sflag:$0x2], $0x1, v1, vm0, $0xb8;
	[tilespmem:$0x2C78] =	vst v63  }
0x58: {  	v1 =	vld [tilespmem:$0x310];
	_ =	sdelay $0x7  }
0x59: {  	[spmem:s1] =	stream.indirect_vreg.scatter.add.f32 [tilespmem:s3], [sflag:$0x2], $0x1, v1, vm0, $0xb8;
	[tilespmem:$0x2C78] =	vst v63  }
0x5a: {  	v1 =	vld [tilespmem:$0x320];
	_ =	sdelay $0x7  }
0x5b: {  	[spmem:s1] =	stream.indirect_vreg.scatter.add.f32 [tilespmem:s3], [sflag:$0x2], $0x1, v1, vm0, $0xb8;
	[tilespmem:$0x2C78] =	vst v63  }
0x5c: {  	v1 =	vld [tilespmem:$0x330];
	_ =	sdelay $0x7  }
0x5d: {  	[spmem:s1] =	stream.indirect_vreg.scatter.add.f32 [tilespmem:s3], [sflag:$0x2], $0x1, v1, vm0, $0xb8;
	[tilespmem:$0x2C78] =	vst v63  }
0x5e: {  	v1 =	vld [tilespmem:$0x340];
	_ =	sdelay $0x7  }
0x5f: {  	[spmem:s1] =	stream.indirect_vreg.scatter.add.f32 [tilespmem:s3], [sflag:$0x2], $0x1, v1, vm0, $0xb8;
	[tilespmem:$0x2C78] =	vst v63  }
0x60: {  	v1 =	vld [tilespmem:$0x350];
	_ =	sdelay $0x7  }
0x61: {  	[spmem:s1] =	stream.indirect_vreg.scatter.add.f32 [tilespmem:s3], [sflag:$0x2], $0x1, v1, vm0, $0xb8;
	[tilespmem:$0x2C78] =	vst v63  }
0x62: {  	v1 =	vld [tilespmem:$0x360];
	_ =	sdelay $0x7  }
0x63: {  	[spmem:s1] =	stream.indirect_vreg.scatter.add.f32 [tilespmem:s3], [sflag:$0x2], $0x1, v1, vm0, $0xb8;
	[tilespmem:$0x2C78] =	vst v63  }
0x64: {  	v1 =	vld [tilespmem:$0x370];
	_ =	sdelay $0x7  }
0x65: {  	[spmem:s1] =	stream.indirect_vreg.scatter.add.f32 [tilespmem:s3], [sflag:$0x2], $0x1, v1, vm0, $0xb8;
	[tilespmem:$0x2C78] =	vst v63  }
0x66: {  	v1 =	vld [tilespmem:$0x380];
	_ =	sdelay $0x7  }
0x67: {  	[spmem:s1] =	stream.indirect_vreg.scatter.add.f32 [tilespmem:s3], [sflag:$0x2], $0x1, v1, vm0, $0xb8;
	[tilespmem:$0x2C78] =	vst v63  }
0x68: {  	v1 =	vld [tilespmem:$0x390];
	_ =	sdelay $0x7  }
0x69: {  	[spmem:s1] =	stream.indirect_vreg.scatter.add.f32 [tilespmem:s3], [sflag:$0x2], $0x1, v1, vm0, $0xb8;
	[tilespmem:$0x2C78] =	vst v63  }
0x6a: {  	v1 =	vld [tilespmem:$0x3A0];
	_ =	sdelay $0x7  }
0x6b: {  	[spmem:s1] =	stream.indirect_vreg.scatter.add.f32 [tilespmem:s3], [sflag:$0x2], $0x1, v1, vm0, $0xb8;
	[tilespmem:$0x2C78] =	vst v63  }
0x6c: {  	v1 =	vld [tilespmem:$0x3B0];
	_ =	sdelay $0x7  }
0x6d: {  	[spmem:s1] =	stream.indirect_vreg.scatter.add.f32 [tilespmem:s3], [sflag:$0x2], $0x1, v1, vm0, $0xb8;
	[tilespmem:$0x2C78] =	vst v63  }
0x6e: {  	v1 =	vld [tilespmem:$0x3C0];
	_ =	sdelay $0x7  }
0x6f: {  	[spmem:s1] =	stream.indirect_vreg.scatter.add.f32 [tilespmem:s3], [sflag:$0x2], $0x1, v1, vm0, $0xb8;
	[tilespmem:$0x2C78] =	vst v63  }
0x70: {  	v1 =	vld [tilespmem:$0x3D0];
	_ =	sdelay $0x7  }
0x71: {  	[spmem:s1] =	stream.indirect_vreg.scatter.add.f32 [tilespmem:s3], [sflag:$0x2], $0x1, v1, vm0, $0xb8;
	[tilespmem:$0x2C78] =	vst v63  }
0x72: {  	v1 =	vld [tilespmem:$0x3E0];
	_ =	sdelay $0x7  }
0x73: {  	[spmem:s1] =	stream.indirect_vreg.scatter.add.f32 [tilespmem:s3], [sflag:$0x2], $0x1, v1, vm0, $0xb8;
	[tilespmem:$0x2C78] =	vst v63  }
0x74: {  	v1 =	vld [tilespmem:$0x3F0];
	_ =	sdelay $0x7  }
0x75: {  	[spmem:s1] =	stream.indirect_vreg.scatter.add.f32 [tilespmem:s3], [sflag:$0x2], $0x1, v1, vm0, $0xb8;
	[tilespmem:$0x2C78] =	vst v63  }
0x76: {  	v1 =	vld [tilespmem:$0x400];
	_ =	sdelay $0x6  }
0x77: {  	s16 =	simm.s32 $0x580;
	s15 =	simm.s32 $0x190  }
0x78: {  	[spmem:s1] =	stream.indirect_vreg.scatter.add.f32 [tilespmem:s3], [sflag:$0x2], $0x1, v1, vm0, $0xb8;
	[tilespmem:$0x2C78] =	vst v63  }
.LBB2_2:
0x79: {  	v1 =	vld [tilespmem:s16+$0xFFFFFE90];
	_ =	sdelay $0x7  }
0x7a: {  	[spmem:s1] =	stream.indirect_vreg.scatter.add.f32 [tilespmem:s3], [sflag:$0x2], $0x1, v1, vm0, $0xb8;
	[tilespmem:$0x2C78] =	vst v63  }
0x7b: {  	v1 =	vld [tilespmem:s16+$0xFFFFFEA0];
	_ =	sdelay $0x7  }
0x7c: {  	[spmem:s1] =	stream.indirect_vreg.scatter.add.f32 [tilespmem:s3], [sflag:$0x2], $0x1, v1, vm0, $0xb8;
	[tilespmem:$0x2C78] =	vst v63  }
0x7d: {  	v1 =	vld [tilespmem:s16+$0xFFFFFEB0];
	_ =	sdelay $0x7  }
0x7e: {  	[spmem:s1] =	stream.indirect_vreg.scatter.add.f32 [tilespmem:s3], [sflag:$0x2], $0x1, v1, vm0, $0xb8;
	[tilespmem:$0x2C78] =	vst v63  }
0x7f: {  	v1 =	vld [tilespmem:s16+$0xFFFFFEC0];
	_ =	sdelay $0x7  }
0x80: {  	[spmem:s1] =	stream.indirect_vreg.scatter.add.f32 [tilespmem:s3], [sflag:$0x2], $0x1, v1, vm0, $0xb8;
	[tilespmem:$0x2C78] =	vst v63  }
0x81: {  	v1 =	vld [tilespmem:s16+$0xFFFFFED0];
	_ =	sdelay $0x7  }
0x82: {  	[spmem:s1] =	stream.indirect_vreg.scatter.add.f32 [tilespmem:s3], [sflag:$0x2], $0x1, v1, vm0, $0xb8;
	[tilespmem:$0x2C78] =	vst v63  }
0x83: {  	v1 =	vld [tilespmem:s16+$0xFFFFFEE0];
	_ =	sdelay $0x7  }
0x84: {  	[spmem:s1] =	stream.indirect_vreg.scatter.add.f32 [tilespmem:s3], [sflag:$0x2], $0x1, v1, vm0, $0xb8;
	[tilespmem:$0x2C78] =	vst v63  }
0x85: {  	v1 =	vld [tilespmem:s16+$0xFFFFFEF0];
	_ =	sdelay $0x7  }
0x86: {  	[spmem:s1] =	stream.indirect_vreg.scatter.add.f32 [tilespmem:s3], [sflag:$0x2], $0x1, v1, vm0, $0xb8;
	[tilespmem:$0x2C78] =	vst v63  }
0x87: {  	v1 =	vld [tilespmem:s16+$0xFFFFFF00];
	_ =	sdelay $0x6  }
0x88: {  	s17 =	sand.u32 $0x3FF0, s15  }
0x89: {  	[spmem:s1] =	stream.indirect_vreg.scatter.add.f32 [tilespmem:s3], [sflag:$0x2], $0x1, v1, vm0, $0xb8;
	[tilespmem:$0x2C78] =	vst v63  }
0x8a: {  	v1 =	vld [tilespmem:s17+$0x300];
	_ =	sdelay $0x7  }
0x8b: {  	[spmem:s1] =	stream.indirect_vreg.scatter.add.f32 [tilespmem:s3], [sflag:$0x2], $0x1, v1, vm0, $0xb8;
	[tilespmem:$0x2C78] =	vst v63  }
0x8c: {  	v1 =	vld [tilespmem:s16+$0xFFFFFF20];
	_ =	sdelay $0x7  }
0x8d: {  	[spmem:s1] =	stream.indirect_vreg.scatter.add.f32 [tilespmem:s3], [sflag:$0x2], $0x1, v1, vm0, $0xb8;
	[tilespmem:$0x2C78] =	vst v63  }
0x8e: {  	v1 =	vld [tilespmem:s16+$0xFFFFFF30];
	_ =	sdelay $0x7  }
0x8f: {  	[spmem:s1] =	stream.indirect_vreg.scatter.add.f32 [tilespmem:s3], [sflag:$0x2], $0x1, v1, vm0, $0xb8;
	[tilespmem:$0x2C78] =	vst v63  }
0x90: {  	v1 =	vld [tilespmem:s16+$0xFFFFFF40];
	_ =	sdelay $0x7  }
0x91: {  	[spmem:s1] =	stream.indirect_vreg.scatter.add.f32 [tilespmem:s3], [sflag:$0x2], $0x1, v1, vm0, $0xb8;
	[tilespmem:$0x2C78] =	vst v63  }
0x92: {  	v1 =	vld [tilespmem:s16+$0xFFFFFF50];
	_ =	sdelay $0x7  }
0x93: {  	[spmem:s1] =	stream.indirect_vreg.scatter.add.f32 [tilespmem:s3], [sflag:$0x2], $0x1, v1, vm0, $0xb8;
	[tilespmem:$0x2C78] =	vst v63  }
0x94: {  	v1 =	vld [tilespmem:s16+$0xFFFFFF60];
	_ =	sdelay $0x7  }
0x95: {  	[spmem:s1] =	stream.indirect_vreg.scatter.add.f32 [tilespmem:s3], [sflag:$0x2], $0x1, v1, vm0, $0xb8;
	[tilespmem:$0x2C78] =	vst v63  }
0x96: {  	v1 =	vld [tilespmem:s16+$0xFFFFFF70];
	_ =	sdelay $0x7  }
0x97: {  	[spmem:s1] =	stream.indirect_vreg.scatter.add.f32 [tilespmem:s3], [sflag:$0x2], $0x1, v1, vm0, $0xb8;
	[tilespmem:$0x2C78] =	vst v63  }
0x98: {  	v1 =	vld [tilespmem:s16+$0xFFFFFF80];
	_ =	sdelay $0x7  }
0x99: {  	[spmem:s1] =	stream.indirect_vreg.scatter.add.f32 [tilespmem:s3], [sflag:$0x2], $0x1, v1, vm0, $0xb8;
	[tilespmem:$0x2C78] =	vst v63  }
0x9a: {  	v1 =	vld [tilespmem:s17+$0x380];
	_ =	sdelay $0x7  }
0x9b: {  	[spmem:s1] =	stream.indirect_vreg.scatter.add.f32 [tilespmem:s3], [sflag:$0x2], $0x1, v1, vm0, $0xb8;
	[tilespmem:$0x2C78] =	vst v63  }
0x9c: {  	v1 =	vld [tilespmem:s16+$0xFFFFFFA0];
	_ =	sdelay $0x7  }
0x9d: {  	[spmem:s1] =	stream.indirect_vreg.scatter.add.f32 [tilespmem:s3], [sflag:$0x2], $0x1, v1, vm0, $0xb8;
	[tilespmem:$0x2C78] =	vst v63  }
0x9e: {  	v1 =	vld [tilespmem:s16+$0xFFFFFFB0];
	_ =	sdelay $0x7  }
0x9f: {  	[spmem:s1] =	stream.indirect_vreg.scatter.add.f32 [tilespmem:s3], [sflag:$0x2], $0x1, v1, vm0, $0xb8;
	[tilespmem:$0x2C78] =	vst v63  }
0xa0: {  	v1 =	vld [tilespmem:s16+$0xFFFFFFC0];
	_ =	sdelay $0x7  }
0xa1: {  	[spmem:s1] =	stream.indirect_vreg.scatter.add.f32 [tilespmem:s3], [sflag:$0x2], $0x1, v1, vm0, $0xb8;
	[tilespmem:$0x2C78] =	vst v63  }
0xa2: {  	v1 =	vld [tilespmem:s16+$0xFFFFFFD0];
	_ =	sdelay $0x7  }
0xa3: {  	[spmem:s1] =	stream.indirect_vreg.scatter.add.f32 [tilespmem:s3], [sflag:$0x2], $0x1, v1, vm0, $0xb8;
	[tilespmem:$0x2C78] =	vst v63  }
0xa4: {  	v1 =	vld [tilespmem:s16+$0xFFFFFFE0];
	_ =	sdelay $0x7  }
0xa5: {  	[spmem:s1] =	stream.indirect_vreg.scatter.add.f32 [tilespmem:s3], [sflag:$0x2], $0x1, v1, vm0, $0xb8;
	[tilespmem:$0x2C78] =	vst v63  }
0xa6: {  	v1 =	vld [tilespmem:s16+$0xFFFFFFF0];
	_ =	sdelay $0x7  }
0xa7: {  	[spmem:s1] =	stream.indirect_vreg.scatter.add.f32 [tilespmem:s3], [sflag:$0x2], $0x1, v1, vm0, $0xb8;
	[tilespmem:$0x2C78] =	vst v63  }
0xa8: {  	v1 =	vld [tilespmem:s16+$0x0];
	_ =	sdelay $0x7  }
0xa9: {  	[spmem:s1] =	stream.indirect_vreg.scatter.add.f32 [tilespmem:s3], [sflag:$0x2], $0x1, v1, vm0, $0xb8;
	[tilespmem:$0x2C78] =	vst v63  }
0xaa: {  	v1 =	vld [tilespmem:s17+$0x400];
	_ =	sdelay $0x5  }
0xab: {  	p1 =	sne.s32 s15, $0x2580  }
.Ltmp0:
0xac: {  	_ = 	snop;
	(pc) =	sbr.rel @p1 .LBB2_2-.Ltmp0, $4  }
0xad: {  	[spmem:s1] =	stream.indirect_vreg.scatter.add.f32 [tilespmem:s3], [sflag:$0x2], $0x1, v1, vm0, $0xb8;
	[tilespmem:$0x2C78] =	vst v63  }
0xae: {  	_ =	swait.ge [sflag:s13], $0x190  }
0xaf: {  	[sflag:s13] =	ssyncset.done $0x0  }
0xb0: {  	s15 =	sadd.s32 $0x190, s15;
	s16 =	sadd.s32 $0x190, s16;
	[sflag:s13] =	ssyncadd.s32 $0xFFFFFE70  }
0xb1: {  	_ =	swait.ge [sflag:s13], $0x190  }
0xb2: {  	[sflag:s13] =	ssyncset.done $0x0  }
0xb3: {  	[sflag:s13] =	ssyncadd.s32 $0xFFFFFE70  }
0xb4: {  	[bflag:$0x0] =	sbarrier.arrive $0xFFFF  }
0xb5: {  	[tilespmem:s3], [sflag:$0x3] =	stream.linear.gather [spmem:s4], $0x270, $0x38;
	[tilespmem:$0x2C78] =	vst v63  }
0xb6: {  	_ =	swait.ge [sflag:s11], $0x270  }
0xb7: {  	[sflag:s11] =	ssyncset.done $0x0  }
0xb8: {  	[sflag:s11] =	ssyncadd.s32 $0xFFFFFD90  }
0xb9: {  	[hbm4b:s6+s3] =	stream.linear.scatter [tilespmem:s3], [sflag:$0x3], $0x270, $0x38;
	[tilespmem:$0x2C78] =	vst v63  }
0xba: {  	_ =	swait.ge [sflag:s11], $0x270  }
0xbb: {  	[sflag:s11] =	ssyncset.done $0x0  }
0xbc: {  	s15 =	simm.s32 @!p0 $0x270;
	s16 =	simm.s32 @!p0 $0x3;
	[sflag:s11] =	ssyncadd.s32 $0xFFFFFD90  }
0xbd: {  	[tilespmem:s15], [sflag:$0x3] =	stream.linear.gather @!p0 [spmem:s5], $0x10, $0x38;
	[tilespmem:$0x2C78] =	vst v63  }
0xbe: {  	s14 =	sadd.s32 $0x1, s14;
	_ =	swait.ge @!p0 [sflag:s16], $0x10  }
0xbf: {  	p1 =	sne.s32 s14, s8;
	[sflag:s16] =	ssyncset.done @!p0 $0x0  }
.Ltmp1:
0xc0: {  	s17 =	simm.s32 @!p0 $0x0;
	[sflag:s16] =	ssyncadd.s32 @!p0 $0xFFFFFFF0;
	(pc) =	sbr.rel @p1 .LBB2_1-.Ltmp1, $4  }
0xc1: {  	[hbm4b:s7+s17] =	stream.linear.scatter @!p0 [tilespmem:s15], [sflag:$0x3], $0x10, $0x38;
	[tilespmem:$0x2C78] =	vst v63  }
0xc2: {  	_ =	swait.ge @!p0 [sflag:s16], $0x10  }
0xc3: {  	[sflag:s16] =	ssyncset.done @!p0 $0x0  }
0xc4: {  	[sflag:s16] =	ssyncadd.s32 @!p0 $0xFFFFFFF0  }
0xc5: {  	_ =	sfence.sel $0x180000  }
0xc6: {  	[bflag:$0x0] =	sbarrier.arrive $0xFFFF  }
0xc7: {  	p0 =	sne.s32 s2, $0x0;
	_ =	strace $0x90000047  }
0xc8: {  	s0 =	sadd.s32 @!p0 $0x100000, s0;
	[bflag:$0x2] =	sbarrier.arrive $0xFFFF  }
0xc9: {  	[sflag:s0] =	ssyncadd.tile.s32 @!p0 $0x1;
	_ =	shalt  }
.Lfunc_end2:
_tile_overlayer_lowered:
.L_overlay_start_2:
0xca: {  	(tag) =	ssettag $0x2  }
0xcb: {  	s0 =	rddreg [dreg:$0x0];
	s2 =	stileid.u32  }
0xcc: {  	s1 =	rddreg [dreg:$0x1];
	p0 =	sne.s32 s2, $0x0  }
0xcd: {  	s3 =	rddreg [dreg:$0x2];
	[bflag:$0x3] =	sbarrier.arrive $0xFFFF;
	s2 =	simm.s32 @!p0 $0x1C03  }
0xce: {  	[timem:s3], [sflag:s2] =	dma.local @!p0 [hbm:s0], s1  }
0xcf: {  	s0 =	simm.s32 @!p0 $0x3  }
0xd0: {  	_ =	swait.ge @!p0 [sflag:s0], s1  }
0xd1: {  	s1 =	ssub.s32 @!p0 $0x0, s1;
	[sflag:s0] =	ssyncset.done @!p0 $0x0  }
0xd2: {  	[sflag:s0] =	ssyncadd.s32 @!p0 s1  }
0xd3: {  	[bflag:$0x3] =	sbarrier.arrive $0xFFFF  }
0xd4: {  	_ =	shalt  }

</sc_bundles>
